<compile_context>
chip_gen: v7x
topology: tpu7x:2x2x1
jax: 0.10.2.dev20260603
libtpu: 0.0.44.dev20260713+nightly
codegen_flags: <defaults>
</compile_context>

<pallas_src>
import functools

import jax
import jax.numpy as jnp
from jax import lax
from jax.experimental import pallas as pl
from jax.experimental.pallas import tpu as pltpu
from jax.experimental.pallas import tpu_sc as plsc

B = 16384
L = 50
EMBED = 64
TOTAL = B * L

_info = plsc.get_sparse_core_info()
NC = _info.num_cores
NS = _info.num_subcores
NW = NC * NS

NB = 2
GROUP = NB * 128
N_UNITS = L * (B // 128)
N_GROUPS = N_UNITS // NB
G_PER_W = N_GROUPS // NW
ACC = NB * 1024

_mesh = plsc.VectorSubcoreMesh(core_axis_name="c", subcore_axis_name="s")


@functools.partial(
    pl.kernel,
    out_type=jax.ShapeDtypeStruct((L * EMBED * B,), jnp.float32),
    mesh=_mesh,
    scratch_types=[
        [pltpu.VMEM((GROUP,), jnp.int32) for _ in range(2)],
        [pltpu.VMEM((GROUP, EMBED), jnp.float32) for _ in range(2)],
        [pltpu.VMEM((8 * ACC,), jnp.float32) for _ in range(2)],
        [pltpu.SemaphoreType.DMA for _ in range(2)],
        [pltpu.SemaphoreType.DMA for _ in range(2)],
        [pltpu.SemaphoreType.DMA for _ in range(2)],
    ],
    compiler_params=pltpu.CompilerParams(
        use_tc_tiling_on_sc=False, needs_layout_passes=False
    ),
)
def _embed(idx_hbm, table_hbm, out_hbm, idx_v, rows, acc, sem_i, sem_g, sem_w):
    wid = lax.axis_index("s") * NC + lax.axis_index("c")
    g0 = wid * G_PER_W

    lane = lax.iota(jnp.int32, 16)
    f0lane = []
    fbase = []
    for k in range(4):
        f = lane + 16 * k
        f0lane.append(f)
        fbase.append((f >> 3) * ACC + (f & 7) * 128)

    def unit(g):
        u0 = (g0 + g) * NB
        return u0 // 128, u0 % 128

    def start_idx(g, b):
        gg = jnp.minimum(g, G_PER_W - 1)
        l, bg0 = unit(gg)
        pltpu.async_copy(
            idx_hbm.at[l, pl.ds(bg0 * 128, GROUP)], idx_v[b], sem_i[b]
        )

    def wait_idx(b):
        pltpu.make_async_copy(
            idx_hbm.at[0, pl.ds(0, GROUP)], idx_v[b], sem_i[b]
        ).wait()

    def start_gather(b):
        pltpu.async_copy(table_hbm.at[idx_v[b]], rows[b], sem_g[b])

    def wait_gather(b):
        pltpu.make_async_copy(
            table_hbm.at[pl.ds(0, GROUP)], rows[b], sem_g[b]
        ).wait()

    def transpose(b):
        def body(t, _):
            j0 = t * 16
            jbase = (j0 >> 7) * 1024 + (j0 & 127)
            for s in range(16):
                d = (lane + s) & 15
                jvec = j0 + d
                jd = jbase + d
                for k in range(4):
                    v = plsc.load_gather(rows[b], [jvec, f0lane[k]])
                    plsc.store_scatter(acc[b], [fbase[k] + jd], v)
            return ()

        lax.fori_loop(0, GROUP // 16, body, ())

    def start_writes(g, b):
        l, bg0 = unit(g)
        for fg in range(8):
            pltpu.async_copy(
                acc[b].at[pl.ds(fg * ACC, ACC)],
                out_hbm.at[pl.ds(((l * 8 + fg) * 128 + bg0) * 1024, ACC)],
                sem_w[b],
            )

    def wait_writes(b):
        for fg in range(8):
            pltpu.make_async_copy(
                acc[b].at[pl.ds(fg * ACC, ACC)],
                out_hbm.at[pl.ds(fg * ACC, ACC)],
                sem_w[b],
            ).wait()

    start_idx(0, 0)
    wait_idx(0)
    start_gather(0)
    start_idx(1, 1)

    def body(g, _):
        b = lax.rem(g, 2)

        def even(b0, nb0):
            wait_idx(nb0)
            wait_gather(b0)
            start_gather(nb0)
            start_idx(g + 2, b0)

            @pl.when(g >= 2)
            def _():
                wait_writes(b0)

            transpose(b0)
            start_writes(g, b0)

        @pl.when(b == 0)
        def _():
            even(0, 1)

        @pl.when(b == 1)
        def _():
            even(1, 0)

        return ()

    lax.fori_loop(0, G_PER_W, body, ())

    wait_gather(0)
    wait_idx(1)
    wait_writes(0)
    wait_writes(1)


def kernel(inputs, table):
    idx_t = inputs.T.astype(jnp.int32)
    flat = _embed(idx_t, table)
    out5 = flat.reshape(L, 8, 128, 8, 128)
    return out5.transpose(2, 4, 0, 1, 3).reshape(B, L, EMBED)

# --- scband reference (transcript-rebuilt; emitter-appended) ---
"""Pipeline reference for scband-word-embedding-model-15229954032198 (READ-ONLY COPY).

The authoritative reference and input builder live on the scoring server;
editing this copy changes nothing except your own understanding.
"""

import jax, jax.numpy as jnp
import numpy as np

VOCAB = 1000000
EMBED = 64
B = 16384
L = 50


def setup_inputs(seed: int = 0) -> dict:
    key = jax.random.key(seed)
    k_idx, k_tab = jax.random.split(key)
    inputs = jax.random.randint(k_idx, (B, L), 0, VOCAB, dtype=jnp.int64 if jax.config.jax_enable_x64 else jnp.int32)
    table = jax.random.normal(k_tab, (VOCAB, EMBED), dtype=jnp.float32)
    return {"inputs": inputs, "table": table}


def reference(inputs, table):
    # Embedding lookup: table[inputs]. Dropout is identity in eval mode.
    return jnp.take(table, inputs, axis=0)

if __name__ == "__main__":
    import jax
    _d = setup_inputs()
    print(jax.jit(kernel)(*tuple(_d.values())))

</pallas_src>

<mosaic_0001>
#map = affine_map<(d0, d1) -> (0, 0)>
#map1 = affine_map<(d0, d1) -> (0)>
module attributes {stable_mosaic.version = 14 : i64} {
  func.func @_embed(%arg0: i32, %arg1: i32, %arg2: memref<50x16384xi32, #tpu.memory_space<hbm>>, %arg3: memref<1000000x64xf32, #tpu.memory_space<hbm>>, %arg4: memref<52428800xf32, #tpu.memory_space<hbm>>, %arg5: memref<256xi32, #tpu.memory_space<vmem>>, %arg6: memref<256xi32, #tpu.memory_space<vmem>>, %arg7: memref<256x64xf32, #tpu.memory_space<vmem>>, %arg8: memref<256x64xf32, #tpu.memory_space<vmem>>, %arg9: memref<16384xf32, #tpu.memory_space<vmem>>, %arg10: memref<16384xf32, #tpu.memory_space<vmem>>, %arg11: memref<!tpu.dma_semaphore, #tpu.memory_space<semaphore_mem>>, %arg12: memref<!tpu.dma_semaphore, #tpu.memory_space<semaphore_mem>>, %arg13: memref<!tpu.dma_semaphore, #tpu.memory_space<semaphore_mem>>, %arg14: memref<!tpu.dma_semaphore, #tpu.memory_space<semaphore_mem>>, %arg15: memref<!tpu.dma_semaphore, #tpu.memory_space<semaphore_mem>>, %arg16: memref<!tpu.dma_semaphore, #tpu.memory_space<semaphore_mem>>) attributes {dimension_semantics = [#tpu.dimension_semantics<core_parallel>, #tpu.dimension_semantics<subcore_parallel>], iteration_bounds = array<i64: 2, 16>, scalar_prefetch = 0 : i64, scratch_operands = 12 : i64, tpu.core_type = #tpu.core_type<sc_vector_subcore>, window_params = [{transform_indices = #map}, {transform_indices = #map}, {transform_indices = #map1}]} {
    %mul3A = arith.constant 2 : i32
    %mul3A_0 = arith.muli %arg1, %mul3A : i32
    %add3A = arith.addi %mul3A_0, %arg0 : i32
    %mul3A_1 = arith.constant 100 : i32
    %mul3A_2 = arith.muli %add3A, %mul3A_1 : i32
    %iota3A = tpu.iota {dimensions = array<i32: 0>} : vector<16xi32>
    %add3A_3 = arith.constant 0 : i32
    %add3A_4 = vector.broadcast %add3A_3 : i32 to vector<16xi32>
    %add3A_5 = arith.addi %iota3A, %add3A_4 : vector<16xi32>
    %shift_right_arithmetic3A = arith.constant 3 : i32
    %shift_right_arithmetic3A_6 = vector.broadcast %shift_right_arithmetic3A : i32 to vector<16xi32>
    %shift_right_arithmetic3A_7 = arith.shrsi %add3A_5, %shift_right_arithmetic3A_6 : vector<16xi32>
    %mul3A_8 = arith.constant 2048 : i32
    %mul3A_9 = vector.broadcast %mul3A_8 : i32 to vector<16xi32>
    %mul3A_10 = arith.muli %shift_right_arithmetic3A_7, %mul3A_9 : vector<16xi32>
    %and3A = arith.constant 7 : i32
    %and3A_11 = vector.broadcast %and3A : i32 to vector<16xi32>
    %and3A_12 = arith.andi %add3A_5, %and3A_11 : vector<16xi32>
    %mul3A_13 = arith.constant 128 : i32
    %mul3A_14 = vector.broadcast %mul3A_13 : i32 to vector<16xi32>
    %mul3A_15 = arith.muli %and3A_12, %mul3A_14 : vector<16xi32>
    %add3A_16 = arith.addi %mul3A_10, %mul3A_15 : vector<16xi32>
    %add3A_17 = arith.constant 16 : i32
    %add3A_18 = vector.broadcast %add3A_17 : i32 to vector<16xi32>
    %add3A_19 = arith.addi %iota3A, %add3A_18 : vector<16xi32>
    %shift_right_arithmetic3A_20 = arith.constant 3 : i32
    %shift_right_arithmetic3A_21 = vector.broadcast %shift_right_arithmetic3A_20 : i32 to vector<16xi32>
    %shift_right_arithmetic3A_22 = arith.shrsi %add3A_19, %shift_right_arithmetic3A_21 : vector<16xi32>
    %mul3A_23 = arith.constant 2048 : i32
    %mul3A_24 = vector.broadcast %mul3A_23 : i32 to vector<16xi32>
    %mul3A_25 = arith.muli %shift_right_arithmetic3A_22, %mul3A_24 : vector<16xi32>
    %and3A_26 = arith.constant 7 : i32
    %and3A_27 = vector.broadcast %and3A_26 : i32 to vector<16xi32>
    %and3A_28 = arith.andi %add3A_19, %and3A_27 : vector<16xi32>
    %mul3A_29 = arith.constant 128 : i32
    %mul3A_30 = vector.broadcast %mul3A_29 : i32 to vector<16xi32>
    %mul3A_31 = arith.muli %and3A_28, %mul3A_30 : vector<16xi32>
    %add3A_32 = arith.addi %mul3A_25, %mul3A_31 : vector<16xi32>
    %add3A_33 = arith.constant 32 : i32
    %add3A_34 = vector.broadcast %add3A_33 : i32 to vector<16xi32>
    %add3A_35 = arith.addi %iota3A, %add3A_34 : vector<16xi32>
    %shift_right_arithmetic3A_36 = arith.constant 3 : i32
    %shift_right_arithmetic3A_37 = vector.broadcast %shift_right_arithmetic3A_36 : i32 to vector<16xi32>
    %shift_right_arithmetic3A_38 = arith.shrsi %add3A_35, %shift_right_arithmetic3A_37 : vector<16xi32>
    %mul3A_39 = arith.constant 2048 : i32
    %mul3A_40 = vector.broadcast %mul3A_39 : i32 to vector<16xi32>
    %mul3A_41 = arith.muli %shift_right_arithmetic3A_38, %mul3A_40 : vector<16xi32>
    %and3A_42 = arith.constant 7 : i32
    %and3A_43 = vector.broadcast %and3A_42 : i32 to vector<16xi32>
    %and3A_44 = arith.andi %add3A_35, %and3A_43 : vector<16xi32>
    %mul3A_45 = arith.constant 128 : i32
    %mul3A_46 = vector.broadcast %mul3A_45 : i32 to vector<16xi32>
    %mul3A_47 = arith.muli %and3A_44, %mul3A_46 : vector<16xi32>
    %add3A_48 = arith.addi %mul3A_41, %mul3A_47 : vector<16xi32>
    %add3A_49 = arith.constant 48 : i32
    %add3A_50 = vector.broadcast %add3A_49 : i32 to vector<16xi32>
    %add3A_51 = arith.addi %iota3A, %add3A_50 : vector<16xi32>
    %shift_right_arithmetic3A_52 = arith.constant 3 : i32
    %shift_right_arithmetic3A_53 = vector.broadcast %shift_right_arithmetic3A_52 : i32 to vector<16xi32>
    %shift_right_arithmetic3A_54 = arith.shrsi %add3A_51, %shift_right_arithmetic3A_53 : vector<16xi32>
    %mul3A_55 = arith.constant 2048 : i32
    %mul3A_56 = vector.broadcast %mul3A_55 : i32 to vector<16xi32>
    %mul3A_57 = arith.muli %shift_right_arithmetic3A_54, %mul3A_56 : vector<16xi32>
    %and3A_58 = arith.constant 7 : i32
    %and3A_59 = vector.broadcast %and3A_58 : i32 to vector<16xi32>
    %and3A_60 = arith.andi %add3A_51, %and3A_59 : vector<16xi32>
    %mul3A_61 = arith.constant 128 : i32
    %mul3A_62 = vector.broadcast %mul3A_61 : i32 to vector<16xi32>
    %mul3A_63 = arith.muli %and3A_60, %mul3A_62 : vector<16xi32>
    %add3A_64 = arith.addi %mul3A_57, %mul3A_63 : vector<16xi32>
    %min3A = arith.constant 0 : i32
    %min3A_65 = arith.constant 99 : i32
    %min3A_66 = arith.minsi %min3A, %min3A_65 : i32
    %add3A_67 = arith.addi %mul3A_2, %min3A_66 : i32
    %mul3A_68 = arith.constant 2 : i32
    %mul3A_69 = arith.muli %add3A_67, %mul3A_68 : i32
    %jit3A = arith.constant 128 : i32
    %div3A = arith.divsi %mul3A_69, %jit3A : i32
    %sign3A = arith.constant 0 : i32
    %sign3A_70 = arith.cmpi sgt, %mul3A_69, %sign3A : i32
    %sign3A_71 = arith.extui %sign3A_70 : i1 to i32
    %sign3A_72 = arith.constant 0 : i32
    %sign3A_73 = arith.cmpi slt, %mul3A_69, %sign3A_72 : i32
    %sign3A_74 = arith.extui %sign3A_73 : i1 to i32
    %sign3A_75 = arith.subi %sign3A_71, %sign3A_74 : i32
    %sign3A_76 = arith.constant 0 : i32
    %sign3A_77 = arith.cmpi sgt, %jit3A, %sign3A_76 : i32
    %sign3A_78 = arith.extui %sign3A_77 : i1 to i32
    %sign3A_79 = arith.constant 0 : i32
    %sign3A_80 = arith.cmpi slt, %jit3A, %sign3A_79 : i32
    %sign3A_81 = arith.extui %sign3A_80 : i1 to i32
    %sign3A_82 = arith.subi %sign3A_78, %sign3A_81 : i32
    %ne3A = arith.cmpi ne, %sign3A_75, %sign3A_82 : i32
    %rem3A = arith.remsi %mul3A_69, %jit3A : i32
    %ne3A_83 = arith.constant 0 : i32
    %ne3A_84 = arith.cmpi ne, %rem3A, %ne3A_83 : i32
    %and3A_85 = arith.andi %ne3A, %ne3A_84 : i1
    %sub3A = arith.constant 1 : i32
    %sub3A_86 = arith.subi %div3A, %sub3A : i32
    %select_n3A = arith.select %and3A_85, %sub3A_86, %div3A : i32
    %jit3A_87 = arith.constant 128 : i32
    %eq3A = arith.constant 0 : i32
    %eq3A_88 = arith.cmpi eq, %jit3A_87, %eq3A : i32
    %jit3A_89 = arith.constant 1 : i32
    %select_n3A_90 = arith.select %eq3A_88, %jit3A_89, %jit3A_87 : i32
    %rem3A_91 = arith.remsi %mul3A_69, %select_n3A_90 : i32
    %ne3A_92 = arith.constant 0 : i32
    %ne3A_93 = arith.cmpi ne, %rem3A_91, %ne3A_92 : i32
    %lt3A = arith.constant 0 : i32
    %lt3A_94 = arith.cmpi slt, %rem3A_91, %lt3A : i32
    %lt3A_95 = arith.constant 0 : i32
    %lt3A_96 = arith.cmpi slt, %select_n3A_90, %lt3A_95 : i32
    %ne3A_97 = arith.xori %lt3A_94, %lt3A_96 : i1
    %and3A_98 = arith.andi %ne3A_97, %ne3A_93 : i1
    %add3A_99 = arith.addi %rem3A_91, %select_n3A_90 : i32
    %select_n3A_100 = arith.select %and3A_98, %add3A_99, %rem3A_91 : i32
    %mul3A_101 = arith.constant 128 : i32
    %mul3A_102 = arith.muli %select_n3A_100, %mul3A_101 : i32
    %dma_start3A = tpu.memref_slice %arg2[%select_n3A, %mul3A_102] : memref<50x16384xi32, #tpu.memory_space<hbm>> -> memref<1x256xi32, #tpu.memory_space<hbm>>
    %dma_start3A_103 = tpu.memref_squeeze %dma_start3A : memref<1x256xi32, #tpu.memory_space<hbm>> -> memref<256xi32, #tpu.memory_space<hbm>>
    %dma_start3A_104 = tpu.memref_slice %arg2[%select_n3A, %mul3A_102] : memref<50x16384xi32, #tpu.memory_space<hbm>> -> memref<1x256xi32, #tpu.memory_space<hbm>>
    %dma_start3A_105 = tpu.memref_squeeze %dma_start3A_104 : memref<1x256xi32, #tpu.memory_space<hbm>> -> memref<256xi32, #tpu.memory_space<hbm>>
    tpu.enqueue_dma source(%dma_start3A_105 : memref<256xi32, #tpu.memory_space<hbm>>) target(%arg5 : memref<256xi32, #tpu.memory_space<vmem>>) target_semaphore(%arg11 : memref<!tpu.dma_semaphore, #tpu.memory_space<semaphore_mem>>)
    %dma_wait3A = arith.constant 0 : i32
    %dma_wait3A_106 = arith.constant 0 : i32
    %dma_wait3A_107 = tpu.memref_slice %arg2[%dma_wait3A, %dma_wait3A_106] : memref<50x16384xi32, #tpu.memory_space<hbm>> -> memref<1x256xi32, #tpu.memory_space<hbm>>
    %dma_wait3A_108 = tpu.memref_squeeze %dma_wait3A_107 : memref<1x256xi32, #tpu.memory_space<hbm>> -> memref<256xi32, #tpu.memory_space<hbm>>
    %dma_wait3A_109 = arith.constant 0 : i32
    %dma_wait3A_110 = tpu.memref_slice %arg2[%dma_wait3A, %dma_wait3A_109] : memref<50x16384xi32, #tpu.memory_space<hbm>> -> memref<1x256xi32, #tpu.memory_space<hbm>>
    %dma_wait3A_111 = tpu.memref_squeeze %dma_wait3A_110 : memref<1x256xi32, #tpu.memory_space<hbm>> -> memref<256xi32, #tpu.memory_space<hbm>>
    tpu.wait_dma2 semaphore(%arg11 : memref<!tpu.dma_semaphore, #tpu.memory_space<semaphore_mem>>) src(%dma_wait3A_111 : memref<256xi32, #tpu.memory_space<hbm>>) dst(%arg5 : memref<256xi32, #tpu.memory_space<vmem>>)
    %dma_start3A_112 = arith.constant 0 : i32
    %dma_start3A_113 = arith.constant 0 : i32
    %dma_start3A_114 = tpu.memref_slice %arg3[%dma_start3A_112, %dma_start3A_113] : memref<1000000x64xf32, #tpu.memory_space<hbm>> -> memref<1000000x64xf32, #tpu.memory_space<hbm>>
    tpu.enqueue_indirect_dma source(%dma_start3A_114 : memref<1000000x64xf32, #tpu.memory_space<hbm>>) target(%arg7 : memref<256x64xf32, #tpu.memory_space<vmem>>) offsets(%arg5 : memref<256xi32, #tpu.memory_space<vmem>>) semaphore(%arg13 : memref<!tpu.dma_semaphore, #tpu.memory_space<semaphore_mem>>)
    %min3A_115 = arith.constant 1 : i32
    %min3A_116 = arith.constant 99 : i32
    %min3A_117 = arith.minsi %min3A_115, %min3A_116 : i32
    %add3A_118 = arith.addi %mul3A_2, %min3A_117 : i32
    %mul3A_119 = arith.constant 2 : i32
    %mul3A_120 = arith.muli %add3A_118, %mul3A_119 : i32
    %jit3A_121 = arith.constant 128 : i32
    %div3A_122 = arith.divsi %mul3A_120, %jit3A_121 : i32
    %sign3A_123 = arith.constant 0 : i32
    %sign3A_124 = arith.cmpi sgt, %mul3A_120, %sign3A_123 : i32
    %sign3A_125 = arith.extui %sign3A_124 : i1 to i32
    %sign3A_126 = arith.constant 0 : i32
    %sign3A_127 = arith.cmpi slt, %mul3A_120, %sign3A_126 : i32
    %sign3A_128 = arith.extui %sign3A_127 : i1 to i32
    %sign3A_129 = arith.subi %sign3A_125, %sign3A_128 : i32
    %sign3A_130 = arith.constant 0 : i32
    %sign3A_131 = arith.cmpi sgt, %jit3A_121, %sign3A_130 : i32
    %sign3A_132 = arith.extui %sign3A_131 : i1 to i32
    %sign3A_133 = arith.constant 0 : i32
    %sign3A_134 = arith.cmpi slt, %jit3A_121, %sign3A_133 : i32
    %sign3A_135 = arith.extui %sign3A_134 : i1 to i32
    %sign3A_136 = arith.subi %sign3A_132, %sign3A_135 : i32
    %ne3A_137 = arith.cmpi ne, %sign3A_129, %sign3A_136 : i32
    %rem3A_138 = arith.remsi %mul3A_120, %jit3A_121 : i32
    %ne3A_139 = arith.constant 0 : i32
    %ne3A_140 = arith.cmpi ne, %rem3A_138, %ne3A_139 : i32
    %and3A_141 = arith.andi %ne3A_137, %ne3A_140 : i1
    %sub3A_142 = arith.constant 1 : i32
    %sub3A_143 = arith.subi %div3A_122, %sub3A_142 : i32
    %select_n3A_144 = arith.select %and3A_141, %sub3A_143, %div3A_122 : i32
    %jit3A_145 = arith.constant 128 : i32
    %eq3A_146 = arith.constant 0 : i32
    %eq3A_147 = arith.cmpi eq, %jit3A_145, %eq3A_146 : i32
    %jit3A_148 = arith.constant 1 : i32
    %select_n3A_149 = arith.select %eq3A_147, %jit3A_148, %jit3A_145 : i32
    %rem3A_150 = arith.remsi %mul3A_120, %select_n3A_149 : i32
    %ne3A_151 = arith.constant 0 : i32
    %ne3A_152 = arith.cmpi ne, %rem3A_150, %ne3A_151 : i32
    %lt3A_153 = arith.constant 0 : i32
    %lt3A_154 = arith.cmpi slt, %rem3A_150, %lt3A_153 : i32
    %lt3A_155 = arith.constant 0 : i32
    %lt3A_156 = arith.cmpi slt, %select_n3A_149, %lt3A_155 : i32
    %ne3A_157 = arith.xori %lt3A_154, %lt3A_156 : i1
    %and3A_158 = arith.andi %ne3A_157, %ne3A_152 : i1
    %add3A_159 = arith.addi %rem3A_150, %select_n3A_149 : i32
    %select_n3A_160 = arith.select %and3A_158, %add3A_159, %rem3A_150 : i32
    %mul3A_161 = arith.constant 128 : i32
    %mul3A_162 = arith.muli %select_n3A_160, %mul3A_161 : i32
    %dma_start3A_163 = tpu.memref_slice %arg2[%select_n3A_144, %mul3A_162] : memref<50x16384xi32, #tpu.memory_space<hbm>> -> memref<1x256xi32, #tpu.memory_space<hbm>>
    %dma_start3A_164 = tpu.memref_squeeze %dma_start3A_163 : memref<1x256xi32, #tpu.memory_space<hbm>> -> memref<256xi32, #tpu.memory_space<hbm>>
    %dma_start3A_165 = tpu.memref_slice %arg2[%select_n3A_144, %mul3A_162] : memref<50x16384xi32, #tpu.memory_space<hbm>> -> memref<1x256xi32, #tpu.memory_space<hbm>>
    %dma_start3A_166 = tpu.memref_squeeze %dma_start3A_165 : memref<1x256xi32, #tpu.memory_space<hbm>> -> memref<256xi32, #tpu.memory_space<hbm>>
    tpu.enqueue_dma source(%dma_start3A_166 : memref<256xi32, #tpu.memory_space<hbm>>) target(%arg6 : memref<256xi32, #tpu.memory_space<vmem>>) target_semaphore(%arg12 : memref<!tpu.dma_semaphore, #tpu.memory_space<semaphore_mem>>)
    %scan3A = arith.constant 0 : i32
    %scan3A_167 = arith.constant 100 : i32
    %scan3A_168 = arith.addi %scan3A, %scan3A_167 : i32
    %scan3A_169 = arith.constant 1 : i32
    scf.for %scan3A_312 = %scan3A to %scan3A_168 step %scan3A_169  : i32 {
      %rem3A_313 = arith.constant 2 : i32
      %rem3A_314 = arith.remsi %scan3A_312, %rem3A_313 : i32
      %eq3A_315 = arith.constant 0 : i32
      %eq3A_316 = arith.cmpi eq, %rem3A_314, %eq3A_315 : i32
      %convert_element_type3A = arith.extui %eq3A_316 : i1 to i32
      %cond3A = arith.constant 0 : i32
      %cond3A_317 = arith.cmpi ne, %convert_element_type3A, %cond3A : i32
      scf.if %cond3A_317 {
        %dma_wait3A_323 = arith.constant 0 : i32
        %dma_wait3A_324 = arith.constant 0 : i32
        %dma_wait3A_325 = tpu.memref_slice %arg2[%dma_wait3A_323, %dma_wait3A_324] : memref<50x16384xi32, #tpu.memory_space<hbm>> -> memref<1x256xi32, #tpu.memory_space<hbm>>
        %dma_wait3A_326 = tpu.memref_squeeze %dma_wait3A_325 : memref<1x256xi32, #tpu.memory_space<hbm>> -> memref<256xi32, #tpu.memory_space<hbm>>
        %dma_wait3A_327 = arith.constant 0 : i32
        %dma_wait3A_328 = tpu.memref_slice %arg2[%dma_wait3A_323, %dma_wait3A_327] : memref<50x16384xi32, #tpu.memory_space<hbm>> -> memref<1x256xi32, #tpu.memory_space<hbm>>
        %dma_wait3A_329 = tpu.memref_squeeze %dma_wait3A_328 : memref<1x256xi32, #tpu.memory_space<hbm>> -> memref<256xi32, #tpu.memory_space<hbm>>
        tpu.wait_dma2 semaphore(%arg12 : memref<!tpu.dma_semaphore, #tpu.memory_space<semaphore_mem>>) src(%dma_wait3A_329 : memref<256xi32, #tpu.memory_space<hbm>>) dst(%arg6 : memref<256xi32, #tpu.memory_space<vmem>>)
        %dma_wait3A_330 = arith.constant 0 : i32
        %dma_wait3A_331 = arith.constant 0 : i32
        %dma_wait3A_332 = tpu.memref_slice %arg3[%dma_wait3A_330, %dma_wait3A_331] : memref<1000000x64xf32, #tpu.memory_space<hbm>> -> memref<256x64xf32, #tpu.memory_space<hbm>>
        %dma_wait3A_333 = arith.constant 0 : i32
        %dma_wait3A_334 = arith.constant 0 : i32
        %dma_wait3A_335 = tpu.memref_slice %arg3[%dma_wait3A_333, %dma_wait3A_334] : memref<1000000x64xf32, #tpu.memory_space<hbm>> -> memref<256x64xf32, #tpu.memory_space<hbm>>
        tpu.wait_dma2 semaphore(%arg13 : memref<!tpu.dma_semaphore, #tpu.memory_space<semaphore_mem>>) src(%dma_wait3A_335 : memref<256x64xf32, #tpu.memory_space<hbm>>) dst(%arg7 : memref<256x64xf32, #tpu.memory_space<vmem>>)
        %dma_start3A_336 = arith.constant 0 : i32
        %dma_start3A_337 = arith.constant 0 : i32
        %dma_start3A_338 = tpu.memref_slice %arg3[%dma_start3A_336, %dma_start3A_337] : memref<1000000x64xf32, #tpu.memory_space<hbm>> -> memref<1000000x64xf32, #tpu.memory_space<hbm>>
        tpu.enqueue_indirect_dma source(%dma_start3A_338 : memref<1000000x64xf32, #tpu.memory_space<hbm>>) target(%arg8 : memref<256x64xf32, #tpu.memory_space<vmem>>) offsets(%arg6 : memref<256xi32, #tpu.memory_space<vmem>>) semaphore(%arg14 : memref<!tpu.dma_semaphore, #tpu.memory_space<semaphore_mem>>)
        %add3A_339 = arith.constant 2 : i32
        %add3A_340 = arith.addi %scan3A_312, %add3A_339 : i32
        %min3A_341 = arith.constant 99 : i32
        %min3A_342 = arith.minsi %add3A_340, %min3A_341 : i32
        %add3A_343 = arith.addi %mul3A_2, %min3A_342 : i32
        %mul3A_344 = arith.constant 2 : i32
        %mul3A_345 = arith.muli %add3A_343, %mul3A_344 : i32
        %jit3A_346 = arith.constant 128 : i32
        %div3A_347 = arith.divsi %mul3A_345, %jit3A_346 : i32
        %sign3A_348 = arith.constant 0 : i32
        %sign3A_349 = arith.cmpi sgt, %mul3A_345, %sign3A_348 : i32
        %sign3A_350 = arith.extui %sign3A_349 : i1 to i32
        %sign3A_351 = arith.constant 0 : i32
        %sign3A_352 = arith.cmpi slt, %mul3A_345, %sign3A_351 : i32
        %sign3A_353 = arith.extui %sign3A_352 : i1 to i32
        %sign3A_354 = arith.subi %sign3A_350, %sign3A_353 : i32
        %sign3A_355 = arith.constant 0 : i32
        %sign3A_356 = arith.cmpi sgt, %jit3A_346, %sign3A_355 : i32
        %sign3A_357 = arith.extui %sign3A_356 : i1 to i32
        %sign3A_358 = arith.constant 0 : i32
        %sign3A_359 = arith.cmpi slt, %jit3A_346, %sign3A_358 : i32
        %sign3A_360 = arith.extui %sign3A_359 : i1 to i32
        %sign3A_361 = arith.subi %sign3A_357, %sign3A_360 : i32
        %ne3A_362 = arith.cmpi ne, %sign3A_354, %sign3A_361 : i32
        %rem3A_363 = arith.remsi %mul3A_345, %jit3A_346 : i32
        %ne3A_364 = arith.constant 0 : i32
        %ne3A_365 = arith.cmpi ne, %rem3A_363, %ne3A_364 : i32
        %and3A_366 = arith.andi %ne3A_362, %ne3A_365 : i1
        %sub3A_367 = arith.constant 1 : i32
        %sub3A_368 = arith.subi %div3A_347, %sub3A_367 : i32
        %select_n3A_369 = arith.select %and3A_366, %sub3A_368, %div3A_347 : i32
        %jit3A_370 = arith.constant 128 : i32
        %eq3A_371 = arith.constant 0 : i32
        %eq3A_372 = arith.cmpi eq, %jit3A_370, %eq3A_371 : i32
        %jit3A_373 = arith.constant 1 : i32
        %select_n3A_374 = arith.select %eq3A_372, %jit3A_373, %jit3A_370 : i32
        %rem3A_375 = arith.remsi %mul3A_345, %select_n3A_374 : i32
        %ne3A_376 = arith.constant 0 : i32
        %ne3A_377 = arith.cmpi ne, %rem3A_375, %ne3A_376 : i32
        %lt3A_378 = arith.constant 0 : i32
        %lt3A_379 = arith.cmpi slt, %rem3A_375, %lt3A_378 : i32
        %lt3A_380 = arith.constant 0 : i32
        %lt3A_381 = arith.cmpi slt, %select_n3A_374, %lt3A_380 : i32
        %ne3A_382 = arith.xori %lt3A_379, %lt3A_381 : i1
        %and3A_383 = arith.andi %ne3A_382, %ne3A_377 : i1
        %add3A_384 = arith.addi %rem3A_375, %select_n3A_374 : i32
        %select_n3A_385 = arith.select %and3A_383, %add3A_384, %rem3A_375 : i32
        %mul3A_386 = arith.constant 128 : i32
        %mul3A_387 = arith.muli %select_n3A_385, %mul3A_386 : i32
        %dma_start3A_388 = tpu.memref_slice %arg2[%select_n3A_369, %mul3A_387] : memref<50x16384xi32, #tpu.memory_space<hbm>> -> memref<1x256xi32, #tpu.memory_space<hbm>>
        %dma_start3A_389 = tpu.memref_squeeze %dma_start3A_388 : memref<1x256xi32, #tpu.memory_space<hbm>> -> memref<256xi32, #tpu.memory_space<hbm>>
        %dma_start3A_390 = tpu.memref_slice %arg2[%select_n3A_369, %mul3A_387] : memref<50x16384xi32, #tpu.memory_space<hbm>> -> memref<1x256xi32, #tpu.memory_space<hbm>>
        %dma_start3A_391 = tpu.memref_squeeze %dma_start3A_390 : memref<1x256xi32, #tpu.memory_space<hbm>> -> memref<256xi32, #tpu.memory_space<hbm>>
        tpu.enqueue_dma source(%dma_start3A_391 : memref<256xi32, #tpu.memory_space<hbm>>) target(%arg5 : memref<256xi32, #tpu.memory_space<vmem>>) target_semaphore(%arg11 : memref<!tpu.dma_semaphore, #tpu.memory_space<semaphore_mem>>)
        %ge3A = arith.constant 2 : i32
        %ge3A_392 = arith.cmpi sge, %scan3A_312, %ge3A : i32
        %convert_element_type3A_393 = arith.extui %ge3A_392 : i1 to i32
        %cond3A_394 = arith.constant 0 : i32
        %cond3A_395 = arith.cmpi ne, %convert_element_type3A_393, %cond3A_394 : i32
        scf.if %cond3A_395 {
          %dma_wait3A_564 = arith.constant 0 : i32
          %dma_wait3A_565 = tpu.memref_slice %arg9[%dma_wait3A_564] : memref<16384xf32, #tpu.memory_space<vmem>> -> memref<2048xf32, #tpu.memory_space<vmem>>
          %dma_wait3A_566 = arith.constant 0 : i32
          %dma_wait3A_567 = tpu.memref_slice %arg4[%dma_wait3A_566] : memref<52428800xf32, #tpu.memory_space<hbm>> -> memref<2048xf32, #tpu.memory_space<hbm>>
          %dma_wait3A_568 = arith.constant 0 : i32
          %dma_wait3A_569 = tpu.memref_slice %arg4[%dma_wait3A_568] : memref<52428800xf32, #tpu.memory_space<hbm>> -> memref<2048xf32, #tpu.memory_space<hbm>>
          %dma_wait3A_570 = arith.constant 0 : i32
          %dma_wait3A_571 = tpu.memref_slice %arg9[%dma_wait3A_570] : memref<16384xf32, #tpu.memory_space<vmem>> -> memref<2048xf32, #tpu.memory_space<vmem>>
          tpu.wait_dma2 semaphore(%arg15 : memref<!tpu.dma_semaphore, #tpu.memory_space<semaphore_mem>>) src(%dma_wait3A_571 : memref<2048xf32, #tpu.memory_space<vmem>>) dst(%dma_wait3A_569 : memref<2048xf32, #tpu.memory_space<hbm>>)
          %dma_wait3A_572 = arith.constant 2048 : i32
          %dma_wait3A_573 = tpu.memref_slice %arg9[%dma_wait3A_572] : memref<16384xf32, #tpu.memory_space<vmem>> -> memref<2048xf32, #tpu.memory_space<vmem>>
          %dma_wait3A_574 = arith.constant 2048 : i32
          %dma_wait3A_575 = tpu.memref_slice %arg4[%dma_wait3A_574] : memref<52428800xf32, #tpu.memory_space<hbm>> -> memref<2048xf32, #tpu.memory_space<hbm>>
          %dma_wait3A_576 = arith.constant 2048 : i32
          %dma_wait3A_577 = tpu.memref_slice %arg4[%dma_wait3A_576] : memref<52428800xf32, #tpu.memory_space<hbm>> -> memref<2048xf32, #tpu.memory_space<hbm>>
          %dma_wait3A_578 = arith.constant 2048 : i32
          %dma_wait3A_579 = tpu.memref_slice %arg9[%dma_wait3A_578] : memref<16384xf32, #tpu.memory_space<vmem>> -> memref<2048xf32, #tpu.memory_space<vmem>>
          tpu.wait_dma2 semaphore(%arg15 : memref<!tpu.dma_semaphore, #tpu.memory_space<semaphore_mem>>) src(%dma_wait3A_579 : memref<2048xf32, #tpu.memory_space<vmem>>) dst(%dma_wait3A_577 : memref<2048xf32, #tpu.memory_space<hbm>>)
          %dma_wait3A_580 = arith.constant 4096 : i32
          %dma_wait3A_581 = tpu.memref_slice %arg9[%dma_wait3A_580] : memref<16384xf32, #tpu.memory_space<vmem>> -> memref<2048xf32, #tpu.memory_space<vmem>>
          %dma_wait3A_582 = arith.constant 4096 : i32
          %dma_wait3A_583 = tpu.memref_slice %arg4[%dma_wait3A_582] : memref<52428800xf32, #tpu.memory_space<hbm>> -> memref<2048xf32, #tpu.memory_space<hbm>>
          %dma_wait3A_584 = arith.constant 4096 : i32
          %dma_wait3A_585 = tpu.memref_slice %arg4[%dma_wait3A_584] : memref<52428800xf32, #tpu.memory_space<hbm>> -> memref<2048xf32, #tpu.memory_space<hbm>>
          %dma_wait3A_586 = arith.constant 4096 : i32
          %dma_wait3A_587 = tpu.memref_slice %arg9[%dma_wait3A_586] : memref<16384xf32, #tpu.memory_space<vmem>> -> memref<2048xf32, #tpu.memory_space<vmem>>
          tpu.wait_dma2 semaphore(%arg15 : memref<!tpu.dma_semaphore, #tpu.memory_space<semaphore_mem>>) src(%dma_wait3A_587 : memref<2048xf32, #tpu.memory_space<vmem>>) dst(%dma_wait3A_585 : memref<2048xf32, #tpu.memory_space<hbm>>)
          %dma_wait3A_588 = arith.constant 6144 : i32
          %dma_wait3A_589 = tpu.memref_slice %arg9[%dma_wait3A_588] : memref<16384xf32, #tpu.memory_space<vmem>> -> memref<2048xf32, #tpu.memory_space<vmem>>
          %dma_wait3A_590 = arith.constant 6144 : i32
          %dma_wait3A_591 = tpu.memref_slice %arg4[%dma_wait3A_590] : memref<52428800xf32, #tpu.memory_space<hbm>> -> memref<2048xf32, #tpu.memory_space<hbm>>
          %dma_wait3A_592 = arith.constant 6144 : i32
          %dma_wait3A_593 = tpu.memref_slice %arg4[%dma_wait3A_592] : memref<52428800xf32, #tpu.memory_space<hbm>> -> memref<2048xf32, #tpu.memory_space<hbm>>
          %dma_wait3A_594 = arith.constant 6144 : i32
          %dma_wait3A_595 = tpu.memref_slice %arg9[%dma_wait3A_594] : memref<16384xf32, #tpu.memory_space<vmem>> -> memref<2048xf32, #tpu.memory_space<vmem>>
          tpu.wait_dma2 semaphore(%arg15 : memref<!tpu.dma_semaphore, #tpu.memory_space<semaphore_mem>>) src(%dma_wait3A_595 : memref<2048xf32, #tpu.memory_space<vmem>>) dst(%dma_wait3A_593 : memref<2048xf32, #tpu.memory_space<hbm>>)
          %dma_wait3A_596 = arith.constant 8192 : i32
          %dma_wait3A_597 = tpu.memref_slice %arg9[%dma_wait3A_596] : memref<16384xf32, #tpu.memory_space<vmem>> -> memref<2048xf32, #tpu.memory_space<vmem>>
          %dma_wait3A_598 = arith.constant 8192 : i32
          %dma_wait3A_599 = tpu.memref_slice %arg4[%dma_wait3A_598] : memref<52428800xf32, #tpu.memory_space<hbm>> -> memref<2048xf32, #tpu.memory_space<hbm>>
          %dma_wait3A_600 = arith.constant 8192 : i32
          %dma_wait3A_601 = tpu.memref_slice %arg4[%dma_wait3A_600] : memref<52428800xf32, #tpu.memory_space<hbm>> -> memref<2048xf32, #tpu.memory_space<hbm>>
          %dma_wait3A_602 = arith.constant 8192 : i32
          %dma_wait3A_603 = tpu.memref_slice %arg9[%dma_wait3A_602] : memref<16384xf32, #tpu.memory_space<vmem>> -> memref<2048xf32, #tpu.memory_space<vmem>>
          tpu.wait_dma2 semaphore(%arg15 : memref<!tpu.dma_semaphore, #tpu.memory_space<semaphore_mem>>) src(%dma_wait3A_603 : memref<2048xf32, #tpu.memory_space<vmem>>) dst(%dma_wait3A_601 : memref<2048xf32, #tpu.memory_space<hbm>>)
          %dma_wait3A_604 = arith.constant 10240 : i32
          %dma_wait3A_605 = tpu.memref_slice %arg9[%dma_wait3A_604] : memref<16384xf32, #tpu.memory_space<vmem>> -> memref<2048xf32, #tpu.memory_space<vmem>>
          %dma_wait3A_606 = arith.constant 10240 : i32
          %dma_wait3A_607 = tpu.memref_slice %arg4[%dma_wait3A_606] : memref<52428800xf32, #tpu.memory_space<hbm>> -> memref<2048xf32, #tpu.memory_space<hbm>>
          %dma_wait3A_608 = arith.constant 10240 : i32
          %dma_wait3A_609 = tpu.memref_slice %arg4[%dma_wait3A_608] : memref<52428800xf32, #tpu.memory_space<hbm>> -> memref<2048xf32, #tpu.memory_space<hbm>>
          %dma_wait3A_610 = arith.constant 10240 : i32
          %dma_wait3A_611 = tpu.memref_slice %arg9[%dma_wait3A_610] : memref<16384xf32, #tpu.memory_space<vmem>> -> memref<2048xf32, #tpu.memory_space<vmem>>
          tpu.wait_dma2 semaphore(%arg15 : memref<!tpu.dma_semaphore, #tpu.memory_space<semaphore_mem>>) src(%dma_wait3A_611 : memref<2048xf32, #tpu.memory_space<vmem>>) dst(%dma_wait3A_609 : memref<2048xf32, #tpu.memory_space<hbm>>)
          %dma_wait3A_612 = arith.constant 12288 : i32
          %dma_wait3A_613 = tpu.memref_slice %arg9[%dma_wait3A_612] : memref<16384xf32, #tpu.memory_space<vmem>> -> memref<2048xf32, #tpu.memory_space<vmem>>
          %dma_wait3A_614 = arith.constant 12288 : i32
          %dma_wait3A_615 = tpu.memref_slice %arg4[%dma_wait3A_614] : memref<52428800xf32, #tpu.memory_space<hbm>> -> memref<2048xf32, #tpu.memory_space<hbm>>
          %dma_wait3A_616 = arith.constant 12288 : i32
          %dma_wait3A_617 = tpu.memref_slice %arg4[%dma_wait3A_616] : memref<52428800xf32, #tpu.memory_space<hbm>> -> memref<2048xf32, #tpu.memory_space<hbm>>
          %dma_wait3A_618 = arith.constant 12288 : i32
          %dma_wait3A_619 = tpu.memref_slice %arg9[%dma_wait3A_618] : memref<16384xf32, #tpu.memory_space<vmem>> -> memref<2048xf32, #tpu.memory_space<vmem>>
          tpu.wait_dma2 semaphore(%arg15 : memref<!tpu.dma_semaphore, #tpu.memory_space<semaphore_mem>>) src(%dma_wait3A_619 : memref<2048xf32, #tpu.memory_space<vmem>>) dst(%dma_wait3A_617 : memref<2048xf32, #tpu.memory_space<hbm>>)
          %dma_wait3A_620 = arith.constant 14336 : i32
          %dma_wait3A_621 = tpu.memref_slice %arg9[%dma_wait3A_620] : memref<16384xf32, #tpu.memory_space<vmem>> -> memref<2048xf32, #tpu.memory_space<vmem>>
          %dma_wait3A_622 = arith.constant 14336 : i32
          %dma_wait3A_623 = tpu.memref_slice %arg4[%dma_wait3A_622] : memref<52428800xf32, #tpu.memory_space<hbm>> -> memref<2048xf32, #tpu.memory_space<hbm>>
          %dma_wait3A_624 = arith.constant 14336 : i32
          %dma_wait3A_625 = tpu.memref_slice %arg4[%dma_wait3A_624] : memref<52428800xf32, #tpu.memory_space<hbm>> -> memref<2048xf32, #tpu.memory_space<hbm>>
          %dma_wait3A_626 = arith.constant 14336 : i32
          %dma_wait3A_627 = tpu.memref_slice %arg9[%dma_wait3A_626] : memref<16384xf32, #tpu.memory_space<vmem>> -> memref<2048xf32, #tpu.memory_space<vmem>>
          tpu.wait_dma2 semaphore(%arg15 : memref<!tpu.dma_semaphore, #tpu.memory_space<semaphore_mem>>) src(%dma_wait3A_627 : memref<2048xf32, #tpu.memory_space<vmem>>) dst(%dma_wait3A_625 : memref<2048xf32, #tpu.memory_space<hbm>>)
        } else {
        }
        %scan3A_396 = arith.constant 0 : i32
        %scan3A_397 = arith.constant 16 : i32
        %scan3A_398 = arith.addi %scan3A_396, %scan3A_397 : i32
        %scan3A_399 = arith.constant 1 : i32
        scf.for %scan3A_564 = %scan3A_396 to %scan3A_398 step %scan3A_399  : i32 {
          %mul3A_565 = arith.constant 16 : i32
          %mul3A_566 = arith.muli %scan3A_564, %mul3A_565 : i32
          %shift_right_arithmetic3A_567 = arith.constant 7 : i32
          %shift_right_arithmetic3A_568 = arith.shrsi %mul3A_566, %shift_right_arithmetic3A_567 : i32
          %mul3A_569 = arith.constant 1024 : i32
          %mul3A_570 = arith.muli %shift_right_arithmetic3A_568, %mul3A_569 : i32
          %and3A_571 = arith.constant 127 : i32
          %and3A_572 = arith.andi %mul3A_566, %and3A_571 : i32
          %add3A_573 = arith.addi %mul3A_570, %and3A_572 : i32
          %add3A_574 = arith.constant 0 : i32
          %add3A_575 = vector.broadcast %add3A_574 : i32 to vector<16xi32>
          %add3A_576 = arith.addi %iota3A, %add3A_575 : vector<16xi32>
          %and3A_577 = arith.constant 15 : i32
          %and3A_578 = vector.broadcast %and3A_577 : i32 to vector<16xi32>
          %and3A_579 = arith.andi %add3A_576, %and3A_578 : vector<16xi32>
          %add3A_580 = vector.broadcast %mul3A_566 : i32 to vector<16xi32>
          %add3A_581 = arith.addi %add3A_580, %and3A_579 : vector<16xi32>
          %add3A_582 = vector.broadcast %add3A_573 : i32 to vector<16xi32>
          %add3A_583 = arith.addi %add3A_582, %and3A_579 : vector<16xi32>
          %gather3A = tpu.vector_load_idx %arg7[%add3A_581, %add3A_5] : memref<256x64xf32, #tpu.memory_space<vmem>>[vector<16xi32>, vector<16xi32>], vector<16xf32>,
          %add3A_584 = arith.addi %add3A_16, %add3A_583 : vector<16xi32>
          tpu.vector_store_idx %arg9[%add3A_584], %gather3A : memref<16384xf32, #tpu.memory_space<vmem>>[vector<16xi32>], vector<16xf32>,
          %gather3A_585 = tpu.vector_load_idx %arg7[%add3A_581, %add3A_19] : memref<256x64xf32, #tpu.memory_space<vmem>>[vector<16xi32>, vector<16xi32>], vector<16xf32>,
          %add3A_586 = arith.addi %add3A_32, %add3A_583 : vector<16xi32>
          tpu.vector_store_idx %arg9[%add3A_586], %gather3A_585 : memref<16384xf32, #tpu.memory_space<vmem>>[vector<16xi32>], vector<16xf32>,
          %gather3A_587 = tpu.vector_load_idx %arg7[%add3A_581, %add3A_35] : memref<256x64xf32, #tpu.memory_space<vmem>>[vector<16xi32>, vector<16xi32>], vector<16xf32>,
          %add3A_588 = arith.addi %add3A_48, %add3A_583 : vector<16xi32>
          tpu.vector_store_idx %arg9[%add3A_588], %gather3A_587 : memref<16384xf32, #tpu.memory_space<vmem>>[vector<16xi32>], vector<16xf32>,
          %gather3A_589 = tpu.vector_load_idx %arg7[%add3A_581, %add3A_51] : memref<256x64xf32, #tpu.memory_space<vmem>>[vector<16xi32>, vector<16xi32>], vector<16xf32>,
          %add3A_590 = arith.addi %add3A_64, %add3A_583 : vector<16xi32>
          tpu.vector_store_idx %arg9[%add3A_590], %gather3A_589 : memref<16384xf32, #tpu.memory_space<vmem>>[vector<16xi32>], vector<16xf32>,
          %add3A_591 = arith.constant 1 : i32
          %add3A_592 = vector.broadcast %add3A_591 : i32 to vector<16xi32>
          %add3A_593 = arith.addi %iota3A, %add3A_592 : vector<16xi32>
          %and3A_594 = arith.constant 15 : i32
          %and3A_595 = vector.broadcast %and3A_594 : i32 to vector<16xi32>
          %and3A_596 = arith.andi %add3A_593, %and3A_595 : vector<16xi32>
          %add3A_597 = vector.broadcast %mul3A_566 : i32 to vector<16xi32>
          %add3A_598 = arith.addi %add3A_597, %and3A_596 : vector<16xi32>
          %add3A_599 = vector.broadcast %add3A_573 : i32 to vector<16xi32>
          %add3A_600 = arith.addi %add3A_599, %and3A_596 : vector<16xi32>
          %gather3A_601 = tpu.vector_load_idx %arg7[%add3A_598, %add3A_5] : memref<256x64xf32, #tpu.memory_space<vmem>>[vector<16xi32>, vector<16xi32>], vector<16xf32>,
          %add3A_602 = arith.addi %add3A_16, %add3A_600 : vector<16xi32>
          tpu.vector_store_idx %arg9[%add3A_602], %gather3A_601 : memref<16384xf32, #tpu.memory_space<vmem>>[vector<16xi32>], vector<16xf32>,
          %gather3A_603 = tpu.vector_load_idx %arg7[%add3A_598, %add3A_19] : memref<256x64xf32, #tpu.memory_space<vmem>>[vector<16xi32>, vector<16xi32>], vector<16xf32>,
          %add3A_604 = arith.addi %add3A_32, %add3A_600 : vector<16xi32>
          tpu.vector_store_idx %arg9[%add3A_604], %gather3A_603 : memref<16384xf32, #tpu.memory_space<vmem>>[vector<16xi32>], vector<16xf32>,
          %gather3A_605 = tpu.vector_load_idx %arg7[%add3A_598, %add3A_35] : memref<256x64xf32, #tpu.memory_space<vmem>>[vector<16xi32>, vector<16xi32>], vector<16xf32>,
          %add3A_606 = arith.addi %add3A_48, %add3A_600 : vector<16xi32>
          tpu.vector_store_idx %arg9[%add3A_606], %gather3A_605 : memref<16384xf32, #tpu.memory_space<vmem>>[vector<16xi32>], vector<16xf32>,
          %gather3A_607 = tpu.vector_load_idx %arg7[%add3A_598, %add3A_51] : memref<256x64xf32, #tpu.memory_space<vmem>>[vector<16xi32>, vector<16xi32>], vector<16xf32>,
          %add3A_608 = arith.addi %add3A_64, %add3A_600 : vector<16xi32>
          tpu.vector_store_idx %arg9[%add3A_608], %gather3A_607 : memref<16384xf32, #tpu.memory_space<vmem>>[vector<16xi32>], vector<16xf32>,
          %add3A_609 = arith.constant 2 : i32
          %add3A_610 = vector.broadcast %add3A_609 : i32 to vector<16xi32>
          %add3A_611 = arith.addi %iota3A, %add3A_610 : vector<16xi32>
          %and3A_612 = arith.constant 15 : i32
          %and3A_613 = vector.broadcast %and3A_612 : i32 to vector<16xi32>
          %and3A_614 = arith.andi %add3A_611, %and3A_613 : vector<16xi32>
          %add3A_615 = vector.broadcast %mul3A_566 : i32 to vector<16xi32>
          %add3A_616 = arith.addi %add3A_615, %and3A_614 : vector<16xi32>
          %add3A_617 = vector.broadcast %add3A_573 : i32 to vector<16xi32>
          %add3A_618 = arith.addi %add3A_617, %and3A_614 : vector<16xi32>
          %gather3A_619 = tpu.vector_load_idx %arg7[%add3A_616, %add3A_5] : memref<256x64xf32, #tpu.memory_space<vmem>>[vector<16xi32>, vector<16xi32>], vector<16xf32>,
          %add3A_620 = arith.addi %add3A_16, %add3A_618 : vector<16xi32>
          tpu.vector_store_idx %arg9[%add3A_620], %gather3A_619 : memref<16384xf32, #tpu.memory_space<vmem>>[vector<16xi32>], vector<16xf32>,
          %gather3A_621 = tpu.vector_load_idx %arg7[%add3A_616, %add3A_19] : memref<256x64xf32, #tpu.memory_space<vmem>>[vector<16xi32>, vector<16xi32>], vector<16xf32>,
          %add3A_622 = arith.addi %add3A_32, %add3A_618 : vector<16xi32>
          tpu.vector_store_idx %arg9[%add3A_622], %gather3A_621 : memref<16384xf32, #tpu.memory_space<vmem>>[vector<16xi32>], vector<16xf32>,
          %gather3A_623 = tpu.vector_load_idx %arg7[%add3A_616, %add3A_35] : memref<256x64xf32, #tpu.memory_space<vmem>>[vector<16xi32>, vector<16xi32>], vector<16xf32>,
          %add3A_624 = arith.addi %add3A_48, %add3A_618 : vector<16xi32>
          tpu.vector_store_idx %arg9[%add3A_624], %gather3A_623 : memref<16384xf32, #tpu.memory_space<vmem>>[vector<16xi32>], vector<16xf32>,
          %gather3A_625 = tpu.vector_load_idx %arg7[%add3A_616, %add3A_51] : memref<256x64xf32, #tpu.memory_space<vmem>>[vector<16xi32>, vector<16xi32>], vector<16xf32>,
          %add3A_626 = arith.addi %add3A_64, %add3A_618 : vector<16xi32>
          tpu.vector_store_idx %arg9[%add3A_626], %gather3A_625 : memref<16384xf32, #tpu.memory_space<vmem>>[vector<16xi32>], vector<16xf32>,
          %add3A_627 = arith.constant 3 : i32
          %add3A_628 = vector.broadcast %add3A_627 : i32 to vector<16xi32>
          %add3A_629 = arith.addi %iota3A, %add3A_628 : vector<16xi32>
          %and3A_630 = arith.constant 15 : i32
          %and3A_631 = vector.broadcast %and3A_630 : i32 to vector<16xi32>
          %and3A_632 = arith.andi %add3A_629, %and3A_631 : vector<16xi32>
          %add3A_633 = vector.broadcast %mul3A_566 : i32 to vector<16xi32>
          %add3A_634 = arith.addi %add3A_633, %and3A_632 : vector<16xi32>
          %add3A_635 = vector.broadcast %add3A_573 : i32 to vector<16xi32>
          %add3A_636 = arith.addi %add3A_635, %and3A_632 : vector<16xi32>
          %gather3A_637 = tpu.vector_load_idx %arg7[%add3A_634, %add3A_5] : memref<256x64xf32, #tpu.memory_space<vmem>>[vector<16xi32>, vector<16xi32>], vector<16xf32>,
          %add3A_638 = arith.addi %add3A_16, %add3A_636 : vector<16xi32>
          tpu.vector_store_idx %arg9[%add3A_638], %gather3A_637 : memref<16384xf32, #tpu.memory_space<vmem>>[vector<16xi32>], vector<16xf32>,
          %gather3A_639 = tpu.vector_load_idx %arg7[%add3A_634, %add3A_19] : memref<256x64xf32, #tpu.memory_space<vmem>>[vector<16xi32>, vector<16xi32>], vector<16xf32>,
          %add3A_640 = arith.addi %add3A_32, %add3A_636 : vector<16xi32>
          tpu.vector_store_idx %arg9[%add3A_640], %gather3A_639 : memref<16384xf32, #tpu.memory_space<vmem>>[vector<16xi32>], vector<16xf32>,
          %gather3A_641 = tpu.vector_load_idx %arg7[%add3A_634, %add3A_35] : memref<256x64xf32, #tpu.memory_space<vmem>>[vector<16xi32>, vector<16xi32>], vector<16xf32>,
          %add3A_642 = arith.addi %add3A_48, %add3A_636 : vector<16xi32>
          tpu.vector_store_idx %arg9[%add3A_642], %gather3A_641 : memref<16384xf32, #tpu.memory_space<vmem>>[vector<16xi32>], vector<16xf32>,
          %gather3A_643 = tpu.vector_load_idx %arg7[%add3A_634, %add3A_51] : memref<256x64xf32, #tpu.memory_space<vmem>>[vector<16xi32>, vector<16xi32>], vector<16xf32>,
          %add3A_644 = arith.addi %add3A_64, %add3A_636 : vector<16xi32>
          tpu.vector_store_idx %arg9[%add3A_644], %gather3A_643 : memref<16384xf32, #tpu.memory_space<vmem>>[vector<16xi32>], vector<16xf32>,
          %add3A_645 = arith.constant 4 : i32
          %add3A_646 = vector.broadcast %add3A_645 : i32 to vector<16xi32>
          %add3A_647 = arith.addi %iota3A, %add3A_646 : vector<16xi32>
          %and3A_648 = arith.constant 15 : i32
          %and3A_649 = vector.broadcast %and3A_648 : i32 to vector<16xi32>
          %and3A_650 = arith.andi %add3A_647, %and3A_649 : vector<16xi32>
          %add3A_651 = vector.broadcast %mul3A_566 : i32 to vector<16xi32>
          %add3A_652 = arith.addi %add3A_651, %and3A_650 : vector<16xi32>
          %add3A_653 = vector.broadcast %add3A_573 : i32 to vector<16xi32>
          %add3A_654 = arith.addi %add3A_653, %and3A_650 : vector<16xi32>
          %gather3A_655 = tpu.vector_load_idx %arg7[%add3A_652, %add3A_5] : memref<256x64xf32, #tpu.memory_space<vmem>>[vector<16xi32>, vector<16xi32>], vector<16xf32>,
          %add3A_656 = arith.addi %add3A_16, %add3A_654 : vector<16xi32>
          tpu.vector_store_idx %arg9[%add3A_656], %gather3A_655 : memref<16384xf32, #tpu.memory_space<vmem>>[vector<16xi32>], vector<16xf32>,
          %gather3A_657 = tpu.vector_load_idx %arg7[%add3A_652, %add3A_19] : memref<256x64xf32, #tpu.memory_space<vmem>>[vector<16xi32>, vector<16xi32>], vector<16xf32>,
          %add3A_658 = arith.addi %add3A_32, %add3A_654 : vector<16xi32>
          tpu.vector_store_idx %arg9[%add3A_658], %gather3A_657 : memref<16384xf32, #tpu.memory_space<vmem>>[vector<16xi32>], vector<16xf32>,
          %gather3A_659 = tpu.vector_load_idx %arg7[%add3A_652, %add3A_35] : memref<256x64xf32, #tpu.memory_space<vmem>>[vector<16xi32>, vector<16xi32>], vector<16xf32>,
          %add3A_660 = arith.addi %add3A_48, %add3A_654 : vector<16xi32>
          tpu.vector_store_idx %arg9[%add3A_660], %gather3A_659 : memref<16384xf32, #tpu.memory_space<vmem>>[vector<16xi32>], vector<16xf32>,
          %gather3A_661 = tpu.vector_load_idx %arg7[%add3A_652, %add3A_51] : memref<256x64xf32, #tpu.memory_space<vmem>>[vector<16xi32>, vector<16xi32>], vector<16xf32>,
          %add3A_662 = arith.addi %add3A_64, %add3A_654 : vector<16xi32>
          tpu.vector_store_idx %arg9[%add3A_662], %gather3A_661 : memref<16384xf32, #tpu.memory_space<vmem>>[vector<16xi32>], vector<16xf32>,
          %add3A_663 = arith.constant 5 : i32
          %add3A_664 = vector.broadcast %add3A_663 : i32 to vector<16xi32>
          %add3A_665 = arith.addi %iota3A, %add3A_664 : vector<16xi32>
          %and3A_666 = arith.constant 15 : i32
          %and3A_667 = vector.broadcast %and3A_666 : i32 to vector<16xi32>
          %and3A_668 = arith.andi %add3A_665, %and3A_667 : vector<16xi32>
          %add3A_669 = vector.broadcast %mul3A_566 : i32 to vector<16xi32>
          %add3A_670 = arith.addi %add3A_669, %and3A_668 : vector<16xi32>
          %add3A_671 = vector.broadcast %add3A_573 : i32 to vector<16xi32>
          %add3A_672 = arith.addi %add3A_671, %and3A_668 : vector<16xi32>
          %gather3A_673 = tpu.vector_load_idx %arg7[%add3A_670, %add3A_5] : memref<256x64xf32, #tpu.memory_space<vmem>>[vector<16xi32>, vector<16xi32>], vector<16xf32>,
          %add3A_674 = arith.addi %add3A_16, %add3A_672 : vector<16xi32>
          tpu.vector_store_idx %arg9[%add3A_674], %gather3A_673 : memref<16384xf32, #tpu.memory_space<vmem>>[vector<16xi32>], vector<16xf32>,
          %gather3A_675 = tpu.vector_load_idx %arg7[%add3A_670, %add3A_19] : memref<256x64xf32, #tpu.memory_space<vmem>>[vector<16xi32>, vector<16xi32>], vector<16xf32>,
          %add3A_676 = arith.addi %add3A_32, %add3A_672 : vector<16xi32>
          tpu.vector_store_idx %arg9[%add3A_676], %gather3A_675 : memref<16384xf32, #tpu.memory_space<vmem>>[vector<16xi32>], vector<16xf32>,
          %gather3A_677 = tpu.vector_load_idx %arg7[%add3A_670, %add3A_35] : memref<256x64xf32, #tpu.memory_space<vmem>>[vector<16xi32>, vector<16xi32>], vector<16xf32>,
          %add3A_678 = arith.addi %add3A_48, %add3A_672 : vector<16xi32>
          tpu.vector_store_idx %arg9[%add3A_678], %gather3A_677 : memref<16384xf32, #tpu.memory_space<vmem>>[vector<16xi32>], vector<16xf32>,
          %gather3A_679 = tpu.vector_load_idx %arg7[%add3A_670, %add3A_51] : memref<256x64xf32, #tpu.memory_space<vmem>>[vector<16xi32>, vector<16xi32>], vector<16xf32>,
          %add3A_680 = arith.addi %add3A_64, %add3A_672 : vector<16xi32>
          tpu.vector_store_idx %arg9[%add3A_680], %gather3A_679 : memref<16384xf32, #tpu.memory_space<vmem>>[vector<16xi32>], vector<16xf32>,
          %add3A_681 = arith.constant 6 : i32
          %add3A_682 = vector.broadcast %add3A_681 : i32 to vector<16xi32>
          %add3A_683 = arith.addi %iota3A, %add3A_682 : vector<16xi32>
          %and3A_684 = arith.constant 15 : i32
          %and3A_685 = vector.broadcast %and3A_684 : i32 to vector<16xi32>
          %and3A_686 = arith.andi %add3A_683, %and3A_685 : vector<16xi32>
          %add3A_687 = vector.broadcast %mul3A_566 : i32 to vector<16xi32>
          %add3A_688 = arith.addi %add3A_687, %and3A_686 : vector<16xi32>
          %add3A_689 = vector.broadcast %add3A_573 : i32 to vector<16xi32>
          %add3A_690 = arith.addi %add3A_689, %and3A_686 : vector<16xi32>
          %gather3A_691 = tpu.vector_load_idx %arg7[%add3A_688, %add3A_5] : memref<256x64xf32, #tpu.memory_space<vmem>>[vector<16xi32>, vector<16xi32>], vector<16xf32>,
          %add3A_692 = arith.addi %add3A_16, %add3A_690 : vector<16xi32>
          tpu.vector_store_idx %arg9[%add3A_692], %gather3A_691 : memref<16384xf32, #tpu.memory_space<vmem>>[vector<16xi32>], vector<16xf32>,
          %gather3A_693 = tpu.vector_load_idx %arg7[%add3A_688, %add3A_19] : memref<256x64xf32, #tpu.memory_space<vmem>>[vector<16xi32>, vector<16xi32>], vector<16xf32>,
          %add3A_694 = arith.addi %add3A_32, %add3A_690 : vector<16xi32>
          tpu.vector_store_idx %arg9[%add3A_694], %gather3A_693 : memref<16384xf32, #tpu.memory_space<vmem>>[vector<16xi32>], vector<16xf32>,
          %gather3A_695 = tpu.vector_load_idx %arg7[%add3A_688, %add3A_35] : memref<256x64xf32, #tpu.memory_space<vmem>>[vector<16xi32>, vector<16xi32>], vector<16xf32>,
          %add3A_696 = arith.addi %add3A_48, %add3A_690 : vector<16xi32>
          tpu.vector_store_idx %arg9[%add3A_696], %gather3A_695 : memref<16384xf32, #tpu.memory_space<vmem>>[vector<16xi32>], vector<16xf32>,
          %gather3A_697 = tpu.vector_load_idx %arg7[%add3A_688, %add3A_51] : memref<256x64xf32, #tpu.memory_space<vmem>>[vector<16xi32>, vector<16xi32>], vector<16xf32>,
          %add3A_698 = arith.addi %add3A_64, %add3A_690 : vector<16xi32>
          tpu.vector_store_idx %arg9[%add3A_698], %gather3A_697 : memref<16384xf32, #tpu.memory_space<vmem>>[vector<16xi32>], vector<16xf32>,
          %add3A_699 = arith.constant 7 : i32
          %add3A_700 = vector.broadcast %add3A_699 : i32 to vector<16xi32>
          %add3A_701 = arith.addi %iota3A, %add3A_700 : vector<16xi32>
          %and3A_702 = arith.constant 15 : i32
          %and3A_703 = vector.broadcast %and3A_702 : i32 to vector<16xi32>
          %and3A_704 = arith.andi %add3A_701, %and3A_703 : vector<16xi32>
          %add3A_705 = vector.broadcast %mul3A_566 : i32 to vector<16xi32>
          %add3A_706 = arith.addi %add3A_705, %and3A_704 : vector<16xi32>
          %add3A_707 = vector.broadcast %add3A_573 : i32 to vector<16xi32>
          %add3A_708 = arith.addi %add3A_707, %and3A_704 : vector<16xi32>
          %gather3A_709 = tpu.vector_load_idx %arg7[%add3A_706, %add3A_5] : memref<256x64xf32, #tpu.memory_space<vmem>>[vector<16xi32>, vector<16xi32>], vector<16xf32>,
          %add3A_710 = arith.addi %add3A_16, %add3A_708 : vector<16xi32>
          tpu.vector_store_idx %arg9[%add3A_710], %gather3A_709 : memref<16384xf32, #tpu.memory_space<vmem>>[vector<16xi32>], vector<16xf32>,
          %gather3A_711 = tpu.vector_load_idx %arg7[%add3A_706, %add3A_19] : memref<256x64xf32, #tpu.memory_space<vmem>>[vector<16xi32>, vector<16xi32>], vector<16xf32>,
          %add3A_712 = arith.addi %add3A_32, %add3A_708 : vector<16xi32>
          tpu.vector_store_idx %arg9[%add3A_712], %gather3A_711 : memref<16384xf32, #tpu.memory_space<vmem>>[vector<16xi32>], vector<16xf32>,
          %gather3A_713 = tpu.vector_load_idx %arg7[%add3A_706, %add3A_35] : memref<256x64xf32, #tpu.memory_space<vmem>>[vector<16xi32>, vector<16xi32>], vector<16xf32>,
          %add3A_714 = arith.addi %add3A_48, %add3A_708 : vector<16xi32>
          tpu.vector_store_idx %arg9[%add3A_714], %gather3A_713 : memref<16384xf32, #tpu.memory_space<vmem>>[vector<16xi32>], vector<16xf32>,
          %gather3A_715 = tpu.vector_load_idx %arg7[%add3A_706, %add3A_51] : memref<256x64xf32, #tpu.memory_space<vmem>>[vector<16xi32>, vector<16xi32>], vector<16xf32>,
          %add3A_716 = arith.addi %add3A_64, %add3A_708 : vector<16xi32>
          tpu.vector_store_idx %arg9[%add3A_716], %gather3A_715 : memref<16384xf32, #tpu.memory_space<vmem>>[vector<16xi32>], vector<16xf32>,
          %add3A_717 = arith.constant 8 : i32
          %add3A_718 = vector.broadcast %add3A_717 : i32 to vector<16xi32>
          %add3A_719 = arith.addi %iota3A, %add3A_718 : vector<16xi32>
          %and3A_720 = arith.constant 15 : i32
          %and3A_721 = vector.broadcast %and3A_720 : i32 to vector<16xi32>
          %and3A_722 = arith.andi %add3A_719, %and3A_721 : vector<16xi32>
          %add3A_723 = vector.broadcast %mul3A_566 : i32 to vector<16xi32>
          %add3A_724 = arith.addi %add3A_723, %and3A_722 : vector<16xi32>
          %add3A_725 = vector.broadcast %add3A_573 : i32 to vector<16xi32>
          %add3A_726 = arith.addi %add3A_725, %and3A_722 : vector<16xi32>
          %gather3A_727 = tpu.vector_load_idx %arg7[%add3A_724, %add3A_5] : memref<256x64xf32, #tpu.memory_space<vmem>>[vector<16xi32>, vector<16xi32>], vector<16xf32>,
          %add3A_728 = arith.addi %add3A_16, %add3A_726 : vector<16xi32>
          tpu.vector_store_idx %arg9[%add3A_728], %gather3A_727 : memref<16384xf32, #tpu.memory_space<vmem>>[vector<16xi32>], vector<16xf32>,
          %gather3A_729 = tpu.vector_load_idx %arg7[%add3A_724, %add3A_19] : memref<256x64xf32, #tpu.memory_space<vmem>>[vector<16xi32>, vector<16xi32>], vector<16xf32>,
          %add3A_730 = arith.addi %add3A_32, %add3A_726 : vector<16xi32>
          tpu.vector_store_idx %arg9[%add3A_730], %gather3A_729 : memref<16384xf32, #tpu.memory_space<vmem>>[vector<16xi32>], vector<16xf32>,
          %gather3A_731 = tpu.vector_load_idx %arg7[%add3A_724, %add3A_35] : memref<256x64xf32, #tpu.memory_space<vmem>>[vector<16xi32>, vector<16xi32>], vector<16xf32>,
          %add3A_732 = arith.addi %add3A_48, %add3A_726 : vector<16xi32>
          tpu.vector_store_idx %arg9[%add3A_732], %gather3A_731 : memref<16384xf32, #tpu.memory_space<vmem>>[vector<16xi32>], vector<16xf32>,
          %gather3A_733 = tpu.vector_load_idx %arg7[%add3A_724, %add3A_51] : memref<256x64xf32, #tpu.memory_space<vmem>>[vector<16xi32>, vector<16xi32>], vector<16xf32>,
          %add3A_734 = arith.addi %add3A_64, %add3A_726 : vector<16xi32>
          tpu.vector_store_idx %arg9[%add3A_734], %gather3A_733 : memref<16384xf32, #tpu.memory_space<vmem>>[vector<16xi32>], vector<16xf32>,
          %add3A_735 = arith.constant 9 : i32
          %add3A_736 = vector.broadcast %add3A_735 : i32 to vector<16xi32>
          %add3A_737 = arith.addi %iota3A, %add3A_736 : vector<16xi32>
          %and3A_738 = arith.constant 15 : i32
          %and3A_739 = vector.broadcast %and3A_738 : i32 to vector<16xi32>
          %and3A_740 = arith.andi %add3A_737, %and3A_739 : vector<16xi32>
          %add3A_741 = vector.broadcast %mul3A_566 : i32 to vector<16xi32>
          %add3A_742 = arith.addi %add3A_741, %and3A_740 : vector<16xi32>
          %add3A_743 = vector.broadcast %add3A_573 : i32 to vector<16xi32>
          %add3A_744 = arith.addi %add3A_743, %and3A_740 : vector<16xi32>
          %gather3A_745 = tpu.vector_load_idx %arg7[%add3A_742, %add3A_5] : memref<256x64xf32, #tpu.memory_space<vmem>>[vector<16xi32>, vector<16xi32>], vector<16xf32>,
          %add3A_746 = arith.addi %add3A_16, %add3A_744 : vector<16xi32>
          tpu.vector_store_idx %arg9[%add3A_746], %gather3A_745 : memref<16384xf32, #tpu.memory_space<vmem>>[vector<16xi32>], vector<16xf32>,
          %gather3A_747 = tpu.vector_load_idx %arg7[%add3A_742, %add3A_19] : memref<256x64xf32, #tpu.memory_space<vmem>>[vector<16xi32>, vector<16xi32>], vector<16xf32>,
          %add3A_748 = arith.addi %add3A_32, %add3A_744 : vector<16xi32>
          tpu.vector_store_idx %arg9[%add3A_748], %gather3A_747 : memref<16384xf32, #tpu.memory_space<vmem>>[vector<16xi32>], vector<16xf32>,
          %gather3A_749 = tpu.vector_load_idx %arg7[%add3A_742, %add3A_35] : memref<256x64xf32, #tpu.memory_space<vmem>>[vector<16xi32>, vector<16xi32>], vector<16xf32>,
          %add3A_750 = arith.addi %add3A_48, %add3A_744 : vector<16xi32>
          tpu.vector_store_idx %arg9[%add3A_750], %gather3A_749 : memref<16384xf32, #tpu.memory_space<vmem>>[vector<16xi32>], vector<16xf32>,
          %gather3A_751 = tpu.vector_load_idx %arg7[%add3A_742, %add3A_51] : memref<256x64xf32, #tpu.memory_space<vmem>>[vector<16xi32>, vector<16xi32>], vector<16xf32>,
          %add3A_752 = arith.addi %add3A_64, %add3A_744 : vector<16xi32>
          tpu.vector_store_idx %arg9[%add3A_752], %gather3A_751 : memref<16384xf32, #tpu.memory_space<vmem>>[vector<16xi32>], vector<16xf32>,
          %add3A_753 = arith.constant 10 : i32
          %add3A_754 = vector.broadcast %add3A_753 : i32 to vector<16xi32>
          %add3A_755 = arith.addi %iota3A, %add3A_754 : vector<16xi32>
          %and3A_756 = arith.constant 15 : i32
          %and3A_757 = vector.broadcast %and3A_756 : i32 to vector<16xi32>
          %and3A_758 = arith.andi %add3A_755, %and3A_757 : vector<16xi32>
          %add3A_759 = vector.broadcast %mul3A_566 : i32 to vector<16xi32>
          %add3A_760 = arith.addi %add3A_759, %and3A_758 : vector<16xi32>
          %add3A_761 = vector.broadcast %add3A_573 : i32 to vector<16xi32>
          %add3A_762 = arith.addi %add3A_761, %and3A_758 : vector<16xi32>
          %gather3A_763 = tpu.vector_load_idx %arg7[%add3A_760, %add3A_5] : memref<256x64xf32, #tpu.memory_space<vmem>>[vector<16xi32>, vector<16xi32>], vector<16xf32>,
          %add3A_764 = arith.addi %add3A_16, %add3A_762 : vector<16xi32>
          tpu.vector_store_idx %arg9[%add3A_764], %gather3A_763 : memref<16384xf32, #tpu.memory_space<vmem>>[vector<16xi32>], vector<16xf32>,
          %gather3A_765 = tpu.vector_load_idx %arg7[%add3A_760, %add3A_19] : memref<256x64xf32, #tpu.memory_space<vmem>>[vector<16xi32>, vector<16xi32>], vector<16xf32>,
          %add3A_766 = arith.addi %add3A_32, %add3A_762 : vector<16xi32>
          tpu.vector_store_idx %arg9[%add3A_766], %gather3A_765 : memref<16384xf32, #tpu.memory_space<vmem>>[vector<16xi32>], vector<16xf32>,
          %gather3A_767 = tpu.vector_load_idx %arg7[%add3A_760, %add3A_35] : memref<256x64xf32, #tpu.memory_space<vmem>>[vector<16xi32>, vector<16xi32>], vector<16xf32>,
          %add3A_768 = arith.addi %add3A_48, %add3A_762 : vector<16xi32>
          tpu.vector_store_idx %arg9[%add3A_768], %gather3A_767 : memref<16384xf32, #tpu.memory_space<vmem>>[vector<16xi32>], vector<16xf32>,
          %gather3A_769 = tpu.vector_load_idx %arg7[%add3A_760, %add3A_51] : memref<256x64xf32, #tpu.memory_space<vmem>>[vector<16xi32>, vector<16xi32>], vector<16xf32>,
          %add3A_770 = arith.addi %add3A_64, %add3A_762 : vector<16xi32>
          tpu.vector_store_idx %arg9[%add3A_770], %gather3A_769 : memref<16384xf32, #tpu.memory_space<vmem>>[vector<16xi32>], vector<16xf32>,
          %add3A_771 = arith.constant 11 : i32
          %add3A_772 = vector.broadcast %add3A_771 : i32 to vector<16xi32>
          %add3A_773 = arith.addi %iota3A, %add3A_772 : vector<16xi32>
          %and3A_774 = arith.constant 15 : i32
          %and3A_775 = vector.broadcast %and3A_774 : i32 to vector<16xi32>
          %and3A_776 = arith.andi %add3A_773, %and3A_775 : vector<16xi32>
          %add3A_777 = vector.broadcast %mul3A_566 : i32 to vector<16xi32>
          %add3A_778 = arith.addi %add3A_777, %and3A_776 : vector<16xi32>
          %add3A_779 = vector.broadcast %add3A_573 : i32 to vector<16xi32>
          %add3A_780 = arith.addi %add3A_779, %and3A_776 : vector<16xi32>
          %gather3A_781 = tpu.vector_load_idx %arg7[%add3A_778, %add3A_5] : memref<256x64xf32, #tpu.memory_space<vmem>>[vector<16xi32>, vector<16xi32>], vector<16xf32>,
          %add3A_782 = arith.addi %add3A_16, %add3A_780 : vector<16xi32>
          tpu.vector_store_idx %arg9[%add3A_782], %gather3A_781 : memref<16384xf32, #tpu.memory_space<vmem>>[vector<16xi32>], vector<16xf32>,
          %gather3A_783 = tpu.vector_load_idx %arg7[%add3A_778, %add3A_19] : memref<256x64xf32, #tpu.memory_space<vmem>>[vector<16xi32>, vector<16xi32>], vector<16xf32>,
          %add3A_784 = arith.addi %add3A_32, %add3A_780 : vector<16xi32>
          tpu.vector_store_idx %arg9[%add3A_784], %gather3A_783 : memref<16384xf32, #tpu.memory_space<vmem>>[vector<16xi32>], vector<16xf32>,
          %gather3A_785 = tpu.vector_load_idx %arg7[%add3A_778, %add3A_35] : memref<256x64xf32, #tpu.memory_space<vmem>>[vector<16xi32>, vector<16xi32>], vector<16xf32>,
          %add3A_786 = arith.addi %add3A_48, %add3A_780 : vector<16xi32>
          tpu.vector_store_idx %arg9[%add3A_786], %gather3A_785 : memref<16384xf32, #tpu.memory_space<vmem>>[vector<16xi32>], vector<16xf32>,
          %gather3A_787 = tpu.vector_load_idx %arg7[%add3A_778, %add3A_51] : memref<256x64xf32, #tpu.memory_space<vmem>>[vector<16xi32>, vector<16xi32>], vector<16xf32>,
          %add3A_788 = arith.addi %add3A_64, %add3A_780 : vector<16xi32>
          tpu.vector_store_idx %arg9[%add3A_788], %gather3A_787 : memref<16384xf32, #tpu.memory_space<vmem>>[vector<16xi32>], vector<16xf32>,
          %add3A_789 = arith.constant 12 : i32
          %add3A_790 = vector.broadcast %add3A_789 : i32 to vector<16xi32>
          %add3A_791 = arith.addi %iota3A, %add3A_790 : vector<16xi32>
          %and3A_792 = arith.constant 15 : i32
          %and3A_793 = vector.broadcast %and3A_792 : i32 to vector<16xi32>
          %and3A_794 = arith.andi %add3A_791, %and3A_793 : vector<16xi32>
          %add3A_795 = vector.broadcast %mul3A_566 : i32 to vector<16xi32>
          %add3A_796 = arith.addi %add3A_795, %and3A_794 : vector<16xi32>
          %add3A_797 = vector.broadcast %add3A_573 : i32 to vector<16xi32>
          %add3A_798 = arith.addi %add3A_797, %and3A_794 : vector<16xi32>
          %gather3A_799 = tpu.vector_load_idx %arg7[%add3A_796, %add3A_5] : memref<256x64xf32, #tpu.memory_space<vmem>>[vector<16xi32>, vector<16xi32>], vector<16xf32>,
          %add3A_800 = arith.addi %add3A_16, %add3A_798 : vector<16xi32>
          tpu.vector_store_idx %arg9[%add3A_800], %gather3A_799 : memref<16384xf32, #tpu.memory_space<vmem>>[vector<16xi32>], vector<16xf32>,
          %gather3A_801 = tpu.vector_load_idx %arg7[%add3A_796, %add3A_19] : memref<256x64xf32, #tpu.memory_space<vmem>>[vector<16xi32>, vector<16xi32>], vector<16xf32>,
          %add3A_802 = arith.addi %add3A_32, %add3A_798 : vector<16xi32>
          tpu.vector_store_idx %arg9[%add3A_802], %gather3A_801 : memref<16384xf32, #tpu.memory_space<vmem>>[vector<16xi32>], vector<16xf32>,
          %gather3A_803 = tpu.vector_load_idx %arg7[%add3A_796, %add3A_35] : memref<256x64xf32, #tpu.memory_space<vmem>>[vector<16xi32>, vector<16xi32>], vector<16xf32>,
          %add3A_804 = arith.addi %add3A_48, %add3A_798 : vector<16xi32>
          tpu.vector_store_idx %arg9[%add3A_804], %gather3A_803 : memref<16384xf32, #tpu.memory_space<vmem>>[vector<16xi32>], vector<16xf32>,
          %gather3A_805 = tpu.vector_load_idx %arg7[%add3A_796, %add3A_51] : memref<256x64xf32, #tpu.memory_space<vmem>>[vector<16xi32>, vector<16xi32>], vector<16xf32>,
          %add3A_806 = arith.addi %add3A_64, %add3A_798 : vector<16xi32>
          tpu.vector_store_idx %arg9[%add3A_806], %gather3A_805 : memref<16384xf32, #tpu.memory_space<vmem>>[vector<16xi32>], vector<16xf32>,
          %add3A_807 = arith.constant 13 : i32
          %add3A_808 = vector.broadcast %add3A_807 : i32 to vector<16xi32>
          %add3A_809 = arith.addi %iota3A, %add3A_808 : vector<16xi32>
          %and3A_810 = arith.constant 15 : i32
          %and3A_811 = vector.broadcast %and3A_810 : i32 to vector<16xi32>
          %and3A_812 = arith.andi %add3A_809, %and3A_811 : vector<16xi32>
          %add3A_813 = vector.broadcast %mul3A_566 : i32 to vector<16xi32>
          %add3A_814 = arith.addi %add3A_813, %and3A_812 : vector<16xi32>
          %add3A_815 = vector.broadcast %add3A_573 : i32 to vector<16xi32>
          %add3A_816 = arith.addi %add3A_815, %and3A_812 : vector<16xi32>
          %gather3A_817 = tpu.vector_load_idx %arg7[%add3A_814, %add3A_5] : memref<256x64xf32, #tpu.memory_space<vmem>>[vector<16xi32>, vector<16xi32>], vector<16xf32>,
          %add3A_818 = arith.addi %add3A_16, %add3A_816 : vector<16xi32>
          tpu.vector_store_idx %arg9[%add3A_818], %gather3A_817 : memref<16384xf32, #tpu.memory_space<vmem>>[vector<16xi32>], vector<16xf32>,
          %gather3A_819 = tpu.vector_load_idx %arg7[%add3A_814, %add3A_19] : memref<256x64xf32, #tpu.memory_space<vmem>>[vector<16xi32>, vector<16xi32>], vector<16xf32>,
          %add3A_820 = arith.addi %add3A_32, %add3A_816 : vector<16xi32>
          tpu.vector_store_idx %arg9[%add3A_820], %gather3A_819 : memref<16384xf32, #tpu.memory_space<vmem>>[vector<16xi32>], vector<16xf32>,
          %gather3A_821 = tpu.vector_load_idx %arg7[%add3A_814, %add3A_35] : memref<256x64xf32, #tpu.memory_space<vmem>>[vector<16xi32>, vector<16xi32>], vector<16xf32>,
          %add3A_822 = arith.addi %add3A_48, %add3A_816 : vector<16xi32>
          tpu.vector_store_idx %arg9[%add3A_822], %gather3A_821 : memref<16384xf32, #tpu.memory_space<vmem>>[vector<16xi32>], vector<16xf32>,
          %gather3A_823 = tpu.vector_load_idx %arg7[%add3A_814, %add3A_51] : memref<256x64xf32, #tpu.memory_space<vmem>>[vector<16xi32>, vector<16xi32>], vector<16xf32>,
          %add3A_824 = arith.addi %add3A_64, %add3A_816 : vector<16xi32>
          tpu.vector_store_idx %arg9[%add3A_824], %gather3A_823 : memref<16384xf32, #tpu.memory_space<vmem>>[vector<16xi32>], vector<16xf32>,
          %add3A_825 = arith.constant 14 : i32
          %add3A_826 = vector.broadcast %add3A_825 : i32 to vector<16xi32>
          %add3A_827 = arith.addi %iota3A, %add3A_826 : vector<16xi32>
          %and3A_828 = arith.constant 15 : i32
          %and3A_829 = vector.broadcast %and3A_828 : i32 to vector<16xi32>
          %and3A_830 = arith.andi %add3A_827, %and3A_829 : vector<16xi32>
          %add3A_831 = vector.broadcast %mul3A_566 : i32 to vector<16xi32>
          %add3A_832 = arith.addi %add3A_831, %and3A_830 : vector<16xi32>
          %add3A_833 = vector.broadcast %add3A_573 : i32 to vector<16xi32>
          %add3A_834 = arith.addi %add3A_833, %and3A_830 : vector<16xi32>
          %gather3A_835 = tpu.vector_load_idx %arg7[%add3A_832, %add3A_5] : memref<256x64xf32, #tpu.memory_space<vmem>>[vector<16xi32>, vector<16xi32>], vector<16xf32>,
          %add3A_836 = arith.addi %add3A_16, %add3A_834 : vector<16xi32>
          tpu.vector_store_idx %arg9[%add3A_836], %gather3A_835 : memref<16384xf32, #tpu.memory_space<vmem>>[vector<16xi32>], vector<16xf32>,
          %gather3A_837 = tpu.vector_load_idx %arg7[%add3A_832, %add3A_19] : memref<256x64xf32, #tpu.memory_space<vmem>>[vector<16xi32>, vector<16xi32>], vector<16xf32>,
          %add3A_838 = arith.addi %add3A_32, %add3A_834 : vector<16xi32>
          tpu.vector_store_idx %arg9[%add3A_838], %gather3A_837 : memref<16384xf32, #tpu.memory_space<vmem>>[vector<16xi32>], vector<16xf32>,
          %gather3A_839 = tpu.vector_load_idx %arg7[%add3A_832, %add3A_35] : memref<256x64xf32, #tpu.memory_space<vmem>>[vector<16xi32>, vector<16xi32>], vector<16xf32>,
          %add3A_840 = arith.addi %add3A_48, %add3A_834 : vector<16xi32>
          tpu.vector_store_idx %arg9[%add3A_840], %gather3A_839 : memref<16384xf32, #tpu.memory_space<vmem>>[vector<16xi32>], vector<16xf32>,
          %gather3A_841 = tpu.vector_load_idx %arg7[%add3A_832, %add3A_51] : memref<256x64xf32, #tpu.memory_space<vmem>>[vector<16xi32>, vector<16xi32>], vector<16xf32>,
          %add3A_842 = arith.addi %add3A_64, %add3A_834 : vector<16xi32>
          tpu.vector_store_idx %arg9[%add3A_842], %gather3A_841 : memref<16384xf32, #tpu.memory_space<vmem>>[vector<16xi32>], vector<16xf32>,
          %add3A_843 = arith.constant 15 : i32
          %add3A_844 = vector.broadcast %add3A_843 : i32 to vector<16xi32>
          %add3A_845 = arith.addi %iota3A, %add3A_844 : vector<16xi32>
          %and3A_846 = arith.constant 15 : i32
          %and3A_847 = vector.broadcast %and3A_846 : i32 to vector<16xi32>
          %and3A_848 = arith.andi %add3A_845, %and3A_847 : vector<16xi32>
          %add3A_849 = vector.broadcast %mul3A_566 : i32 to vector<16xi32>
          %add3A_850 = arith.addi %add3A_849, %and3A_848 : vector<16xi32>
          %add3A_851 = vector.broadcast %add3A_573 : i32 to vector<16xi32>
          %add3A_852 = arith.addi %add3A_851, %and3A_848 : vector<16xi32>
          %gather3A_853 = tpu.vector_load_idx %arg7[%add3A_850, %add3A_5] : memref<256x64xf32, #tpu.memory_space<vmem>>[vector<16xi32>, vector<16xi32>], vector<16xf32>,
          %add3A_854 = arith.addi %add3A_16, %add3A_852 : vector<16xi32>
          tpu.vector_store_idx %arg9[%add3A_854], %gather3A_853 : memref<16384xf32, #tpu.memory_space<vmem>>[vector<16xi32>], vector<16xf32>,
          %gather3A_855 = tpu.vector_load_idx %arg7[%add3A_850, %add3A_19] : memref<256x64xf32, #tpu.memory_space<vmem>>[vector<16xi32>, vector<16xi32>], vector<16xf32>,
          %add3A_856 = arith.addi %add3A_32, %add3A_852 : vector<16xi32>
          tpu.vector_store_idx %arg9[%add3A_856], %gather3A_855 : memref<16384xf32, #tpu.memory_space<vmem>>[vector<16xi32>], vector<16xf32>,
          %gather3A_857 = tpu.vector_load_idx %arg7[%add3A_850, %add3A_35] : memref<256x64xf32, #tpu.memory_space<vmem>>[vector<16xi32>, vector<16xi32>], vector<16xf32>,
          %add3A_858 = arith.addi %add3A_48, %add3A_852 : vector<16xi32>
          tpu.vector_store_idx %arg9[%add3A_858], %gather3A_857 : memref<16384xf32, #tpu.memory_space<vmem>>[vector<16xi32>], vector<16xf32>,
          %gather3A_859 = tpu.vector_load_idx %arg7[%add3A_850, %add3A_51] : memref<256x64xf32, #tpu.memory_space<vmem>>[vector<16xi32>, vector<16xi32>], vector<16xf32>,
          %add3A_860 = arith.addi %add3A_64, %add3A_852 : vector<16xi32>
          tpu.vector_store_idx %arg9[%add3A_860], %gather3A_859 : memref<16384xf32, #tpu.memory_space<vmem>>[vector<16xi32>], vector<16xf32>,
        }
        %scan3A_400 = arith.constant 16 : i32
        %add3A_401 = arith.addi %mul3A_2, %scan3A_312 : i32
        %mul3A_402 = arith.constant 2 : i32
        %mul3A_403 = arith.muli %add3A_401, %mul3A_402 : i32
        %jit3A_404 = arith.constant 128 : i32
        %div3A_405 = arith.divsi %mul3A_403, %jit3A_404 : i32
        %sign3A_406 = arith.constant 0 : i32
        %sign3A_407 = arith.cmpi sgt, %mul3A_403, %sign3A_406 : i32
        %sign3A_408 = arith.extui %sign3A_407 : i1 to i32
        %sign3A_409 = arith.constant 0 : i32
        %sign3A_410 = arith.cmpi slt, %mul3A_403, %sign3A_409 : i32
        %sign3A_411 = arith.extui %sign3A_410 : i1 to i32
        %sign3A_412 = arith.subi %sign3A_408, %sign3A_411 : i32
        %sign3A_413 = arith.constant 0 : i32
        %sign3A_414 = arith.cmpi sgt, %jit3A_404, %sign3A_413 : i32
        %sign3A_415 = arith.extui %sign3A_414 : i1 to i32
        %sign3A_416 = arith.constant 0 : i32
        %sign3A_417 = arith.cmpi slt, %jit3A_404, %sign3A_416 : i32
        %sign3A_418 = arith.extui %sign3A_417 : i1 to i32
        %sign3A_419 = arith.subi %sign3A_415, %sign3A_418 : i32
        %ne3A_420 = arith.cmpi ne, %sign3A_412, %sign3A_419 : i32
        %rem3A_421 = arith.remsi %mul3A_403, %jit3A_404 : i32
        %ne3A_422 = arith.constant 0 : i32
        %ne3A_423 = arith.cmpi ne, %rem3A_421, %ne3A_422 : i32
        %and3A_424 = arith.andi %ne3A_420, %ne3A_423 : i1
        %sub3A_425 = arith.constant 1 : i32
        %sub3A_426 = arith.subi %div3A_405, %sub3A_425 : i32
        %select_n3A_427 = arith.select %and3A_424, %sub3A_426, %div3A_405 : i32
        %jit3A_428 = arith.constant 128 : i32
        %eq3A_429 = arith.constant 0 : i32
        %eq3A_430 = arith.cmpi eq, %jit3A_428, %eq3A_429 : i32
        %jit3A_431 = arith.constant 1 : i32
        %select_n3A_432 = arith.select %eq3A_430, %jit3A_431, %jit3A_428 : i32
        %rem3A_433 = arith.remsi %mul3A_403, %select_n3A_432 : i32
        %ne3A_434 = arith.constant 0 : i32
        %ne3A_435 = arith.cmpi ne, %rem3A_433, %ne3A_434 : i32
        %lt3A_436 = arith.constant 0 : i32
        %lt3A_437 = arith.cmpi slt, %rem3A_433, %lt3A_436 : i32
        %lt3A_438 = arith.constant 0 : i32
        %lt3A_439 = arith.cmpi slt, %select_n3A_432, %lt3A_438 : i32
        %ne3A_440 = arith.xori %lt3A_437, %lt3A_439 : i1
        %and3A_441 = arith.andi %ne3A_440, %ne3A_435 : i1
        %add3A_442 = arith.addi %rem3A_433, %select_n3A_432 : i32
        %select_n3A_443 = arith.select %and3A_441, %add3A_442, %rem3A_433 : i32
        %mul3A_444 = arith.constant 8 : i32
        %mul3A_445 = arith.muli %select_n3A_427, %mul3A_444 : i32
        %add3A_446 = arith.constant 0 : i32
        %add3A_447 = arith.addi %mul3A_445, %add3A_446 : i32
        %mul3A_448 = arith.constant 128 : i32
        %mul3A_449 = arith.muli %add3A_447, %mul3A_448 : i32
        %add3A_450 = arith.addi %mul3A_449, %select_n3A_443 : i32
        %mul3A_451 = arith.constant 1024 : i32
        %mul3A_452 = arith.muli %add3A_450, %mul3A_451 : i32
        %dma_start3A_453 = arith.constant 0 : i32
        %dma_start3A_454 = tpu.memref_slice %arg9[%dma_start3A_453] : memref<16384xf32, #tpu.memory_space<vmem>> -> memref<2048xf32, #tpu.memory_space<vmem>>
        %dma_start3A_455 = tpu.memref_slice %arg4[%mul3A_452] : memref<52428800xf32, #tpu.memory_space<hbm>> -> memref<2048xf32, #tpu.memory_space<hbm>>
        %dma_start3A_456 = tpu.memref_slice %arg4[%mul3A_452] : memref<52428800xf32, #tpu.memory_space<hbm>> -> memref<2048xf32, #tpu.memory_space<hbm>>
        %dma_start3A_457 = arith.constant 0 : i32
        %dma_start3A_458 = tpu.memref_slice %arg9[%dma_start3A_457] : memref<16384xf32, #tpu.memory_space<vmem>> -> memref<2048xf32, #tpu.memory_space<vmem>>
        tpu.enqueue_dma source(%dma_start3A_458 : memref<2048xf32, #tpu.memory_space<vmem>>) target(%dma_start3A_456 : memref<2048xf32, #tpu.memory_space<hbm>>) target_semaphore(%arg15 : memref<!tpu.dma_semaphore, #tpu.memory_space<semaphore_mem>>)
        %mul3A_459 = arith.constant 8 : i32
        %mul3A_460 = arith.muli %select_n3A_427, %mul3A_459 : i32
        %add3A_461 = arith.constant 1 : i32
        %add3A_462 = arith.addi %mul3A_460, %add3A_461 : i32
        %mul3A_463 = arith.constant 128 : i32
        %mul3A_464 = arith.muli %add3A_462, %mul3A_463 : i32
        %add3A_465 = arith.addi %mul3A_464, %select_n3A_443 : i32
        %mul3A_466 = arith.constant 1024 : i32
        %mul3A_467 = arith.muli %add3A_465, %mul3A_466 : i32
        %dma_start3A_468 = arith.constant 2048 : i32
        %dma_start3A_469 = tpu.memref_slice %arg9[%dma_start3A_468] : memref<16384xf32, #tpu.memory_space<vmem>> -> memref<2048xf32, #tpu.memory_space<vmem>>
        %dma_start3A_470 = tpu.memref_slice %arg4[%mul3A_467] : memref<52428800xf32, #tpu.memory_space<hbm>> -> memref<2048xf32, #tpu.memory_space<hbm>>
        %dma_start3A_471 = tpu.memref_slice %arg4[%mul3A_467] : memref<52428800xf32, #tpu.memory_space<hbm>> -> memref<2048xf32, #tpu.memory_space<hbm>>
        %dma_start3A_472 = arith.constant 2048 : i32
        %dma_start3A_473 = tpu.memref_slice %arg9[%dma_start3A_472] : memref<16384xf32, #tpu.memory_space<vmem>> -> memref<2048xf32, #tpu.memory_space<vmem>>
        tpu.enqueue_dma source(%dma_start3A_473 : memref<2048xf32, #tpu.memory_space<vmem>>) target(%dma_start3A_471 : memref<2048xf32, #tpu.memory_space<hbm>>) target_semaphore(%arg15 : memref<!tpu.dma_semaphore, #tpu.memory_space<semaphore_mem>>)
        %mul3A_474 = arith.constant 8 : i32
        %mul3A_475 = arith.muli %select_n3A_427, %mul3A_474 : i32
        %add3A_476 = arith.constant 2 : i32
        %add3A_477 = arith.addi %mul3A_475, %add3A_476 : i32
        %mul3A_478 = arith.constant 128 : i32
        %mul3A_479 = arith.muli %add3A_477, %mul3A_478 : i32
        %add3A_480 = arith.addi %mul3A_479, %select_n3A_443 : i32
        %mul3A_481 = arith.constant 1024 : i32
        %mul3A_482 = arith.muli %add3A_480, %mul3A_481 : i32
        %dma_start3A_483 = arith.constant 4096 : i32
        %dma_start3A_484 = tpu.memref_slice %arg9[%dma_start3A_483] : memref<16384xf32, #tpu.memory_space<vmem>> -> memref<2048xf32, #tpu.memory_space<vmem>>
        %dma_start3A_485 = tpu.memref_slice %arg4[%mul3A_482] : memref<52428800xf32, #tpu.memory_space<hbm>> -> memref<2048xf32, #tpu.memory_space<hbm>>
        %dma_start3A_486 = tpu.memref_slice %arg4[%mul3A_482] : memref<52428800xf32, #tpu.memory_space<hbm>> -> memref<2048xf32, #tpu.memory_space<hbm>>
        %dma_start3A_487 = arith.constant 4096 : i32
        %dma_start3A_488 = tpu.memref_slice %arg9[%dma_start3A_487] : memref<16384xf32, #tpu.memory_space<vmem>> -> memref<2048xf32, #tpu.memory_space<vmem>>
        tpu.enqueue_dma source(%dma_start3A_488 : memref<2048xf32, #tpu.memory_space<vmem>>) target(%dma_start3A_486 : memref<2048xf32, #tpu.memory_space<hbm>>) target_semaphore(%arg15 : memref<!tpu.dma_semaphore, #tpu.memory_space<semaphore_mem>>)
        %mul3A_489 = arith.constant 8 : i32
        %mul3A_490 = arith.muli %select_n3A_427, %mul3A_489 : i32
        %add3A_491 = arith.constant 3 : i32
        %add3A_492 = arith.addi %mul3A_490, %add3A_491 : i32
        %mul3A_493 = arith.constant 128 : i32
        %mul3A_494 = arith.muli %add3A_492, %mul3A_493 : i32
        %add3A_495 = arith.addi %mul3A_494, %select_n3A_443 : i32
        %mul3A_496 = arith.constant 1024 : i32
        %mul3A_497 = arith.muli %add3A_495, %mul3A_496 : i32
        %dma_start3A_498 = arith.constant 6144 : i32
        %dma_start3A_499 = tpu.memref_slice %arg9[%dma_start3A_498] : memref<16384xf32, #tpu.memory_space<vmem>> -> memref<2048xf32, #tpu.memory_space<vmem>>
        %dma_start3A_500 = tpu.memref_slice %arg4[%mul3A_497] : memref<52428800xf32, #tpu.memory_space<hbm>> -> memref<2048xf32, #tpu.memory_space<hbm>>
        %dma_start3A_501 = tpu.memref_slice %arg4[%mul3A_497] : memref<52428800xf32, #tpu.memory_space<hbm>> -> memref<2048xf32, #tpu.memory_space<hbm>>
        %dma_start3A_502 = arith.constant 6144 : i32
        %dma_start3A_503 = tpu.memref_slice %arg9[%dma_start3A_502] : memref<16384xf32, #tpu.memory_space<vmem>> -> memref<2048xf32, #tpu.memory_space<vmem>>
        tpu.enqueue_dma source(%dma_start3A_503 : memref<2048xf32, #tpu.memory_space<vmem>>) target(%dma_start3A_501 : memref<2048xf32, #tpu.memory_space<hbm>>) target_semaphore(%arg15 : memref<!tpu.dma_semaphore, #tpu.memory_space<semaphore_mem>>)
        %mul3A_504 = arith.constant 8 : i32
        %mul3A_505 = arith.muli %select_n3A_427, %mul3A_504 : i32
        %add3A_506 = arith.constant 4 : i32
        %add3A_507 = arith.addi %mul3A_505, %add3A_506 : i32
        %mul3A_508 = arith.constant 128 : i32
        %mul3A_509 = arith.muli %add3A_507, %mul3A_508 : i32
        %add3A_510 = arith.addi %mul3A_509, %select_n3A_443 : i32
        %mul3A_511 = arith.constant 1024 : i32
        %mul3A_512 = arith.muli %add3A_510, %mul3A_511 : i32
        %dma_start3A_513 = arith.constant 8192 : i32
        %dma_start3A_514 = tpu.memref_slice %arg9[%dma_start3A_513] : memref<16384xf32, #tpu.memory_space<vmem>> -> memref<2048xf32, #tpu.memory_space<vmem>>
        %dma_start3A_515 = tpu.memref_slice %arg4[%mul3A_512] : memref<52428800xf32, #tpu.memory_space<hbm>> -> memref<2048xf32, #tpu.memory_space<hbm>>
        %dma_start3A_516 = tpu.memref_slice %arg4[%mul3A_512] : memref<52428800xf32, #tpu.memory_space<hbm>> -> memref<2048xf32, #tpu.memory_space<hbm>>
        %dma_start3A_517 = arith.constant 8192 : i32
        %dma_start3A_518 = tpu.memref_slice %arg9[%dma_start3A_517] : memref<16384xf32, #tpu.memory_space<vmem>> -> memref<2048xf32, #tpu.memory_space<vmem>>
        tpu.enqueue_dma source(%dma_start3A_518 : memref<2048xf32, #tpu.memory_space<vmem>>) target(%dma_start3A_516 : memref<2048xf32, #tpu.memory_space<hbm>>) target_semaphore(%arg15 : memref<!tpu.dma_semaphore, #tpu.memory_space<semaphore_mem>>)
        %mul3A_519 = arith.constant 8 : i32
        %mul3A_520 = arith.muli %select_n3A_427, %mul3A_519 : i32
        %add3A_521 = arith.constant 5 : i32
        %add3A_522 = arith.addi %mul3A_520, %add3A_521 : i32
        %mul3A_523 = arith.constant 128 : i32
        %mul3A_524 = arith.muli %add3A_522, %mul3A_523 : i32
        %add3A_525 = arith.addi %mul3A_524, %select_n3A_443 : i32
        %mul3A_526 = arith.constant 1024 : i32
        %mul3A_527 = arith.muli %add3A_525, %mul3A_526 : i32
        %dma_start3A_528 = arith.constant 10240 : i32
        %dma_start3A_529 = tpu.memref_slice %arg9[%dma_start3A_528] : memref<16384xf32, #tpu.memory_space<vmem>> -> memref<2048xf32, #tpu.memory_space<vmem>>
        %dma_start3A_530 = tpu.memref_slice %arg4[%mul3A_527] : memref<52428800xf32, #tpu.memory_space<hbm>> -> memref<2048xf32, #tpu.memory_space<hbm>>
        %dma_start3A_531 = tpu.memref_slice %arg4[%mul3A_527] : memref<52428800xf32, #tpu.memory_space<hbm>> -> memref<2048xf32, #tpu.memory_space<hbm>>
        %dma_start3A_532 = arith.constant 10240 : i32
        %dma_start3A_533 = tpu.memref_slice %arg9[%dma_start3A_532] : memref<16384xf32, #tpu.memory_space<vmem>> -> memref<2048xf32, #tpu.memory_space<vmem>>
        tpu.enqueue_dma source(%dma_start3A_533 : memref<2048xf32, #tpu.memory_space<vmem>>) target(%dma_start3A_531 : memref<2048xf32, #tpu.memory_space<hbm>>) target_semaphore(%arg15 : memref<!tpu.dma_semaphore, #tpu.memory_space<semaphore_mem>>)
        %mul3A_534 = arith.constant 8 : i32
        %mul3A_535 = arith.muli %select_n3A_427, %mul3A_534 : i32
        %add3A_536 = arith.constant 6 : i32
        %add3A_537 = arith.addi %mul3A_535, %add3A_536 : i32
        %mul3A_538 = arith.constant 128 : i32
        %mul3A_539 = arith.muli %add3A_537, %mul3A_538 : i32
        %add3A_540 = arith.addi %mul3A_539, %select_n3A_443 : i32
        %mul3A_541 = arith.constant 1024 : i32
        %mul3A_542 = arith.muli %add3A_540, %mul3A_541 : i32
        %dma_start3A_543 = arith.constant 12288 : i32
        %dma_start3A_544 = tpu.memref_slice %arg9[%dma_start3A_543] : memref<16384xf32, #tpu.memory_space<vmem>> -> memref<2048xf32, #tpu.memory_space<vmem>>
        %dma_start3A_545 = tpu.memref_slice %arg4[%mul3A_542] : memref<52428800xf32, #tpu.memory_space<hbm>> -> memref<2048xf32, #tpu.memory_space<hbm>>
        %dma_start3A_546 = tpu.memref_slice %arg4[%mul3A_542] : memref<52428800xf32, #tpu.memory_space<hbm>> -> memref<2048xf32, #tpu.memory_space<hbm>>
        %dma_start3A_547 = arith.constant 12288 : i32
        %dma_start3A_548 = tpu.memref_slice %arg9[%dma_start3A_547] : memref<16384xf32, #tpu.memory_space<vmem>> -> memref<2048xf32, #tpu.memory_space<vmem>>
        tpu.enqueue_dma source(%dma_start3A_548 : memref<2048xf32, #tpu.memory_space<vmem>>) target(%dma_start3A_546 : memref<2048xf32, #tpu.memory_space<hbm>>) target_semaphore(%arg15 : memref<!tpu.dma_semaphore, #tpu.memory_space<semaphore_mem>>)
        %mul3A_549 = arith.constant 8 : i32
        %mul3A_550 = arith.muli %select_n3A_427, %mul3A_549 : i32
        %add3A_551 = arith.constant 7 : i32
        %add3A_552 = arith.addi %mul3A_550, %add3A_551 : i32
        %mul3A_553 = arith.constant 128 : i32
        %mul3A_554 = arith.muli %add3A_552, %mul3A_553 : i32
        %add3A_555 = arith.addi %mul3A_554, %select_n3A_443 : i32
        %mul3A_556 = arith.constant 1024 : i32
        %mul3A_557 = arith.muli %add3A_555, %mul3A_556 : i32
        %dma_start3A_558 = arith.constant 14336 : i32
        %dma_start3A_559 = tpu.memref_slice %arg9[%dma_start3A_558] : memref<16384xf32, #tpu.memory_space<vmem>> -> memref<2048xf32, #tpu.memory_space<vmem>>
        %dma_start3A_560 = tpu.memref_slice %arg4[%mul3A_557] : memref<52428800xf32, #tpu.memory_space<hbm>> -> memref<2048xf32, #tpu.memory_space<hbm>>
        %dma_start3A_561 = tpu.memref_slice %arg4[%mul3A_557] : memref<52428800xf32, #tpu.memory_space<hbm>> -> memref<2048xf32, #tpu.memory_space<hbm>>
        %dma_start3A_562 = arith.constant 14336 : i32
        %dma_start3A_563 = tpu.memref_slice %arg9[%dma_start3A_562] : memref<16384xf32, #tpu.memory_space<vmem>> -> memref<2048xf32, #tpu.memory_space<vmem>>
        tpu.enqueue_dma source(%dma_start3A_563 : memref<2048xf32, #tpu.memory_space<vmem>>) target(%dma_start3A_561 : memref<2048xf32, #tpu.memory_space<hbm>>) target_semaphore(%arg15 : memref<!tpu.dma_semaphore, #tpu.memory_space<semaphore_mem>>)
      } else {
      }
      %eq3A_318 = arith.constant 1 : i32
      %eq3A_319 = arith.cmpi eq, %rem3A_314, %eq3A_318 : i32
      %convert_element_type3A_320 = arith.extui %eq3A_319 : i1 to i32
      %cond3A_321 = arith.constant 0 : i32
      %cond3A_322 = arith.cmpi ne, %convert_element_type3A_320, %cond3A_321 : i32
      scf.if %cond3A_322 {
        %dma_wait3A_323 = arith.constant 0 : i32
        %dma_wait3A_324 = arith.constant 0 : i32
        %dma_wait3A_325 = tpu.memref_slice %arg2[%dma_wait3A_323, %dma_wait3A_324] : memref<50x16384xi32, #tpu.memory_space<hbm>> -> memref<1x256xi32, #tpu.memory_space<hbm>>
        %dma_wait3A_326 = tpu.memref_squeeze %dma_wait3A_325 : memref<1x256xi32, #tpu.memory_space<hbm>> -> memref<256xi32, #tpu.memory_space<hbm>>
        %dma_wait3A_327 = arith.constant 0 : i32
        %dma_wait3A_328 = tpu.memref_slice %arg2[%dma_wait3A_323, %dma_wait3A_327] : memref<50x16384xi32, #tpu.memory_space<hbm>> -> memref<1x256xi32, #tpu.memory_space<hbm>>
        %dma_wait3A_329 = tpu.memref_squeeze %dma_wait3A_328 : memref<1x256xi32, #tpu.memory_space<hbm>> -> memref<256xi32, #tpu.memory_space<hbm>>
        tpu.wait_dma2 semaphore(%arg11 : memref<!tpu.dma_semaphore, #tpu.memory_space<semaphore_mem>>) src(%dma_wait3A_329 : memref<256xi32, #tpu.memory_space<hbm>>) dst(%arg5 : memref<256xi32, #tpu.memory_space<vmem>>)
        %dma_wait3A_330 = arith.constant 0 : i32
        %dma_wait3A_331 = arith.constant 0 : i32
        %dma_wait3A_332 = tpu.memref_slice %arg3[%dma_wait3A_330, %dma_wait3A_331] : memref<1000000x64xf32, #tpu.memory_space<hbm>> -> memref<256x64xf32, #tpu.memory_space<hbm>>
        %dma_wait3A_333 = arith.constant 0 : i32
        %dma_wait3A_334 = arith.constant 0 : i32
        %dma_wait3A_335 = tpu.memref_slice %arg3[%dma_wait3A_333, %dma_wait3A_334] : memref<1000000x64xf32, #tpu.memory_space<hbm>> -> memref<256x64xf32, #tpu.memory_space<hbm>>
        tpu.wait_dma2 semaphore(%arg14 : memref<!tpu.dma_semaphore, #tpu.memory_space<semaphore_mem>>) src(%dma_wait3A_335 : memref<256x64xf32, #tpu.memory_space<hbm>>) dst(%arg8 : memref<256x64xf32, #tpu.memory_space<vmem>>)
        %dma_start3A_336 = arith.constant 0 : i32
        %dma_start3A_337 = arith.constant 0 : i32
        %dma_start3A_338 = tpu.memref_slice %arg3[%dma_start3A_336, %dma_start3A_337] : memref<1000000x64xf32, #tpu.memory_space<hbm>> -> memref<1000000x64xf32, #tpu.memory_space<hbm>>
        tpu.enqueue_indirect_dma source(%dma_start3A_338 : memref<1000000x64xf32, #tpu.memory_space<hbm>>) target(%arg7 : memref<256x64xf32, #tpu.memory_space<vmem>>) offsets(%arg5 : memref<256xi32, #tpu.memory_space<vmem>>) semaphore(%arg13 : memref<!tpu.dma_semaphore, #tpu.memory_space<semaphore_mem>>)
        %add3A_339 = arith.constant 2 : i32
        %add3A_340 = arith.addi %scan3A_312, %add3A_339 : i32
        %min3A_341 = arith.constant 99 : i32
        %min3A_342 = arith.minsi %add3A_340, %min3A_341 : i32
        %add3A_343 = arith.addi %mul3A_2, %min3A_342 : i32
        %mul3A_344 = arith.constant 2 : i32
        %mul3A_345 = arith.muli %add3A_343, %mul3A_344 : i32
        %jit3A_346 = arith.constant 128 : i32
        %div3A_347 = arith.divsi %mul3A_345, %jit3A_346 : i32
        %sign3A_348 = arith.constant 0 : i32
        %sign3A_349 = arith.cmpi sgt, %mul3A_345, %sign3A_348 : i32
        %sign3A_350 = arith.extui %sign3A_349 : i1 to i32
        %sign3A_351 = arith.constant 0 : i32
        %sign3A_352 = arith.cmpi slt, %mul3A_345, %sign3A_351 : i32
        %sign3A_353 = arith.extui %sign3A_352 : i1 to i32
        %sign3A_354 = arith.subi %sign3A_350, %sign3A_353 : i32
        %sign3A_355 = arith.constant 0 : i32
        %sign3A_356 = arith.cmpi sgt, %jit3A_346, %sign3A_355 : i32
        %sign3A_357 = arith.extui %sign3A_356 : i1 to i32
        %sign3A_358 = arith.constant 0 : i32
        %sign3A_359 = arith.cmpi slt, %jit3A_346, %sign3A_358 : i32
        %sign3A_360 = arith.extui %sign3A_359 : i1 to i32
        %sign3A_361 = arith.subi %sign3A_357, %sign3A_360 : i32
        %ne3A_362 = arith.cmpi ne, %sign3A_354, %sign3A_361 : i32
        %rem3A_363 = arith.remsi %mul3A_345, %jit3A_346 : i32
        %ne3A_364 = arith.constant 0 : i32
        %ne3A_365 = arith.cmpi ne, %rem3A_363, %ne3A_364 : i32
        %and3A_366 = arith.andi %ne3A_362, %ne3A_365 : i1
        %sub3A_367 = arith.constant 1 : i32
        %sub3A_368 = arith.subi %div3A_347, %sub3A_367 : i32
        %select_n3A_369 = arith.select %and3A_366, %sub3A_368, %div3A_347 : i32
        %jit3A_370 = arith.constant 128 : i32
        %eq3A_371 = arith.constant 0 : i32
        %eq3A_372 = arith.cmpi eq, %jit3A_370, %eq3A_371 : i32
        %jit3A_373 = arith.constant 1 : i32
        %select_n3A_374 = arith.select %eq3A_372, %jit3A_373, %jit3A_370 : i32
        %rem3A_375 = arith.remsi %mul3A_345, %select_n3A_374 : i32
        %ne3A_376 = arith.constant 0 : i32
        %ne3A_377 = arith.cmpi ne, %rem3A_375, %ne3A_376 : i32
        %lt3A_378 = arith.constant 0 : i32
        %lt3A_379 = arith.cmpi slt, %rem3A_375, %lt3A_378 : i32
        %lt3A_380 = arith.constant 0 : i32
        %lt3A_381 = arith.cmpi slt, %select_n3A_374, %lt3A_380 : i32
        %ne3A_382 = arith.xori %lt3A_379, %lt3A_381 : i1
        %and3A_383 = arith.andi %ne3A_382, %ne3A_377 : i1
        %add3A_384 = arith.addi %rem3A_375, %select_n3A_374 : i32
        %select_n3A_385 = arith.select %and3A_383, %add3A_384, %rem3A_375 : i32
        %mul3A_386 = arith.constant 128 : i32
        %mul3A_387 = arith.muli %select_n3A_385, %mul3A_386 : i32
        %dma_start3A_388 = tpu.memref_slice %arg2[%select_n3A_369, %mul3A_387] : memref<50x16384xi32, #tpu.memory_space<hbm>> -> memref<1x256xi32, #tpu.memory_space<hbm>>
        %dma_start3A_389 = tpu.memref_squeeze %dma_start3A_388 : memref<1x256xi32, #tpu.memory_space<hbm>> -> memref<256xi32, #tpu.memory_space<hbm>>
        %dma_start3A_390 = tpu.memref_slice %arg2[%select_n3A_369, %mul3A_387] : memref<50x16384xi32, #tpu.memory_space<hbm>> -> memref<1x256xi32, #tpu.memory_space<hbm>>
        %dma_start3A_391 = tpu.memref_squeeze %dma_start3A_390 : memref<1x256xi32, #tpu.memory_space<hbm>> -> memref<256xi32, #tpu.memory_space<hbm>>
        tpu.enqueue_dma source(%dma_start3A_391 : memref<256xi32, #tpu.memory_space<hbm>>) target(%arg6 : memref<256xi32, #tpu.memory_space<vmem>>) target_semaphore(%arg12 : memref<!tpu.dma_semaphore, #tpu.memory_space<semaphore_mem>>)
        %ge3A = arith.constant 2 : i32
        %ge3A_392 = arith.cmpi sge, %scan3A_312, %ge3A : i32
        %convert_element_type3A_393 = arith.extui %ge3A_392 : i1 to i32
        %cond3A_394 = arith.constant 0 : i32
        %cond3A_395 = arith.cmpi ne, %convert_element_type3A_393, %cond3A_394 : i32
        scf.if %cond3A_395 {
          %dma_wait3A_564 = arith.constant 0 : i32
          %dma_wait3A_565 = tpu.memref_slice %arg10[%dma_wait3A_564] : memref<16384xf32, #tpu.memory_space<vmem>> -> memref<2048xf32, #tpu.memory_space<vmem>>
          %dma_wait3A_566 = arith.constant 0 : i32
          %dma_wait3A_567 = tpu.memref_slice %arg4[%dma_wait3A_566] : memref<52428800xf32, #tpu.memory_space<hbm>> -> memref<2048xf32, #tpu.memory_space<hbm>>
          %dma_wait3A_568 = arith.constant 0 : i32
          %dma_wait3A_569 = tpu.memref_slice %arg4[%dma_wait3A_568] : memref<52428800xf32, #tpu.memory_space<hbm>> -> memref<2048xf32, #tpu.memory_space<hbm>>
          %dma_wait3A_570 = arith.constant 0 : i32
          %dma_wait3A_571 = tpu.memref_slice %arg10[%dma_wait3A_570] : memref<16384xf32, #tpu.memory_space<vmem>> -> memref<2048xf32, #tpu.memory_space<vmem>>
          tpu.wait_dma2 semaphore(%arg16 : memref<!tpu.dma_semaphore, #tpu.memory_space<semaphore_mem>>) src(%dma_wait3A_571 : memref<2048xf32, #tpu.memory_space<vmem>>) dst(%dma_wait3A_569 : memref<2048xf32, #tpu.memory_space<hbm>>)
          %dma_wait3A_572 = arith.constant 2048 : i32
          %dma_wait3A_573 = tpu.memref_slice %arg10[%dma_wait3A_572] : memref<16384xf32, #tpu.memory_space<vmem>> -> memref<2048xf32, #tpu.memory_space<vmem>>
          %dma_wait3A_574 = arith.constant 2048 : i32
          %dma_wait3A_575 = tpu.memref_slice %arg4[%dma_wait3A_574] : memref<52428800xf32, #tpu.memory_space<hbm>> -> memref<2048xf32, #tpu.memory_space<hbm>>
          %dma_wait3A_576 = arith.constant 2048 : i32
          %dma_wait3A_577 = tpu.memref_slice %arg4[%dma_wait3A_576] : memref<52428800xf32, #tpu.memory_space<hbm>> -> memref<2048xf32, #tpu.memory_space<hbm>>
          %dma_wait3A_578 = arith.constant 2048 : i32
          %dma_wait3A_579 = tpu.memref_slice %arg10[%dma_wait3A_578] : memref<16384xf32, #tpu.memory_space<vmem>> -> memref<2048xf32, #tpu.memory_space<vmem>>
          tpu.wait_dma2 semaphore(%arg16 : memref<!tpu.dma_semaphore, #tpu.memory_space<semaphore_mem>>) src(%dma_wait3A_579 : memref<2048xf32, #tpu.memory_space<vmem>>) dst(%dma_wait3A_577 : memref<2048xf32, #tpu.memory_space<hbm>>)
          %dma_wait3A_580 = arith.constant 4096 : i32
          %dma_wait3A_581 = tpu.memref_slice %arg10[%dma_wait3A_580] : memref<16384xf32, #tpu.memory_space<vmem>> -> memref<2048xf32, #tpu.memory_space<vmem>>
          %dma_wait3A_582 = arith.constant 4096 : i32
          %dma_wait3A_583 = tpu.memref_slice %arg4[%dma_wait3A_582] : memref<52428800xf32, #tpu.memory_space<hbm>> -> memref<2048xf32, #tpu.memory_space<hbm>>
          %dma_wait3A_584 = arith.constant 4096 : i32
          %dma_wait3A_585 = tpu.memref_slice %arg4[%dma_wait3A_584] : memref<52428800xf32, #tpu.memory_space<hbm>> -> memref<2048xf32, #tpu.memory_space<hbm>>
          %dma_wait3A_586 = arith.constant 4096 : i32
          %dma_wait3A_587 = tpu.memref_slice %arg10[%dma_wait3A_586] : memref<16384xf32, #tpu.memory_space<vmem>> -> memref<2048xf32, #tpu.memory_space<vmem>>
          tpu.wait_dma2 semaphore(%arg16 : memref<!tpu.dma_semaphore, #tpu.memory_space<semaphore_mem>>) src(%dma_wait3A_587 : memref<2048xf32, #tpu.memory_space<vmem>>) dst(%dma_wait3A_585 : memref<2048xf32, #tpu.memory_space<hbm>>)
          %dma_wait3A_588 = arith.constant 6144 : i32
          %dma_wait3A_589 = tpu.memref_slice %arg10[%dma_wait3A_588] : memref<16384xf32, #tpu.memory_space<vmem>> -> memref<2048xf32, #tpu.memory_space<vmem>>
          %dma_wait3A_590 = arith.constant 6144 : i32
          %dma_wait3A_591 = tpu.memref_slice %arg4[%dma_wait3A_590] : memref<52428800xf32, #tpu.memory_space<hbm>> -> memref<2048xf32, #tpu.memory_space<hbm>>
          %dma_wait3A_592 = arith.constant 6144 : i32
          %dma_wait3A_593 = tpu.memref_slice %arg4[%dma_wait3A_592] : memref<52428800xf32, #tpu.memory_space<hbm>> -> memref<2048xf32, #tpu.memory_space<hbm>>
          %dma_wait3A_594 = arith.constant 6144 : i32
          %dma_wait3A_595 = tpu.memref_slice %arg10[%dma_wait3A_594] : memref<16384xf32, #tpu.memory_space<vmem>> -> memref<2048xf32, #tpu.memory_space<vmem>>
          tpu.wait_dma2 semaphore(%arg16 : memref<!tpu.dma_semaphore, #tpu.memory_space<semaphore_mem>>) src(%dma_wait3A_595 : memref<2048xf32, #tpu.memory_space<vmem>>) dst(%dma_wait3A_593 : memref<2048xf32, #tpu.memory_space<hbm>>)
          %dma_wait3A_596 = arith.constant 8192 : i32
          %dma_wait3A_597 = tpu.memref_slice %arg10[%dma_wait3A_596] : memref<16384xf32, #tpu.memory_space<vmem>> -> memref<2048xf32, #tpu.memory_space<vmem>>
          %dma_wait3A_598 = arith.constant 8192 : i32
          %dma_wait3A_599 = tpu.memref_slice %arg4[%dma_wait3A_598] : memref<52428800xf32, #tpu.memory_space<hbm>> -> memref<2048xf32, #tpu.memory_space<hbm>>
          %dma_wait3A_600 = arith.constant 8192 : i32
          %dma_wait3A_601 = tpu.memref_slice %arg4[%dma_wait3A_600] : memref<52428800xf32, #tpu.memory_space<hbm>> -> memref<2048xf32, #tpu.memory_space<hbm>>
          %dma_wait3A_602 = arith.constant 8192 : i32
          %dma_wait3A_603 = tpu.memref_slice %arg10[%dma_wait3A_602] : memref<16384xf32, #tpu.memory_space<vmem>> -> memref<2048xf32, #tpu.memory_space<vmem>>
          tpu.wait_dma2 semaphore(%arg16 : memref<!tpu.dma_semaphore, #tpu.memory_space<semaphore_mem>>) src(%dma_wait3A_603 : memref<2048xf32, #tpu.memory_space<vmem>>) dst(%dma_wait3A_601 : memref<2048xf32, #tpu.memory_space<hbm>>)
          %dma_wait3A_604 = arith.constant 10240 : i32
          %dma_wait3A_605 = tpu.memref_slice %arg10[%dma_wait3A_604] : memref<16384xf32, #tpu.memory_space<vmem>> -> memref<2048xf32, #tpu.memory_space<vmem>>
          %dma_wait3A_606 = arith.constant 10240 : i32
          %dma_wait3A_607 = tpu.memref_slice %arg4[%dma_wait3A_606] : memref<52428800xf32, #tpu.memory_space<hbm>> -> memref<2048xf32, #tpu.memory_space<hbm>>
          %dma_wait3A_608 = arith.constant 10240 : i32
          %dma_wait3A_609 = tpu.memref_slice %arg4[%dma_wait3A_608] : memref<52428800xf32, #tpu.memory_space<hbm>> -> memref<2048xf32, #tpu.memory_space<hbm>>
          %dma_wait3A_610 = arith.constant 10240 : i32
          %dma_wait3A_611 = tpu.memref_slice %arg10[%dma_wait3A_610] : memref<16384xf32, #tpu.memory_space<vmem>> -> memref<2048xf32, #tpu.memory_space<vmem>>
          tpu.wait_dma2 semaphore(%arg16 : memref<!tpu.dma_semaphore, #tpu.memory_space<semaphore_mem>>) src(%dma_wait3A_611 : memref<2048xf32, #tpu.memory_space<vmem>>) dst(%dma_wait3A_609 : memref<2048xf32, #tpu.memory_space<hbm>>)
          %dma_wait3A_612 = arith.constant 12288 : i32
          %dma_wait3A_613 = tpu.memref_slice %arg10[%dma_wait3A_612] : memref<16384xf32, #tpu.memory_space<vmem>> -> memref<2048xf32, #tpu.memory_space<vmem>>
          %dma_wait3A_614 = arith.constant 12288 : i32
          %dma_wait3A_615 = tpu.memref_slice %arg4[%dma_wait3A_614] : memref<52428800xf32, #tpu.memory_space<hbm>> -> memref<2048xf32, #tpu.memory_space<hbm>>
          %dma_wait3A_616 = arith.constant 12288 : i32
          %dma_wait3A_617 = tpu.memref_slice %arg4[%dma_wait3A_616] : memref<52428800xf32, #tpu.memory_space<hbm>> -> memref<2048xf32, #tpu.memory_space<hbm>>
          %dma_wait3A_618 = arith.constant 12288 : i32
          %dma_wait3A_619 = tpu.memref_slice %arg10[%dma_wait3A_618] : memref<16384xf32, #tpu.memory_space<vmem>> -> memref<2048xf32, #tpu.memory_space<vmem>>
          tpu.wait_dma2 semaphore(%arg16 : memref<!tpu.dma_semaphore, #tpu.memory_space<semaphore_mem>>) src(%dma_wait3A_619 : memref<2048xf32, #tpu.memory_space<vmem>>) dst(%dma_wait3A_617 : memref<2048xf32, #tpu.memory_space<hbm>>)
          %dma_wait3A_620 = arith.constant 14336 : i32
          %dma_wait3A_621 = tpu.memref_slice %arg10[%dma_wait3A_620] : memref<16384xf32, #tpu.memory_space<vmem>> -> memref<2048xf32, #tpu.memory_space<vmem>>
          %dma_wait3A_622 = arith.constant 14336 : i32
          %dma_wait3A_623 = tpu.memref_slice %arg4[%dma_wait3A_622] : memref<52428800xf32, #tpu.memory_space<hbm>> -> memref<2048xf32, #tpu.memory_space<hbm>>
          %dma_wait3A_624 = arith.constant 14336 : i32
          %dma_wait3A_625 = tpu.memref_slice %arg4[%dma_wait3A_624] : memref<52428800xf32, #tpu.memory_space<hbm>> -> memref<2048xf32, #tpu.memory_space<hbm>>
          %dma_wait3A_626 = arith.constant 14336 : i32
          %dma_wait3A_627 = tpu.memref_slice %arg10[%dma_wait3A_626] : memref<16384xf32, #tpu.memory_space<vmem>> -> memref<2048xf32, #tpu.memory_space<vmem>>
          tpu.wait_dma2 semaphore(%arg16 : memref<!tpu.dma_semaphore, #tpu.memory_space<semaphore_mem>>) src(%dma_wait3A_627 : memref<2048xf32, #tpu.memory_space<vmem>>) dst(%dma_wait3A_625 : memref<2048xf32, #tpu.memory_space<hbm>>)
        } else {
        }
        %scan3A_396 = arith.constant 0 : i32
        %scan3A_397 = arith.constant 16 : i32
        %scan3A_398 = arith.addi %scan3A_396, %scan3A_397 : i32
        %scan3A_399 = arith.constant 1 : i32
        scf.for %scan3A_564 = %scan3A_396 to %scan3A_398 step %scan3A_399  : i32 {
          %mul3A_565 = arith.constant 16 : i32
          %mul3A_566 = arith.muli %scan3A_564, %mul3A_565 : i32
          %shift_right_arithmetic3A_567 = arith.constant 7 : i32
          %shift_right_arithmetic3A_568 = arith.shrsi %mul3A_566, %shift_right_arithmetic3A_567 : i32
          %mul3A_569 = arith.constant 1024 : i32
          %mul3A_570 = arith.muli %shift_right_arithmetic3A_568, %mul3A_569 : i32
          %and3A_571 = arith.constant 127 : i32
          %and3A_572 = arith.andi %mul3A_566, %and3A_571 : i32
          %add3A_573 = arith.addi %mul3A_570, %and3A_572 : i32
          %add3A_574 = arith.constant 0 : i32
          %add3A_575 = vector.broadcast %add3A_574 : i32 to vector<16xi32>
          %add3A_576 = arith.addi %iota3A, %add3A_575 : vector<16xi32>
          %and3A_577 = arith.constant 15 : i32
          %and3A_578 = vector.broadcast %and3A_577 : i32 to vector<16xi32>
          %and3A_579 = arith.andi %add3A_576, %and3A_578 : vector<16xi32>
          %add3A_580 = vector.broadcast %mul3A_566 : i32 to vector<16xi32>
          %add3A_581 = arith.addi %add3A_580, %and3A_579 : vector<16xi32>
          %add3A_582 = vector.broadcast %add3A_573 : i32 to vector<16xi32>
          %add3A_583 = arith.addi %add3A_582, %and3A_579 : vector<16xi32>
          %gather3A = tpu.vector_load_idx %arg8[%add3A_581, %add3A_5] : memref<256x64xf32, #tpu.memory_space<vmem>>[vector<16xi32>, vector<16xi32>], vector<16xf32>,
          %add3A_584 = arith.addi %add3A_16, %add3A_583 : vector<16xi32>
          tpu.vector_store_idx %arg10[%add3A_584], %gather3A : memref<16384xf32, #tpu.memory_space<vmem>>[vector<16xi32>], vector<16xf32>,
          %gather3A_585 = tpu.vector_load_idx %arg8[%add3A_581, %add3A_19] : memref<256x64xf32, #tpu.memory_space<vmem>>[vector<16xi32>, vector<16xi32>], vector<16xf32>,
          %add3A_586 = arith.addi %add3A_32, %add3A_583 : vector<16xi32>
          tpu.vector_store_idx %arg10[%add3A_586], %gather3A_585 : memref<16384xf32, #tpu.memory_space<vmem>>[vector<16xi32>], vector<16xf32>,
          %gather3A_587 = tpu.vector_load_idx %arg8[%add3A_581, %add3A_35] : memref<256x64xf32, #tpu.memory_space<vmem>>[vector<16xi32>, vector<16xi32>], vector<16xf32>,
          %add3A_588 = arith.addi %add3A_48, %add3A_583 : vector<16xi32>
          tpu.vector_store_idx %arg10[%add3A_588], %gather3A_587 : memref<16384xf32, #tpu.memory_space<vmem>>[vector<16xi32>], vector<16xf32>,
          %gather3A_589 = tpu.vector_load_idx %arg8[%add3A_581, %add3A_51] : memref<256x64xf32, #tpu.memory_space<vmem>>[vector<16xi32>, vector<16xi32>], vector<16xf32>,
          %add3A_590 = arith.addi %add3A_64, %add3A_583 : vector<16xi32>
          tpu.vector_store_idx %arg10[%add3A_590], %gather3A_589 : memref<16384xf32, #tpu.memory_space<vmem>>[vector<16xi32>], vector<16xf32>,
          %add3A_591 = arith.constant 1 : i32
          %add3A_592 = vector.broadcast %add3A_591 : i32 to vector<16xi32>
          %add3A_593 = arith.addi %iota3A, %add3A_592 : vector<16xi32>
          %and3A_594 = arith.constant 15 : i32
          %and3A_595 = vector.broadcast %and3A_594 : i32 to vector<16xi32>
          %and3A_596 = arith.andi %add3A_593, %and3A_595 : vector<16xi32>
          %add3A_597 = vector.broadcast %mul3A_566 : i32 to vector<16xi32>
          %add3A_598 = arith.addi %add3A_597, %and3A_596 : vector<16xi32>
          %add3A_599 = vector.broadcast %add3A_573 : i32 to vector<16xi32>
          %add3A_600 = arith.addi %add3A_599, %and3A_596 : vector<16xi32>
          %gather3A_601 = tpu.vector_load_idx %arg8[%add3A_598, %add3A_5] : memref<256x64xf32, #tpu.memory_space<vmem>>[vector<16xi32>, vector<16xi32>], vector<16xf32>,
          %add3A_602 = arith.addi %add3A_16, %add3A_600 : vector<16xi32>
          tpu.vector_store_idx %arg10[%add3A_602], %gather3A_601 : memref<16384xf32, #tpu.memory_space<vmem>>[vector<16xi32>], vector<16xf32>,
          %gather3A_603 = tpu.vector_load_idx %arg8[%add3A_598, %add3A_19] : memref<256x64xf32, #tpu.memory_space<vmem>>[vector<16xi32>, vector<16xi32>], vector<16xf32>,
          %add3A_604 = arith.addi %add3A_32, %add3A_600 : vector<16xi32>
          tpu.vector_store_idx %arg10[%add3A_604], %gather3A_603 : memref<16384xf32, #tpu.memory_space<vmem>>[vector<16xi32>], vector<16xf32>,
          %gather3A_605 = tpu.vector_load_idx %arg8[%add3A_598, %add3A_35] : memref<256x64xf32, #tpu.memory_space<vmem>>[vector<16xi32>, vector<16xi32>], vector<16xf32>,
          %add3A_606 = arith.addi %add3A_48, %add3A_600 : vector<16xi32>
          tpu.vector_store_idx %arg10[%add3A_606], %gather3A_605 : memref<16384xf32, #tpu.memory_space<vmem>>[vector<16xi32>], vector<16xf32>,
          %gather3A_607 = tpu.vector_load_idx %arg8[%add3A_598, %add3A_51] : memref<256x64xf32, #tpu.memory_space<vmem>>[vector<16xi32>, vector<16xi32>], vector<16xf32>,
          %add3A_608 = arith.addi %add3A_64, %add3A_600 : vector<16xi32>
          tpu.vector_store_idx %arg10[%add3A_608], %gather3A_607 : memref<16384xf32, #tpu.memory_space<vmem>>[vector<16xi32>], vector<16xf32>,
          %add3A_609 = arith.constant 2 : i32
          %add3A_610 = vector.broadcast %add3A_609 : i32 to vector<16xi32>
          %add3A_611 = arith.addi %iota3A, %add3A_610 : vector<16xi32>
          %and3A_612 = arith.constant 15 : i32
          %and3A_613 = vector.broadcast %and3A_612 : i32 to vector<16xi32>
          %and3A_614 = arith.andi %add3A_611, %and3A_613 : vector<16xi32>
          %add3A_615 = vector.broadcast %mul3A_566 : i32 to vector<16xi32>
          %add3A_616 = arith.addi %add3A_615, %and3A_614 : vector<16xi32>
          %add3A_617 = vector.broadcast %add3A_573 : i32 to vector<16xi32>
          %add3A_618 = arith.addi %add3A_617, %and3A_614 : vector<16xi32>
          %gather3A_619 = tpu.vector_load_idx %arg8[%add3A_616, %add3A_5] : memref<256x64xf32, #tpu.memory_space<vmem>>[vector<16xi32>, vector<16xi32>], vector<16xf32>,
          %add3A_620 = arith.addi %add3A_16, %add3A_618 : vector<16xi32>
          tpu.vector_store_idx %arg10[%add3A_620], %gather3A_619 : memref<16384xf32, #tpu.memory_space<vmem>>[vector<16xi32>], vector<16xf32>,
          %gather3A_621 = tpu.vector_load_idx %arg8[%add3A_616, %add3A_19] : memref<256x64xf32, #tpu.memory_space<vmem>>[vector<16xi32>, vector<16xi32>], vector<16xf32>,
          %add3A_622 = arith.addi %add3A_32, %add3A_618 : vector<16xi32>
          tpu.vector_store_idx %arg10[%add3A_622], %gather3A_621 : memref<16384xf32, #tpu.memory_space<vmem>>[vector<16xi32>], vector<16xf32>,
          %gather3A_623 = tpu.vector_load_idx %arg8[%add3A_616, %add3A_35] : memref<256x64xf32, #tpu.memory_space<vmem>>[vector<16xi32>, vector<16xi32>], vector<16xf32>,
          %add3A_624 = arith.addi %add3A_48, %add3A_618 : vector<16xi32>
          tpu.vector_store_idx %arg10[%add3A_624], %gather3A_623 : memref<16384xf32, #tpu.memory_space<vmem>>[vector<16xi32>], vector<16xf32>,
          %gather3A_625 = tpu.vector_load_idx %arg8[%add3A_616, %add3A_51] : memref<256x64xf32, #tpu.memory_space<vmem>>[vector<16xi32>, vector<16xi32>], vector<16xf32>,
          %add3A_626 = arith.addi %add3A_64, %add3A_618 : vector<16xi32>
          tpu.vector_store_idx %arg10[%add3A_626], %gather3A_625 : memref<16384xf32, #tpu.memory_space<vmem>>[vector<16xi32>], vector<16xf32>,
          %add3A_627 = arith.constant 3 : i32
          %add3A_628 = vector.broadcast %add3A_627 : i32 to vector<16xi32>
          %add3A_629 = arith.addi %iota3A, %add3A_628 : vector<16xi32>
          %and3A_630 = arith.constant 15 : i32
          %and3A_631 = vector.broadcast %and3A_630 : i32 to vector<16xi32>
          %and3A_632 = arith.andi %add3A_629, %and3A_631 : vector<16xi32>
          %add3A_633 = vector.broadcast %mul3A_566 : i32 to vector<16xi32>
          %add3A_634 = arith.addi %add3A_633, %and3A_632 : vector<16xi32>
          %add3A_635 = vector.broadcast %add3A_573 : i32 to vector<16xi32>
          %add3A_636 = arith.addi %add3A_635, %and3A_632 : vector<16xi32>
          %gather3A_637 = tpu.vector_load_idx %arg8[%add3A_634, %add3A_5] : memref<256x64xf32, #tpu.memory_space<vmem>>[vector<16xi32>, vector<16xi32>], vector<16xf32>,
          %add3A_638 = arith.addi %add3A_16, %add3A_636 : vector<16xi32>
          tpu.vector_store_idx %arg10[%add3A_638], %gather3A_637 : memref<16384xf32, #tpu.memory_space<vmem>>[vector<16xi32>], vector<16xf32>,
          %gather3A_639 = tpu.vector_load_idx %arg8[%add3A_634, %add3A_19] : memref<256x64xf32, #tpu.memory_space<vmem>>[vector<16xi32>, vector<16xi32>], vector<16xf32>,
          %add3A_640 = arith.addi %add3A_32, %add3A_636 : vector<16xi32>
          tpu.vector_store_idx %arg10[%add3A_640], %gather3A_639 : memref<16384xf32, #tpu.memory_space<vmem>>[vector<16xi32>], vector<16xf32>,
          %gather3A_641 = tpu.vector_load_idx %arg8[%add3A_634, %add3A_35] : memref<256x64xf32, #tpu.memory_space<vmem>>[vector<16xi32>, vector<16xi32>], vector<16xf32>,
          %add3A_642 = arith.addi %add3A_48, %add3A_636 : vector<16xi32>
          tpu.vector_store_idx %arg10[%add3A_642], %gather3A_641 : memref<16384xf32, #tpu.memory_space<vmem>>[vector<16xi32>], vector<16xf32>,
          %gather3A_643 = tpu.vector_load_idx %arg8[%add3A_634, %add3A_51] : memref<256x64xf32, #tpu.memory_space<vmem>>[vector<16xi32>, vector<16xi32>], vector<16xf32>,
          %add3A_644 = arith.addi %add3A_64, %add3A_636 : vector<16xi32>
          tpu.vector_store_idx %arg10[%add3A_644], %gather3A_643 : memref<16384xf32, #tpu.memory_space<vmem>>[vector<16xi32>], vector<16xf32>,
          %add3A_645 = arith.constant 4 : i32
          %add3A_646 = vector.broadcast %add3A_645 : i32 to vector<16xi32>
          %add3A_647 = arith.addi %iota3A, %add3A_646 : vector<16xi32>
          %and3A_648 = arith.constant 15 : i32
          %and3A_649 = vector.broadcast %and3A_648 : i32 to vector<16xi32>
          %and3A_650 = arith.andi %add3A_647, %and3A_649 : vector<16xi32>
          %add3A_651 = vector.broadcast %mul3A_566 : i32 to vector<16xi32>
          %add3A_652 = arith.addi %add3A_651, %and3A_650 : vector<16xi32>
          %add3A_653 = vector.broadcast %add3A_573 : i32 to vector<16xi32>
          %add3A_654 = arith.addi %add3A_653, %and3A_650 : vector<16xi32>
          %gather3A_655 = tpu.vector_load_idx %arg8[%add3A_652, %add3A_5] : memref<256x64xf32, #tpu.memory_space<vmem>>[vector<16xi32>, vector<16xi32>], vector<16xf32>,
          %add3A_656 = arith.addi %add3A_16, %add3A_654 : vector<16xi32>
          tpu.vector_store_idx %arg10[%add3A_656], %gather3A_655 : memref<16384xf32, #tpu.memory_space<vmem>>[vector<16xi32>], vector<16xf32>,
          %gather3A_657 = tpu.vector_load_idx %arg8[%add3A_652, %add3A_19] : memref<256x64xf32, #tpu.memory_space<vmem>>[vector<16xi32>, vector<16xi32>], vector<16xf32>,
          %add3A_658 = arith.addi %add3A_32, %add3A_654 : vector<16xi32>
          tpu.vector_store_idx %arg10[%add3A_658], %gather3A_657 : memref<16384xf32, #tpu.memory_space<vmem>>[vector<16xi32>], vector<16xf32>,
          %gather3A_659 = tpu.vector_load_idx %arg8[%add3A_652, %add3A_35] : memref<256x64xf32, #tpu.memory_space<vmem>>[vector<16xi32>, vector<16xi32>], vector<16xf32>,
          %add3A_660 = arith.addi %add3A_48, %add3A_654 : vector<16xi32>
          tpu.vector_store_idx %arg10[%add3A_660], %gather3A_659 : memref<16384xf32, #tpu.memory_space<vmem>>[vector<16xi32>], vector<16xf32>,
          %gather3A_661 = tpu.vector_load_idx %arg8[%add3A_652, %add3A_51] : memref<256x64xf32, #tpu.memory_space<vmem>>[vector<16xi32>, vector<16xi32>], vector<16xf32>,
          %add3A_662 = arith.addi %add3A_64, %add3A_654 : vector<16xi32>
          tpu.vector_store_idx %arg10[%add3A_662], %gather3A_661 : memref<16384xf32, #tpu.memory_space<vmem>>[vector<16xi32>], vector<16xf32>,
          %add3A_663 = arith.constant 5 : i32
          %add3A_664 = vector.broadcast %add3A_663 : i32 to vector<16xi32>
          %add3A_665 = arith.addi %iota3A, %add3A_664 : vector<16xi32>
          %and3A_666 = arith.constant 15 : i32
          %and3A_667 = vector.broadcast %and3A_666 : i32 to vector<16xi32>
          %and3A_668 = arith.andi %add3A_665, %and3A_667 : vector<16xi32>
          %add3A_669 = vector.broadcast %mul3A_566 : i32 to vector<16xi32>
          %add3A_670 = arith.addi %add3A_669, %and3A_668 : vector<16xi32>
          %add3A_671 = vector.broadcast %add3A_573 : i32 to vector<16xi32>
          %add3A_672 = arith.addi %add3A_671, %and3A_668 : vector<16xi32>
          %gather3A_673 = tpu.vector_load_idx %arg8[%add3A_670, %add3A_5] : memref<256x64xf32, #tpu.memory_space<vmem>>[vector<16xi32>, vector<16xi32>], vector<16xf32>,
          %add3A_674 = arith.addi %add3A_16, %add3A_672 : vector<16xi32>
          tpu.vector_store_idx %arg10[%add3A_674], %gather3A_673 : memref<16384xf32, #tpu.memory_space<vmem>>[vector<16xi32>], vector<16xf32>,
          %gather3A_675 = tpu.vector_load_idx %arg8[%add3A_670, %add3A_19] : memref<256x64xf32, #tpu.memory_space<vmem>>[vector<16xi32>, vector<16xi32>], vector<16xf32>,
          %add3A_676 = arith.addi %add3A_32, %add3A_672 : vector<16xi32>
          tpu.vector_store_idx %arg10[%add3A_676], %gather3A_675 : memref<16384xf32, #tpu.memory_space<vmem>>[vector<16xi32>], vector<16xf32>,
          %gather3A_677 = tpu.vector_load_idx %arg8[%add3A_670, %add3A_35] : memref<256x64xf32, #tpu.memory_space<vmem>>[vector<16xi32>, vector<16xi32>], vector<16xf32>,
          %add3A_678 = arith.addi %add3A_48, %add3A_672 : vector<16xi32>
          tpu.vector_store_idx %arg10[%add3A_678], %gather3A_677 : memref<16384xf32, #tpu.memory_space<vmem>>[vector<16xi32>], vector<16xf32>,
          %gather3A_679 = tpu.vector_load_idx %arg8[%add3A_670, %add3A_51] : memref<256x64xf32, #tpu.memory_space<vmem>>[vector<16xi32>, vector<16xi32>], vector<16xf32>,
          %add3A_680 = arith.addi %add3A_64, %add3A_672 : vector<16xi32>
          tpu.vector_store_idx %arg10[%add3A_680], %gather3A_679 : memref<16384xf32, #tpu.memory_space<vmem>>[vector<16xi32>], vector<16xf32>,
          %add3A_681 = arith.constant 6 : i32
          %add3A_682 = vector.broadcast %add3A_681 : i32 to vector<16xi32>
          %add3A_683 = arith.addi %iota3A, %add3A_682 : vector<16xi32>
          %and3A_684 = arith.constant 15 : i32
          %and3A_685 = vector.broadcast %and3A_684 : i32 to vector<16xi32>
          %and3A_686 = arith.andi %add3A_683, %and3A_685 : vector<16xi32>
          %add3A_687 = vector.broadcast %mul3A_566 : i32 to vector<16xi32>
          %add3A_688 = arith.addi %add3A_687, %and3A_686 : vector<16xi32>
          %add3A_689 = vector.broadcast %add3A_573 : i32 to vector<16xi32>
          %add3A_690 = arith.addi %add3A_689, %and3A_686 : vector<16xi32>
          %gather3A_691 = tpu.vector_load_idx %arg8[%add3A_688, %add3A_5] : memref<256x64xf32, #tpu.memory_space<vmem>>[vector<16xi32>, vector<16xi32>], vector<16xf32>,
          %add3A_692 = arith.addi %add3A_16, %add3A_690 : vector<16xi32>
          tpu.vector_store_idx %arg10[%add3A_692], %gather3A_691 : memref<16384xf32, #tpu.memory_space<vmem>>[vector<16xi32>], vector<16xf32>,
          %gather3A_693 = tpu.vector_load_idx %arg8[%add3A_688, %add3A_19] : memref<256x64xf32, #tpu.memory_space<vmem>>[vector<16xi32>, vector<16xi32>], vector<16xf32>,
          %add3A_694 = arith.addi %add3A_32, %add3A_690 : vector<16xi32>
          tpu.vector_store_idx %arg10[%add3A_694], %gather3A_693 : memref<16384xf32, #tpu.memory_space<vmem>>[vector<16xi32>], vector<16xf32>,
          %gather3A_695 = tpu.vector_load_idx %arg8[%add3A_688, %add3A_35] : memref<256x64xf32, #tpu.memory_space<vmem>>[vector<16xi32>, vector<16xi32>], vector<16xf32>,
          %add3A_696 = arith.addi %add3A_48, %add3A_690 : vector<16xi32>
          tpu.vector_store_idx %arg10[%add3A_696], %gather3A_695 : memref<16384xf32, #tpu.memory_space<vmem>>[vector<16xi32>], vector<16xf32>,
          %gather3A_697 = tpu.vector_load_idx %arg8[%add3A_688, %add3A_51] : memref<256x64xf32, #tpu.memory_space<vmem>>[vector<16xi32>, vector<16xi32>], vector<16xf32>,
          %add3A_698 = arith.addi %add3A_64, %add3A_690 : vector<16xi32>
          tpu.vector_store_idx %arg10[%add3A_698], %gather3A_697 : memref<16384xf32, #tpu.memory_space<vmem>>[vector<16xi32>], vector<16xf32>,
          %add3A_699 = arith.constant 7 : i32
          %add3A_700 = vector.broadcast %add3A_699 : i32 to vector<16xi32>
          %add3A_701 = arith.addi %iota3A, %add3A_700 : vector<16xi32>
          %and3A_702 = arith.constant 15 : i32
          %and3A_703 = vector.broadcast %and3A_702 : i32 to vector<16xi32>
          %and3A_704 = arith.andi %add3A_701, %and3A_703 : vector<16xi32>
          %add3A_705 = vector.broadcast %mul3A_566 : i32 to vector<16xi32>
          %add3A_706 = arith.addi %add3A_705, %and3A_704 : vector<16xi32>
          %add3A_707 = vector.broadcast %add3A_573 : i32 to vector<16xi32>
          %add3A_708 = arith.addi %add3A_707, %and3A_704 : vector<16xi32>
          %gather3A_709 = tpu.vector_load_idx %arg8[%add3A_706, %add3A_5] : memref<256x64xf32, #tpu.memory_space<vmem>>[vector<16xi32>, vector<16xi32>], vector<16xf32>,
          %add3A_710 = arith.addi %add3A_16, %add3A_708 : vector<16xi32>
          tpu.vector_store_idx %arg10[%add3A_710], %gather3A_709 : memref<16384xf32, #tpu.memory_space<vmem>>[vector<16xi32>], vector<16xf32>,
          %gather3A_711 = tpu.vector_load_idx %arg8[%add3A_706, %add3A_19] : memref<256x64xf32, #tpu.memory_space<vmem>>[vector<16xi32>, vector<16xi32>], vector<16xf32>,
          %add3A_712 = arith.addi %add3A_32, %add3A_708 : vector<16xi32>
          tpu.vector_store_idx %arg10[%add3A_712], %gather3A_711 : memref<16384xf32, #tpu.memory_space<vmem>>[vector<16xi32>], vector<16xf32>,
          %gather3A_713 = tpu.vector_load_idx %arg8[%add3A_706, %add3A_35] : memref<256x64xf32, #tpu.memory_space<vmem>>[vector<16xi32>, vector<16xi32>], vector<16xf32>,
          %add3A_714 = arith.addi %add3A_48, %add3A_708 : vector<16xi32>
          tpu.vector_store_idx %arg10[%add3A_714], %gather3A_713 : memref<16384xf32, #tpu.memory_space<vmem>>[vector<16xi32>], vector<16xf32>,
          %gather3A_715 = tpu.vector_load_idx %arg8[%add3A_706, %add3A_51] : memref<256x64xf32, #tpu.memory_space<vmem>>[vector<16xi32>, vector<16xi32>], vector<16xf32>,
          %add3A_716 = arith.addi %add3A_64, %add3A_708 : vector<16xi32>
          tpu.vector_store_idx %arg10[%add3A_716], %gather3A_715 : memref<16384xf32, #tpu.memory_space<vmem>>[vector<16xi32>], vector<16xf32>,
          %add3A_717 = arith.constant 8 : i32
          %add3A_718 = vector.broadcast %add3A_717 : i32 to vector<16xi32>
          %add3A_719 = arith.addi %iota3A, %add3A_718 : vector<16xi32>
          %and3A_720 = arith.constant 15 : i32
          %and3A_721 = vector.broadcast %and3A_720 : i32 to vector<16xi32>
          %and3A_722 = arith.andi %add3A_719, %and3A_721 : vector<16xi32>
          %add3A_723 = vector.broadcast %mul3A_566 : i32 to vector<16xi32>
          %add3A_724 = arith.addi %add3A_723, %and3A_722 : vector<16xi32>
          %add3A_725 = vector.broadcast %add3A_573 : i32 to vector<16xi32>
          %add3A_726 = arith.addi %add3A_725, %and3A_722 : vector<16xi32>
          %gather3A_727 = tpu.vector_load_idx %arg8[%add3A_724, %add3A_5] : memref<256x64xf32, #tpu.memory_space<vmem>>[vector<16xi32>, vector<16xi32>], vector<16xf32>,
          %add3A_728 = arith.addi %add3A_16, %add3A_726 : vector<16xi32>
          tpu.vector_store_idx %arg10[%add3A_728], %gather3A_727 : memref<16384xf32, #tpu.memory_space<vmem>>[vector<16xi32>], vector<16xf32>,
          %gather3A_729 = tpu.vector_load_idx %arg8[%add3A_724, %add3A_19] : memref<256x64xf32, #tpu.memory_space<vmem>>[vector<16xi32>, vector<16xi32>], vector<16xf32>,
          %add3A_730 = arith.addi %add3A_32, %add3A_726 : vector<16xi32>
          tpu.vector_store_idx %arg10[%add3A_730], %gather3A_729 : memref<16384xf32, #tpu.memory_space<vmem>>[vector<16xi32>], vector<16xf32>,
          %gather3A_731 = tpu.vector_load_idx %arg8[%add3A_724, %add3A_35] : memref<256x64xf32, #tpu.memory_space<vmem>>[vector<16xi32>, vector<16xi32>], vector<16xf32>,
          %add3A_732 = arith.addi %add3A_48, %add3A_726 : vector<16xi32>
          tpu.vector_store_idx %arg10[%add3A_732], %gather3A_731 : memref<16384xf32, #tpu.memory_space<vmem>>[vector<16xi32>], vector<16xf32>,
          %gather3A_733 = tpu.vector_load_idx %arg8[%add3A_724, %add3A_51] : memref<256x64xf32, #tpu.memory_space<vmem>>[vector<16xi32>, vector<16xi32>], vector<16xf32>,
          %add3A_734 = arith.addi %add3A_64, %add3A_726 : vector<16xi32>
          tpu.vector_store_idx %arg10[%add3A_734], %gather3A_733 : memref<16384xf32, #tpu.memory_space<vmem>>[vector<16xi32>], vector<16xf32>,
          %add3A_735 = arith.constant 9 : i32
          %add3A_736 = vector.broadcast %add3A_735 : i32 to vector<16xi32>
          %add3A_737 = arith.addi %iota3A, %add3A_736 : vector<16xi32>
          %and3A_738 = arith.constant 15 : i32
          %and3A_739 = vector.broadcast %and3A_738 : i32 to vector<16xi32>
          %and3A_740 = arith.andi %add3A_737, %and3A_739 : vector<16xi32>
          %add3A_741 = vector.broadcast %mul3A_566 : i32 to vector<16xi32>
          %add3A_742 = arith.addi %add3A_741, %and3A_740 : vector<16xi32>
          %add3A_743 = vector.broadcast %add3A_573 : i32 to vector<16xi32>
          %add3A_744 = arith.addi %add3A_743, %and3A_740 : vector<16xi32>
          %gather3A_745 = tpu.vector_load_idx %arg8[%add3A_742, %add3A_5] : memref<256x64xf32, #tpu.memory_space<vmem>>[vector<16xi32>, vector<16xi32>], vector<16xf32>,
          %add3A_746 = arith.addi %add3A_16, %add3A_744 : vector<16xi32>
          tpu.vector_store_idx %arg10[%add3A_746], %gather3A_745 : memref<16384xf32, #tpu.memory_space<vmem>>[vector<16xi32>], vector<16xf32>,
          %gather3A_747 = tpu.vector_load_idx %arg8[%add3A_742, %add3A_19] : memref<256x64xf32, #tpu.memory_space<vmem>>[vector<16xi32>, vector<16xi32>], vector<16xf32>,
          %add3A_748 = arith.addi %add3A_32, %add3A_744 : vector<16xi32>
          tpu.vector_store_idx %arg10[%add3A_748], %gather3A_747 : memref<16384xf32, #tpu.memory_space<vmem>>[vector<16xi32>], vector<16xf32>,
          %gather3A_749 = tpu.vector_load_idx %arg8[%add3A_742, %add3A_35] : memref<256x64xf32, #tpu.memory_space<vmem>>[vector<16xi32>, vector<16xi32>], vector<16xf32>,
          %add3A_750 = arith.addi %add3A_48, %add3A_744 : vector<16xi32>
          tpu.vector_store_idx %arg10[%add3A_750], %gather3A_749 : memref<16384xf32, #tpu.memory_space<vmem>>[vector<16xi32>], vector<16xf32>,
          %gather3A_751 = tpu.vector_load_idx %arg8[%add3A_742, %add3A_51] : memref<256x64xf32, #tpu.memory_space<vmem>>[vector<16xi32>, vector<16xi32>], vector<16xf32>,
          %add3A_752 = arith.addi %add3A_64, %add3A_744 : vector<16xi32>
          tpu.vector_store_idx %arg10[%add3A_752], %gather3A_751 : memref<16384xf32, #tpu.memory_space<vmem>>[vector<16xi32>], vector<16xf32>,
          %add3A_753 = arith.constant 10 : i32
          %add3A_754 = vector.broadcast %add3A_753 : i32 to vector<16xi32>
          %add3A_755 = arith.addi %iota3A, %add3A_754 : vector<16xi32>
          %and3A_756 = arith.constant 15 : i32
          %and3A_757 = vector.broadcast %and3A_756 : i32 to vector<16xi32>
          %and3A_758 = arith.andi %add3A_755, %and3A_757 : vector<16xi32>
          %add3A_759 = vector.broadcast %mul3A_566 : i32 to vector<16xi32>
          %add3A_760 = arith.addi %add3A_759, %and3A_758 : vector<16xi32>
          %add3A_761 = vector.broadcast %add3A_573 : i32 to vector<16xi32>
          %add3A_762 = arith.addi %add3A_761, %and3A_758 : vector<16xi32>
          %gather3A_763 = tpu.vector_load_idx %arg8[%add3A_760, %add3A_5] : memref<256x64xf32, #tpu.memory_space<vmem>>[vector<16xi32>, vector<16xi32>], vector<16xf32>,
          %add3A_764 = arith.addi %add3A_16, %add3A_762 : vector<16xi32>
          tpu.vector_store_idx %arg10[%add3A_764], %gather3A_763 : memref<16384xf32, #tpu.memory_space<vmem>>[vector<16xi32>], vector<16xf32>,
          %gather3A_765 = tpu.vector_load_idx %arg8[%add3A_760, %add3A_19] : memref<256x64xf32, #tpu.memory_space<vmem>>[vector<16xi32>, vector<16xi32>], vector<16xf32>,
          %add3A_766 = arith.addi %add3A_32, %add3A_762 : vector<16xi32>
          tpu.vector_store_idx %arg10[%add3A_766], %gather3A_765 : memref<16384xf32, #tpu.memory_space<vmem>>[vector<16xi32>], vector<16xf32>,
          %gather3A_767 = tpu.vector_load_idx %arg8[%add3A_760, %add3A_35] : memref<256x64xf32, #tpu.memory_space<vmem>>[vector<16xi32>, vector<16xi32>], vector<16xf32>,
          %add3A_768 = arith.addi %add3A_48, %add3A_762 : vector<16xi32>
          tpu.vector_store_idx %arg10[%add3A_768], %gather3A_767 : memref<16384xf32, #tpu.memory_space<vmem>>[vector<16xi32>], vector<16xf32>,
          %gather3A_769 = tpu.vector_load_idx %arg8[%add3A_760, %add3A_51] : memref<256x64xf32, #tpu.memory_space<vmem>>[vector<16xi32>, vector<16xi32>], vector<16xf32>,
          %add3A_770 = arith.addi %add3A_64, %add3A_762 : vector<16xi32>
          tpu.vector_store_idx %arg10[%add3A_770], %gather3A_769 : memref<16384xf32, #tpu.memory_space<vmem>>[vector<16xi32>], vector<16xf32>,
          %add3A_771 = arith.constant 11 : i32
          %add3A_772 = vector.broadcast %add3A_771 : i32 to vector<16xi32>
          %add3A_773 = arith.addi %iota3A, %add3A_772 : vector<16xi32>
          %and3A_774 = arith.constant 15 : i32
          %and3A_775 = vector.broadcast %and3A_774 : i32 to vector<16xi32>
          %and3A_776 = arith.andi %add3A_773, %and3A_775 : vector<16xi32>
          %add3A_777 = vector.broadcast %mul3A_566 : i32 to vector<16xi32>
          %add3A_778 = arith.addi %add3A_777, %and3A_776 : vector<16xi32>
          %add3A_779 = vector.broadcast %add3A_573 : i32 to vector<16xi32>
          %add3A_780 = arith.addi %add3A_779, %and3A_776 : vector<16xi32>
          %gather3A_781 = tpu.vector_load_idx %arg8[%add3A_778, %add3A_5] : memref<256x64xf32, #tpu.memory_space<vmem>>[vector<16xi32>, vector<16xi32>], vector<16xf32>,
          %add3A_782 = arith.addi %add3A_16, %add3A_780 : vector<16xi32>
          tpu.vector_store_idx %arg10[%add3A_782], %gather3A_781 : memref<16384xf32, #tpu.memory_space<vmem>>[vector<16xi32>], vector<16xf32>,
          %gather3A_783 = tpu.vector_load_idx %arg8[%add3A_778, %add3A_19] : memref<256x64xf32, #tpu.memory_space<vmem>>[vector<16xi32>, vector<16xi32>], vector<16xf32>,
          %add3A_784 = arith.addi %add3A_32, %add3A_780 : vector<16xi32>
          tpu.vector_store_idx %arg10[%add3A_784], %gather3A_783 : memref<16384xf32, #tpu.memory_space<vmem>>[vector<16xi32>], vector<16xf32>,
          %gather3A_785 = tpu.vector_load_idx %arg8[%add3A_778, %add3A_35] : memref<256x64xf32, #tpu.memory_space<vmem>>[vector<16xi32>, vector<16xi32>], vector<16xf32>,
          %add3A_786 = arith.addi %add3A_48, %add3A_780 : vector<16xi32>
          tpu.vector_store_idx %arg10[%add3A_786], %gather3A_785 : memref<16384xf32, #tpu.memory_space<vmem>>[vector<16xi32>], vector<16xf32>,
          %gather3A_787 = tpu.vector_load_idx %arg8[%add3A_778, %add3A_51] : memref<256x64xf32, #tpu.memory_space<vmem>>[vector<16xi32>, vector<16xi32>], vector<16xf32>,
          %add3A_788 = arith.addi %add3A_64, %add3A_780 : vector<16xi32>
          tpu.vector_store_idx %arg10[%add3A_788], %gather3A_787 : memref<16384xf32, #tpu.memory_space<vmem>>[vector<16xi32>], vector<16xf32>,
          %add3A_789 = arith.constant 12 : i32
          %add3A_790 = vector.broadcast %add3A_789 : i32 to vector<16xi32>
          %add3A_791 = arith.addi %iota3A, %add3A_790 : vector<16xi32>
          %and3A_792 = arith.constant 15 : i32
          %and3A_793 = vector.broadcast %and3A_792 : i32 to vector<16xi32>
          %and3A_794 = arith.andi %add3A_791, %and3A_793 : vector<16xi32>
          %add3A_795 = vector.broadcast %mul3A_566 : i32 to vector<16xi32>
          %add3A_796 = arith.addi %add3A_795, %and3A_794 : vector<16xi32>
          %add3A_797 = vector.broadcast %add3A_573 : i32 to vector<16xi32>
          %add3A_798 = arith.addi %add3A_797, %and3A_794 : vector<16xi32>
          %gather3A_799 = tpu.vector_load_idx %arg8[%add3A_796, %add3A_5] : memref<256x64xf32, #tpu.memory_space<vmem>>[vector<16xi32>, vector<16xi32>], vector<16xf32>,
          %add3A_800 = arith.addi %add3A_16, %add3A_798 : vector<16xi32>
          tpu.vector_store_idx %arg10[%add3A_800], %gather3A_799 : memref<16384xf32, #tpu.memory_space<vmem>>[vector<16xi32>], vector<16xf32>,
          %gather3A_801 = tpu.vector_load_idx %arg8[%add3A_796, %add3A_19] : memref<256x64xf32, #tpu.memory_space<vmem>>[vector<16xi32>, vector<16xi32>], vector<16xf32>,
          %add3A_802 = arith.addi %add3A_32, %add3A_798 : vector<16xi32>
          tpu.vector_store_idx %arg10[%add3A_802], %gather3A_801 : memref<16384xf32, #tpu.memory_space<vmem>>[vector<16xi32>], vector<16xf32>,
          %gather3A_803 = tpu.vector_load_idx %arg8[%add3A_796, %add3A_35] : memref<256x64xf32, #tpu.memory_space<vmem>>[vector<16xi32>, vector<16xi32>], vector<16xf32>,
          %add3A_804 = arith.addi %add3A_48, %add3A_798 : vector<16xi32>
          tpu.vector_store_idx %arg10[%add3A_804], %gather3A_803 : memref<16384xf32, #tpu.memory_space<vmem>>[vector<16xi32>], vector<16xf32>,
          %gather3A_805 = tpu.vector_load_idx %arg8[%add3A_796, %add3A_51] : memref<256x64xf32, #tpu.memory_space<vmem>>[vector<16xi32>, vector<16xi32>], vector<16xf32>,
          %add3A_806 = arith.addi %add3A_64, %add3A_798 : vector<16xi32>
          tpu.vector_store_idx %arg10[%add3A_806], %gather3A_805 : memref<16384xf32, #tpu.memory_space<vmem>>[vector<16xi32>], vector<16xf32>,
          %add3A_807 = arith.constant 13 : i32
          %add3A_808 = vector.broadcast %add3A_807 : i32 to vector<16xi32>
          %add3A_809 = arith.addi %iota3A, %add3A_808 : vector<16xi32>
          %and3A_810 = arith.constant 15 : i32
          %and3A_811 = vector.broadcast %and3A_810 : i32 to vector<16xi32>
          %and3A_812 = arith.andi %add3A_809, %and3A_811 : vector<16xi32>
          %add3A_813 = vector.broadcast %mul3A_566 : i32 to vector<16xi32>
          %add3A_814 = arith.addi %add3A_813, %and3A_812 : vector<16xi32>
          %add3A_815 = vector.broadcast %add3A_573 : i32 to vector<16xi32>
          %add3A_816 = arith.addi %add3A_815, %and3A_812 : vector<16xi32>
          %gather3A_817 = tpu.vector_load_idx %arg8[%add3A_814, %add3A_5] : memref<256x64xf32, #tpu.memory_space<vmem>>[vector<16xi32>, vector<16xi32>], vector<16xf32>,
          %add3A_818 = arith.addi %add3A_16, %add3A_816 : vector<16xi32>
          tpu.vector_store_idx %arg10[%add3A_818], %gather3A_817 : memref<16384xf32, #tpu.memory_space<vmem>>[vector<16xi32>], vector<16xf32>,
          %gather3A_819 = tpu.vector_load_idx %arg8[%add3A_814, %add3A_19] : memref<256x64xf32, #tpu.memory_space<vmem>>[vector<16xi32>, vector<16xi32>], vector<16xf32>,
          %add3A_820 = arith.addi %add3A_32, %add3A_816 : vector<16xi32>
          tpu.vector_store_idx %arg10[%add3A_820], %gather3A_819 : memref<16384xf32, #tpu.memory_space<vmem>>[vector<16xi32>], vector<16xf32>,
          %gather3A_821 = tpu.vector_load_idx %arg8[%add3A_814, %add3A_35] : memref<256x64xf32, #tpu.memory_space<vmem>>[vector<16xi32>, vector<16xi32>], vector<16xf32>,
          %add3A_822 = arith.addi %add3A_48, %add3A_816 : vector<16xi32>
          tpu.vector_store_idx %arg10[%add3A_822], %gather3A_821 : memref<16384xf32, #tpu.memory_space<vmem>>[vector<16xi32>], vector<16xf32>,
          %gather3A_823 = tpu.vector_load_idx %arg8[%add3A_814, %add3A_51] : memref<256x64xf32, #tpu.memory_space<vmem>>[vector<16xi32>, vector<16xi32>], vector<16xf32>,
          %add3A_824 = arith.addi %add3A_64, %add3A_816 : vector<16xi32>
          tpu.vector_store_idx %arg10[%add3A_824], %gather3A_823 : memref<16384xf32, #tpu.memory_space<vmem>>[vector<16xi32>], vector<16xf32>,
          %add3A_825 = arith.constant 14 : i32
          %add3A_826 = vector.broadcast %add3A_825 : i32 to vector<16xi32>
          %add3A_827 = arith.addi %iota3A, %add3A_826 : vector<16xi32>
          %and3A_828 = arith.constant 15 : i32
          %and3A_829 = vector.broadcast %and3A_828 : i32 to vector<16xi32>
          %and3A_830 = arith.andi %add3A_827, %and3A_829 : vector<16xi32>
          %add3A_831 = vector.broadcast %mul3A_566 : i32 to vector<16xi32>
          %add3A_832 = arith.addi %add3A_831, %and3A_830 : vector<16xi32>
          %add3A_833 = vector.broadcast %add3A_573 : i32 to vector<16xi32>
          %add3A_834 = arith.addi %add3A_833, %and3A_830 : vector<16xi32>
          %gather3A_835 = tpu.vector_load_idx %arg8[%add3A_832, %add3A_5] : memref<256x64xf32, #tpu.memory_space<vmem>>[vector<16xi32>, vector<16xi32>], vector<16xf32>,
          %add3A_836 = arith.addi %add3A_16, %add3A_834 : vector<16xi32>
          tpu.vector_store_idx %arg10[%add3A_836], %gather3A_835 : memref<16384xf32, #tpu.memory_space<vmem>>[vector<16xi32>], vector<16xf32>,
          %gather3A_837 = tpu.vector_load_idx %arg8[%add3A_832, %add3A_19] : memref<256x64xf32, #tpu.memory_space<vmem>>[vector<16xi32>, vector<16xi32>], vector<16xf32>,
          %add3A_838 = arith.addi %add3A_32, %add3A_834 : vector<16xi32>
          tpu.vector_store_idx %arg10[%add3A_838], %gather3A_837 : memref<16384xf32, #tpu.memory_space<vmem>>[vector<16xi32>], vector<16xf32>,
          %gather3A_839 = tpu.vector_load_idx %arg8[%add3A_832, %add3A_35] : memref<256x64xf32, #tpu.memory_space<vmem>>[vector<16xi32>, vector<16xi32>], vector<16xf32>,
          %add3A_840 = arith.addi %add3A_48, %add3A_834 : vector<16xi32>
          tpu.vector_store_idx %arg10[%add3A_840], %gather3A_839 : memref<16384xf32, #tpu.memory_space<vmem>>[vector<16xi32>], vector<16xf32>,
          %gather3A_841 = tpu.vector_load_idx %arg8[%add3A_832, %add3A_51] : memref<256x64xf32, #tpu.memory_space<vmem>>[vector<16xi32>, vector<16xi32>], vector<16xf32>,
          %add3A_842 = arith.addi %add3A_64, %add3A_834 : vector<16xi32>
          tpu.vector_store_idx %arg10[%add3A_842], %gather3A_841 : memref<16384xf32, #tpu.memory_space<vmem>>[vector<16xi32>], vector<16xf32>,
          %add3A_843 = arith.constant 15 : i32
          %add3A_844 = vector.broadcast %add3A_843 : i32 to vector<16xi32>
          %add3A_845 = arith.addi %iota3A, %add3A_844 : vector<16xi32>
          %and3A_846 = arith.constant 15 : i32
          %and3A_847 = vector.broadcast %and3A_846 : i32 to vector<16xi32>
          %and3A_848 = arith.andi %add3A_845, %and3A_847 : vector<16xi32>
          %add3A_849 = vector.broadcast %mul3A_566 : i32 to vector<16xi32>
          %add3A_850 = arith.addi %add3A_849, %and3A_848 : vector<16xi32>
          %add3A_851 = vector.broadcast %add3A_573 : i32 to vector<16xi32>
          %add3A_852 = arith.addi %add3A_851, %and3A_848 : vector<16xi32>
          %gather3A_853 = tpu.vector_load_idx %arg8[%add3A_850, %add3A_5] : memref<256x64xf32, #tpu.memory_space<vmem>>[vector<16xi32>, vector<16xi32>], vector<16xf32>,
          %add3A_854 = arith.addi %add3A_16, %add3A_852 : vector<16xi32>
          tpu.vector_store_idx %arg10[%add3A_854], %gather3A_853 : memref<16384xf32, #tpu.memory_space<vmem>>[vector<16xi32>], vector<16xf32>,
          %gather3A_855 = tpu.vector_load_idx %arg8[%add3A_850, %add3A_19] : memref<256x64xf32, #tpu.memory_space<vmem>>[vector<16xi32>, vector<16xi32>], vector<16xf32>,
          %add3A_856 = arith.addi %add3A_32, %add3A_852 : vector<16xi32>
          tpu.vector_store_idx %arg10[%add3A_856], %gather3A_855 : memref<16384xf32, #tpu.memory_space<vmem>>[vector<16xi32>], vector<16xf32>,
          %gather3A_857 = tpu.vector_load_idx %arg8[%add3A_850, %add3A_35] : memref<256x64xf32, #tpu.memory_space<vmem>>[vector<16xi32>, vector<16xi32>], vector<16xf32>,
          %add3A_858 = arith.addi %add3A_48, %add3A_852 : vector<16xi32>
          tpu.vector_store_idx %arg10[%add3A_858], %gather3A_857 : memref<16384xf32, #tpu.memory_space<vmem>>[vector<16xi32>], vector<16xf32>,
          %gather3A_859 = tpu.vector_load_idx %arg8[%add3A_850, %add3A_51] : memref<256x64xf32, #tpu.memory_space<vmem>>[vector<16xi32>, vector<16xi32>], vector<16xf32>,
          %add3A_860 = arith.addi %add3A_64, %add3A_852 : vector<16xi32>
          tpu.vector_store_idx %arg10[%add3A_860], %gather3A_859 : memref<16384xf32, #tpu.memory_space<vmem>>[vector<16xi32>], vector<16xf32>,
        }
        %scan3A_400 = arith.constant 16 : i32
        %add3A_401 = arith.addi %mul3A_2, %scan3A_312 : i32
        %mul3A_402 = arith.constant 2 : i32
        %mul3A_403 = arith.muli %add3A_401, %mul3A_402 : i32
        %jit3A_404 = arith.constant 128 : i32
        %div3A_405 = arith.divsi %mul3A_403, %jit3A_404 : i32
        %sign3A_406 = arith.constant 0 : i32
        %sign3A_407 = arith.cmpi sgt, %mul3A_403, %sign3A_406 : i32
        %sign3A_408 = arith.extui %sign3A_407 : i1 to i32
        %sign3A_409 = arith.constant 0 : i32
        %sign3A_410 = arith.cmpi slt, %mul3A_403, %sign3A_409 : i32
        %sign3A_411 = arith.extui %sign3A_410 : i1 to i32
        %sign3A_412 = arith.subi %sign3A_408, %sign3A_411 : i32
        %sign3A_413 = arith.constant 0 : i32
        %sign3A_414 = arith.cmpi sgt, %jit3A_404, %sign3A_413 : i32
        %sign3A_415 = arith.extui %sign3A_414 : i1 to i32
        %sign3A_416 = arith.constant 0 : i32
        %sign3A_417 = arith.cmpi slt, %jit3A_404, %sign3A_416 : i32
        %sign3A_418 = arith.extui %sign3A_417 : i1 to i32
        %sign3A_419 = arith.subi %sign3A_415, %sign3A_418 : i32
        %ne3A_420 = arith.cmpi ne, %sign3A_412, %sign3A_419 : i32
        %rem3A_421 = arith.remsi %mul3A_403, %jit3A_404 : i32
        %ne3A_422 = arith.constant 0 : i32
        %ne3A_423 = arith.cmpi ne, %rem3A_421, %ne3A_422 : i32
        %and3A_424 = arith.andi %ne3A_420, %ne3A_423 : i1
        %sub3A_425 = arith.constant 1 : i32
        %sub3A_426 = arith.subi %div3A_405, %sub3A_425 : i32
        %select_n3A_427 = arith.select %and3A_424, %sub3A_426, %div3A_405 : i32
        %jit3A_428 = arith.constant 128 : i32
        %eq3A_429 = arith.constant 0 : i32
        %eq3A_430 = arith.cmpi eq, %jit3A_428, %eq3A_429 : i32
        %jit3A_431 = arith.constant 1 : i32
        %select_n3A_432 = arith.select %eq3A_430, %jit3A_431, %jit3A_428 : i32
        %rem3A_433 = arith.remsi %mul3A_403, %select_n3A_432 : i32
        %ne3A_434 = arith.constant 0 : i32
        %ne3A_435 = arith.cmpi ne, %rem3A_433, %ne3A_434 : i32
        %lt3A_436 = arith.constant 0 : i32
        %lt3A_437 = arith.cmpi slt, %rem3A_433, %lt3A_436 : i32
        %lt3A_438 = arith.constant 0 : i32
        %lt3A_439 = arith.cmpi slt, %select_n3A_432, %lt3A_438 : i32
        %ne3A_440 = arith.xori %lt3A_437, %lt3A_439 : i1
        %and3A_441 = arith.andi %ne3A_440, %ne3A_435 : i1
        %add3A_442 = arith.addi %rem3A_433, %select_n3A_432 : i32
        %select_n3A_443 = arith.select %and3A_441, %add3A_442, %rem3A_433 : i32
        %mul3A_444 = arith.constant 8 : i32
        %mul3A_445 = arith.muli %select_n3A_427, %mul3A_444 : i32
        %add3A_446 = arith.constant 0 : i32
        %add3A_447 = arith.addi %mul3A_445, %add3A_446 : i32
        %mul3A_448 = arith.constant 128 : i32
        %mul3A_449 = arith.muli %add3A_447, %mul3A_448 : i32
        %add3A_450 = arith.addi %mul3A_449, %select_n3A_443 : i32
        %mul3A_451 = arith.constant 1024 : i32
        %mul3A_452 = arith.muli %add3A_450, %mul3A_451 : i32
        %dma_start3A_453 = arith.constant 0 : i32
        %dma_start3A_454 = tpu.memref_slice %arg10[%dma_start3A_453] : memref<16384xf32, #tpu.memory_space<vmem>> -> memref<2048xf32, #tpu.memory_space<vmem>>
        %dma_start3A_455 = tpu.memref_slice %arg4[%mul3A_452] : memref<52428800xf32, #tpu.memory_space<hbm>> -> memref<2048xf32, #tpu.memory_space<hbm>>
        %dma_start3A_456 = tpu.memref_slice %arg4[%mul3A_452] : memref<52428800xf32, #tpu.memory_space<hbm>> -> memref<2048xf32, #tpu.memory_space<hbm>>
        %dma_start3A_457 = arith.constant 0 : i32
        %dma_start3A_458 = tpu.memref_slice %arg10[%dma_start3A_457] : memref<16384xf32, #tpu.memory_space<vmem>> -> memref<2048xf32, #tpu.memory_space<vmem>>
        tpu.enqueue_dma source(%dma_start3A_458 : memref<2048xf32, #tpu.memory_space<vmem>>) target(%dma_start3A_456 : memref<2048xf32, #tpu.memory_space<hbm>>) target_semaphore(%arg16 : memref<!tpu.dma_semaphore, #tpu.memory_space<semaphore_mem>>)
        %mul3A_459 = arith.constant 8 : i32
        %mul3A_460 = arith.muli %select_n3A_427, %mul3A_459 : i32
        %add3A_461 = arith.constant 1 : i32
        %add3A_462 = arith.addi %mul3A_460, %add3A_461 : i32
        %mul3A_463 = arith.constant 128 : i32
        %mul3A_464 = arith.muli %add3A_462, %mul3A_463 : i32
        %add3A_465 = arith.addi %mul3A_464, %select_n3A_443 : i32
        %mul3A_466 = arith.constant 1024 : i32
        %mul3A_467 = arith.muli %add3A_465, %mul3A_466 : i32
        %dma_start3A_468 = arith.constant 2048 : i32
        %dma_start3A_469 = tpu.memref_slice %arg10[%dma_start3A_468] : memref<16384xf32, #tpu.memory_space<vmem>> -> memref<2048xf32, #tpu.memory_space<vmem>>
        %dma_start3A_470 = tpu.memref_slice %arg4[%mul3A_467] : memref<52428800xf32, #tpu.memory_space<hbm>> -> memref<2048xf32, #tpu.memory_space<hbm>>
        %dma_start3A_471 = tpu.memref_slice %arg4[%mul3A_467] : memref<52428800xf32, #tpu.memory_space<hbm>> -> memref<2048xf32, #tpu.memory_space<hbm>>
        %dma_start3A_472 = arith.constant 2048 : i32
        %dma_start3A_473 = tpu.memref_slice %arg10[%dma_start3A_472] : memref<16384xf32, #tpu.memory_space<vmem>> -> memref<2048xf32, #tpu.memory_space<vmem>>
        tpu.enqueue_dma source(%dma_start3A_473 : memref<2048xf32, #tpu.memory_space<vmem>>) target(%dma_start3A_471 : memref<2048xf32, #tpu.memory_space<hbm>>) target_semaphore(%arg16 : memref<!tpu.dma_semaphore, #tpu.memory_space<semaphore_mem>>)
        %mul3A_474 = arith.constant 8 : i32
        %mul3A_475 = arith.muli %select_n3A_427, %mul3A_474 : i32
        %add3A_476 = arith.constant 2 : i32
        %add3A_477 = arith.addi %mul3A_475, %add3A_476 : i32
        %mul3A_478 = arith.constant 128 : i32
        %mul3A_479 = arith.muli %add3A_477, %mul3A_478 : i32
        %add3A_480 = arith.addi %mul3A_479, %select_n3A_443 : i32
        %mul3A_481 = arith.constant 1024 : i32
        %mul3A_482 = arith.muli %add3A_480, %mul3A_481 : i32
        %dma_start3A_483 = arith.constant 4096 : i32
        %dma_start3A_484 = tpu.memref_slice %arg10[%dma_start3A_483] : memref<16384xf32, #tpu.memory_space<vmem>> -> memref<2048xf32, #tpu.memory_space<vmem>>
        %dma_start3A_485 = tpu.memref_slice %arg4[%mul3A_482] : memref<52428800xf32, #tpu.memory_space<hbm>> -> memref<2048xf32, #tpu.memory_space<hbm>>
        %dma_start3A_486 = tpu.memref_slice %arg4[%mul3A_482] : memref<52428800xf32, #tpu.memory_space<hbm>> -> memref<2048xf32, #tpu.memory_space<hbm>>
        %dma_start3A_487 = arith.constant 4096 : i32
        %dma_start3A_488 = tpu.memref_slice %arg10[%dma_start3A_487] : memref<16384xf32, #tpu.memory_space<vmem>> -> memref<2048xf32, #tpu.memory_space<vmem>>
        tpu.enqueue_dma source(%dma_start3A_488 : memref<2048xf32, #tpu.memory_space<vmem>>) target(%dma_start3A_486 : memref<2048xf32, #tpu.memory_space<hbm>>) target_semaphore(%arg16 : memref<!tpu.dma_semaphore, #tpu.memory_space<semaphore_mem>>)
        %mul3A_489 = arith.constant 8 : i32
        %mul3A_490 = arith.muli %select_n3A_427, %mul3A_489 : i32
        %add3A_491 = arith.constant 3 : i32
        %add3A_492 = arith.addi %mul3A_490, %add3A_491 : i32
        %mul3A_493 = arith.constant 128 : i32
        %mul3A_494 = arith.muli %add3A_492, %mul3A_493 : i32
        %add3A_495 = arith.addi %mul3A_494, %select_n3A_443 : i32
        %mul3A_496 = arith.constant 1024 : i32
        %mul3A_497 = arith.muli %add3A_495, %mul3A_496 : i32
        %dma_start3A_498 = arith.constant 6144 : i32
        %dma_start3A_499 = tpu.memref_slice %arg10[%dma_start3A_498] : memref<16384xf32, #tpu.memory_space<vmem>> -> memref<2048xf32, #tpu.memory_space<vmem>>
        %dma_start3A_500 = tpu.memref_slice %arg4[%mul3A_497] : memref<52428800xf32, #tpu.memory_space<hbm>> -> memref<2048xf32, #tpu.memory_space<hbm>>
        %dma_start3A_501 = tpu.memref_slice %arg4[%mul3A_497] : memref<52428800xf32, #tpu.memory_space<hbm>> -> memref<2048xf32, #tpu.memory_space<hbm>>
        %dma_start3A_502 = arith.constant 6144 : i32
        %dma_start3A_503 = tpu.memref_slice %arg10[%dma_start3A_502] : memref<16384xf32, #tpu.memory_space<vmem>> -> memref<2048xf32, #tpu.memory_space<vmem>>
        tpu.enqueue_dma source(%dma_start3A_503 : memref<2048xf32, #tpu.memory_space<vmem>>) target(%dma_start3A_501 : memref<2048xf32, #tpu.memory_space<hbm>>) target_semaphore(%arg16 : memref<!tpu.dma_semaphore, #tpu.memory_space<semaphore_mem>>)
        %mul3A_504 = arith.constant 8 : i32
        %mul3A_505 = arith.muli %select_n3A_427, %mul3A_504 : i32
        %add3A_506 = arith.constant 4 : i32
        %add3A_507 = arith.addi %mul3A_505, %add3A_506 : i32
        %mul3A_508 = arith.constant 128 : i32
        %mul3A_509 = arith.muli %add3A_507, %mul3A_508 : i32
        %add3A_510 = arith.addi %mul3A_509, %select_n3A_443 : i32
        %mul3A_511 = arith.constant 1024 : i32
        %mul3A_512 = arith.muli %add3A_510, %mul3A_511 : i32
        %dma_start3A_513 = arith.constant 8192 : i32
        %dma_start3A_514 = tpu.memref_slice %arg10[%dma_start3A_513] : memref<16384xf32, #tpu.memory_space<vmem>> -> memref<2048xf32, #tpu.memory_space<vmem>>
        %dma_start3A_515 = tpu.memref_slice %arg4[%mul3A_512] : memref<52428800xf32, #tpu.memory_space<hbm>> -> memref<2048xf32, #tpu.memory_space<hbm>>
        %dma_start3A_516 = tpu.memref_slice %arg4[%mul3A_512] : memref<52428800xf32, #tpu.memory_space<hbm>> -> memref<2048xf32, #tpu.memory_space<hbm>>
        %dma_start3A_517 = arith.constant 8192 : i32
        %dma_start3A_518 = tpu.memref_slice %arg10[%dma_start3A_517] : memref<16384xf32, #tpu.memory_space<vmem>> -> memref<2048xf32, #tpu.memory_space<vmem>>
        tpu.enqueue_dma source(%dma_start3A_518 : memref<2048xf32, #tpu.memory_space<vmem>>) target(%dma_start3A_516 : memref<2048xf32, #tpu.memory_space<hbm>>) target_semaphore(%arg16 : memref<!tpu.dma_semaphore, #tpu.memory_space<semaphore_mem>>)
        %mul3A_519 = arith.constant 8 : i32
        %mul3A_520 = arith.muli %select_n3A_427, %mul3A_519 : i32
        %add3A_521 = arith.constant 5 : i32
        %add3A_522 = arith.addi %mul3A_520, %add3A_521 : i32
        %mul3A_523 = arith.constant 128 : i32
        %mul3A_524 = arith.muli %add3A_522, %mul3A_523 : i32
        %add3A_525 = arith.addi %mul3A_524, %select_n3A_443 : i32
        %mul3A_526 = arith.constant 1024 : i32
        %mul3A_527 = arith.muli %add3A_525, %mul3A_526 : i32
        %dma_start3A_528 = arith.constant 10240 : i32
        %dma_start3A_529 = tpu.memref_slice %arg10[%dma_start3A_528] : memref<16384xf32, #tpu.memory_space<vmem>> -> memref<2048xf32, #tpu.memory_space<vmem>>
        %dma_start3A_530 = tpu.memref_slice %arg4[%mul3A_527] : memref<52428800xf32, #tpu.memory_space<hbm>> -> memref<2048xf32, #tpu.memory_space<hbm>>
        %dma_start3A_531 = tpu.memref_slice %arg4[%mul3A_527] : memref<52428800xf32, #tpu.memory_space<hbm>> -> memref<2048xf32, #tpu.memory_space<hbm>>
        %dma_start3A_532 = arith.constant 10240 : i32
        %dma_start3A_533 = tpu.memref_slice %arg10[%dma_start3A_532] : memref<16384xf32, #tpu.memory_space<vmem>> -> memref<2048xf32, #tpu.memory_space<vmem>>
        tpu.enqueue_dma source(%dma_start3A_533 : memref<2048xf32, #tpu.memory_space<vmem>>) target(%dma_start3A_531 : memref<2048xf32, #tpu.memory_space<hbm>>) target_semaphore(%arg16 : memref<!tpu.dma_semaphore, #tpu.memory_space<semaphore_mem>>)
        %mul3A_534 = arith.constant 8 : i32
        %mul3A_535 = arith.muli %select_n3A_427, %mul3A_534 : i32
        %add3A_536 = arith.constant 6 : i32
        %add3A_537 = arith.addi %mul3A_535, %add3A_536 : i32
        %mul3A_538 = arith.constant 128 : i32
        %mul3A_539 = arith.muli %add3A_537, %mul3A_538 : i32
        %add3A_540 = arith.addi %mul3A_539, %select_n3A_443 : i32
        %mul3A_541 = arith.constant 1024 : i32
        %mul3A_542 = arith.muli %add3A_540, %mul3A_541 : i32
        %dma_start3A_543 = arith.constant 12288 : i32
        %dma_start3A_544 = tpu.memref_slice %arg10[%dma_start3A_543] : memref<16384xf32, #tpu.memory_space<vmem>> -> memref<2048xf32, #tpu.memory_space<vmem>>
        %dma_start3A_545 = tpu.memref_slice %arg4[%mul3A_542] : memref<52428800xf32, #tpu.memory_space<hbm>> -> memref<2048xf32, #tpu.memory_space<hbm>>
        %dma_start3A_546 = tpu.memref_slice %arg4[%mul3A_542] : memref<52428800xf32, #tpu.memory_space<hbm>> -> memref<2048xf32, #tpu.memory_space<hbm>>
        %dma_start3A_547 = arith.constant 12288 : i32
        %dma_start3A_548 = tpu.memref_slice %arg10[%dma_start3A_547] : memref<16384xf32, #tpu.memory_space<vmem>> -> memref<2048xf32, #tpu.memory_space<vmem>>
        tpu.enqueue_dma source(%dma_start3A_548 : memref<2048xf32, #tpu.memory_space<vmem>>) target(%dma_start3A_546 : memref<2048xf32, #tpu.memory_space<hbm>>) target_semaphore(%arg16 : memref<!tpu.dma_semaphore, #tpu.memory_space<semaphore_mem>>)
        %mul3A_549 = arith.constant 8 : i32
        %mul3A_550 = arith.muli %select_n3A_427, %mul3A_549 : i32
        %add3A_551 = arith.constant 7 : i32
        %add3A_552 = arith.addi %mul3A_550, %add3A_551 : i32
        %mul3A_553 = arith.constant 128 : i32
        %mul3A_554 = arith.muli %add3A_552, %mul3A_553 : i32
        %add3A_555 = arith.addi %mul3A_554, %select_n3A_443 : i32
        %mul3A_556 = arith.constant 1024 : i32
        %mul3A_557 = arith.muli %add3A_555, %mul3A_556 : i32
        %dma_start3A_558 = arith.constant 14336 : i32
        %dma_start3A_559 = tpu.memref_slice %arg10[%dma_start3A_558] : memref<16384xf32, #tpu.memory_space<vmem>> -> memref<2048xf32, #tpu.memory_space<vmem>>
        %dma_start3A_560 = tpu.memref_slice %arg4[%mul3A_557] : memref<52428800xf32, #tpu.memory_space<hbm>> -> memref<2048xf32, #tpu.memory_space<hbm>>
        %dma_start3A_561 = tpu.memref_slice %arg4[%mul3A_557] : memref<52428800xf32, #tpu.memory_space<hbm>> -> memref<2048xf32, #tpu.memory_space<hbm>>
        %dma_start3A_562 = arith.constant 14336 : i32
        %dma_start3A_563 = tpu.memref_slice %arg10[%dma_start3A_562] : memref<16384xf32, #tpu.memory_space<vmem>> -> memref<2048xf32, #tpu.memory_space<vmem>>
        tpu.enqueue_dma source(%dma_start3A_563 : memref<2048xf32, #tpu.memory_space<vmem>>) target(%dma_start3A_561 : memref<2048xf32, #tpu.memory_space<hbm>>) target_semaphore(%arg16 : memref<!tpu.dma_semaphore, #tpu.memory_space<semaphore_mem>>)
      } else {
      }
    }
    %scan3A_170 = arith.constant 100 : i32
    %dma_wait3A_171 = arith.constant 0 : i32
    %dma_wait3A_172 = arith.constant 0 : i32
    %dma_wait3A_173 = tpu.memref_slice %arg3[%dma_wait3A_171, %dma_wait3A_172] : memref<1000000x64xf32, #tpu.memory_space<hbm>> -> memref<256x64xf32, #tpu.memory_space<hbm>>
    %dma_wait3A_174 = arith.constant 0 : i32
    %dma_wait3A_175 = arith.constant 0 : i32
    %dma_wait3A_176 = tpu.memref_slice %arg3[%dma_wait3A_174, %dma_wait3A_175] : memref<1000000x64xf32, #tpu.memory_space<hbm>> -> memref<256x64xf32, #tpu.memory_space<hbm>>
    tpu.wait_dma2 semaphore(%arg13 : memref<!tpu.dma_semaphore, #tpu.memory_space<semaphore_mem>>) src(%dma_wait3A_176 : memref<256x64xf32, #tpu.memory_space<hbm>>) dst(%arg7 : memref<256x64xf32, #tpu.memory_space<vmem>>)
    %dma_wait3A_177 = arith.constant 0 : i32
    %dma_wait3A_178 = arith.constant 0 : i32
    %dma_wait3A_179 = tpu.memref_slice %arg2[%dma_wait3A_177, %dma_wait3A_178] : memref<50x16384xi32, #tpu.memory_space<hbm>> -> memref<1x256xi32, #tpu.memory_space<hbm>>
    %dma_wait3A_180 = tpu.memref_squeeze %dma_wait3A_179 : memref<1x256xi32, #tpu.memory_space<hbm>> -> memref<256xi32, #tpu.memory_space<hbm>>
    %dma_wait3A_181 = arith.constant 0 : i32
    %dma_wait3A_182 = tpu.memref_slice %arg2[%dma_wait3A_177, %dma_wait3A_181] : memref<50x16384xi32, #tpu.memory_space<hbm>> -> memref<1x256xi32, #tpu.memory_space<hbm>>
    %dma_wait3A_183 = tpu.memref_squeeze %dma_wait3A_182 : memref<1x256xi32, #tpu.memory_space<hbm>> -> memref<256xi32, #tpu.memory_space<hbm>>
    tpu.wait_dma2 semaphore(%arg12 : memref<!tpu.dma_semaphore, #tpu.memory_space<semaphore_mem>>) src(%dma_wait3A_183 : memref<256xi32, #tpu.memory_space<hbm>>) dst(%arg6 : memref<256xi32, #tpu.memory_space<vmem>>)
    %dma_wait3A_184 = arith.constant 0 : i32
    %dma_wait3A_185 = tpu.memref_slice %arg9[%dma_wait3A_184] : memref<16384xf32, #tpu.memory_space<vmem>> -> memref<2048xf32, #tpu.memory_space<vmem>>
    %dma_wait3A_186 = arith.constant 0 : i32
    %dma_wait3A_187 = tpu.memref_slice %arg4[%dma_wait3A_186] : memref<52428800xf32, #tpu.memory_space<hbm>> -> memref<2048xf32, #tpu.memory_space<hbm>>
    %dma_wait3A_188 = arith.constant 0 : i32
    %dma_wait3A_189 = tpu.memref_slice %arg4[%dma_wait3A_188] : memref<52428800xf32, #tpu.memory_space<hbm>> -> memref<2048xf32, #tpu.memory_space<hbm>>
    %dma_wait3A_190 = arith.constant 0 : i32
    %dma_wait3A_191 = tpu.memref_slice %arg9[%dma_wait3A_190] : memref<16384xf32, #tpu.memory_space<vmem>> -> memref<2048xf32, #tpu.memory_space<vmem>>
    tpu.wait_dma2 semaphore(%arg15 : memref<!tpu.dma_semaphore, #tpu.memory_space<semaphore_mem>>) src(%dma_wait3A_191 : memref<2048xf32, #tpu.memory_space<vmem>>) dst(%dma_wait3A_189 : memref<2048xf32, #tpu.memory_space<hbm>>)
    %dma_wait3A_192 = arith.constant 2048 : i32
    %dma_wait3A_193 = tpu.memref_slice %arg9[%dma_wait3A_192] : memref<16384xf32, #tpu.memory_space<vmem>> -> memref<2048xf32, #tpu.memory_space<vmem>>
    %dma_wait3A_194 = arith.constant 2048 : i32
    %dma_wait3A_195 = tpu.memref_slice %arg4[%dma_wait3A_194] : memref<52428800xf32, #tpu.memory_space<hbm>> -> memref<2048xf32, #tpu.memory_space<hbm>>
    %dma_wait3A_196 = arith.constant 2048 : i32
    %dma_wait3A_197 = tpu.memref_slice %arg4[%dma_wait3A_196] : memref<52428800xf32, #tpu.memory_space<hbm>> -> memref<2048xf32, #tpu.memory_space<hbm>>
    %dma_wait3A_198 = arith.constant 2048 : i32
    %dma_wait3A_199 = tpu.memref_slice %arg9[%dma_wait3A_198] : memref<16384xf32, #tpu.memory_space<vmem>> -> memref<2048xf32, #tpu.memory_space<vmem>>
    tpu.wait_dma2 semaphore(%arg15 : memref<!tpu.dma_semaphore, #tpu.memory_space<semaphore_mem>>) src(%dma_wait3A_199 : memref<2048xf32, #tpu.memory_space<vmem>>) dst(%dma_wait3A_197 : memref<2048xf32, #tpu.memory_space<hbm>>)
    %dma_wait3A_200 = arith.constant 4096 : i32
    %dma_wait3A_201 = tpu.memref_slice %arg9[%dma_wait3A_200] : memref<16384xf32, #tpu.memory_space<vmem>> -> memref<2048xf32, #tpu.memory_space<vmem>>
    %dma_wait3A_202 = arith.constant 4096 : i32
    %dma_wait3A_203 = tpu.memref_slice %arg4[%dma_wait3A_202] : memref<52428800xf32, #tpu.memory_space<hbm>> -> memref<2048xf32, #tpu.memory_space<hbm>>
    %dma_wait3A_204 = arith.constant 4096 : i32
    %dma_wait3A_205 = tpu.memref_slice %arg4[%dma_wait3A_204] : memref<52428800xf32, #tpu.memory_space<hbm>> -> memref<2048xf32, #tpu.memory_space<hbm>>
    %dma_wait3A_206 = arith.constant 4096 : i32
    %dma_wait3A_207 = tpu.memref_slice %arg9[%dma_wait3A_206] : memref<16384xf32, #tpu.memory_space<vmem>> -> memref<2048xf32, #tpu.memory_space<vmem>>
    tpu.wait_dma2 semaphore(%arg15 : memref<!tpu.dma_semaphore, #tpu.memory_space<semaphore_mem>>) src(%dma_wait3A_207 : memref<2048xf32, #tpu.memory_space<vmem>>) dst(%dma_wait3A_205 : memref<2048xf32, #tpu.memory_space<hbm>>)
    %dma_wait3A_208 = arith.constant 6144 : i32
    %dma_wait3A_209 = tpu.memref_slice %arg9[%dma_wait3A_208] : memref<16384xf32, #tpu.memory_space<vmem>> -> memref<2048xf32, #tpu.memory_space<vmem>>
    %dma_wait3A_210 = arith.constant 6144 : i32
    %dma_wait3A_211 = tpu.memref_slice %arg4[%dma_wait3A_210] : memref<52428800xf32, #tpu.memory_space<hbm>> -> memref<2048xf32, #tpu.memory_space<hbm>>
    %dma_wait3A_212 = arith.constant 6144 : i32
    %dma_wait3A_213 = tpu.memref_slice %arg4[%dma_wait3A_212] : memref<52428800xf32, #tpu.memory_space<hbm>> -> memref<2048xf32, #tpu.memory_space<hbm>>
    %dma_wait3A_214 = arith.constant 6144 : i32
    %dma_wait3A_215 = tpu.memref_slice %arg9[%dma_wait3A_214] : memref<16384xf32, #tpu.memory_space<vmem>> -> memref<2048xf32, #tpu.memory_space<vmem>>
    tpu.wait_dma2 semaphore(%arg15 : memref<!tpu.dma_semaphore, #tpu.memory_space<semaphore_mem>>) src(%dma_wait3A_215 : memref<2048xf32, #tpu.memory_space<vmem>>) dst(%dma_wait3A_213 : memref<2048xf32, #tpu.memory_space<hbm>>)
    %dma_wait3A_216 = arith.constant 8192 : i32
    %dma_wait3A_217 = tpu.memref_slice %arg9[%dma_wait3A_216] : memref<16384xf32, #tpu.memory_space<vmem>> -> memref<2048xf32, #tpu.memory_space<vmem>>
    %dma_wait3A_218 = arith.constant 8192 : i32
    %dma_wait3A_219 = tpu.memref_slice %arg4[%dma_wait3A_218] : memref<52428800xf32, #tpu.memory_space<hbm>> -> memref<2048xf32, #tpu.memory_space<hbm>>
    %dma_wait3A_220 = arith.constant 8192 : i32
    %dma_wait3A_221 = tpu.memref_slice %arg4[%dma_wait3A_220] : memref<52428800xf32, #tpu.memory_space<hbm>> -> memref<2048xf32, #tpu.memory_space<hbm>>
    %dma_wait3A_222 = arith.constant 8192 : i32
    %dma_wait3A_223 = tpu.memref_slice %arg9[%dma_wait3A_222] : memref<16384xf32, #tpu.memory_space<vmem>> -> memref<2048xf32, #tpu.memory_space<vmem>>
    tpu.wait_dma2 semaphore(%arg15 : memref<!tpu.dma_semaphore, #tpu.memory_space<semaphore_mem>>) src(%dma_wait3A_223 : memref<2048xf32, #tpu.memory_space<vmem>>) dst(%dma_wait3A_221 : memref<2048xf32, #tpu.memory_space<hbm>>)
    %dma_wait3A_224 = arith.constant 10240 : i32
    %dma_wait3A_225 = tpu.memref_slice %arg9[%dma_wait3A_224] : memref<16384xf32, #tpu.memory_space<vmem>> -> memref<2048xf32, #tpu.memory_space<vmem>>
    %dma_wait3A_226 = arith.constant 10240 : i32
    %dma_wait3A_227 = tpu.memref_slice %arg4[%dma_wait3A_226] : memref<52428800xf32, #tpu.memory_space<hbm>> -> memref<2048xf32, #tpu.memory_space<hbm>>
    %dma_wait3A_228 = arith.constant 10240 : i32
    %dma_wait3A_229 = tpu.memref_slice %arg4[%dma_wait3A_228] : memref<52428800xf32, #tpu.memory_space<hbm>> -> memref<2048xf32, #tpu.memory_space<hbm>>
    %dma_wait3A_230 = arith.constant 10240 : i32
    %dma_wait3A_231 = tpu.memref_slice %arg9[%dma_wait3A_230] : memref<16384xf32, #tpu.memory_space<vmem>> -> memref<2048xf32, #tpu.memory_space<vmem>>
    tpu.wait_dma2 semaphore(%arg15 : memref<!tpu.dma_semaphore, #tpu.memory_space<semaphore_mem>>) src(%dma_wait3A_231 : memref<2048xf32, #tpu.memory_space<vmem>>) dst(%dma_wait3A_229 : memref<2048xf32, #tpu.memory_space<hbm>>)
    %dma_wait3A_232 = arith.constant 12288 : i32
    %dma_wait3A_233 = tpu.memref_slice %arg9[%dma_wait3A_232] : memref<16384xf32, #tpu.memory_space<vmem>> -> memref<2048xf32, #tpu.memory_space<vmem>>
    %dma_wait3A_234 = arith.constant 12288 : i32
    %dma_wait3A_235 = tpu.memref_slice %arg4[%dma_wait3A_234] : memref<52428800xf32, #tpu.memory_space<hbm>> -> memref<2048xf32, #tpu.memory_space<hbm>>
    %dma_wait3A_236 = arith.constant 12288 : i32
    %dma_wait3A_237 = tpu.memref_slice %arg4[%dma_wait3A_236] : memref<52428800xf32, #tpu.memory_space<hbm>> -> memref<2048xf32, #tpu.memory_space<hbm>>
    %dma_wait3A_238 = arith.constant 12288 : i32
    %dma_wait3A_239 = tpu.memref_slice %arg9[%dma_wait3A_238] : memref<16384xf32, #tpu.memory_space<vmem>> -> memref<2048xf32, #tpu.memory_space<vmem>>
    tpu.wait_dma2 semaphore(%arg15 : memref<!tpu.dma_semaphore, #tpu.memory_space<semaphore_mem>>) src(%dma_wait3A_239 : memref<2048xf32, #tpu.memory_space<vmem>>) dst(%dma_wait3A_237 : memref<2048xf32, #tpu.memory_space<hbm>>)
    %dma_wait3A_240 = arith.constant 14336 : i32
    %dma_wait3A_241 = tpu.memref_slice %arg9[%dma_wait3A_240] : memref<16384xf32, #tpu.memory_space<vmem>> -> memref<2048xf32, #tpu.memory_space<vmem>>
    %dma_wait3A_242 = arith.constant 14336 : i32
    %dma_wait3A_243 = tpu.memref_slice %arg4[%dma_wait3A_242] : memref<52428800xf32, #tpu.memory_space<hbm>> -> memref<2048xf32, #tpu.memory_space<hbm>>
    %dma_wait3A_244 = arith.constant 14336 : i32
    %dma_wait3A_245 = tpu.memref_slice %arg4[%dma_wait3A_244] : memref<52428800xf32, #tpu.memory_space<hbm>> -> memref<2048xf32, #tpu.memory_space<hbm>>
    %dma_wait3A_246 = arith.constant 14336 : i32
    %dma_wait3A_247 = tpu.memref_slice %arg9[%dma_wait3A_246] : memref<16384xf32, #tpu.memory_space<vmem>> -> memref<2048xf32, #tpu.memory_space<vmem>>
    tpu.wait_dma2 semaphore(%arg15 : memref<!tpu.dma_semaphore, #tpu.memory_space<semaphore_mem>>) src(%dma_wait3A_247 : memref<2048xf32, #tpu.memory_space<vmem>>) dst(%dma_wait3A_245 : memref<2048xf32, #tpu.memory_space<hbm>>)
    %dma_wait3A_248 = arith.constant 0 : i32
    %dma_wait3A_249 = tpu.memref_slice %arg10[%dma_wait3A_248] : memref<16384xf32, #tpu.memory_space<vmem>> -> memref<2048xf32, #tpu.memory_space<vmem>>
    %dma_wait3A_250 = arith.constant 0 : i32
    %dma_wait3A_251 = tpu.memref_slice %arg4[%dma_wait3A_250] : memref<52428800xf32, #tpu.memory_space<hbm>> -> memref<2048xf32, #tpu.memory_space<hbm>>
    %dma_wait3A_252 = arith.constant 0 : i32
    %dma_wait3A_253 = tpu.memref_slice %arg4[%dma_wait3A_252] : memref<52428800xf32, #tpu.memory_space<hbm>> -> memref<2048xf32, #tpu.memory_space<hbm>>
    %dma_wait3A_254 = arith.constant 0 : i32
    %dma_wait3A_255 = tpu.memref_slice %arg10[%dma_wait3A_254] : memref<16384xf32, #tpu.memory_space<vmem>> -> memref<2048xf32, #tpu.memory_space<vmem>>
    tpu.wait_dma2 semaphore(%arg16 : memref<!tpu.dma_semaphore, #tpu.memory_space<semaphore_mem>>) src(%dma_wait3A_255 : memref<2048xf32, #tpu.memory_space<vmem>>) dst(%dma_wait3A_253 : memref<2048xf32, #tpu.memory_space<hbm>>)
    %dma_wait3A_256 = arith.constant 2048 : i32
    %dma_wait3A_257 = tpu.memref_slice %arg10[%dma_wait3A_256] : memref<16384xf32, #tpu.memory_space<vmem>> -> memref<2048xf32, #tpu.memory_space<vmem>>
    %dma_wait3A_258 = arith.constant 2048 : i32
    %dma_wait3A_259 = tpu.memref_slice %arg4[%dma_wait3A_258] : memref<52428800xf32, #tpu.memory_space<hbm>> -> memref<2048xf32, #tpu.memory_space<hbm>>
    %dma_wait3A_260 = arith.constant 2048 : i32
    %dma_wait3A_261 = tpu.memref_slice %arg4[%dma_wait3A_260] : memref<52428800xf32, #tpu.memory_space<hbm>> -> memref<2048xf32, #tpu.memory_space<hbm>>
    %dma_wait3A_262 = arith.constant 2048 : i32
    %dma_wait3A_263 = tpu.memref_slice %arg10[%dma_wait3A_262] : memref<16384xf32, #tpu.memory_space<vmem>> -> memref<2048xf32, #tpu.memory_space<vmem>>
    tpu.wait_dma2 semaphore(%arg16 : memref<!tpu.dma_semaphore, #tpu.memory_space<semaphore_mem>>) src(%dma_wait3A_263 : memref<2048xf32, #tpu.memory_space<vmem>>) dst(%dma_wait3A_261 : memref<2048xf32, #tpu.memory_space<hbm>>)
    %dma_wait3A_264 = arith.constant 4096 : i32
    %dma_wait3A_265 = tpu.memref_slice %arg10[%dma_wait3A_264] : memref<16384xf32, #tpu.memory_space<vmem>> -> memref<2048xf32, #tpu.memory_space<vmem>>
    %dma_wait3A_266 = arith.constant 4096 : i32
    %dma_wait3A_267 = tpu.memref_slice %arg4[%dma_wait3A_266] : memref<52428800xf32, #tpu.memory_space<hbm>> -> memref<2048xf32, #tpu.memory_space<hbm>>
    %dma_wait3A_268 = arith.constant 4096 : i32
    %dma_wait3A_269 = tpu.memref_slice %arg4[%dma_wait3A_268] : memref<52428800xf32, #tpu.memory_space<hbm>> -> memref<2048xf32, #tpu.memory_space<hbm>>
    %dma_wait3A_270 = arith.constant 4096 : i32
    %dma_wait3A_271 = tpu.memref_slice %arg10[%dma_wait3A_270] : memref<16384xf32, #tpu.memory_space<vmem>> -> memref<2048xf32, #tpu.memory_space<vmem>>
    tpu.wait_dma2 semaphore(%arg16 : memref<!tpu.dma_semaphore, #tpu.memory_space<semaphore_mem>>) src(%dma_wait3A_271 : memref<2048xf32, #tpu.memory_space<vmem>>) dst(%dma_wait3A_269 : memref<2048xf32, #tpu.memory_space<hbm>>)
    %dma_wait3A_272 = arith.constant 6144 : i32
    %dma_wait3A_273 = tpu.memref_slice %arg10[%dma_wait3A_272] : memref<16384xf32, #tpu.memory_space<vmem>> -> memref<2048xf32, #tpu.memory_space<vmem>>
    %dma_wait3A_274 = arith.constant 6144 : i32
    %dma_wait3A_275 = tpu.memref_slice %arg4[%dma_wait3A_274] : memref<52428800xf32, #tpu.memory_space<hbm>> -> memref<2048xf32, #tpu.memory_space<hbm>>
    %dma_wait3A_276 = arith.constant 6144 : i32
    %dma_wait3A_277 = tpu.memref_slice %arg4[%dma_wait3A_276] : memref<52428800xf32, #tpu.memory_space<hbm>> -> memref<2048xf32, #tpu.memory_space<hbm>>
    %dma_wait3A_278 = arith.constant 6144 : i32
    %dma_wait3A_279 = tpu.memref_slice %arg10[%dma_wait3A_278] : memref<16384xf32, #tpu.memory_space<vmem>> -> memref<2048xf32, #tpu.memory_space<vmem>>
    tpu.wait_dma2 semaphore(%arg16 : memref<!tpu.dma_semaphore, #tpu.memory_space<semaphore_mem>>) src(%dma_wait3A_279 : memref<2048xf32, #tpu.memory_space<vmem>>) dst(%dma_wait3A_277 : memref<2048xf32, #tpu.memory_space<hbm>>)
    %dma_wait3A_280 = arith.constant 8192 : i32
    %dma_wait3A_281 = tpu.memref_slice %arg10[%dma_wait3A_280] : memref<16384xf32, #tpu.memory_space<vmem>> -> memref<2048xf32, #tpu.memory_space<vmem>>
    %dma_wait3A_282 = arith.constant 8192 : i32
    %dma_wait3A_283 = tpu.memref_slice %arg4[%dma_wait3A_282] : memref<52428800xf32, #tpu.memory_space<hbm>> -> memref<2048xf32, #tpu.memory_space<hbm>>
    %dma_wait3A_284 = arith.constant 8192 : i32
    %dma_wait3A_285 = tpu.memref_slice %arg4[%dma_wait3A_284] : memref<52428800xf32, #tpu.memory_space<hbm>> -> memref<2048xf32, #tpu.memory_space<hbm>>
    %dma_wait3A_286 = arith.constant 8192 : i32
    %dma_wait3A_287 = tpu.memref_slice %arg10[%dma_wait3A_286] : memref<16384xf32, #tpu.memory_space<vmem>> -> memref<2048xf32, #tpu.memory_space<vmem>>
    tpu.wait_dma2 semaphore(%arg16 : memref<!tpu.dma_semaphore, #tpu.memory_space<semaphore_mem>>) src(%dma_wait3A_287 : memref<2048xf32, #tpu.memory_space<vmem>>) dst(%dma_wait3A_285 : memref<2048xf32, #tpu.memory_space<hbm>>)
    %dma_wait3A_288 = arith.constant 10240 : i32
    %dma_wait3A_289 = tpu.memref_slice %arg10[%dma_wait3A_288] : memref<16384xf32, #tpu.memory_space<vmem>> -> memref<2048xf32, #tpu.memory_space<vmem>>
    %dma_wait3A_290 = arith.constant 10240 : i32
    %dma_wait3A_291 = tpu.memref_slice %arg4[%dma_wait3A_290] : memref<52428800xf32, #tpu.memory_space<hbm>> -> memref<2048xf32, #tpu.memory_space<hbm>>
    %dma_wait3A_292 = arith.constant 10240 : i32
    %dma_wait3A_293 = tpu.memref_slice %arg4[%dma_wait3A_292] : memref<52428800xf32, #tpu.memory_space<hbm>> -> memref<2048xf32, #tpu.memory_space<hbm>>
    %dma_wait3A_294 = arith.constant 10240 : i32
    %dma_wait3A_295 = tpu.memref_slice %arg10[%dma_wait3A_294] : memref<16384xf32, #tpu.memory_space<vmem>> -> memref<2048xf32, #tpu.memory_space<vmem>>
    tpu.wait_dma2 semaphore(%arg16 : memref<!tpu.dma_semaphore, #tpu.memory_space<semaphore_mem>>) src(%dma_wait3A_295 : memref<2048xf32, #tpu.memory_space<vmem>>) dst(%dma_wait3A_293 : memref<2048xf32, #tpu.memory_space<hbm>>)
    %dma_wait3A_296 = arith.constant 12288 : i32
    %dma_wait3A_297 = tpu.memref_slice %arg10[%dma_wait3A_296] : memref<16384xf32, #tpu.memory_space<vmem>> -> memref<2048xf32, #tpu.memory_space<vmem>>
    %dma_wait3A_298 = arith.constant 12288 : i32
    %dma_wait3A_299 = tpu.memref_slice %arg4[%dma_wait3A_298] : memref<52428800xf32, #tpu.memory_space<hbm>> -> memref<2048xf32, #tpu.memory_space<hbm>>
    %dma_wait3A_300 = arith.constant 12288 : i32
    %dma_wait3A_301 = tpu.memref_slice %arg4[%dma_wait3A_300] : memref<52428800xf32, #tpu.memory_space<hbm>> -> memref<2048xf32, #tpu.memory_space<hbm>>
    %dma_wait3A_302 = arith.constant 12288 : i32
    %dma_wait3A_303 = tpu.memref_slice %arg10[%dma_wait3A_302] : memref<16384xf32, #tpu.memory_space<vmem>> -> memref<2048xf32, #tpu.memory_space<vmem>>
    tpu.wait_dma2 semaphore(%arg16 : memref<!tpu.dma_semaphore, #tpu.memory_space<semaphore_mem>>) src(%dma_wait3A_303 : memref<2048xf32, #tpu.memory_space<vmem>>) dst(%dma_wait3A_301 : memref<2048xf32, #tpu.memory_space<hbm>>)
    %dma_wait3A_304 = arith.constant 14336 : i32
    %dma_wait3A_305 = tpu.memref_slice %arg10[%dma_wait3A_304] : memref<16384xf32, #tpu.memory_space<vmem>> -> memref<2048xf32, #tpu.memory_space<vmem>>
    %dma_wait3A_306 = arith.constant 14336 : i32
    %dma_wait3A_307 = tpu.memref_slice %arg4[%dma_wait3A_306] : memref<52428800xf32, #tpu.memory_space<hbm>> -> memref<2048xf32, #tpu.memory_space<hbm>>
    %dma_wait3A_308 = arith.constant 14336 : i32
    %dma_wait3A_309 = tpu.memref_slice %arg4[%dma_wait3A_308] : memref<52428800xf32, #tpu.memory_space<hbm>> -> memref<2048xf32, #tpu.memory_space<hbm>>
    %dma_wait3A_310 = arith.constant 14336 : i32
    %dma_wait3A_311 = tpu.memref_slice %arg10[%dma_wait3A_310] : memref<16384xf32, #tpu.memory_space<vmem>> -> memref<2048xf32, #tpu.memory_space<vmem>>
    tpu.wait_dma2 semaphore(%arg16 : memref<!tpu.dma_semaphore, #tpu.memory_space<semaphore_mem>>) src(%dma_wait3A_311 : memref<2048xf32, #tpu.memory_space<vmem>>) dst(%dma_wait3A_309 : memref<2048xf32, #tpu.memory_space<hbm>>)
    return
  }
}

</mosaic_0001>

<sc_bundles>
// kernel: kernel.3.cloned.1.call-start
scs
__scs_entry_jumppad:
0x0: {  	(pc) =	sbr.rel $0x88, $3  }
0x1: {  	(tag) =	ssettag $0x0;
	lr =	simm.s32 $0x1  }
0x2: {  	[smem:$0x3F9F] =	sst lr;
	_ =	strace $0xD0000000  }
0x3: {  	_ = 	snop  }
0x4: {  	_ = 	snop  }
0x5: {  	_ = 	snop  }
0x6: {  	_ = 	snop  }
0x7: {  	_ = 	snop  }
__scs_overlays_trampoline_lowered:
0x8: {  	[smem:$0x3FAE] =	sst s0  }
0x9: {  	[smem:$0x3FAF] =	sst s1  }
0xa: {  	[smem:$0x3FB0] =	sst s2  }
0xb: {  	[smem:$0x3FB1] =	sst s3  }
0xc: {  	[smem:$0x3FB2] =	sst s4  }
0xd: {  	[smem:$0x3FB3] =	sst s5  }
0xe: {  	[smem:$0x3FB4] =	sst s6  }
0xf: {  	[smem:$0x3FB5] =	sst s7  }
0x10: {  	[smem:$0x3FB6] =	sst s8  }
0x11: {  	[smem:$0x3FB7] =	sst s9;
	s0 =	simm.s32 @!p0 $0x0  }
0x12: {  	s1 =	sld [smem:$0x3F9D];
	s0 =	simm.s32 @p0 $0x1  }
0x13: {  	[smem:$0x3FB8] =	sst s0;
	s0 =	simm.s32 @!p1 $0x0  }
0x14: {  	s2 =	sld [smem:$0x3F9C];
	s0 =	simm.s32 @p1 $0x1  }
0x15: {  	[smem:$0x3FB9] =	sst s0;
	s0 =	simm.s32 @!p2 $0x0  }
0x16: {  	s3 =	sld [smem:$0x3FDB];
	s0 =	simm.s32 @p2 $0x1  }
0x17: {  	s4 =	simm.s32 $0x1BF5;
	[smem:$0x3FBB] =	sst s0  }
0x18: {  	s0 =	sld [smem:$0x3F9E];
	_ =	swait.ge [sflag:s4], $0x0  }
0x19: {  	s7 =	sld [smem:$0x3F9F]  }
0x1a: {  	s8 =	sadd.s32 $0xFFFFE003, lr  }
0x1b: {  	s9 =	sadd.s32 $0xFFFFFEF7, lr;
	s5 =	simm.s32 $0xFFFFFFFF;
	p2 =	slt.u32 s8, $0xFFFFF086  }
0x1c: {  	p1 =	slt.u32 s9, $0xF7A;
	s5 =	simm.s32 @!p2 $0x0  }
0x1d: {  	s5 =	simm.s32 @p1 $0x1;
	p0 =	seq.s32 s7, s2  }
0x1e: {  	s7 =	smul.u32 @!p0 $0xF7A, s2;
	p2 =	seq.s32 @!p0 s5, $0x0  }
0x1f: {  	s9 =	smul.u32 $0xF7A, s1;
	s8 =	simm.s32 @!p0 $0x1BF5;
	p2 =	por !p2, p0  }
0x20: {  	[sflag:s8] =	ssyncset.s32 @!p0 $0xFFFFF086;
	s6 =	sadd.s32 @!p0 s3, s7;
	s7 =	simm.s32 @!p0 $0x108  }
0x21: {  	s3 =	sadd.s32 s3, s9;
	s6 =	sadd.s32 @!p0 $0x88, s6;
	s7 =	simm.s32 @p2 $0x1082  }
0x22: {  	[simem:s7], [sflag:s8] =	dma.local @!p0 [hbm:s6], $0xF7A  }
0x23: {  	s9 =	sor.u32 $0xD0000000, s2;
	s6 =	simm.s32 $0x108;
	_ =	swait.ge @!p0 [sflag:s8], $0x0  }
0x24: {  	s3 =	sadd.s32 $0x88, s3;
	s6 =	simm.s32 @!p1 $0x1082;
	[sflag:s4] =	ssyncset.s32 $0xFFFFF086  }
0x25: {  	[simem:s6], [sflag:s4] =	dma.local [hbm:s3], $0xF7A  }
0x26: {  	[smem:$0x3F9F] =	sst s1;
	(tag) =	ssettag s2;
	_ =	strace s9  }
0x27: {  	s1 =	sld [smem:$0x3FAF]  }
0x28: {  	s2 =	sld [smem:$0x3FB0]  }
0x29: {  	s4 =	sld [smem:$0x3FB2]  }
0x2a: {  	p0 =	seq.s32 s5, $0x0;
	s5 =	sld [smem:$0x3FB3]  }
0x2b: {  	s6 =	sld [smem:$0x3FB4]  }
0x2c: {  	s7 =	sld [smem:$0x3FB5]  }
0x2d: {  	s3 =	simm.s32 $0x108;
	s8 =	sld [smem:$0x3FB6]  }
0x2e: {  	s3 =	simm.s32 @!p0 $0x1082;
	s9 =	sld [smem:$0x3FB7]  }
0x2f: {  	lr =	sadd.s32 s0, s3;
	s0 =	sld [smem:$0x3FAE]  }
0x30: {  	s3 =	sld [smem:$0x3FB1]  }
0x31: {  	[smem:$0x3FBA] =	sst s10  }
0x32: {  	s10 =	sld [smem:$0x3FB8];
	_ =	sdelay $0x3  }
0x33: {  	p0 =	seq.s32 s10, $0x1;
	s10 =	sld [smem:$0x3FBA];
	_ =	sdelay $0x3  }
0x34: {  	[smem:$0x3FBA] =	sst s10  }
0x35: {  	s10 =	sld [smem:$0x3FB9];
	_ =	sdelay $0x3  }
0x36: {  	p1 =	seq.s32 s10, $0x1;
	s10 =	sld [smem:$0x3FBA];
	_ =	sdelay $0x3  }
0x37: {  	[smem:$0x3FBA] =	sst s10  }
0x38: {  	s10 =	sld [smem:$0x3FBB]  }
0x39: {  	_ = 	snop;
	(pc) =	sbr.ind lr, $3  }
0x3a: {  	_ = 	snop  }
0x3b: {  	_ = 	snop  }
0x3c: {  	p2 =	seq.s32 s10, $0x1;
	s10 =	sld [smem:$0x3FBA]  }
0x3d: {  	_ =	shalt  }
0x3e: {  	_ =	shalt  }
0x3f: {  	_ =	shalt  }
0x40: {  	_ =	shalt  }
0x41: {  	_ =	shalt  }
0x42: {  	_ =	shalt  }
0x43: {  	_ =	shalt  }
0x44: {  	_ =	shalt  }
0x45: {  	_ =	shalt  }
0x46: {  	_ =	shalt  }
0x47: {  	_ =	shalt  }
0x48: {  	_ =	shalt  }
0x49: {  	_ =	shalt  }
0x4a: {  	_ =	shalt  }
0x4b: {  	_ =	shalt  }
0x4c: {  	_ =	shalt  }
0x4d: {  	_ =	shalt  }
0x4e: {  	_ =	shalt  }
0x4f: {  	_ =	shalt  }
0x50: {  	_ =	shalt  }
0x51: {  	_ =	shalt  }
0x52: {  	_ =	shalt  }
0x53: {  	_ =	shalt  }
0x54: {  	_ =	shalt  }
0x55: {  	_ =	shalt  }
0x56: {  	_ =	shalt  }
0x57: {  	_ =	shalt  }
0x58: {  	_ =	shalt  }
0x59: {  	_ =	shalt  }
0x5a: {  	_ =	shalt  }
0x5b: {  	_ =	shalt  }
0x5c: {  	_ =	shalt  }
0x5d: {  	_ =	shalt  }
0x5e: {  	_ =	shalt  }
0x5f: {  	_ =	shalt  }
0x60: {  	_ =	shalt  }
0x61: {  	_ =	shalt  }
0x62: {  	_ =	shalt  }
0x63: {  	_ =	shalt  }
0x64: {  	_ =	shalt  }
0x65: {  	_ =	shalt  }
0x66: {  	_ =	shalt  }
0x67: {  	_ =	shalt  }
0x68: {  	_ =	shalt  }
0x69: {  	_ =	shalt  }
0x6a: {  	_ =	shalt  }
0x6b: {  	_ =	shalt  }
0x6c: {  	_ =	shalt  }
0x6d: {  	_ =	shalt  }
0x6e: {  	_ =	shalt  }
0x6f: {  	_ =	shalt  }
0x70: {  	_ =	shalt  }
0x71: {  	_ =	shalt  }
0x72: {  	_ =	shalt  }
0x73: {  	_ =	shalt  }
0x74: {  	_ =	shalt  }
0x75: {  	_ =	shalt  }
0x76: {  	_ =	shalt  }
0x77: {  	_ =	shalt  }
0x78: {  	_ =	shalt  }
0x79: {  	_ =	shalt  }
0x7a: {  	_ =	shalt  }
0x7b: {  	_ =	shalt  }
0x7c: {  	_ =	shalt  }
0x7d: {  	_ =	shalt  }
0x7e: {  	_ =	shalt  }
0x7f: {  	_ =	shalt  }
0x80: {  	_ =	shalt  }
0x81: {  	_ =	shalt  }
0x82: {  	_ =	shalt  }
0x83: {  	_ =	shalt  }
0x84: {  	_ =	shalt  }
0x85: {  	_ =	shalt  }
0x86: {  	_ =	shalt  }
0x87: {  	_ =	shalt  }
.Lfunc_end0:
.L_simem_size_0:
called_computation_lowered:
.L_overlay_start_0:
0x88: {  	s2 =	sld [smem:$0x3FD9]  }
0x89: {  	s3 =	sld [smem:$0x3FFE];
	_ =	sdelay $0x1  }
0x8a: {  	s1 =	srdreg.scid  }
0x8b: {  	s0 =	sand.u32 $0x1, s1  }
0x8c: {  	s17 =	sshll.u32 s0, $0xA;
	s2 =	sadd.s32 s3, s2  }
0x8d: {  	s2 =	sadd.s32 s2, s17  }
0x8e: {  	[smem:$0x3FC6] =	sst s2  }
0x8f: {  	_ = 	snop  }
0x90: {  	s2 =	sld [smem:$0x3FD0];
	(tm) =	ssettm $0x1  }
0x91: {  	s18 =	sld [smem:$0x3FFB];
	_ =	sdelay $0x3  }
0x92: {  	_ =	strace s18  }
0x93: {  	s3 =	sld [smem:$0x3FFC];
	_ =	sdelay $0x3  }
0x94: {  	_ =	strace s3  }
0x95: {  	s3 =	sld [smem:$0x3FFD];
	_ =	sdelay $0x3  }
0x96: {  	_ =	strace s3  }
0x97: {  	_ =	strace $0x8FFFFFFF  }
0x98: {  	s19 =	sld [smem:$0x3FDB];
	_ =	sdelay $0x1  }
0x99: {  	s4 =	simm.s32 $_scs_section_size  }
0x9a: {  	s5 =	simm.s32 $_size__tile_overlayer_lowered;
	s6 =	simm.s32 $_tile_overlayer_lowered  }
0x9b: {  	s22 =	simm.s32 $0x1BFF;
	s21 =	sshll.u32 s6, $0x1;
	s3 =	sadd.s32 s4, s19  }
0x9c: {  	s7 =	simm.s32 $0x0;
	s20 =	sshll.u32 s5, $0x1;
	s5 =	sadd.s32 s21, s3  }
0x9d: {  	[timem:s7], [sflag:s22] =	dma.local [hbm:s5], s20  }
0x9e: {  	_ =	swait.ge [sflag:s22], s20  }
0x9f: {  	s4 =	ssub.s32 $0x0, s20;
	[sflag:s22] =	ssyncset.done $0x0  }
0xa0: {  	[sflag:s22] =	ssyncadd.s32 s4;
	_ =	sdelay $0x1  }
0xa1: {  	s23 =	simm.s32 $0x1B8B  }
0xa2: {  	_ =	swait.ge [sflag:s23], $0x1  }
0xa3: {  	[sflag:s23] =	ssyncset.done $0x0  }
0xa4: {  	s25 =	simm.s32 $0x1B8E;
	s24 =	sld [smem:$0x3FFE];
	[sflag:s23] =	ssyncadd.s32 $0xFFFFFFFF  }
0xa5: {  	s26 =	simm.s32 $execute0_lowered;
	[smem:$0x3FD2] =	sst s25  }
0xa6: {  	s5 =	sshll.u32 s26, $0x1;
	_ =	strace $0x80000046;
	[dreg:$0x1] =	wrdreg $0xFFFFFFFF  }
0xa7: {  	s28 =	simm.s32 $_size_execute0_lowered;
	s3 =	sadd.s32 s3, s5;
	[dreg:$0x0] =	wrdreg $0x0  }
0xa8: {  	s5 =	sshll.u32 s28, $0x1;
	[dreg:$0x2] =	wrdreg s3  }
0xa9: {  	[dreg:$0x3] =	wrdreg s5  }
0xaa: {  	[dreg:$0x4] =	wrdreg $0xC0  }
0xab: {  	_ =	task [dreg:s7], $0x5FFFF  }
0xac: {  	[dreg:$0x1] =	wrdreg $0xFFFFFFFF  }
0xad: {  	[dreg:$0x0] =	wrdreg $0x60  }
0xae: {  	[dreg:$0x2] =	wrdreg s24  }
0xaf: {  	[dreg:$0x3] =	wrdreg s2  }
0xb0: {  	[dreg:$0x4] =	wrdreg $0x9  }
0xb1: {  	_ =	task.clear_ibuf [dreg:s7], $0x5FFFF;
	_ =	strace $0x90000046  }
0xb2: {  	s29 =	simm.s32 $0x9;
	_ =	strace $0x80000048  }
0xb3: {  	_ =	swait.ge [sflag:s29], $0x1  }
0xb4: {  	[sflag:s29] =	ssyncadd.s32 $0xFFFFFFFF  }
0xb5: {  	_ =	strace $0x90000048  }
0xb6: {  	_ =	sfence  }
0xb7: {  	s30 =	sld [smem:$0x0];
	_ =	sdelay $0x2  }
0xb8: {  	s31 =	sshll.u32 s1, $0xD;
	s1 =	sshrl.u32 s1, $0x2  }
0xb9: {  	s3 =	sand.u32 $0x4000, s31;
	s1 =	sadd.s32 s1, s30  }
0xba: {  	s0 =	sor.u32 s3, s0;
	s1 =	sshll.u32 s1, $0x11  }
0xbb: {  	s0 =	sor.u32 s1, s0  }
0xbc: {  	s0 =	sadd.s32 $0x8F2B, s0  }
0xbd: {  	[sflag:s0] =	ssyncadd.remote.s32 $0x1  }
0xbe: {  	_ =	sfence.sel $0xFFFF  }
0xbf: {  	[dreg:$0x0] =	wrdreg $0xFFFFFFFF;
	(pc) =	sbr.abs _section_cstart, $3  }
0xc0: {  	[dreg:$0x1] =	wrdreg $0xFFFFFFFF  }
0xc1: {  	_ =	task.clear_ibuf [dreg:s7], $0x2FFFF;
	_ =	strace $0x9FFFFFFF  }
0xc2: {  	(tm) =	ssettm $0x7FFFFFFF  }
0xc3: {  	_ =	shalt  }
tec
execute0_lowered:
.L_overlay_start_1:
0x0: {  	(tag) =	ssettag $0x1  }
0x1: {  	v0 =	vimm.s32 $0x300;
	vm9 =	vcmask $0x704  }
0x2: {  	vm8 =	vcmask $0xB08;
	v2 =	vimm.s32 $0xC0804000;
	vm7 =	vcmask $0xF0C  }
0x3: {  	v10 =	vimm.s32 $0x100;
	vm11 =	vcmask $0x1F10;
	vm6 =	vcmask $0x1310  }
0x4: {  	vm5 =	vcmask $0x1714;
	vm4 =	vcmask $0x1B18;
	v41 =	vimm.s32 $0x380  }
0x5: {  	vm10 =	vcmask $0x300;
	vm3 =	vcmask $0x1F1C;
	vm0 =	vcmask $0x1304  }
0x6: {  	v4 =	vimm.s32 $0x4000C080;
	vm2 =	vcmask $0x2320;
	vm1 =	vcmask $0x2724  }
0x7: {  	vm14 =	vcmask $0x1708;
	v43 =	vimm.s32 $0x2C0;
	vm15 =	vcmask $0x1B0C  }
0x8: {  	v47 =	vimm.s32 $0x240;
	vm12 =	vcmask $0x2314;
	v49 =	vimm.s32 $0x200  }
0x9: {  	vm13 =	vcmask $0x2718;
	v53 =	vimm.s32 $0x180;
	v55 =	vimm.s32 $0x140  }
0xa: {  	v17 =	vimm.s32 $0xB80;
	v18 =	vimm.s32 $0x1B80;
	v19 =	vimm.s32 $0x2B80  }
0xb: {  	v20 =	vimm.s32 $0x3B80;
	v21 =	vimm.s32 $0xB81;
	v22 =	vimm.s32 $0x1B81  }
0xc: {  	v23 =	vimm.s32 $0x2B81;
	v24 =	vimm.s32 $0x3B81;
	v25 =	vimm.s32 $0xB82  }
0xd: {  	v26 =	vimm.s32 $0x1B82;
	v27 =	vimm.s32 $0x2B82;
	v28 =	vimm.s32 $0x3B82  }
0xe: {  	v29 =	vimm.s32 $0xB83;
	v30 =	vimm.s32 $0x1B83;
	v31 =	vimm.s32 $0x2B83  }
0xf: {  	v32 =	vimm.s32 $0x3B83;
	v33 =	vimm.s32 $0xB84;
	v34 =	vimm.s32 $0x1B84  }
0x10: {  	v35 =	vimm.s32 $0x2B84;
	v36 =	vimm.s32 $0x3B84;
	v37 =	vimm.s32 $0xB85  }
0x11: {  	v38 =	vimm.s32 $0x1B85;
	v39 =	vimm.s32 $0x2B85;
	v60 =	vimm.s32 $0x3B8A  }
0x12: {  	v61 =	vimm.s32 $0xB8B;
	v62 =	vimm.s32 $0x1B8B;
	v63 =	vimm.s32 $0x2B8B  }
0x13: {  	v7 =	vimm.s32 $0x2B8D;
	v1 =	vsel vm9, $0x340, v0;
	v2 =	vunpack.c.0.s8.s32 v2  }
0x14: {  	v3 =	vsel vm9, $0x140, v10;
	v0 =	vsel vm10, $0x340, v0;
	v10 =	vsel vm10, $0x140, v10  }
0x15: {  	v1 =	vsel vm8, $0x380, v1;
	v3 =	vsel vm8, $0x180, v3;
	v0 =	vsel vm9, $0x380, v0  }
0x16: {  	v10 =	vsel vm9, $0x180, v10;
	v1 =	vsel vm7, $0x3C0, v1;
	v2 =	vand.u32 $0xFF, v2  }
0x17: {  	v40 =	vsel vm7, $0x1C0, v3;
	v3 =	vimm.s32 $0x804000C0;
	v0 =	vsel vm8, $0x3C0, v0  }
0x18: {  	v10 =	vsel vm8, $0x1C0, v10;
	v11 =	vsel vm11, v2, v1;
	v1 =	vsel vm6, $0x200, v40  }
0x19: {  	v3 =	vunpack.c.0.s8.s32 v3;
	v10 =	vsel vm7, $0x200, v10;
	v1 =	vsel vm5, $0x240, v1  }
0x1a: {  	v40 =	vimm.s32 $0x3B85;
	v10 =	vsel vm6, $0x240, v10;
	v12 =	vsel vm4, $0x280, v1  }
0x1b: {  	v1 =	vsel vm10, $0x3C0, v41;
	v13 =	vand.u32 $0xFF, v3;
	v3 =	vimm.s32 $0x340  }
0x1c: {  	v10 =	vsel vm5, $0x280, v10;
	v41 =	vimm.s32 $0xB86;
	v1 =	vsel vm0, v13, v1  }
0x1d: {  	v42 =	vsel vm10, $0x380, v3;
	v3 =	vunpack.c.0.s8.s32 v4;
	vm0 =	vcmask $0x2B28  }
0x1e: {  	v10 =	vsel vm4, $0x2C0, v10;
	v12 =	vsel vm3, $0x2C0, v12;
	v4 =	vimm.s32 $0x3B8C  }
0x1f: {  	[tilespmem:$0x1F370] =	vst v1;
	v1 =	vsel vm9, $0x3C0, v42;
	v10 =	vsel vm3, $0x300, v10;
	v59 =	vcombine.low v12, v11  }
0x20: {  	v11 =	vimm.s32 $0x80;
	v12 =	vimm.s32 $0x40;
	v42 =	vimm.s32 $0x1B86  }
0x21: {  	v14 =	vand.u32 $0xFF, v3;
	v3 =	vimm.s32 $0xC08040;
	v10 =	vsel vm2, $0x340, v10  }
0x22: {  	v3 =	vunpack.c.0.s8.s32 v3;
	v1 =	vsel vm14, v14, v1;
	vm14 =	vcmask $0x2B1C;
	[tilespmem:$0x1FCF0] =	vst v59  }
0x23: {  	v10 =	vsel vm1, $0x380, v10;
	v59 =	vimm.s32 $0x2B8A;
	[tilespmem:$0x1F480] =	vst v1;
	v1 =	vsel vm10, $0x300, v43  }
0x24: {  	v10 =	vsel vm0, $0x3C0, v10;
	v15 =	vand.u32 $0xFF, v3;
	v3 =	vimm.s32 $0x280  }
0x25: {  	v43 =	vimm.s32 $0x2B86;
	v1 =	vsel vm9, $0x340, v1;
	v3 =	vsel vm10, $0x2C0, v3  }
0x26: {  	v0 =	vsel vm15, v15, v0;
	v44 =	vsel vm8, $0x380, v1;
	vm15 =	vcmask $0x2F20  }
0x27: {  	[tilespmem:$0x1F4E0] =	vst v0;
	v45 =	vsel vm9, $0x300, v3;
	v0 =	vsel vm7, $0x3C0, v44;
	v3 =	vimm.s32 $0x1C0  }
0x28: {  	v44 =	vimm.s32 $0x3B86;
	v1 =	vsel vm8, $0x340, v45;
	v0 =	vsel vm11, v2, v0  }
0x29: {  	v3 =	vsel vm10, $0x200, v3;
	v45 =	vimm.s32 $0xB87;
	v46 =	vsel vm7, $0x380, v1  }
0x2a: {  	v1 =	vsel vm10, $0x280, v47;
	v3 =	vsel vm9, $0x240, v3;
	v47 =	vimm.s32 $0x2B87  }
0x2b: {  	[tilespmem:$0x1F570] =	vst v0;
	v0 =	vsel vm6, $0x3C0, v46;
	v48 =	vsel vm9, $0x2C0, v1;
	v1 =	vsel vm10, $0x240, v49  }
0x2c: {  	v3 =	vsel vm8, $0x280, v3;
	v46 =	vimm.s32 $0x1B87;
	v49 =	vimm.s32 $0xB88  }
0x2d: {  	v0 =	vsel vm12, v13, v0;
	v1 =	vsel vm9, $0x280, v1;
	v3 =	vsel vm7, $0x2C0, v3  }
0x2e: {  	vm12 =	vcmask $0x3324;
	[tilespmem:$0x1F5F0] =	vst v0;
	v0 =	vsel vm8, $0x300, v48;
	v1 =	vsel vm8, $0x2C0, v1  }
0x2f: {  	v51 =	vsel vm6, $0x300, v3;
	v3 =	vsel vm10, $0x80, v12;
	v12 =	vsel vm10, $0x1001, v18  }
0x30: {  	v18 =	vsel vm10, $0x3002, v24;
	v24 =	vsel vm10, $0x1004, v30;
	v30 =	vsel vm10, $0x3005, v36  }
0x31: {  	v36 =	vsel vm10, $0x1007, v42;
	v0 =	vsel vm7, $0x340, v0;
	v1 =	vsel vm7, $0x300, v1  }
0x32: {  	v48 =	vimm.s32 $0x3B87;
	v0 =	vsel vm6, $0x380, v0;
	v1 =	vsel vm6, $0x340, v1  }
0x33: {  	v42 =	vsel vm10, $0x3008, v48;
	v0 =	vsel vm5, $0x3C0, v0;
	v50 =	vsel vm5, $0x380, v1  }
0x34: {  	v1 =	vsel vm5, $0x340, v51;
	v51 =	vimm.s32 $0x2B88;
	v0 =	vsel vm13, v14, v0  }
0x35: {  	v52 =	vsel vm4, $0x380, v1;
	v1 =	vsel vm10, $0x1C0, v53;
	vm13 =	vcmask $0x3728  }
0x36: {  	v53 =	vimm.s32 $0xB89;
	[tilespmem:$0x1F690] =	vst v0;
	v0 =	vsel vm4, $0x3C0, v50;
	v54 =	vsel vm9, $0x200, v1  }
0x37: {  	v1 =	vsel vm10, $0x180, v55;
	v50 =	vimm.s32 $0x1B88;
	v55 =	vimm.s32 $0x2B89  }
0x38: {  	v0 =	vsel vm14, v15, v0;
	v1 =	vsel vm9, $0x1C0, v1;
	vm14 =	vcmask $0x3B2C  }
0x39: {  	[tilespmem:$0x1F730] =	vst v0;
	v0 =	vsel vm3, $0x3C0, v52;
	v1 =	vsel vm8, $0x200, v1;
	v57 =	vsel vm14, v15, v10  }
0x3a: {  	v52 =	vimm.s32 $0x3B88;
	v10 =	vimm.s32 $0x1B8E;
	v0 =	vsel vm15, v2, v0  }
0x3b: {  	v1 =	vsel vm7, $0x240, v1;
	vm15 =	vcmask $0xB00;
	v2 =	vsel vm10, $0xC0, v11  }
0x3c: {  	v11 =	vsel vm10, $0x1, v17;
	v17 =	vsel vm10, $0x2002, v23;
	v23 =	vsel vm10, $0x4, v29  }
0x3d: {  	v29 =	vsel vm10, $0x2005, v35;
	v35 =	vsel vm10, $0x7, v41;
	v41 =	vsel vm10, $0x2008, v47  }
0x3e: {  	[tilespmem:$0x1F2E0] =	vst v57;
	v47 =	vsel vm10, $0xA, v53;
	v57 =	vimm.s32 $0xB8A;
	v53 =	vsel vm10, $0x200B, v59  }
0x3f: {  	[tilespmem:$0x1F7F0] =	vst v0;
	v0 =	vsel vm8, $0x240, v54;
	v1 =	vsel vm6, $0x280, v1;
	v58 =	vnsel vm15, $0x0, v15  }
0x40: {  	v15 =	vimm.s32 $0x2B8F;
	v54 =	vimm.s32 $0x1B89;
	v0 =	vsel vm7, $0x280, v0  }
0x41: {  	v1 =	vsel vm5, $0x2C0, v1;
	v8 =	vsel vm10, $0x2000, v15;
	v15 =	vsel vm10, $0x2, v21  }
0x42: {  	v21 =	vsel vm10, $0x2003, v27;
	v27 =	vsel vm10, $0x5, v33;
	v33 =	vsel vm10, $0x2006, v39  }
0x43: {  	v39 =	vsel vm10, $0x8, v45;
	v45 =	vsel vm10, $0x2009, v51;
	v48 =	vsel vm10, $0x100A, v54  }
0x44: {  	[tilespmem:$0x1F380] =	vst v58;
	v58 =	vimm.s32 $0x1B8A;
	v51 =	vsel vm10, $0xB, v57;
	v54 =	vsel vm10, $0x300B, v60  }
0x45: {  	v60 =	vimm.s32 $0x3B8B;
	v57 =	vsel vm10, $0x200C, v63;
	v63 =	vimm.s32 $0xB8D  }
0x46: {  	v0 =	vsel vm6, $0x2C0, v0;
	v1 =	vsel vm4, $0x300, v1;
	v63 =	vsel vm10, $0xE, v63  }
0x47: {  	v0 =	vsel vm5, $0x300, v0;
	v16 =	vsel vm3, $0x340, v1;
	v1 =	vimm.s32 $0x2B8C  }
0x48: {  	v0 =	vsel vm4, $0x340, v0;
	v56 =	vsel vm2, $0x380, v16;
	v16 =	vimm.s32 $0x3B8F  }
0x49: {  	v0 =	vsel vm3, $0x380, v0;
	v9 =	vsel vm10, $0x3000, v16;
	v16 =	vsel vm10, $0x1002, v22  }
0x4a: {  	v22 =	vsel vm10, $0x3003, v28;
	v28 =	vsel vm10, $0x1005, v34;
	v34 =	vsel vm10, $0x3006, v40  }
0x4b: {  	v40 =	vsel vm10, $0x1008, v46;
	v46 =	vsel vm10, $0x3009, v52;
	v0 =	vsel vm2, $0x3C0, v0  }
0x4c: {  	v52 =	vsel vm10, $0x100B, v58;
	v0 =	vsel vm12, v13, v0;
	v13 =	vimm.s32 $0xB8F  }
0x4d: {  	v58 =	vsel vm10, $0x300C, v60;
	[tilespmem:$0x1F8B0] =	vst v0;
	v0 =	vsel vm1, $0x3C0, v56;
	v5 =	vsel vm10, $0x0, v13  }
0x4e: {  	v13 =	vsel vm10, $0x2001, v19;
	v19 =	vsel vm10, $0x3, v25;
	v25 =	vsel vm10, $0x2004, v31  }
0x4f: {  	v31 =	vsel vm10, $0x6, v37;
	v37 =	vsel vm10, $0x2007, v43;
	v43 =	vsel vm10, $0x9, v49  }
0x50: {  	v49 =	vsel vm10, $0x200A, v55;
	v56 =	vimm.s32 $0x3B89;
	v55 =	vsel vm10, $0xC, v61  }
0x51: {  	v61 =	vimm.s32 $0xB8C;
	v0 =	vsel vm13, v14, v0;
	v14 =	vimm.s32 $0x1B8F  }
0x52: {  	v59 =	vsel vm10, $0xD, v61;
	v61 =	vsel vm10, $0x200D, v1;
	v1 =	vimm.s32 $0x1B8D  }
0x53: {  	v6 =	vsel vm10, $0x1000, v14;
	v14 =	vsel vm10, $0x3001, v20;
	v20 =	vsel vm10, $0x1003, v26  }
0x54: {  	v26 =	vsel vm10, $0x3004, v32;
	v32 =	vsel vm10, $0x1006, v38;
	v38 =	vsel vm10, $0x3007, v44  }
0x55: {  	v44 =	vsel vm10, $0x1009, v50;
	v50 =	vsel vm10, $0x300A, v56;
	v56 =	vsel vm10, $0x100C, v62  }
0x56: {  	[tilespmem:$0x1FA20] =	vst v0;
	v62 =	vimm.s32 $0x1B8C;
	v0 =	vsel vm10, $0x100E, v1;
	v1 =	vimm.s32 $0xB8E  }
0x57: {  	v60 =	vsel vm10, $0x100D, v62;
	v62 =	vsel vm10, $0x300D, v4;
	[tilespmem:$0x1F2F0] =	vst v0;
	v0 =	vsel vm10, $0x200E, v7  }
0x58: {  	v4 =	vsel vm9, $0x81, v5;
	v5 =	vsel vm9, $0x1081, v6;
	[tilespmem:$0x1F300] =	vst v0;
	v0 =	vimm.s32 $0x3B8D  }
0x59: {  	v6 =	vsel vm9, $0x2081, v8;
	v7 =	vsel vm9, $0x3081, v9;
	v0 =	vsel vm10, $0x300E, v0  }
0x5a: {  	v8 =	vsel vm9, $0x82, v11;
	v9 =	vsel vm9, $0x1082, v12;
	[tilespmem:$0x1F310] =	vst v0;
	v0 =	vsel vm10, $0xF, v1  }
0x5b: {  	v11 =	vsel vm9, $0x3082, v14;
	v12 =	vsel vm9, $0x83, v15;
	[tilespmem:$0x1F320] =	vst v0;
	v0 =	vsel vm10, $0x100F, v10  }
0x5c: {  	v14 =	vsel vm9, $0x2083, v17;
	v15 =	vsel vm9, $0x3083, v18;
	[tilespmem:$0x1F330] =	vst v0;
	v0 =	vimm.s32 $0x2B8E  }
0x5d: {  	v17 =	vsel vm9, $0x1084, v20;
	v18 =	vsel vm9, $0x2084, v21;
	v0 =	vsel vm10, $0x200F, v0  }
0x5e: {  	v10 =	vsel vm9, $0x2082, v13;
	v13 =	vsel vm9, $0x1083, v16;
	v16 =	vsel vm9, $0x84, v19;
	[tilespmem:$0x1F340] =	vst v0;
	v0 =	vld [tilespmem:$0x1F2F0]  }
0x5f: {  	v19 =	vsel vm9, $0x3084, v22;
	v22 =	vsel vm9, $0x2085, v25;
	v25 =	vsel vm9, $0x1086, v28  }
0x60: {  	v28 =	vsel vm9, $0x87, v31;
	v31 =	vsel vm9, $0x3087, v34;
	v34 =	vsel vm9, $0x2088, v37  }
0x61: {  	v37 =	vsel vm9, $0x1089, v40;
	v40 =	vsel vm9, $0x8A, v43;
	v43 =	vsel vm9, $0x308A, v46  }
0x62: {  	v46 =	vsel vm9, $0x208B, v49;
	v49 =	vsel vm9, $0x108C, v52;
	v52 =	vsel vm9, $0x8D, v55  }
0x63: {  	v55 =	vsel vm9, $0x308D, v58;
	v58 =	vsel vm9, $0x208E, v61;
	v61 =	vsel vm9, $0x108F, v0;
	v0 =	vld [tilespmem:$0x1F300]  }
0x64: {  	v20 =	vsel vm9, $0x85, v23;
	v23 =	vsel vm9, $0x3085, v26;
	v26 =	vsel vm9, $0x2086, v29  }
0x65: {  	v29 =	vsel vm9, $0x1087, v32;
	v32 =	vsel vm9, $0x88, v35;
	v35 =	vsel vm9, $0x3088, v38  }
0x66: {  	v38 =	vsel vm9, $0x2089, v41;
	v41 =	vsel vm9, $0x108A, v44;
	v44 =	vsel vm9, $0x8B, v47  }
0x67: {  	v47 =	vsel vm9, $0x308B, v50;
	v50 =	vsel vm9, $0x208C, v53;
	v53 =	vsel vm9, $0x108D, v56  }
0x68: {  	v56 =	vsel vm9, $0x8E, v59;
	v59 =	vsel vm9, $0x308E, v62;
	v62 =	vsel vm9, $0x208F, v0;
	v0 =	vld [tilespmem:$0x1F310]  }
0x69: {  	v21 =	vsel vm9, $0x1085, v24;
	v24 =	vsel vm9, $0x86, v27;
	v27 =	vsel vm9, $0x3086, v30  }
0x6a: {  	v30 =	vsel vm9, $0x2087, v33;
	v33 =	vsel vm9, $0x1088, v36;
	v36 =	vsel vm9, $0x89, v39  }
0x6b: {  	v39 =	vsel vm9, $0x3089, v42;
	v42 =	vsel vm9, $0x208A, v45;
	v45 =	vsel vm9, $0x108B, v48  }
0x6c: {  	v48 =	vsel vm9, $0x8C, v51;
	v51 =	vsel vm9, $0x308C, v54;
	v54 =	vsel vm9, $0x208D, v57  }
0x6d: {  	v57 =	vsel vm9, $0x108E, v60;
	v60 =	vsel vm9, $0x8F, v63;
	v63 =	vsel vm9, $0x308F, v0;
	v0 =	vld [tilespmem:$0x1F320];
	_ =	sdelay $0x4  }
0x6e: {  	v0 =	vsel vm9, $0x80, v0  }
0x6f: {  	[tilespmem:$0x1F350] =	vst v0;
	v0 =	vld [tilespmem:$0x1F330];
	_ =	sdelay $0x4  }
0x70: {  	v0 =	vsel vm9, $0x1080, v0  }
0x71: {  	[tilespmem:$0x1F360] =	vst v0;
	v0 =	vld [tilespmem:$0x1F340];
	_ =	sdelay $0x3  }
0x72: {  	v1 =	vimm.s32 $0x3B8E  }
0x73: {  	v4 =	vsel vm8, $0x102, v4;
	v1 =	vsel vm10, $0x300F, v1;
	v0 =	vsel vm9, $0x2080, v0  }
0x74: {  	[tilespmem:$0x1F390] =	vst v4;
	v1 =	vsel vm9, $0x3080, v1;
	v4 =	vld [tilespmem:$0x1F350];
	v0 =	vsel vm8, $0x2101, v0  }
0x75: {  	[tilespmem:$0x1F3C0] =	vst v0;
	v0 =	vsel vm8, $0x3101, v1;
	v1 =	vld [tilespmem:$0x1F380];
	_ =	sdelay $0x3  }
0x76: {  	v4 =	vsel vm8, $0x101, v4  }
0x77: {  	[tilespmem:$0x1F3A0] =	vst v4;
	v4 =	vld [tilespmem:$0x1F360];
	v1 =	vsel vm7, $0x100, v1  }
0x78: {  	[tilespmem:$0x1F3E0] =	vst v1;
	v1 =	vld [tilespmem:$0x1F390];
	_ =	sdelay $0x3  }
0x79: {  	v4 =	vsel vm8, $0x1101, v4  }
0x7a: {  	[tilespmem:$0x1F3B0] =	vst v4;
	v4 =	vsel vm7, $0x183, v1;
	v1 =	vld [tilespmem:$0x1F3A0];
	_ =	sdelay $0x4  }
0x7b: {  	v1 =	vsel vm7, $0x182, v1  }
0x7c: {  	[tilespmem:$0x1F3F0] =	vst v1;
	v1 =	vld [tilespmem:$0x1F3B0];
	_ =	sdelay $0x4  }
0x7d: {  	v1 =	vsel vm7, $0x1182, v1  }
0x7e: {  	[tilespmem:$0x1F400] =	vst v1;
	v1 =	vld [tilespmem:$0x1F3C0];
	_ =	sdelay $0x1  }
0x7f: {  	[tilespmem:$0x1F3D0] =	vst v0;
	v0 =	vld [tilespmem:$0x1F370];
	_ =	sdelay $0x2  }
0x80: {  	v1 =	vsel vm7, $0x2182, v1  }
0x81: {  	[tilespmem:$0x1F410] =	vst v1;
	v1 =	vld [tilespmem:$0x1F3D0]  }
0x82: {  	v0 =	vsel vm5, $0x100, v0  }
0x83: {  	v0 =	vsel vm4, $0x140, v0  }
0x84: {  	v0 =	vsel vm3, $0x180, v0  }
0x85: {  	v0 =	vsel vm2, $0x1C0, v0  }
0x86: {  	[tilespmem:$0x1F430] =	vst v0;
	v0 =	vld [tilespmem:$0x1F3F0];
	v1 =	vsel vm7, $0x3182, v1  }
0x87: {  	[tilespmem:$0x1F420] =	vst v1;
	v1 =	vld [tilespmem:$0x1F3E0];
	_ =	sdelay $0x4  }
0x88: {  	v0 =	vsel vm6, $0x203, v0;
	v1 =	vsel vm6, $0x140, v1  }
0x89: {  	[tilespmem:$0x1F440] =	vst v0;
	v0 =	vld [tilespmem:$0x1F400];
	v1 =	vsel vm5, $0x180, v1  }
0x8a: {  	[tilespmem:$0x1F490] =	vst v1;
	v1 =	vld [tilespmem:$0x1F440];
	_ =	sdelay $0x3  }
0x8b: {  	v0 =	vsel vm6, $0x1203, v0  }
0x8c: {  	[tilespmem:$0x1F450] =	vst v0;
	v0 =	vld [tilespmem:$0x1F410];
	v1 =	vsel vm5, $0x284, v1  }
0x8d: {  	[tilespmem:$0x1F4A0] =	vst v1;
	v1 =	vld [tilespmem:$0x1F450];
	_ =	sdelay $0x3  }
0x8e: {  	v0 =	vsel vm6, $0x2203, v0  }
0x8f: {  	[tilespmem:$0x1F460] =	vst v0;
	v0 =	vld [tilespmem:$0x1F420];
	v1 =	vsel vm5, $0x1284, v1  }
0x90: {  	[tilespmem:$0x1F4B0] =	vst v1;
	v1 =	vld [tilespmem:$0x1F460];
	_ =	sdelay $0x3  }
0x91: {  	v0 =	vsel vm6, $0x3203, v0  }
0x92: {  	[tilespmem:$0x1F470] =	vst v0;
	v1 =	vsel vm5, $0x2284, v1  }
0x93: {  	[tilespmem:$0x1F4C0] =	vst v1;
	v1 =	vld [tilespmem:$0x1F470];
	_ =	sdelay $0x4  }
0x94: {  	v1 =	vsel vm5, $0x3284, v1  }
0x95: {  	[tilespmem:$0x1F4D0] =	vst v1;
	v1 =	vld [tilespmem:$0x1F490];
	_ =	sdelay $0x3  }
0x96: {  	v0 =	vld [tilespmem:$0x1F430]  }
0x97: {  	v1 =	vsel vm4, $0x1C0, v1  }
0x98: {  	[tilespmem:$0x1F4F0] =	vst v1;
	v1 =	vld [tilespmem:$0x1F4A0];
	_ =	sdelay $0x2  }
0x99: {  	v0 =	vsel vm1, $0x200, v0  }
0x9a: {  	v0 =	vsel vm0, $0x240, v0  }
0x9b: {  	[tilespmem:$0x1F540] =	vst v0;
	v0 =	vld [tilespmem:$0x1F480];
	v1 =	vsel vm4, $0x305, v1  }
0x9c: {  	[tilespmem:$0x1F500] =	vst v1;
	v1 =	vld [tilespmem:$0x1F4B0];
	_ =	sdelay $0x4  }
0x9d: {  	v0 =	vsel vm4, $0x100, v0;
	v1 =	vsel vm4, $0x1305, v1  }
0x9e: {  	v0 =	vsel vm3, $0x140, v0;
	[tilespmem:$0x1F510] =	vst v1;
	v1 =	vld [tilespmem:$0x1F4C0]  }
0x9f: {  	[tilespmem:$0x1F550] =	vst v0;
	v0 =	vld [tilespmem:$0x1F4E0];
	_ =	sdelay $0x3  }
0xa0: {  	v1 =	vsel vm4, $0x2305, v1  }
0xa1: {  	v0 =	vsel vm3, $0x100, v0;
	[tilespmem:$0x1F520] =	vst v1;
	v1 =	vld [tilespmem:$0x1F4D0]  }
0xa2: {  	[tilespmem:$0x1F560] =	vst v0;
	v0 =	vld [tilespmem:$0x1F4F0];
	_ =	sdelay $0x3  }
0xa3: {  	v1 =	vsel vm4, $0x3305, v1  }
0xa4: {  	[tilespmem:$0x1F530] =	vst v1;
	v1 =	vsel vm3, $0x200, v0;
	v0 =	vld [tilespmem:$0x1F500];
	_ =	sdelay $0x4  }
0xa5: {  	v0 =	vsel vm3, $0x386, v0  }
0xa6: {  	[tilespmem:$0x1F580] =	vst v0;
	v0 =	vld [tilespmem:$0x1F510];
	_ =	sdelay $0x4  }
0xa7: {  	v0 =	vsel vm3, $0x1386, v0  }
0xa8: {  	[tilespmem:$0x1F590] =	vst v0;
	v0 =	vld [tilespmem:$0x1F520];
	_ =	sdelay $0x4  }
0xa9: {  	v0 =	vsel vm3, $0x2386, v0  }
0xaa: {  	[tilespmem:$0x1F5A0] =	vst v0;
	v0 =	vld [tilespmem:$0x1F530];
	_ =	sdelay $0x4  }
0xab: {  	v0 =	vsel vm3, $0x3386, v0  }
0xac: {  	[tilespmem:$0x1F5B0] =	vst v0;
	v0 =	vld [tilespmem:$0x1F540];
	_ =	sdelay $0x3  }
0xad: {  	vm12 =	vcmask $0x2F2C  }
0xae: {  	v0 =	vsel vm12, $0x280, v0  }
0xaf: {  	[tilespmem:$0x1F640] =	vst v0;
	v0 =	vld [tilespmem:$0x1F550];
	_ =	sdelay $0x4  }
0xb0: {  	v0 =	vsel vm2, $0x180, v0  }
0xb1: {  	[tilespmem:$0x1F5C0] =	vst v0;
	v0 =	vld [tilespmem:$0x1F560];
	_ =	sdelay $0x4  }
0xb2: {  	v0 =	vsel vm2, $0x140, v0  }
0xb3: {  	[tilespmem:$0x1F5D0] =	vst v0;
	v0 =	vld [tilespmem:$0x1F570];
	_ =	sdelay $0x4  }
0xb4: {  	v0 =	vsel vm2, $0x100, v0  }
0xb5: {  	[tilespmem:$0x1F5E0] =	vst v0;
	v0 =	vld [tilespmem:$0x1F580];
	_ =	sdelay $0x4  }
0xb6: {  	v0 =	vsel vm2, $0x807, v0  }
0xb7: {  	[tilespmem:$0x1F600] =	vst v0;
	v0 =	vld [tilespmem:$0x1F590];
	_ =	sdelay $0x4  }
0xb8: {  	v0 =	vsel vm2, $0x1807, v0  }
0xb9: {  	[tilespmem:$0x1F610] =	vst v0;
	v0 =	vld [tilespmem:$0x1F5A0];
	_ =	sdelay $0x4  }
0xba: {  	v0 =	vsel vm2, $0x2807, v0  }
0xbb: {  	[tilespmem:$0x1F620] =	vst v0;
	v0 =	vld [tilespmem:$0x1F5B0];
	_ =	sdelay $0x4  }
0xbc: {  	v0 =	vsel vm2, $0x3807, v0  }
0xbd: {  	[tilespmem:$0x1F630] =	vst v0;
	v0 =	vld [tilespmem:$0x1F5C0];
	_ =	sdelay $0x4  }
0xbe: {  	v0 =	vsel vm1, $0x1C0, v0  }
0xbf: {  	[tilespmem:$0x1F650] =	vst v0;
	v0 =	vld [tilespmem:$0x1F5D0];
	_ =	sdelay $0x4  }
0xc0: {  	v0 =	vsel vm1, $0x180, v0  }
0xc1: {  	[tilespmem:$0x1F660] =	vst v0;
	v0 =	vld [tilespmem:$0x1F5E0];
	_ =	sdelay $0x4  }
0xc2: {  	v0 =	vsel vm1, $0x140, v0  }
0xc3: {  	[tilespmem:$0x1F670] =	vst v0;
	v0 =	vld [tilespmem:$0x1F5F0];
	_ =	sdelay $0x4  }
0xc4: {  	v0 =	vsel vm1, $0x100, v0  }
0xc5: {  	[tilespmem:$0x1F680] =	vst v0;
	v0 =	vld [tilespmem:$0x1F600];
	_ =	sdelay $0x4  }
0xc6: {  	v0 =	vsel vm1, $0x888, v0  }
0xc7: {  	[tilespmem:$0x1F6A0] =	vst v0;
	v0 =	vld [tilespmem:$0x1F610];
	_ =	sdelay $0x4  }
0xc8: {  	v0 =	vsel vm1, $0x1888, v0  }
0xc9: {  	[tilespmem:$0x1F6B0] =	vst v0;
	v0 =	vld [tilespmem:$0x1F620];
	_ =	sdelay $0x4  }
0xca: {  	v0 =	vsel vm1, $0x2888, v0  }
0xcb: {  	[tilespmem:$0x1F6C0] =	vst v0;
	v0 =	vld [tilespmem:$0x1F630];
	_ =	sdelay $0x4  }
0xcc: {  	v0 =	vsel vm1, $0x3888, v0  }
0xcd: {  	[tilespmem:$0x1F6D0] =	vst v0;
	v0 =	vld [tilespmem:$0x1F640];
	_ =	sdelay $0x3  }
0xce: {  	vm13 =	vcmask $0x3330  }
0xcf: {  	v0 =	vsel vm13, $0x2C0, v0  }
0xd0: {  	[tilespmem:$0x1F780] =	vst v0;
	v0 =	vld [tilespmem:$0x1F650];
	_ =	sdelay $0x4  }
0xd1: {  	v3 =	vsel vm9, $0xC0, v3;
	v0 =	vsel vm0, $0x200, v0  }
0xd2: {  	v3 =	vsel vm8, $0x100, v3;
	v2 =	vsel vm9, $0x100, v2;
	[tilespmem:$0x1F6E0] =	vst v0;
	v0 =	vld [tilespmem:$0x1F660]  }
0xd3: {  	v3 =	vsel vm7, $0x140, v3;
	v2 =	vsel vm8, $0x140, v2  }
0xd4: {  	v3 =	vsel vm6, $0x180, v3;
	v2 =	vsel vm7, $0x180, v2  }
0xd5: {  	v3 =	vsel vm5, $0x1C0, v3;
	v2 =	vsel vm6, $0x1C0, v2  }
0xd6: {  	v3 =	vsel vm4, $0x200, v3;
	v2 =	vsel vm5, $0x200, v2  }
0xd7: {  	v3 =	vsel vm3, $0x240, v3;
	v2 =	vsel vm4, $0x240, v2;
	v0 =	vsel vm0, $0x1C0, v0  }
0xd8: {  	v3 =	vsel vm2, $0x280, v3;
	v2 =	vsel vm3, $0x280, v2;
	[tilespmem:$0x1F6F0] =	vst v0;
	v0 =	vld [tilespmem:$0x1F670]  }
0xd9: {  	v3 =	vsel vm1, $0x2C0, v3;
	v2 =	vsel vm2, $0x2C0, v2  }
0xda: {  	v3 =	vsel vm0, $0x300, v3;
	v2 =	vsel vm1, $0x300, v2  }
0xdb: {  	vm14 =	vcmask $0x3734;
	v3 =	vsel vm12, $0x340, v3;
	v2 =	vsel vm0, $0x340, v2  }
0xdc: {  	vm15 =	vcmask $0x3B38;
	v2 =	vsel vm12, $0x380, v2;
	v3 =	vsel vm13, $0x380, v3  }
0xdd: {  	v2 =	vsel vm13, $0x3C0, v2;
	v3 =	vsel vm14, $0x3C0, v3;
	v0 =	vsel vm0, $0x180, v0  }
0xde: {  	v5 =	vsel vm8, $0x1102, v5;
	v6 =	vsel vm8, $0x2102, v6;
	v7 =	vsel vm8, $0x3102, v7;
	[tilespmem:$0x1F700] =	vst v0;
	v0 =	vld [tilespmem:$0x1F680]  }
0xdf: {  	v8 =	vsel vm8, $0x103, v8;
	v9 =	vsel vm8, $0x1103, v9;
	v11 =	vsel vm8, $0x3103, v11  }
0xe0: {  	v12 =	vsel vm8, $0x104, v12;
	v14 =	vsel vm8, $0x2104, v14;
	v15 =	vsel vm8, $0x3104, v15  }
0xe1: {  	v17 =	vsel vm8, $0x1105, v17;
	v18 =	vsel vm8, $0x2105, v18;
	v20 =	vsel vm8, $0x106, v20  }
0xe2: {  	v21 =	vsel vm8, $0x1106, v21;
	v23 =	vsel vm8, $0x3106, v23;
	v24 =	vsel vm8, $0x107, v24  }
0xe3: {  	v26 =	vsel vm8, $0x2107, v26;
	v27 =	vsel vm8, $0x3107, v27;
	v0 =	vsel vm0, $0x140, v0  }
0xe4: {  	v29 =	vsel vm8, $0x1108, v29;
	v30 =	vsel vm8, $0x2108, v30;
	v32 =	vsel vm8, $0x109, v32;
	[tilespmem:$0x1F710] =	vst v0;
	v0 =	vld [tilespmem:$0x1F690]  }
0xe5: {  	v33 =	vsel vm8, $0x1109, v33;
	v35 =	vsel vm8, $0x3109, v35;
	v36 =	vsel vm8, $0x10A, v36  }
0xe6: {  	v38 =	vsel vm8, $0x210A, v38;
	v39 =	vsel vm8, $0x310A, v39;
	v41 =	vsel vm8, $0x110B, v41  }
0xe7: {  	v42 =	vsel vm8, $0x210B, v42;
	v44 =	vsel vm8, $0x10C, v44;
	v45 =	vsel vm8, $0x110C, v45  }
0xe8: {  	v47 =	vsel vm8, $0x310C, v47;
	v48 =	vsel vm8, $0x10D, v48;
	v50 =	vsel vm8, $0x210D, v50  }
0xe9: {  	v51 =	vsel vm8, $0x310D, v51;
	v53 =	vsel vm8, $0x110E, v53;
	v0 =	vsel vm0, $0x100, v0  }
0xea: {  	v54 =	vsel vm8, $0x210E, v54;
	v56 =	vsel vm8, $0x10F, v56;
	v57 =	vsel vm8, $0x110F, v57;
	[tilespmem:$0x1F720] =	vst v0;
	v0 =	vld [tilespmem:$0x1F6A0]  }
0xeb: {  	v59 =	vsel vm8, $0x310F, v59;
	v60 =	vsel vm8, $0x100, v60;
	v5 =	vsel vm7, $0x1183, v5  }
0xec: {  	v6 =	vsel vm7, $0x2183, v6;
	v7 =	vsel vm7, $0x3183, v7;
	v8 =	vsel vm7, $0x184, v8  }
0xed: {  	v9 =	vsel vm7, $0x1184, v9;
	v11 =	vsel vm7, $0x3184, v11;
	v12 =	vsel vm7, $0x185, v12  }
0xee: {  	v14 =	vsel vm7, $0x2185, v14;
	v15 =	vsel vm7, $0x3185, v15;
	v17 =	vsel vm7, $0x1186, v17  }
0xef: {  	v18 =	vsel vm7, $0x2186, v18;
	v20 =	vsel vm7, $0x187, v20;
	v0 =	vsel vm0, $0x909, v0  }
0xf0: {  	v21 =	vsel vm7, $0x1187, v21;
	v23 =	vsel vm7, $0x3187, v23;
	v24 =	vsel vm7, $0x188, v24;
	[tilespmem:$0x1F740] =	vst v0;
	v0 =	vld [tilespmem:$0x1F6B0]  }
0xf1: {  	v26 =	vsel vm7, $0x2188, v26;
	v27 =	vsel vm7, $0x3188, v27;
	v29 =	vsel vm7, $0x1189, v29  }
0xf2: {  	v30 =	vsel vm7, $0x2189, v30;
	v32 =	vsel vm7, $0x18A, v32;
	v33 =	vsel vm7, $0x118A, v33  }
0xf3: {  	v35 =	vsel vm7, $0x318A, v35;
	v36 =	vsel vm7, $0x18B, v36;
	v38 =	vsel vm7, $0x218B, v38  }
0xf4: {  	v39 =	vsel vm7, $0x318B, v39;
	v41 =	vsel vm7, $0x118C, v41;
	v42 =	vsel vm7, $0x218C, v42  }
0xf5: {  	v44 =	vsel vm7, $0x18D, v44;
	v45 =	vsel vm7, $0x118D, v45;
	v0 =	vsel vm0, $0x1909, v0  }
0xf6: {  	v47 =	vsel vm7, $0x318D, v47;
	v48 =	vsel vm7, $0x18E, v48;
	v50 =	vsel vm7, $0x218E, v50;
	[tilespmem:$0x1F750] =	vst v0;
	v0 =	vld [tilespmem:$0x1F6C0]  }
0xf7: {  	v51 =	vsel vm7, $0x318E, v51;
	v53 =	vsel vm7, $0x118F, v53;
	v54 =	vsel vm7, $0x218F, v54  }
0xf8: {  	v56 =	vsel vm7, $0x180, v56;
	v57 =	vsel vm7, $0x1180, v57;
	v59 =	vsel vm7, $0x3180, v59  }
0xf9: {  	v60 =	vsel vm7, $0x181, v60;
	v5 =	vsel vm6, $0x1204, v5;
	v6 =	vsel vm6, $0x2204, v6  }
0xfa: {  	v7 =	vsel vm6, $0x3204, v7;
	v8 =	vsel vm6, $0x205, v8;
	v9 =	vsel vm6, $0x1205, v9  }
0xfb: {  	v11 =	vsel vm6, $0x3205, v11;
	v12 =	vsel vm6, $0x206, v12;
	v0 =	vsel vm0, $0x2909, v0  }
0xfc: {  	v14 =	vsel vm6, $0x2206, v14;
	v15 =	vsel vm6, $0x3206, v15;
	v17 =	vsel vm6, $0x1207, v17;
	[tilespmem:$0x1F760] =	vst v0;
	v0 =	vld [tilespmem:$0x1F6D0]  }
0xfd: {  	v18 =	vsel vm6, $0x2207, v18;
	v20 =	vsel vm6, $0x208, v20;
	v21 =	vsel vm6, $0x1208, v21  }
0xfe: {  	v23 =	vsel vm6, $0x3208, v23;
	v24 =	vsel vm6, $0x209, v24;
	v26 =	vsel vm6, $0x2209, v26  }
0xff: {  	v27 =	vsel vm6, $0x3209, v27;
	v29 =	vsel vm6, $0x120A, v29;
	v30 =	vsel vm6, $0x220A, v30  }
0x100: {  	v32 =	vsel vm6, $0x20B, v32;
	v33 =	vsel vm6, $0x120B, v33;
	v35 =	vsel vm6, $0x320B, v35  }
0x101: {  	v36 =	vsel vm6, $0x20C, v36;
	v38 =	vsel vm6, $0x220C, v38;
	v0 =	vsel vm0, $0x3909, v0  }
0x102: {  	v39 =	vsel vm6, $0x320C, v39;
	v41 =	vsel vm6, $0x120D, v41;
	v42 =	vsel vm6, $0x220D, v42;
	[tilespmem:$0x1F770] =	vst v0;
	v0 =	vld [tilespmem:$0x1F6E0]  }
0x103: {  	v44 =	vsel vm6, $0x20E, v44;
	v45 =	vsel vm6, $0x120E, v45;
	v47 =	vsel vm6, $0x320E, v47  }
0x104: {  	v48 =	vsel vm6, $0x20F, v48;
	v50 =	vsel vm6, $0x220F, v50;
	v51 =	vsel vm6, $0x320F, v51  }
0x105: {  	v53 =	vsel vm6, $0x1200, v53;
	v54 =	vsel vm6, $0x2200, v54;
	v56 =	vsel vm6, $0x201, v56  }
0x106: {  	v57 =	vsel vm6, $0x1201, v57;
	v59 =	vsel vm6, $0x3201, v59;
	v60 =	vsel vm6, $0x202, v60  }
0x107: {  	v5 =	vsel vm5, $0x1285, v5;
	v6 =	vsel vm5, $0x2285, v6;
	v0 =	vsel vm12, $0x240, v0  }
0x108: {  	v7 =	vsel vm5, $0x3285, v7;
	v8 =	vsel vm5, $0x286, v8;
	v9 =	vsel vm5, $0x1286, v9;
	[tilespmem:$0x1F790] =	vst v0;
	v0 =	vld [tilespmem:$0x1F6F0]  }
0x109: {  	v11 =	vsel vm5, $0x3286, v11;
	v12 =	vsel vm5, $0x287, v12;
	v14 =	vsel vm5, $0x2287, v14  }
0x10a: {  	v15 =	vsel vm5, $0x3287, v15;
	v17 =	vsel vm5, $0x1288, v17;
	v18 =	vsel vm5, $0x2288, v18  }
0x10b: {  	v20 =	vsel vm5, $0x289, v20;
	v21 =	vsel vm5, $0x1289, v21;
	v23 =	vsel vm5, $0x3289, v23  }
0x10c: {  	v24 =	vsel vm5, $0x28A, v24;
	v26 =	vsel vm5, $0x228A, v26;
	v27 =	vsel vm5, $0x328A, v27  }
0x10d: {  	v29 =	vsel vm5, $0x128B, v29;
	v30 =	vsel vm5, $0x228B, v30;
	v0 =	vsel vm12, $0x200, v0  }
0x10e: {  	v32 =	vsel vm5, $0x28C, v32;
	v33 =	vsel vm5, $0x128C, v33;
	v35 =	vsel vm5, $0x328C, v35;
	[tilespmem:$0x1F7A0] =	vst v0;
	v0 =	vld [tilespmem:$0x1F700]  }
0x10f: {  	v36 =	vsel vm5, $0x28D, v36;
	v38 =	vsel vm5, $0x228D, v38;
	v39 =	vsel vm5, $0x328D, v39  }
0x110: {  	v41 =	vsel vm5, $0x128E, v41;
	v42 =	vsel vm5, $0x228E, v42;
	v44 =	vsel vm5, $0x28F, v44  }
0x111: {  	v45 =	vsel vm5, $0x128F, v45;
	v47 =	vsel vm5, $0x328F, v47;
	v48 =	vsel vm5, $0x280, v48  }
0x112: {  	v50 =	vsel vm5, $0x2280, v50;
	v51 =	vsel vm5, $0x3280, v51;
	v53 =	vsel vm5, $0x1281, v53  }
0x113: {  	v54 =	vsel vm5, $0x2281, v54;
	v56 =	vsel vm5, $0x282, v56;
	v0 =	vsel vm12, $0x1C0, v0  }
0x114: {  	v10 =	vsel vm8, $0x2103, v10;
	v13 =	vsel vm8, $0x1104, v13;
	v16 =	vsel vm8, $0x105, v16;
	[tilespmem:$0x1F7B0] =	vst v0;
	v0 =	vld [tilespmem:$0x1F710]  }
0x115: {  	v19 =	vsel vm8, $0x3105, v19;
	v22 =	vsel vm8, $0x2106, v22;
	v25 =	vsel vm8, $0x1107, v25  }
0x116: {  	v28 =	vsel vm8, $0x108, v28;
	v31 =	vsel vm8, $0x3108, v31;
	v34 =	vsel vm8, $0x2109, v34  }
0x117: {  	v37 =	vsel vm8, $0x110A, v37;
	v40 =	vsel vm8, $0x10B, v40;
	v43 =	vsel vm8, $0x310B, v43  }
0x118: {  	v46 =	vsel vm8, $0x210C, v46;
	v49 =	vsel vm8, $0x110D, v49;
	v52 =	vsel vm8, $0x10E, v52  }
0x119: {  	v55 =	vsel vm8, $0x310E, v55;
	v58 =	vsel vm8, $0x210F, v58;
	v0 =	vsel vm12, $0x180, v0  }
0x11a: {  	v57 =	vsel vm5, $0x1282, v57;
	v59 =	vsel vm5, $0x3282, v59;
	v60 =	vsel vm5, $0x283, v60;
	[tilespmem:$0x1F7C0] =	vst v0;
	v0 =	vld [tilespmem:$0x1F720]  }
0x11b: {  	v5 =	vsel vm4, $0x1306, v5;
	v6 =	vsel vm4, $0x2306, v6;
	v7 =	vsel vm4, $0x3306, v7  }
0x11c: {  	v8 =	vsel vm4, $0x307, v8;
	v9 =	vsel vm4, $0x1307, v9;
	v11 =	vsel vm4, $0x3307, v11  }
0x11d: {  	v12 =	vsel vm4, $0x308, v12;
	v14 =	vsel vm4, $0x2308, v14;
	v15 =	vsel vm4, $0x3308, v15  }
0x11e: {  	v17 =	vsel vm4, $0x1309, v17;
	v18 =	vsel vm4, $0x2309, v18;
	v20 =	vsel vm4, $0x30A, v20  }
0x11f: {  	v21 =	vsel vm4, $0x130A, v21;
	v23 =	vsel vm4, $0x330A, v23;
	v0 =	vsel vm12, $0x140, v0  }
0x120: {  	v24 =	vsel vm4, $0x30B, v24;
	v26 =	vsel vm4, $0x230B, v26;
	v27 =	vsel vm4, $0x330B, v27;
	[tilespmem:$0x1F7D0] =	vst v0;
	v0 =	vld [tilespmem:$0x1F730]  }
0x121: {  	v29 =	vsel vm4, $0x130C, v29;
	v30 =	vsel vm4, $0x230C, v30;
	v32 =	vsel vm4, $0x30D, v32  }
0x122: {  	v33 =	vsel vm4, $0x130D, v33;
	v35 =	vsel vm4, $0x330D, v35;
	v36 =	vsel vm4, $0x30E, v36  }
0x123: {  	v38 =	vsel vm4, $0x230E, v38;
	v39 =	vsel vm4, $0x330E, v39;
	v41 =	vsel vm4, $0x130F, v41  }
0x124: {  	v42 =	vsel vm4, $0x230F, v42;
	v44 =	vsel vm4, $0x300, v44;
	v45 =	vsel vm4, $0x1300, v45  }
0x125: {  	v47 =	vsel vm4, $0x3300, v47;
	v48 =	vsel vm4, $0x301, v48;
	v0 =	vsel vm12, $0x100, v0  }
0x126: {  	v50 =	vsel vm4, $0x2301, v50;
	v51 =	vsel vm4, $0x3301, v51;
	v53 =	vsel vm4, $0x1302, v53;
	[tilespmem:$0x1F7E0] =	vst v0;
	v0 =	vld [tilespmem:$0x1F740]  }
0x127: {  	v54 =	vsel vm4, $0x2302, v54;
	v56 =	vsel vm4, $0x303, v56;
	v10 =	vsel vm7, $0x2184, v10  }
0x128: {  	v13 =	vsel vm7, $0x1185, v13;
	v16 =	vsel vm7, $0x186, v16;
	v19 =	vsel vm7, $0x3186, v19  }
0x129: {  	v22 =	vsel vm7, $0x2187, v22;
	v25 =	vsel vm7, $0x1188, v25;
	v28 =	vsel vm7, $0x189, v28  }
0x12a: {  	v31 =	vsel vm7, $0x3189, v31;
	v34 =	vsel vm7, $0x218A, v34;
	v37 =	vsel vm7, $0x118B, v37  }
0x12b: {  	v40 =	vsel vm7, $0x18C, v40;
	v43 =	vsel vm7, $0x318C, v43;
	v0 =	vsel vm12, $0x98A, v0  }
0x12c: {  	v46 =	vsel vm7, $0x218D, v46;
	v49 =	vsel vm7, $0x118E, v49;
	v52 =	vsel vm7, $0x18F, v52;
	[tilespmem:$0x1F800] =	vst v0;
	v0 =	vld [tilespmem:$0x1F750]  }
0x12d: {  	v55 =	vsel vm7, $0x318F, v55;
	v58 =	vsel vm7, $0x2180, v58;
	v57 =	vsel vm4, $0x1303, v57  }
0x12e: {  	v59 =	vsel vm4, $0x3303, v59;
	v60 =	vsel vm4, $0x304, v60;
	v5 =	vsel vm3, $0x1387, v5  }
0x12f: {  	v6 =	vsel vm3, $0x2387, v6;
	v7 =	vsel vm3, $0x3387, v7;
	v8 =	vsel vm3, $0x388, v8  }
0x130: {  	v9 =	vsel vm3, $0x1388, v9;
	v11 =	vsel vm3, $0x3388, v11;
	v12 =	vsel vm3, $0x389, v12  }
0x131: {  	v14 =	vsel vm3, $0x2389, v14;
	v15 =	vsel vm3, $0x3389, v15;
	v0 =	vsel vm12, $0x198A, v0  }
0x132: {  	v17 =	vsel vm3, $0x138A, v17;
	v18 =	vsel vm3, $0x238A, v18;
	v20 =	vsel vm3, $0x38B, v20;
	[tilespmem:$0x1F810] =	vst v0;
	v0 =	vld [tilespmem:$0x1F760]  }
0x133: {  	v21 =	vsel vm3, $0x138B, v21;
	v23 =	vsel vm3, $0x338B, v23;
	v24 =	vsel vm3, $0x38C, v24  }
0x134: {  	v26 =	vsel vm3, $0x238C, v26;
	v27 =	vsel vm3, $0x338C, v27;
	v29 =	vsel vm3, $0x138D, v29  }
0x135: {  	v30 =	vsel vm3, $0x238D, v30;
	v32 =	vsel vm3, $0x38E, v32;
	v33 =	vsel vm3, $0x138E, v33  }
0x136: {  	v35 =	vsel vm3, $0x338E, v35;
	v36 =	vsel vm3, $0x38F, v36;
	v38 =	vsel vm3, $0x238F, v38  }
0x137: {  	v39 =	vsel vm3, $0x338F, v39;
	v41 =	vsel vm3, $0x1380, v41;
	v0 =	vsel vm12, $0x298A, v0  }
0x138: {  	v42 =	vsel vm3, $0x2380, v42;
	v44 =	vsel vm3, $0x381, v44;
	v45 =	vsel vm3, $0x1381, v45;
	[tilespmem:$0x1F820] =	vst v0;
	v0 =	vld [tilespmem:$0x1F770]  }
0x139: {  	v47 =	vsel vm3, $0x3381, v47;
	v48 =	vsel vm3, $0x382, v48;
	v50 =	vsel vm3, $0x2382, v50  }
0x13a: {  	v51 =	vsel vm3, $0x3382, v51;
	v53 =	vsel vm3, $0x1383, v53;
	v54 =	vsel vm3, $0x2383, v54  }
0x13b: {  	v56 =	vsel vm3, $0x384, v56;
	v10 =	vsel vm6, $0x2205, v10;
	v13 =	vsel vm6, $0x1206, v13  }
0x13c: {  	v16 =	vsel vm6, $0x207, v16;
	v19 =	vsel vm6, $0x3207, v19;
	v22 =	vsel vm6, $0x2208, v22  }
0x13d: {  	v25 =	vsel vm6, $0x1209, v25;
	v28 =	vsel vm6, $0x20A, v28;
	v0 =	vsel vm12, $0x398A, v0  }
0x13e: {  	v31 =	vsel vm6, $0x320A, v31;
	v34 =	vsel vm6, $0x220B, v34;
	v37 =	vsel vm6, $0x120C, v37;
	[tilespmem:$0x1F830] =	vst v0;
	v0 =	vld [tilespmem:$0x1F780]  }
0x13f: {  	v40 =	vsel vm6, $0x20D, v40;
	v43 =	vsel vm6, $0x320D, v43;
	v46 =	vsel vm6, $0x220E, v46  }
0x140: {  	v49 =	vsel vm6, $0x120F, v49;
	v52 =	vsel vm6, $0x200, v52;
	v55 =	vsel vm6, $0x3200, v55  }
0x141: {  	v58 =	vsel vm6, $0x2201, v58;
	v57 =	vsel vm3, $0x1384, v57;
	v59 =	vsel vm3, $0x3384, v59  }
0x142: {  	v60 =	vsel vm3, $0x385, v60;
	v5 =	vsel vm2, $0x1808, v5;
	v6 =	vsel vm2, $0x2808, v6  }
0x143: {  	v7 =	vsel vm2, $0x3808, v7;
	v8 =	vsel vm2, $0x809, v8;
	v0 =	vsel vm14, $0x300, v0  }
0x144: {  	v9 =	vsel vm2, $0x1809, v9;
	v11 =	vsel vm2, $0x3809, v11;
	v12 =	vsel vm2, $0x80A, v12;
	[tilespmem:$0x1F900] =	vst v0;
	v0 =	vld [tilespmem:$0x1F790]  }
0x145: {  	v14 =	vsel vm2, $0x280A, v14;
	v15 =	vsel vm2, $0x380A, v15;
	v17 =	vsel vm2, $0x180B, v17  }
0x146: {  	v18 =	vsel vm2, $0x280B, v18;
	v20 =	vsel vm2, $0x80C, v20;
	v21 =	vsel vm2, $0x180C, v21  }
0x147: {  	v23 =	vsel vm2, $0x380C, v23;
	v24 =	vsel vm2, $0x80D, v24;
	v26 =	vsel vm2, $0x280D, v26  }
0x148: {  	v27 =	vsel vm2, $0x380D, v27;
	v29 =	vsel vm2, $0x180E, v29;
	v30 =	vsel vm2, $0x280E, v30  }
0x149: {  	v32 =	vsel vm2, $0x80F, v32;
	v33 =	vsel vm2, $0x180F, v33;
	v0 =	vsel vm13, $0x280, v0  }
0x14a: {  	v35 =	vsel vm2, $0x380F, v35;
	v36 =	vsel vm2, $0x800, v36;
	v38 =	vsel vm2, $0x2800, v38;
	[tilespmem:$0x1F840] =	vst v0;
	v0 =	vld [tilespmem:$0x1F7A0]  }
0x14b: {  	v39 =	vsel vm2, $0x3800, v39;
	v41 =	vsel vm2, $0x1801, v41;
	v42 =	vsel vm2, $0x2801, v42  }
0x14c: {  	v44 =	vsel vm2, $0x802, v44;
	v45 =	vsel vm2, $0x1802, v45;
	v47 =	vsel vm2, $0x3802, v47  }
0x14d: {  	v48 =	vsel vm2, $0x803, v48;
	v50 =	vsel vm2, $0x2803, v50;
	v51 =	vsel vm2, $0x3803, v51  }
0x14e: {  	v53 =	vsel vm2, $0x1804, v53;
	v54 =	vsel vm2, $0x2804, v54;
	v56 =	vsel vm2, $0x805, v56  }
0x14f: {  	v10 =	vsel vm5, $0x2286, v10;
	v13 =	vsel vm5, $0x1287, v13;
	v0 =	vsel vm13, $0x240, v0  }
0x150: {  	v16 =	vsel vm5, $0x288, v16;
	v19 =	vsel vm5, $0x3288, v19;
	v22 =	vsel vm5, $0x2289, v22;
	[tilespmem:$0x1F850] =	vst v0;
	v0 =	vld [tilespmem:$0x1F7B0]  }
0x151: {  	v25 =	vsel vm5, $0x128A, v25;
	v28 =	vsel vm5, $0x28B, v28;
	v31 =	vsel vm5, $0x328B, v31  }
0x152: {  	v34 =	vsel vm5, $0x228C, v34;
	v37 =	vsel vm5, $0x128D, v37;
	v40 =	vsel vm5, $0x28E, v40  }
0x153: {  	v43 =	vsel vm5, $0x328E, v43;
	v46 =	vsel vm5, $0x228F, v46;
	v49 =	vsel vm5, $0x1280, v49  }
0x154: {  	v52 =	vsel vm5, $0x281, v52;
	v55 =	vsel vm5, $0x3281, v55;
	v58 =	vsel vm5, $0x2282, v58  }
0x155: {  	v57 =	vsel vm2, $0x1805, v57;
	v59 =	vsel vm2, $0x3805, v59;
	v0 =	vsel vm13, $0x200, v0  }
0x156: {  	v60 =	vsel vm2, $0x806, v60;
	v5 =	vsel vm1, $0x1889, v5;
	v6 =	vsel vm1, $0x2889, v6;
	[tilespmem:$0x1F860] =	vst v0;
	v0 =	vld [tilespmem:$0x1F7C0]  }
0x157: {  	v7 =	vsel vm1, $0x3889, v7;
	v8 =	vsel vm1, $0x88A, v8;
	v9 =	vsel vm1, $0x188A, v9  }
0x158: {  	v11 =	vsel vm1, $0x388A, v11;
	v12 =	vsel vm1, $0x88B, v12;
	v14 =	vsel vm1, $0x288B, v14  }
0x159: {  	v15 =	vsel vm1, $0x388B, v15;
	v17 =	vsel vm1, $0x188C, v17;
	v18 =	vsel vm1, $0x288C, v18  }
0x15a: {  	v20 =	vsel vm1, $0x88D, v20;
	v21 =	vsel vm1, $0x188D, v21;
	v23 =	vsel vm1, $0x388D, v23  }
0x15b: {  	v24 =	vsel vm1, $0x88E, v24;
	v26 =	vsel vm1, $0x288E, v26;
	v0 =	vsel vm13, $0x1C0, v0  }
0x15c: {  	v27 =	vsel vm1, $0x388E, v27;
	v29 =	vsel vm1, $0x188F, v29;
	v30 =	vsel vm1, $0x288F, v30;
	[tilespmem:$0x1F870] =	vst v0;
	v0 =	vld [tilespmem:$0x1F7D0]  }
0x15d: {  	v32 =	vsel vm1, $0x880, v32;
	v33 =	vsel vm1, $0x1880, v33;
	v35 =	vsel vm1, $0x3880, v35  }
0x15e: {  	v36 =	vsel vm1, $0x881, v36;
	v38 =	vsel vm1, $0x2881, v38;
	v39 =	vsel vm1, $0x3881, v39  }
0x15f: {  	v41 =	vsel vm1, $0x1882, v41;
	v42 =	vsel vm1, $0x2882, v42;
	v44 =	vsel vm1, $0x883, v44  }
0x160: {  	v45 =	vsel vm1, $0x1883, v45;
	v47 =	vsel vm1, $0x3883, v47;
	v48 =	vsel vm1, $0x884, v48  }
0x161: {  	v50 =	vsel vm1, $0x2884, v50;
	v51 =	vsel vm1, $0x3884, v51;
	v0 =	vsel vm13, $0x180, v0  }
0x162: {  	v53 =	vsel vm1, $0x1885, v53;
	v54 =	vsel vm1, $0x2885, v54;
	v56 =	vsel vm1, $0x886, v56;
	[tilespmem:$0x1F880] =	vst v0;
	v0 =	vld [tilespmem:$0x1F7E0]  }
0x163: {  	v10 =	vsel vm4, $0x2307, v10;
	v13 =	vsel vm4, $0x1308, v13;
	v16 =	vsel vm4, $0x309, v16  }
0x164: {  	v19 =	vsel vm4, $0x3309, v19;
	v22 =	vsel vm4, $0x230A, v22;
	v25 =	vsel vm4, $0x130B, v25  }
0x165: {  	v28 =	vsel vm4, $0x30C, v28;
	v34 =	vsel vm4, $0x230D, v34;
	v37 =	vsel vm4, $0x130E, v37  }
0x166: {  	v40 =	vsel vm4, $0x30F, v40;
	v43 =	vsel vm4, $0x330F, v43;
	v46 =	vsel vm4, $0x2300, v46  }
0x167: {  	v49 =	vsel vm4, $0x1301, v49;
	v52 =	vsel vm4, $0x302, v52;
	v0 =	vsel vm13, $0x140, v0  }
0x168: {  	v55 =	vsel vm4, $0x3302, v55;
	v58 =	vsel vm4, $0x2303, v58;
	v57 =	vsel vm1, $0x1886, v57;
	[tilespmem:$0x1F890] =	vst v0;
	v0 =	vld [tilespmem:$0x1F7F0]  }
0x169: {  	v59 =	vsel vm1, $0x3886, v59;
	v60 =	vsel vm1, $0x887, v60;
	v5 =	vsel vm0, $0x190A, v5  }
0x16a: {  	v6 =	vsel vm0, $0x290A, v6;
	v7 =	vsel vm0, $0x390A, v7;
	v8 =	vsel vm0, $0x90B, v8  }
0x16b: {  	v9 =	vsel vm0, $0x190B, v9;
	v11 =	vsel vm0, $0x390B, v11;
	v12 =	vsel vm0, $0x90C, v12  }
0x16c: {  	v14 =	vsel vm0, $0x290C, v14;
	v15 =	vsel vm0, $0x390C, v15;
	v17 =	vsel vm0, $0x190D, v17  }
0x16d: {  	v18 =	vsel vm0, $0x290D, v18;
	v20 =	vsel vm0, $0x90E, v20;
	v0 =	vsel vm13, $0x100, v0  }
0x16e: {  	v21 =	vsel vm0, $0x190E, v21;
	v23 =	vsel vm0, $0x390E, v23;
	v24 =	vsel vm0, $0x90F, v24;
	[tilespmem:$0x1F8A0] =	vst v0;
	v0 =	vld [tilespmem:$0x1F800]  }
0x16f: {  	v26 =	vsel vm0, $0x290F, v26;
	v27 =	vsel vm0, $0x390F, v27;
	v29 =	vsel vm0, $0x1900, v29  }
0x170: {  	v30 =	vsel vm0, $0x2900, v30;
	v32 =	vsel vm0, $0x901, v32;
	v33 =	vsel vm0, $0x1901, v33  }
0x171: {  	v35 =	vsel vm0, $0x3901, v35;
	v36 =	vsel vm0, $0x902, v36;
	v38 =	vsel vm0, $0x2902, v38  }
0x172: {  	v39 =	vsel vm0, $0x3902, v39;
	v41 =	vsel vm0, $0x1903, v41;
	v42 =	vsel vm0, $0x2903, v42  }
0x173: {  	v44 =	vsel vm0, $0x904, v44;
	v45 =	vsel vm0, $0x1904, v45;
	v0 =	vsel vm13, $0xA0B, v0  }
0x174: {  	v47 =	vsel vm0, $0x3904, v47;
	v48 =	vsel vm0, $0x905, v48;
	v50 =	vsel vm0, $0x2905, v50;
	[tilespmem:$0x1F8C0] =	vst v0;
	v0 =	vld [tilespmem:$0x1F810]  }
0x175: {  	v51 =	vsel vm0, $0x3905, v51;
	v53 =	vsel vm0, $0x1906, v53;
	v54 =	vsel vm0, $0x2906, v54  }
0x176: {  	v56 =	vsel vm0, $0x907, v56;
	v10 =	vsel vm3, $0x2388, v10;
	v13 =	vsel vm3, $0x1389, v13  }
0x177: {  	v16 =	vsel vm3, $0x38A, v16;
	v19 =	vsel vm3, $0x338A, v19;
	v22 =	vsel vm3, $0x238B, v22  }
0x178: {  	v25 =	vsel vm3, $0x138C, v25;
	v28 =	vsel vm3, $0x38D, v28;
	v34 =	vsel vm3, $0x238E, v34  }
0x179: {  	v37 =	vsel vm3, $0x138F, v37;
	v40 =	vsel vm3, $0x380, v40;
	v0 =	vsel vm13, $0x1A0B, v0  }
0x17a: {  	v43 =	vsel vm3, $0x3380, v43;
	v46 =	vsel vm3, $0x2381, v46;
	v49 =	vsel vm3, $0x1382, v49;
	[tilespmem:$0x1F8D0] =	vst v0;
	v0 =	vld [tilespmem:$0x1F820]  }
0x17b: {  	v52 =	vsel vm3, $0x383, v52;
	v55 =	vsel vm3, $0x3383, v55;
	v58 =	vsel vm3, $0x2384, v58  }
0x17c: {  	v57 =	vsel vm0, $0x1907, v57;
	v59 =	vsel vm0, $0x3907, v59;
	v60 =	vsel vm0, $0x908, v60  }
0x17d: {  	v5 =	vsel vm12, $0x198B, v5;
	v6 =	vsel vm12, $0x298B, v6;
	v7 =	vsel vm12, $0x398B, v7  }
0x17e: {  	v8 =	vsel vm12, $0x98C, v8;
	v9 =	vsel vm12, $0x198C, v9;
	v11 =	vsel vm12, $0x398C, v11  }
0x17f: {  	v12 =	vsel vm12, $0x98D, v12;
	v14 =	vsel vm12, $0x298D, v14;
	v0 =	vsel vm13, $0x2A0B, v0  }
0x180: {  	v15 =	vsel vm12, $0x398D, v15;
	v17 =	vsel vm12, $0x198E, v17;
	v18 =	vsel vm12, $0x298E, v18;
	[tilespmem:$0x1F8E0] =	vst v0;
	v0 =	vld [tilespmem:$0x1F830]  }
0x181: {  	v20 =	vsel vm12, $0x98F, v20;
	v21 =	vsel vm12, $0x198F, v21;
	v23 =	vsel vm12, $0x398F, v23  }
0x182: {  	v24 =	vsel vm12, $0x980, v24;
	v26 =	vsel vm12, $0x2980, v26;
	v27 =	vsel vm12, $0x3980, v27  }
0x183: {  	v29 =	vsel vm12, $0x1981, v29;
	v30 =	vsel vm12, $0x2981, v30;
	v32 =	vsel vm12, $0x982, v32  }
0x184: {  	v33 =	vsel vm12, $0x1982, v33;
	v35 =	vsel vm12, $0x3982, v35;
	v36 =	vsel vm12, $0x983, v36  }
0x185: {  	v38 =	vsel vm12, $0x2983, v38;
	v39 =	vsel vm12, $0x3983, v39;
	v0 =	vsel vm13, $0x3A0B, v0  }
0x186: {  	v41 =	vsel vm12, $0x1984, v41;
	v42 =	vsel vm12, $0x2984, v42;
	v44 =	vsel vm12, $0x985, v44;
	[tilespmem:$0x1F8F0] =	vst v0;
	v0 =	vld [tilespmem:$0x1F840]  }
0x187: {  	v45 =	vsel vm12, $0x1985, v45;
	v47 =	vsel vm12, $0x3985, v47;
	v48 =	vsel vm12, $0x986, v48  }
0x188: {  	v50 =	vsel vm12, $0x2986, v50;
	v51 =	vsel vm12, $0x3986, v51;
	v53 =	vsel vm12, $0x1987, v53  }
0x189: {  	v54 =	vsel vm12, $0x2987, v54;
	v56 =	vsel vm12, $0x988, v56;
	v10 =	vsel vm2, $0x2809, v10  }
0x18a: {  	v13 =	vsel vm2, $0x180A, v13;
	v16 =	vsel vm2, $0x80B, v16;
	v19 =	vsel vm2, $0x380B, v19  }
0x18b: {  	v22 =	vsel vm2, $0x280C, v22;
	v25 =	vsel vm2, $0x180D, v25;
	v0 =	vsel vm14, $0x2C0, v0  }
0x18c: {  	v28 =	vsel vm2, $0x80E, v28;
	v34 =	vsel vm2, $0x280F, v34;
	v37 =	vsel vm2, $0x1800, v37;
	[tilespmem:$0x1F920] =	vst v0;
	v0 =	vld [tilespmem:$0x1F850]  }
0x18d: {  	v40 =	vsel vm2, $0x801, v40;
	v43 =	vsel vm2, $0x3801, v43;
	v46 =	vsel vm2, $0x2802, v46  }
0x18e: {  	v49 =	vsel vm2, $0x1803, v49;
	v52 =	vsel vm2, $0x804, v52;
	v55 =	vsel vm2, $0x3804, v55  }
0x18f: {  	v58 =	vsel vm2, $0x2805, v58;
	v57 =	vsel vm12, $0x1988, v57;
	v59 =	vsel vm12, $0x3988, v59  }
0x190: {  	v60 =	vsel vm12, $0x989, v60;
	v5 =	vsel vm13, $0x1A0C, v5;
	v6 =	vsel vm13, $0x2A0C, v6  }
0x191: {  	v7 =	vsel vm13, $0x3A0C, v7;
	v8 =	vsel vm13, $0xA0D, v8;
	v0 =	vsel vm14, $0x280, v0  }
0x192: {  	v9 =	vsel vm13, $0x1A0D, v9;
	v11 =	vsel vm13, $0x3A0D, v11;
	v12 =	vsel vm13, $0xA0E, v12;
	[tilespmem:$0x1F940] =	vst v0;
	v0 =	vld [tilespmem:$0x1F860]  }
0x193: {  	v14 =	vsel vm13, $0x2A0E, v14;
	v15 =	vsel vm13, $0x3A0E, v15;
	v20 =	vsel vm13, $0xA00, v20  }
0x194: {  	v21 =	vsel vm13, $0x1A00, v21;
	v23 =	vsel vm13, $0x3A00, v23;
	v24 =	vsel vm13, $0xA01, v24  }
0x195: {  	v26 =	vsel vm13, $0x2A01, v26;
	v27 =	vsel vm13, $0x3A01, v27;
	v29 =	vsel vm13, $0x1A02, v29  }
0x196: {  	v30 =	vsel vm13, $0x2A02, v30;
	v32 =	vsel vm13, $0xA03, v32;
	v33 =	vsel vm13, $0x1A03, v33  }
0x197: {  	v35 =	vsel vm13, $0x3A03, v35;
	v36 =	vsel vm13, $0xA04, v36;
	v0 =	vsel vm14, $0x240, v0  }
0x198: {  	v38 =	vsel vm13, $0x2A04, v38;
	v39 =	vsel vm13, $0x3A04, v39;
	v41 =	vsel vm13, $0x1A05, v41;
	[tilespmem:$0x1F960] =	vst v0;
	v0 =	vld [tilespmem:$0x1F870]  }
0x199: {  	v42 =	vsel vm13, $0x2A05, v42;
	v44 =	vsel vm13, $0xA06, v44;
	v45 =	vsel vm13, $0x1A06, v45  }
0x19a: {  	v47 =	vsel vm13, $0x3A06, v47;
	v48 =	vsel vm13, $0xA07, v48;
	v50 =	vsel vm13, $0x2A07, v50  }
0x19b: {  	v51 =	vsel vm13, $0x3A07, v51;
	v53 =	vsel vm13, $0x1A08, v53;
	v54 =	vsel vm13, $0x2A08, v54  }
0x19c: {  	v56 =	vsel vm13, $0xA09, v56;
	v10 =	vsel vm1, $0x288A, v10;
	v13 =	vsel vm1, $0x188B, v13  }
0x19d: {  	v16 =	vsel vm1, $0x88C, v16;
	v22 =	vsel vm1, $0x288D, v22;
	v0 =	vsel vm14, $0x200, v0  }
0x19e: {  	v25 =	vsel vm1, $0x188E, v25;
	v34 =	vsel vm1, $0x2880, v34;
	v33 =	vsel vm14, $0x1A84, v33;
	[tilespmem:$0x1F980] =	vst v0;
	v0 =	vld [tilespmem:$0x1F880]  }
0x19f: {  	v37 =	vsel vm1, $0x1881, v37;
	v40 =	vsel vm1, $0x882, v40;
	v36 =	vsel vm14, $0xA85, v36;
	[tilespmem:$0x1FB50] =	vst v33  }
0x1a0: {  	v43 =	vsel vm1, $0x3882, v43;
	v49 =	vsel vm1, $0x1884, v49;
	v38 =	vsel vm14, $0x2A85, v38;
	[tilespmem:$0x1FB60] =	vst v36  }
0x1a1: {  	v52 =	vsel vm1, $0x885, v52;
	v58 =	vsel vm1, $0x2886, v58;
	v39 =	vsel vm14, $0x3A85, v39;
	[tilespmem:$0x1FB70] =	vst v38  }
0x1a2: {  	v57 =	vsel vm13, $0x1A09, v57;
	v20 =	vsel vm14, $0xA81, v20;
	v42 =	vsel vm14, $0x2A86, v42;
	[tilespmem:$0x1FB80] =	vst v39  }
0x1a3: {  	v21 =	vsel vm14, $0x1A81, v21;
	v44 =	vsel vm14, $0xA87, v44;
	[tilespmem:$0x1FB90] =	vst v42;
	v0 =	vsel vm14, $0x1C0, v0  }
0x1a4: {  	v45 =	vsel vm14, $0x1A87, v45;
	v48 =	vsel vm14, $0xA88, v48;
	v50 =	vsel vm14, $0x2A88, v50;
	[tilespmem:$0x1F9A0] =	vst v0;
	v0 =	vld [tilespmem:$0x1F890]  }
0x1a5: {  	v51 =	vsel vm14, $0x3A88, v51;
	v53 =	vsel vm14, $0x1A89, v53;
	v54 =	vsel vm14, $0x2A89, v54;
	[tilespmem:$0x1FBB0] =	vst v44  }
0x1a6: {  	v56 =	vsel vm14, $0xA8A, v56;
	v16 =	vsel vm0, $0x90D, v16;
	v22 =	vsel vm0, $0x290E, v22;
	[tilespmem:$0x1FBC0] =	vst v45  }
0x1a7: {  	v43 =	vsel vm0, $0x3903, v43;
	v49 =	vsel vm0, $0x1905, v49;
	v52 =	vsel vm0, $0x906, v52;
	[tilespmem:$0x1FBD0] =	vst v48  }
0x1a8: {  	v58 =	vsel vm0, $0x2907, v58;
	[tilespmem:$0x1FBF0] =	vst v50;
	v33 =	vsel vm14, $0x1A8A, v57;
	v57 =	vsel vm15, $0xB02, v20  }
0x1a9: {  	[tilespmem:$0x1FC00] =	vst v51;
	v43 =	vsel vm12, $0x3984, v43;
	v63 =	vsel vm8, $0x3100, v63;
	v0 =	vsel vm14, $0x180, v0  }
0x1aa: {  	v49 =	vsel vm12, $0x1986, v49;
	v52 =	vsel vm12, $0x987, v52;
	v63 =	vsel vm7, $0x3181, v63;
	[tilespmem:$0x1F9C0] =	vst v0;
	v0 =	vld [tilespmem:$0x1F8A0]  }
0x1ab: {  	[tilespmem:$0x1FC20] =	vst v53;
	v58 =	vsel vm12, $0x2988, v58;
	v43 =	vsel vm13, $0x3A05, v43;
	v63 =	vsel vm6, $0x3202, v63  }
0x1ac: {  	[tilespmem:$0x1FC30] =	vst v54;
	v49 =	vsel vm13, $0x1A07, v49;
	v52 =	vsel vm13, $0xA08, v52;
	v63 =	vsel vm5, $0x3283, v63  }
0x1ad: {  	[tilespmem:$0x1FC60] =	vst v56;
	v58 =	vsel vm13, $0x2A09, v58;
	v62 =	vsel vm8, $0x2100, v62;
	v63 =	vsel vm4, $0x3304, v63  }
0x1ae: {  	[tilespmem:$0x1FC70] =	vst v33;
	v43 =	vsel vm14, $0x3A86, v43;
	v62 =	vsel vm7, $0x2181, v62;
	v63 =	vsel vm3, $0x3385, v63  }
0x1af: {  	[tilespmem:$0x1FA80] =	vst v57;
	v62 =	vsel vm6, $0x2202, v62;
	v63 =	vsel vm2, $0x3806, v63;
	v0 =	vsel vm14, $0x140, v0  }
0x1b0: {  	v49 =	vsel vm14, $0x1A88, v49;
	v62 =	vsel vm5, $0x2283, v62;
	v63 =	vsel vm1, $0x3887, v63;
	[tilespmem:$0x1F9E0] =	vst v0;
	v0 =	vld [tilespmem:$0x1F8B0]  }
0x1b1: {  	v52 =	vsel vm14, $0xA89, v52;
	[tilespmem:$0x1FBA0] =	vst v43;
	v62 =	vsel vm4, $0x2304, v62;
	v63 =	vsel vm0, $0x3908, v63  }
0x1b2: {  	v33 =	vsel vm14, $0x2A8A, v58;
	[tilespmem:$0x1FBE0] =	vst v49;
	v62 =	vsel vm3, $0x2385, v62;
	v63 =	vsel vm12, $0x3989, v63  }
0x1b3: {  	v58 =	vsel vm15, $0x1B02, v21;
	[tilespmem:$0x1FC10] =	vst v52;
	v62 =	vsel vm2, $0x2806, v62;
	v63 =	vsel vm13, $0x3A0A, v63  }
0x1b4: {  	v34 =	vsel vm0, $0x2901, v34;
	[tilespmem:$0x1FA90] =	vst v58;
	v62 =	vsel vm1, $0x2887, v62;
	v38 =	vsel vm14, $0x3A8B, v63  }
0x1b5: {  	v37 =	vsel vm0, $0x1902, v37;
	v62 =	vsel vm0, $0x2908, v62;
	[tilespmem:$0x1FCB0] =	vst v38;
	v0 =	vsel vm14, $0x100, v0  }
0x1b6: {  	v37 =	vsel vm12, $0x1983, v37;
	v62 =	vsel vm12, $0x2989, v62;
	[tilespmem:$0x1FA00] =	vst v0;
	v0 =	vsel vm14, $0xA8E, v8  }
0x1b7: {  	v37 =	vsel vm13, $0x1A04, v37;
	v62 =	vsel vm13, $0x2A0A, v62;
	[tilespmem:$0x1FA40] =	vst v0;
	v0 =	vsel vm14, $0x2A8F, v14  }
0x1b8: {  	v16 =	vsel vm12, $0x98E, v16;
	v14 =	vsel vm14, $0x1A85, v37;
	v37 =	vsel vm14, $0x2A8B, v62;
	[tilespmem:$0x1FA50] =	vst v0  }
0x1b9: {  	v22 =	vsel vm12, $0x298F, v22;
	v16 =	vsel vm13, $0xA0F, v16;
	v0 =	vsel vm14, $0x3A8F, v15;
	[tilespmem:$0x1FCA0] =	vst v37  }
0x1ba: {  	v34 =	vsel vm12, $0x2982, v34;
	v22 =	vsel vm13, $0x2A00, v22;
	[tilespmem:$0x1FA60] =	vst v0;
	v0 =	vsel vm14, $0xA80, v16  }
0x1bb: {  	v59 =	vsel vm13, $0x3A09, v59;
	v34 =	vsel vm13, $0x2A03, v34;
	[tilespmem:$0x1FA70] =	vst v0;
	v0 =	vsel vm14, $0x2A81, v22  }
0x1bc: {  	v40 =	vsel vm0, $0x903, v40;
	v22 =	vsel vm14, $0x2A84, v34;
	v34 =	vsel vm14, $0x3A8A, v59;
	[tilespmem:$0x1FAA0] =	vst v0  }
0x1bd: {  	v60 =	vsel vm13, $0xA0A, v60;
	v40 =	vsel vm12, $0x984, v40;
	v0 =	vsel vm14, $0x3A81, v23;
	[tilespmem:$0x1FC80] =	vst v34  }
0x1be: {  	v40 =	vsel vm13, $0xA05, v40;
	v23 =	vsel vm14, $0x3A84, v35;
	v35 =	vsel vm14, $0xA8B, v60;
	[tilespmem:$0x1FAC0] =	vst v0  }
0x1bf: {  	v46 =	vsel vm1, $0x2883, v46;
	v15 =	vsel vm14, $0xA86, v40;
	v40 =	vld [tilespmem:$0x1F8D0];
	v0 =	vsel vm14, $0xA82, v24;
	[tilespmem:$0x1FC90] =	vst v35  }
0x1c0: {  	v55 =	vsel vm1, $0x3885, v55;
	v46 =	vsel vm0, $0x2904, v46;
	v43 =	vld [tilespmem:$0x1F900];
	[tilespmem:$0x1FAE0] =	vst v0;
	v0 =	vsel vm14, $0x2A82, v26  }
0x1c1: {  	v5 =	vsel vm14, $0x1A8D, v5;
	v46 =	vsel vm12, $0x2985, v46;
	v44 =	vld [tilespmem:$0x1F920];
	[tilespmem:$0x1FB10] =	vst v0;
	v0 =	vsel vm14, $0x3A82, v27  }
0x1c2: {  	v6 =	vsel vm14, $0x2A8D, v6;
	v46 =	vsel vm13, $0x2A06, v46;
	v45 =	vld [tilespmem:$0x1F940];
	[tilespmem:$0x1FB20] =	vst v0;
	v0 =	vsel vm14, $0x1A83, v29  }
0x1c3: {  	v7 =	vsel vm14, $0x3A8D, v7;
	v27 =	vsel vm14, $0x2A87, v46;
	v46 =	vld [tilespmem:$0x1F960];
	[tilespmem:$0x1FB30] =	vst v0;
	v0 =	vsel vm14, $0x2A83, v30  }
0x1c4: {  	v9 =	vsel vm14, $0x1A8E, v9;
	v30 =	vsel vm14, $0x3A87, v47;
	v47 =	vld [tilespmem:$0x1F980];
	[tilespmem:$0x1FB40] =	vst v0;
	v0 =	vsel vm14, $0x1A8C, v40  }
0x1c5: {  	v11 =	vsel vm14, $0x3A8E, v11;
	v61 =	vsel vm8, $0x1100, v61;
	v48 =	vld [tilespmem:$0x1F9A0];
	[tilespmem:$0x1FCC0] =	vst v0;
	v0 =	vsel vm15, $0x340, v43  }
0x1c6: {  	v25 =	vsel vm0, $0x190F, v25;
	v55 =	vsel vm0, $0x3906, v55;
	v49 =	vld [tilespmem:$0x1F9C0];
	[tilespmem:$0x1F910] =	vst v0;
	v0 =	vsel vm15, $0x300, v44  }
0x1c7: {  	v25 =	vsel vm12, $0x1980, v25;
	v55 =	vsel vm12, $0x3987, v55;
	v50 =	vld [tilespmem:$0x1F9E0];
	[tilespmem:$0x1F930] =	vst v0;
	v0 =	vsel vm15, $0x2C0, v45  }
0x1c8: {  	v25 =	vsel vm13, $0x1A01, v25;
	v4 =	vsel vm6, $0x204, v4;
	v51 =	vld [tilespmem:$0x1FA00];
	[tilespmem:$0x1F950] =	vst v0;
	v0 =	vsel vm15, $0x280, v46  }
0x1c9: {  	v55 =	vsel vm13, $0x3A08, v55;
	v52 =	vld [tilespmem:$0x1FA20];
	v4 =	vsel vm5, $0x285, v4;
	[tilespmem:$0x1F970] =	vst v0;
	v0 =	vsel vm15, $0x240, v47  }
0x1ca: {  	v36 =	vsel vm14, $0x3A89, v55;
	v4 =	vsel vm4, $0x306, v4;
	v39 =	vld [tilespmem:$0x1F8C0];
	[tilespmem:$0x1F990] =	vst v0;
	v0 =	vsel vm15, $0x200, v48  }
0x1cb: {  	v36 =	vsel vm15, $0x3B0A, v36;
	v4 =	vsel vm3, $0x387, v4;
	v42 =	vld [tilespmem:$0x1F8F0];
	[tilespmem:$0x1F9B0] =	vst v0;
	v0 =	vsel vm15, $0x1C0, v49  }
0x1cc: {  	s0 =	srdreg.scid;
	s2 =	stileid.u32;
	v4 =	vsel vm2, $0x808, v4;
	v53 =	vld [tilespmem:$0x1FA40];
	v16 =	vsel vm14, $0x1A82, v25;
	[tilespmem:$0x1F9D0] =	vst v0;
	v0 =	vsel vm15, $0x180, v50  }
0x1cd: {  	s0 =	sand.u32 $0x1, s0;
	s3 =	sshll.u32 s2, $0x1;
	v25 =	vsel vm14, $0xA84, v32;
	v32 =	vsel vm14, $0x1A86, v41;
	v41 =	vld [tilespmem:$0x1F8E0];
	[tilespmem:$0x1F9F0] =	vst v0;
	v0 =	vsel vm15, $0x140, v51  }
0x1ce: {  	s1 =	rddreg [dreg:$0x0];
	s5 =	sor.u32 s0, s3;
	s3 =	simm.s32 $0x0;
	v4 =	vsel vm1, $0x889, v4;
	v1 =	vsel vm2, $0x240, v1;
	v54 =	vld [tilespmem:$0x1FA50];
	[tilespmem:$0x1FA10] =	vst v0;
	v0 =	vsel vm15, $0x100, v52  }
0x1cf: {  	[smem:$0x7FF] =	sst s3;
	v4 =	vsel vm0, $0x90A, v4;
	v1 =	vsel vm1, $0x280, v1;
	v55 =	vld [tilespmem:$0x1FA60];
	v63 =	vsel vm15, $0x1B03, v16;
	[tilespmem:$0x1FA30] =	vst v0  }
0x1d0: {  	s2 =	rddreg [dreg:$0x1];
	v2 =	vsel vm14, $0x0, v2;
	v1 =	vsel vm0, $0x2C0, v1;
	v37 =	vsel vm14, $0x3A8C, v42;
	v56 =	vld [tilespmem:$0x1FA70];
	_ =	strace $0x80000047;
	[tilespmem:$0x1FB00] =	vst v63  }
0x1d1: {  	v4 =	vsel vm12, $0x98B, v4;
	v1 =	vsel vm12, $0x300, v1;
	v37 =	vsel vm15, $0x3B0D, v37;
	[tilespmem:$0x1FC50] =	vst v36  }
0x1d2: {  	v38 =	vsel vm15, $0x40, v2;
	v4 =	vsel vm13, $0xA0C, v4;
	v1 =	vsel vm13, $0x340, v1;
	[tilespmem:$0x1FCD0] =	vst v37  }
0x1d3: {  	v1 =	vsel vm14, $0x380, v1;
	v35 =	vsel vm14, $0xA8C, v39;
	v39 =	vsel vm15, $0x0, v3;
	[tilespmem:$0x1FD00] =	vst v38  }
0x1d4: {  	v4 =	vsel vm14, $0xA8D, v4;
	v26 =	vsel vm14, $0x2A8C, v41;
	v41 =	vsel vm15, $0x3C0, v1;
	[tilespmem:$0x1FD10] =	vst v39  }
0x1d5: {  	v12 =	vsel vm14, $0xA8F, v12;
	v61 =	vsel vm7, $0x1181, v61;
	v29 =	vsel vm15, $0xB0E, v4;
	[tilespmem:$0x1FD20] =	vst v41  }
0x1d6: {  	v10 =	vsel vm0, $0x290B, v10;
	v61 =	vsel vm6, $0x1202, v61;
	v42 =	vsel vm15, $0x1B0E, v5;
	[tilespmem:$0x1FD30] =	vst v29  }
0x1d7: {  	v13 =	vsel vm0, $0x190C, v13;
	v61 =	vsel vm5, $0x1283, v61;
	v59 =	vsel vm15, $0x2B0E, v6;
	[tilespmem:$0x1FD40] =	vst v42  }
0x1d8: {  	v10 =	vsel vm12, $0x298C, v10;
	v61 =	vsel vm4, $0x1304, v61;
	v43 =	vsel vm15, $0x3B0E, v7;
	[tilespmem:$0x1FD50] =	vst v59  }
0x1d9: {  	v10 =	vsel vm13, $0x2A0D, v10;
	v61 =	vsel vm3, $0x1385, v61;
	v44 =	vsel vm15, $0xB0F, v53;
	[tilespmem:$0x1FD60] =	vst v43  }
0x1da: {  	v10 =	vsel vm14, $0x2A8E, v10;
	v61 =	vsel vm2, $0x1806, v61;
	v45 =	vsel vm15, $0x1B0F, v9;
	[tilespmem:$0x1FD70] =	vst v44  }
0x1db: {  	v13 =	vsel vm12, $0x198D, v13;
	v61 =	vsel vm1, $0x1887, v61;
	v46 =	vsel vm15, $0x2B0F, v10;
	[tilespmem:$0x1FD80] =	vst v45  }
0x1dc: {  	v13 =	vsel vm13, $0x1A0E, v13;
	v61 =	vsel vm0, $0x1908, v61;
	v47 =	vsel vm15, $0x3B0F, v11;
	[tilespmem:$0x1FD90] =	vst v46  }
0x1dd: {  	v13 =	vsel vm14, $0x1A8F, v13;
	v61 =	vsel vm12, $0x1989, v61;
	v48 =	vsel vm15, $0xB00, v12;
	[tilespmem:$0x1FDA0] =	vst v47  }
0x1de: {  	v17 =	vsel vm13, $0x1A0F, v17;
	v61 =	vsel vm13, $0x1A0A, v61;
	v49 =	vsel vm15, $0x1B00, v13;
	[tilespmem:$0x1FDB0] =	vst v48;
	v60 =	vld [tilespmem:$0x1FAA0]  }
0x1df: {  	v19 =	vsel vm1, $0x388C, v19;
	v34 =	vsel vm14, $0x1A8B, v61;
	v50 =	vsel vm15, $0x2B00, v54;
	[tilespmem:$0x1FDC0] =	vst v49;
	v61 =	vld [tilespmem:$0x1FAC0]  }
0x1e0: {  	v18 =	vsel vm13, $0x2A0F, v18;
	v19 =	vsel vm0, $0x390D, v19;
	v51 =	vsel vm15, $0x3B00, v55;
	[tilespmem:$0x1FDD0] =	vst v50;
	v62 =	vld [tilespmem:$0x1FAE0]  }
0x1e1: {  	v17 =	vsel vm14, $0x1A80, v17;
	v19 =	vsel vm12, $0x398E, v19;
	v52 =	vsel vm15, $0xB01, v56;
	[tilespmem:$0x1FDE0] =	vst v51;
	v40 =	vld [tilespmem:$0x1FB10]  }
0x1e2: {  	v18 =	vsel vm14, $0x2A80, v18;
	v19 =	vsel vm13, $0x3A0F, v19;
	v53 =	vsel vm15, $0x1B01, v17;
	[tilespmem:$0x1FDF0] =	vst v52;
	v56 =	vld [tilespmem:$0x1FB20]  }
0x1e3: {  	v28 =	vsel vm1, $0x88F, v28;
	v19 =	vsel vm14, $0x3A80, v19;
	v54 =	vsel vm15, $0x2B01, v18;
	[tilespmem:$0x1FE00] =	vst v53;
	v57 =	vld [tilespmem:$0x1FB30]  }
0x1e4: {  	v31 =	vsel vm4, $0x330C, v31;
	v28 =	vsel vm0, $0x900, v28;
	v55 =	vsel vm15, $0x3B01, v19;
	[tilespmem:$0x1FE10] =	vst v54;
	v58 =	vld [tilespmem:$0x1FB40]  }
0x1e5: {  	v31 =	vsel vm3, $0x338D, v31;
	v28 =	vsel vm12, $0x981, v28;
	[tilespmem:$0x1FE20] =	vst v55;
	v63 =	vld [tilespmem:$0x1FB80];
	v0 =	vsel vm15, $0x2B02, v60  }
0x1e6: {  	v31 =	vsel vm2, $0x380E, v31;
	v28 =	vsel vm13, $0xA02, v28;
	[tilespmem:$0x1FAB0] =	vst v0;
	v0 =	vsel vm15, $0x3B02, v61;
	v61 =	vld [tilespmem:$0x1FB60]  }
0x1e7: {  	v28 =	vsel vm14, $0xA83, v28;
	v27 =	vsel vm15, $0x2B08, v27;
	[tilespmem:$0x1FAD0] =	vst v0;
	v0 =	vsel vm15, $0xB03, v62;
	v62 =	vld [tilespmem:$0x1FB70]  }
0x1e8: {  	v34 =	vsel vm15, $0x1B0C, v34;
	v24 =	vsel vm15, $0x3B08, v30;
	v7 =	vsel vm15, $0xB0D, v35;
	[tilespmem:$0x1FE30] =	vst v27;
	v36 =	vld [tilespmem:$0x1FC70]  }
0x1e9: {  	v9 =	vsel vm15, $0x2B0D, v26;
	v12 =	vsel vm15, $0xB07, v15;
	[tilespmem:$0x1FE40] =	vst v24;
	v1 =	vld [tilespmem:$0x1FCA0];
	v21 =	vsel vm15, $0x2B03, v40  }
0x1ea: {  	[tilespmem:$0x1FF20] =	vst v34;
	v16 =	vsel vm15, $0x3B03, v56;
	v40 =	vsel vm15, $0xB04, v28;
	v28 =	vsel vm15, $0x1B04, v57;
	v57 =	vld [tilespmem:$0x1FB90]  }
0x1eb: {  	[tilespmem:$0x1FF50] =	vst v7;
	v56 =	vsel vm15, $0xB05, v25;
	v25 =	vsel vm15, $0x3B05, v23;
	v23 =	vsel vm15, $0xB06, v61;
	v61 =	vld [tilespmem:$0x1FBB0]  }
0x1ec: {  	v15 =	vsel vm15, $0x1B07, v32;
	[tilespmem:$0x1FF70] =	vst v9;
	v4 =	vsel vm15, $0x2B04, v58;
	v58 =	vsel vm15, $0x2B06, v62;
	v62 =	vld [tilespmem:$0x1FBC0]  }
0x1ed: {  	v31 =	vsel vm1, $0x388F, v31;
	v13 =	vlaneseq.u32;
	[tilespmem:$0x1FFA0] =	vst v15;
	v35 =	vld [tilespmem:$0x1FCC0]  }
0x1ee: {  	v20 =	vsel vm15, $0x2B05, v22;
	v22 =	vsel vm15, $0x1B06, v14;
	v37 =	vmul.u32 $0x40, v13;
	[tilespmem:$0x1FFB0] =	vst v12;
	v60 =	vld [tilespmem:$0x1FB50]  }
0x1ef: {  	v31 =	vsel vm0, $0x3900, v31;
	[tilespmem:$0x1FFE0] =	vst v22;
	v14 =	vsel vm15, $0x3B06, v63;
	v63 =	vld [tilespmem:$0x1FBD0]  }
0x1f0: {  	v31 =	vsel vm12, $0x3981, v31;
	[tilespmem:$0x1FCE0] =	vst v37;
	v36 =	vsel vm15, $0x1B0B, v36;
	v10 =	vsel vm15, $0xB08, v61;
	v61 =	vld [tilespmem:$0x1FBF0]  }
0x1f1: {  	v6 =	vsel vm15, $0x2B0C, v1;
	[tilespmem:$0x1FEE0] =	vst v36;
	v32 =	vsel vm15, $0x2B07, v57;
	v57 =	vsel vm15, $0x1B08, v62;
	v62 =	vld [tilespmem:$0x1FC00]  }
0x1f2: {  	v31 =	vsel vm13, $0x3A02, v31;
	v1 =	vld [tilespmem:$0x1FCB0];
	v35 =	vsel vm15, $0x1B0D, v35;
	[tilespmem:$0x1FF30] =	vst v6  }
0x1f3: {  	v8 =	vsel vm14, $0x3A83, v31;
	[tilespmem:$0x1FF60] =	vst v35  }
0x1f4: {  	v31 =	vsel vm15, $0x3B04, v8;
	[tilespmem:$0x1FFC0] =	vst v14;
	v8 =	vsel vm15, $0x1B05, v60;
	v60 =	vld [tilespmem:$0x1FBA0]  }
0x1f5: {  	[tilespmem:$0x1FFF0] =	vst v4;
	v30 =	vsel vm15, $0xB09, v63;
	v63 =	vld [tilespmem:$0x1FC10]  }
0x1f6: {  	[tilespmem:$0x1FAF0] =	vst v0;
	v5 =	vsel vm15, $0x2B09, v61;
	v61 =	vsel vm15, $0x3B09, v62;
	v62 =	vld [tilespmem:$0x1FC30]  }
0x1f7: {  	v3 =	vsel vm15, $0x3B0C, v1;
	[tilespmem:$0x1FE50] =	vst v30  }
0x1f8: {  	[tilespmem:$0x1FF40] =	vst v3  }
0x1f9: {  	[tilespmem:$0x1FF90] =	vst v32;
	v11 =	vsel vm15, $0x3B07, v60;
	v60 =	vld [tilespmem:$0x1FBE0]  }
0x1fa: {  	s18 =	simm.s32 $0x1;
	[tilespmem:$0x1FFD0] =	vst v58;
	v63 =	vsel vm15, $0xB0A, v63  }
0x1fb: {  	s19 =	simm.s32 $0x100;
	s20 =	simm.s32 $0x200;
	s21 =	simm.s32 $0x4;
	[tilespmem:$0x1FEB0] =	vst v63;
	v62 =	vsel vm15, $0x2B0A, v62  }
0x1fc: {  	s22 =	simm.s32 $0x4200;
	s23 =	simm.s32 $0xC200;
	s17 =	simm.s32 $0x6;
	[tilespmem:$0x1FC40] =	vst v62;
	v62 =	vld [tilespmem:$0x1FC60]  }
0x1fd: {  	s31 =	simm.s32 $0xBA00;
	s25 =	simm.s32 $0x0;
	s0 =	ssub.s32 $0x2, s0;
	[tilespmem:$0x1FF80] =	vst v11  }
0x1fe: {  	s10 =	sadd.s32 $0x4000, s2;
	s11 =	sadd.s32 $0x8000, s2;
	s4 =	smul.u32 $0x6400, s5;
	[tilespmem:$0x1FE90] =	vst v10;
	v0 =	vsel vm15, $0x1B09, v60;
	v60 =	vld [tilespmem:$0x1FC20]  }
0x1ff: {  	s12 =	sadd.s32 $0xC000, s2;
	s13 =	sadd.s32 $0x10000, s2;
	s6 =	smul.u32 $0x2400, s5;
	[tilespmem:$0x1FE60] =	vst v0;
	v0 =	vsel vm15, $0x2B0B, v33;
	v33 =	vld [tilespmem:$0x1FC90]  }
0x200: {  	s14 =	sadd.s32 $0x14000, s2;
	s15 =	sadd.s32 $0x18000, s2;
	s16 =	sadd.s32 $0x1C000, s2;
	[tilespmem:$0x1FE80] =	vst v57  }
0x201: {  	s29 =	sshrl.u32 s0, $0x1;
	s7 =	sand.u32 $0xFC000, s4;
	s6 =	sand.u32 $0x3C00, s6;
	[tilespmem:$0x1FE70] =	vst v5;
	v2 =	vsel vm15, $0xB0B, v62;
	v62 =	vld [tilespmem:$0x1FC80]  }
0x202: {  	s5 =	smul.u32 $0x64, s5;
	s0 =	ssub.s32 s0, s29;
	s6 =	sor.u32 s6, s7;
	[tilespmem:$0x1FEF0] =	vst v0  }
.Ltmp0:
0x203: {  	s4 =	sadd.s32 $0x600, s1;
	s8 =	sshrl.u32 s6, $0x3;
	[tilespmem:$0x1FEA0] =	vst v61;
	v60 =	vsel vm15, $0x1B0A, v60;
	(pc) =	sbr.rel .LBB2_1-.Ltmp0, $4  }
0x204: {  	s9 =	sor.u32 $0x2, s5;
	s0 =	smax.u32 s0, $0x1;
	s30 =	sadd.s32 s4, s8;
	v33 =	vsel vm15, $0xB0C, v33;
	[tilespmem:$0x1FEC0] =	vst v60  }
0x205: {  	s6 =	sadd.s32 $0xF42A00, s1;
	s1 =	sadd.s32 $0x20, s30;
	v17 =	vor.u32 $0x10, v13;
	[dreg:$0x3] =	wrdreg s30;
	[tilespmem:$0x1FF10] =	vst v33  }
0x206: {  	s7 =	simm.s32 $0x8200;
	s8 =	simm.s32 $0x5;
	v18 =	vor.u32 $0x20, v13;
	v19 =	vor.u32 $0x30, v13;
	[dreg:$0x4] =	wrdreg s1;
	v26 =	vld [tilespmem:$0x1FCF0];
	v37 =	vmovc v38;
	[tilespmem:$0x1FED0] =	vst v2;
	v62 =	vsel vm15, $0x3B0B, v62  }
0x207: {  	[dreg:$0x5] =	wrdreg s0;
	s1 =	simm.s32 $0x3;
	s0 =	simm.s32 $0x2;
	v38 =	vmovc v39;
	v39 =	vmovc v41;
	v41 =	vmov v42;
	v42 =	vmov v59;
	v59 =	vmov v27;
	v27 =	vld [tilespmem:$0x1FE60];
	[tilespmem:$0x1FF00] =	vst v62  }
.LBB2_10:
0x208: {  	_ =	swait.ge [sflag:s1], $0x4000  }
0x209: {  	[sflag:s1] =	ssyncset.done $0x0  }
0x20a: {  	[sflag:s1] =	ssyncadd.s32 $0xFFFFC000  }
0x20b: {  	_ =	swait.ge [sflag:s0], $0x100  }
0x20c: {  	[sflag:s0] =	ssyncset.done $0x0  }
0x20d: {  	[sflag:s0] =	ssyncadd.s32 $0xFFFFFF00  }
0x20e: {  	_ =	swait.ge [sflag:s8], $0x800  }
0x20f: {  	[sflag:s8] =	ssyncset.done $0x0  }
0x210: {  	[sflag:s8] =	ssyncadd.s32 $0xFFFFF800  }
0x211: {  	_ =	swait.ge [sflag:s8], $0x800  }
0x212: {  	[sflag:s8] =	ssyncset.done $0x0  }
0x213: {  	[sflag:s8] =	ssyncadd.s32 $0xFFFFF800  }
0x214: {  	_ =	swait.ge [sflag:s8], $0x800  }
0x215: {  	[sflag:s8] =	ssyncset.done $0x0  }
0x216: {  	[sflag:s8] =	ssyncadd.s32 $0xFFFFF800  }
0x217: {  	_ =	swait.ge [sflag:s8], $0x800  }
0x218: {  	[sflag:s8] =	ssyncset.done $0x0  }
0x219: {  	[sflag:s8] =	ssyncadd.s32 $0xFFFFF800  }
0x21a: {  	_ =	swait.ge [sflag:s8], $0x800  }
0x21b: {  	[sflag:s8] =	ssyncset.done $0x0  }
0x21c: {  	[sflag:s8] =	ssyncadd.s32 $0xFFFFF800  }
0x21d: {  	_ =	swait.ge [sflag:s8], $0x800  }
0x21e: {  	[sflag:s8] =	ssyncset.done $0x0  }
0x21f: {  	[sflag:s8] =	ssyncadd.s32 $0xFFFFF800  }
0x220: {  	_ =	swait.ge [sflag:s8], $0x800  }
0x221: {  	[sflag:s8] =	ssyncset.done $0x0  }
0x222: {  	[sflag:s8] =	ssyncadd.s32 $0xFFFFF800  }
0x223: {  	_ =	swait.ge [sflag:s8], $0x800  }
0x224: {  	[sflag:s8] =	ssyncset.done $0x0  }
0x225: {  	[sflag:s8] =	ssyncadd.s32 $0xFFFFF800  }
0x226: {  	_ =	swait.ge [sflag:s17], $0x800  }
0x227: {  	[sflag:s17] =	ssyncset.done $0x0  }
0x228: {  	[sflag:s17] =	ssyncadd.s32 $0xFFFFF800  }
0x229: {  	_ =	swait.ge [sflag:s17], $0x800  }
0x22a: {  	[sflag:s17] =	ssyncset.done $0x0  }
0x22b: {  	[sflag:s17] =	ssyncadd.s32 $0xFFFFF800  }
0x22c: {  	_ =	swait.ge [sflag:s17], $0x800  }
0x22d: {  	[sflag:s17] =	ssyncset.done $0x0  }
0x22e: {  	[sflag:s17] =	ssyncadd.s32 $0xFFFFF800  }
0x22f: {  	_ =	swait.ge [sflag:s17], $0x800  }
0x230: {  	[sflag:s17] =	ssyncset.done $0x0  }
0x231: {  	[sflag:s17] =	ssyncadd.s32 $0xFFFFF800  }
0x232: {  	_ =	swait.ge [sflag:s17], $0x800  }
0x233: {  	[sflag:s17] =	ssyncset.done $0x0  }
0x234: {  	[sflag:s17] =	ssyncadd.s32 $0xFFFFF800  }
0x235: {  	_ =	swait.ge [sflag:s17], $0x800  }
0x236: {  	[sflag:s17] =	ssyncset.done $0x0  }
0x237: {  	[sflag:s17] =	ssyncadd.s32 $0xFFFFF800  }
0x238: {  	_ =	swait.ge [sflag:s17], $0x800  }
0x239: {  	[sflag:s17] =	ssyncset.done $0x0  }
0x23a: {  	[sflag:s17] =	ssyncadd.s32 $0xFFFFF800  }
0x23b: {  	_ =	swait.ge [sflag:s17], $0x800  }
0x23c: {  	s25 =	rddreg [dreg:$0x6]  }
0x23d: {  	s24 =	rddreg [dreg:$0x5];
	s25 =	sadd.s32 $0x1, s25  }
0x23e: {  	p0 =	sne.s32 s25, s24  }
.Ltmp1:
0x23f: {  	_ = 	snop;
	(pc) =	sbr.rel @!p0 .LBB2_11-.Ltmp1, $3  }
0x240: {  	_ =	sdelay $0x1  }
0x241: {  	[sflag:s17] =	ssyncset.done $0x0  }
0x242: {  	[sflag:s17] =	ssyncadd.s32 $0xFFFFF800  }
.LBB2_1:
0x243: {  	[dreg:$0x6] =	wrdreg s25  }
0x244: {  	s24 =	rddreg [dreg:$0x3]  }
0x245: {  	[tilespmem:s3], [sflag:$0x1] =	stream.linear.gather [hbm4b:s24+s3], $0x100, $0x38;
	[tilespmem:$0x10200] =	vst v63  }
0x246: {  	_ =	swait.ge [sflag:s18], $0x100  }
.Ltmp2:
0x247: {  	[sflag:s18] =	ssyncset.done $0x0;
	(pc) =	sbr.rel .LBB2_2-.Ltmp2, $4  }
0x248: {  	[sflag:s18] =	ssyncadd.s32 $0xFFFFFF00  }
0x249: {  	[tilespmem:s20], [sflag:$0x3] =	stream.indirect.gather [hbm4b:s6+s19], $0x40, s3, s19, $0xb8;
	[tilespmem:$0x10200] =	vst v63  }
0x24a: {  	s24 =	simm.s32 $0x0;
	s30 =	rddreg [dreg:$0x4]  }
0x24b: {  	[tilespmem:s19], [sflag:$0x2] =	stream.linear.gather [hbm4b:s30+s3], $0x100, $0x38;
	[tilespmem:$0x10200] =	vst v63  }
.LBB2_5:
0x24c: {  	_ =	sdelay $0x2  }
0x24d: {  	v20 =	vshll.u32 v20, $0x6  }
0x24e: {  	v21 =	vld.idx.msk [tilespmem:v21+s20+$0x0], $0xffff;
	v23 =	vor.u32 s26, v23;
	v22 =	vor.u32 v22, v20  }
0x24f: {  	v24 =	vor.u32 v13, v22;
	_ =	sdelay $0x1  }
0x250: {  	s25 =	sadd.s32 $0x80, s25  }
0x251: {  	s30 =	sand.u32 $0x70, s28;
	s25 =	sand.u32 $0x400, s25  }
0x252: {  	s25 =	sor.u32 s30, s25;
	[tilespmem:v23+s7+$0x0] =	vst.idx.msk $0xffff, v21  }
0x253: {  	v23 =	vor.u32 s25, v40;
	v21 =	vld.idx.msk [tilespmem:v24+s20+$0x0], $0xffff  }
0x254: {  	v24 =	vor.u32 v17, v22;
	_ =	sdelay $0x3  }
0x255: {  	[tilespmem:v23+s7+$0x0] =	vst.idx.msk $0xffff, v21  }
0x256: {  	v23 =	vor.u32 s25, v41;
	v21 =	vld.idx.msk [tilespmem:v24+s20+$0x0], $0xffff  }
0x257: {  	v24 =	vor.u32 v18, v22;
	_ =	sdelay $0x3  }
0x258: {  	[tilespmem:v23+s7+$0x0] =	vst.idx.msk $0xffff, v21  }
0x259: {  	v23 =	vor.u32 s25, v42;
	v21 =	vld.idx.msk [tilespmem:v24+s20+$0x0], $0xffff  }
0x25a: {  	v22 =	vor.u32 v19, v22;
	_ =	sdelay $0x3  }
0x25b: {  	[tilespmem:v23+s7+$0x0] =	vst.idx.msk $0xffff, v21  }
0x25c: {  	v23 =	vor.u32 v39, v20;
	v21 =	vld.idx.msk [tilespmem:v22+s20+$0x0], $0xffff;
	v22 =	vor.u32 s25, v43  }
0x25d: {  	v24 =	vor.u32 v13, v23;
	_ =	sdelay $0x3  }
0x25e: {  	[tilespmem:v22+s7+$0x0] =	vst.idx.msk $0xffff, v21  }
0x25f: {  	v22 =	vor.u32 s25, v44;
	v21 =	vld.idx.msk [tilespmem:v24+s20+$0x0], $0xffff  }
0x260: {  	v24 =	vor.u32 v17, v23;
	_ =	sdelay $0x3  }
0x261: {  	[tilespmem:v22+s7+$0x0] =	vst.idx.msk $0xffff, v21  }
0x262: {  	v22 =	vor.u32 s25, v45;
	v21 =	vld.idx.msk [tilespmem:v24+s20+$0x0], $0xffff  }
0x263: {  	v24 =	vor.u32 v18, v23;
	_ =	sdelay $0x3  }
0x264: {  	[tilespmem:v22+s7+$0x0] =	vst.idx.msk $0xffff, v21  }
0x265: {  	v22 =	vor.u32 s25, v46;
	v21 =	vld.idx.msk [tilespmem:v24+s20+$0x0], $0xffff  }
0x266: {  	v23 =	vor.u32 v19, v23;
	_ =	sdelay $0x3  }
0x267: {  	[tilespmem:v22+s7+$0x0] =	vst.idx.msk $0xffff, v21  }
0x268: {  	v22 =	vor.u32 s25, v47;
	v21 =	vld.idx.msk [tilespmem:v23+s20+$0x0], $0xffff;
	v23 =	vor.u32 v38, v20  }
0x269: {  	v24 =	vor.u32 v13, v23;
	_ =	sdelay $0x3  }
0x26a: {  	[tilespmem:v22+s7+$0x0] =	vst.idx.msk $0xffff, v21  }
0x26b: {  	v22 =	vor.u32 s25, v48;
	v21 =	vld.idx.msk [tilespmem:v24+s20+$0x0], $0xffff  }
0x26c: {  	v24 =	vor.u32 v17, v23;
	_ =	sdelay $0x3  }
0x26d: {  	[tilespmem:v22+s7+$0x0] =	vst.idx.msk $0xffff, v21  }
0x26e: {  	v22 =	vor.u32 s25, v49;
	v21 =	vld.idx.msk [tilespmem:v24+s20+$0x0], $0xffff  }
0x26f: {  	v24 =	vor.u32 v18, v23;
	_ =	sdelay $0x3  }
0x270: {  	[tilespmem:v22+s7+$0x0] =	vst.idx.msk $0xffff, v21  }
0x271: {  	v22 =	vor.u32 s25, v50;
	v21 =	vld.idx.msk [tilespmem:v24+s20+$0x0], $0xffff  }
0x272: {  	v23 =	vor.u32 v19, v23;
	_ =	sdelay $0x3  }
0x273: {  	[tilespmem:v22+s7+$0x0] =	vst.idx.msk $0xffff, v21  }
0x274: {  	v22 =	vor.u32 s25, v51;
	v21 =	vld.idx.msk [tilespmem:v23+s20+$0x0], $0xffff;
	v23 =	vor.u32 v37, v20  }
0x275: {  	v24 =	vor.u32 v13, v23;
	_ =	sdelay $0x3  }
0x276: {  	[tilespmem:v22+s7+$0x0] =	vst.idx.msk $0xffff, v21  }
0x277: {  	v22 =	vor.u32 s25, v52;
	v21 =	vld.idx.msk [tilespmem:v24+s20+$0x0], $0xffff  }
0x278: {  	v24 =	vor.u32 v17, v23;
	_ =	sdelay $0x3  }
0x279: {  	[tilespmem:v22+s7+$0x0] =	vst.idx.msk $0xffff, v21  }
0x27a: {  	v22 =	vor.u32 s25, v53;
	v21 =	vld.idx.msk [tilespmem:v24+s20+$0x0], $0xffff  }
0x27b: {  	v24 =	vor.u32 v18, v23;
	_ =	sdelay $0x3  }
0x27c: {  	[tilespmem:v22+s7+$0x0] =	vst.idx.msk $0xffff, v21  }
0x27d: {  	v22 =	vor.u32 s25, v54;
	v21 =	vld.idx.msk [tilespmem:v24+s20+$0x0], $0xffff  }
0x27e: {  	v23 =	vor.u32 v19, v23;
	_ =	sdelay $0x3  }
0x27f: {  	[tilespmem:v22+s7+$0x0] =	vst.idx.msk $0xffff, v21  }
0x280: {  	v22 =	vor.u32 s25, v55;
	v21 =	vld.idx.msk [tilespmem:v23+s20+$0x0], $0xffff;
	v23 =	vor.u32 v26, v20  }
0x281: {  	v24 =	vor.u32 v13, v23;
	_ =	sdelay $0x3  }
0x282: {  	[tilespmem:v22+s7+$0x0] =	vst.idx.msk $0xffff, v21  }
0x283: {  	v22 =	vor.u32 s25, v10;
	v21 =	vld.idx.msk [tilespmem:v24+s20+$0x0], $0xffff  }
0x284: {  	v24 =	vor.u32 v17, v23;
	_ =	sdelay $0x3  }
0x285: {  	[tilespmem:v22+s7+$0x0] =	vst.idx.msk $0xffff, v21  }
0x286: {  	v22 =	vor.u32 s25, v12;
	v21 =	vld.idx.msk [tilespmem:v24+s20+$0x0], $0xffff  }
0x287: {  	v24 =	vor.u32 v18, v23;
	_ =	sdelay $0x3  }
0x288: {  	[tilespmem:v22+s7+$0x0] =	vst.idx.msk $0xffff, v21  }
0x289: {  	v22 =	vor.u32 s25, v14;
	v21 =	vld.idx.msk [tilespmem:v24+s20+$0x0], $0xffff  }
0x28a: {  	v23 =	vor.u32 v19, v23;
	_ =	sdelay $0x3  }
0x28b: {  	[tilespmem:v22+s7+$0x0] =	vst.idx.msk $0xffff, v21  }
0x28c: {  	v22 =	vor.u32 s25, v15;
	v21 =	vld.idx.msk [tilespmem:v23+s20+$0x0], $0xffff;
	v23 =	vor.u32 v25, v20  }
0x28d: {  	v24 =	vor.u32 v13, v23;
	_ =	sdelay $0x3  }
0x28e: {  	[tilespmem:v22+s7+$0x0] =	vst.idx.msk $0xffff, v21  }
0x28f: {  	v22 =	vor.u32 s25, v11;
	v21 =	vld.idx.msk [tilespmem:v24+s20+$0x0], $0xffff  }
0x290: {  	v24 =	vor.u32 v17, v23;
	_ =	sdelay $0x3  }
0x291: {  	[tilespmem:v22+s7+$0x0] =	vst.idx.msk $0xffff, v21  }
0x292: {  	v22 =	vor.u32 s25, v62;
	v21 =	vld.idx.msk [tilespmem:v24+s20+$0x0], $0xffff  }
0x293: {  	v24 =	vor.u32 v18, v23;
	_ =	sdelay $0x3  }
0x294: {  	[tilespmem:v22+s7+$0x0] =	vst.idx.msk $0xffff, v21  }
0x295: {  	v22 =	vor.u32 s25, v61;
	v21 =	vld.idx.msk [tilespmem:v24+s20+$0x0], $0xffff  }
0x296: {  	v23 =	vor.u32 v19, v23;
	_ =	sdelay $0x3  }
0x297: {  	[tilespmem:v22+s7+$0x0] =	vst.idx.msk $0xffff, v21  }
0x298: {  	v22 =	vor.u32 s25, v60;
	v21 =	vld.idx.msk [tilespmem:v23+s20+$0x0], $0xffff;
	v23 =	vor.u32 v36, v20  }
0x299: {  	v24 =	vor.u32 v13, v23;
	_ =	sdelay $0x3  }
0x29a: {  	[tilespmem:v22+s7+$0x0] =	vst.idx.msk $0xffff, v21  }
0x29b: {  	v22 =	vor.u32 s25, v0;
	v21 =	vld.idx.msk [tilespmem:v24+s20+$0x0], $0xffff  }
0x29c: {  	v24 =	vor.u32 v17, v23;
	_ =	sdelay $0x3  }
0x29d: {  	[tilespmem:v22+s7+$0x0] =	vst.idx.msk $0xffff, v21  }
0x29e: {  	v22 =	vor.u32 s25, v63;
	v21 =	vld.idx.msk [tilespmem:v24+s20+$0x0], $0xffff  }
0x29f: {  	v38 =	vld [tilespmem:$0x1FFF0];
	v24 =	vor.u32 v18, v23;
	_ =	sdelay $0x3  }
0x2a0: {  	[tilespmem:v22+s7+$0x0] =	vst.idx.msk $0xffff, v21  }
0x2a1: {  	v22 =	vor.u32 s25, v38;
	v21 =	vld.idx.msk [tilespmem:v24+s20+$0x0], $0xffff  }
0x2a2: {  	v23 =	vor.u32 v19, v23;
	_ =	sdelay $0x3  }
0x2a3: {  	[tilespmem:v22+s7+$0x0] =	vst.idx.msk $0xffff, v21  }
0x2a4: {  	v22 =	vor.u32 s25, v3;
	v21 =	vld.idx.msk [tilespmem:v23+s20+$0x0], $0xffff;
	v23 =	vor.u32 v35, v20  }
0x2a5: {  	v24 =	vor.u32 v13, v23;
	_ =	sdelay $0x3  }
0x2a6: {  	[tilespmem:v22+s7+$0x0] =	vst.idx.msk $0xffff, v21  }
0x2a7: {  	v22 =	vor.u32 s25, v4;
	v21 =	vld.idx.msk [tilespmem:v24+s20+$0x0], $0xffff  }
0x2a8: {  	v24 =	vor.u32 v17, v23;
	_ =	sdelay $0x3  }
0x2a9: {  	[tilespmem:v22+s7+$0x0] =	vst.idx.msk $0xffff, v21  }
0x2aa: {  	v22 =	vor.u32 s25, v5;
	v21 =	vld.idx.msk [tilespmem:v24+s20+$0x0], $0xffff  }
0x2ab: {  	v24 =	vor.u32 v18, v23;
	_ =	sdelay $0x3  }
0x2ac: {  	[tilespmem:v22+s7+$0x0] =	vst.idx.msk $0xffff, v21  }
0x2ad: {  	v22 =	vor.u32 s25, v6;
	v21 =	vld.idx.msk [tilespmem:v24+s20+$0x0], $0xffff  }
0x2ae: {  	v23 =	vor.u32 v19, v23;
	_ =	sdelay $0x3  }
0x2af: {  	[tilespmem:v22+s7+$0x0] =	vst.idx.msk $0xffff, v21  }
0x2b0: {  	v22 =	vor.u32 s25, v33;
	v21 =	vld.idx.msk [tilespmem:v23+s20+$0x0], $0xffff;
	v23 =	vor.u32 v28, v20  }
0x2b1: {  	v24 =	vor.u32 v13, v23;
	_ =	sdelay $0x3  }
0x2b2: {  	[tilespmem:v22+s7+$0x0] =	vst.idx.msk $0xffff, v21  }
0x2b3: {  	v22 =	vor.u32 s25, v30;
	v21 =	vld.idx.msk [tilespmem:v24+s20+$0x0], $0xffff  }
0x2b4: {  	v24 =	vor.u32 v17, v23;
	_ =	sdelay $0x3  }
0x2b5: {  	[tilespmem:v22+s7+$0x0] =	vst.idx.msk $0xffff, v21  }
0x2b6: {  	v22 =	vor.u32 s25, v29;
	v21 =	vld.idx.msk [tilespmem:v24+s20+$0x0], $0xffff  }
0x2b7: {  	v24 =	vor.u32 v18, v23;
	_ =	sdelay $0x3  }
0x2b8: {  	[tilespmem:v22+s7+$0x0] =	vst.idx.msk $0xffff, v21  }
0x2b9: {  	v22 =	vor.u32 s25, v8;
	v21 =	vld.idx.msk [tilespmem:v24+s20+$0x0], $0xffff  }
0x2ba: {  	v23 =	vor.u32 v19, v23;
	_ =	sdelay $0x3  }
0x2bb: {  	[tilespmem:v22+s7+$0x0] =	vst.idx.msk $0xffff, v21  }
0x2bc: {  	v22 =	vor.u32 s25, v34;
	v21 =	vld.idx.msk [tilespmem:v23+s20+$0x0], $0xffff;
	v23 =	vor.u32 v9, v20  }
0x2bd: {  	v24 =	vor.u32 v13, v23;
	_ =	sdelay $0x3  }
0x2be: {  	[tilespmem:v22+s7+$0x0] =	vst.idx.msk $0xffff, v21  }
0x2bf: {  	v22 =	vor.u32 s25, v7;
	v21 =	vld.idx.msk [tilespmem:v24+s20+$0x0], $0xffff  }
0x2c0: {  	v24 =	vor.u32 v17, v23;
	_ =	sdelay $0x3  }
0x2c1: {  	[tilespmem:v22+s7+$0x0] =	vst.idx.msk $0xffff, v21  }
0x2c2: {  	v22 =	vor.u32 s25, v32;
	v21 =	vld.idx.msk [tilespmem:v24+s20+$0x0], $0xffff  }
0x2c3: {  	v24 =	vor.u32 v18, v23;
	_ =	sdelay $0x3  }
0x2c4: {  	v11 =	vld [tilespmem:$0x1FF80];
	[tilespmem:v22+s7+$0x0] =	vst.idx.msk $0xffff, v21  }
0x2c5: {  	v22 =	vor.u32 s25, v16;
	v21 =	vld.idx.msk [tilespmem:v24+s20+$0x0], $0xffff  }
0x2c6: {  	v54 =	vmov v3;
	v3 =	vmov v4;
	v4 =	vld [tilespmem:$0x1F9B0];
	v23 =	vor.u32 v19, v23;
	_ =	sdelay $0x3  }
0x2c7: {  	[tilespmem:v22+s7+$0x0] =	vst.idx.msk $0xffff, v21  }
0x2c8: {  	v22 =	vor.u32 s25, v11;
	v21 =	vld.idx.msk [tilespmem:v23+s20+$0x0], $0xffff;
	v23 =	vor.u32 v4, v20  }
0x2c9: {  	v46 =	vld [tilespmem:$0x1FE90];
	v24 =	vor.u32 v13, v23;
	_ =	sdelay $0x3  }
0x2ca: {  	[tilespmem:v22+s7+$0x0] =	vst.idx.msk $0xffff, v21  }
0x2cb: {  	v22 =	vor.u32 s25, v46;
	v21 =	vld.idx.msk [tilespmem:v24+s20+$0x0], $0xffff  }
0x2cc: {  	v26 =	vld [tilespmem:$0x1FE80];
	v24 =	vor.u32 v17, v23;
	_ =	sdelay $0x3  }
0x2cd: {  	[tilespmem:v22+s7+$0x0] =	vst.idx.msk $0xffff, v21  }
0x2ce: {  	v22 =	vor.u32 s25, v26;
	v21 =	vld.idx.msk [tilespmem:v24+s20+$0x0], $0xffff  }
0x2cf: {  	v24 =	vor.u32 v18, v23;
	_ =	sdelay $0x3  }
0x2d0: {  	[tilespmem:v22+s7+$0x0] =	vst.idx.msk $0xffff, v21  }
0x2d1: {  	v22 =	vor.u32 s25, v27;
	v21 =	vld.idx.msk [tilespmem:v24+s20+$0x0], $0xffff  }
0x2d2: {  	v8 =	vld [tilespmem:$0x1F990];
	v23 =	vor.u32 v19, v23;
	_ =	sdelay $0x3  }
0x2d3: {  	[tilespmem:v22+s7+$0x0] =	vst.idx.msk $0xffff, v21  }
0x2d4: {  	v22 =	vor.u32 s25, v58;
	v21 =	vld.idx.msk [tilespmem:v23+s20+$0x0], $0xffff;
	v23 =	vor.u32 v8, v20  }
0x2d5: {  	v24 =	vor.u32 v13, v23;
	_ =	sdelay $0x3  }
0x2d6: {  	[tilespmem:v22+s7+$0x0] =	vst.idx.msk $0xffff, v21  }
0x2d7: {  	v22 =	vor.u32 s25, v59;
	v21 =	vld.idx.msk [tilespmem:v24+s20+$0x0], $0xffff  }
0x2d8: {  	v24 =	vor.u32 v17, v23;
	_ =	sdelay $0x3  }
0x2d9: {  	[tilespmem:v22+s7+$0x0] =	vst.idx.msk $0xffff, v21  }
0x2da: {  	v22 =	vor.u32 s25, v57;
	v21 =	vld.idx.msk [tilespmem:v24+s20+$0x0], $0xffff  }
0x2db: {  	v24 =	vor.u32 v18, v23;
	_ =	sdelay $0x3  }
0x2dc: {  	v47 =	vld [tilespmem:$0x1FEA0];
	[tilespmem:v22+s7+$0x0] =	vst.idx.msk $0xffff, v21  }
0x2dd: {  	v22 =	vor.u32 s25, v56;
	v21 =	vld.idx.msk [tilespmem:v24+s20+$0x0], $0xffff  }
0x2de: {  	v8 =	vld [tilespmem:$0x1F970];
	v23 =	vor.u32 v19, v23;
	_ =	sdelay $0x3  }
0x2df: {  	[tilespmem:v22+s7+$0x0] =	vst.idx.msk $0xffff, v21  }
0x2e0: {  	v22 =	vor.u32 s25, v47;
	v21 =	vld.idx.msk [tilespmem:v23+s20+$0x0], $0xffff;
	v23 =	vor.u32 v8, v20  }
0x2e1: {  	v48 =	vld [tilespmem:$0x1FEB0];
	v24 =	vor.u32 v13, v23;
	_ =	sdelay $0x3  }
0x2e2: {  	[tilespmem:v22+s7+$0x0] =	vst.idx.msk $0xffff, v21  }
0x2e3: {  	v22 =	vor.u32 s25, v48;
	v21 =	vld.idx.msk [tilespmem:v24+s20+$0x0], $0xffff  }
0x2e4: {  	v49 =	vld [tilespmem:$0x1FEC0];
	v24 =	vor.u32 v17, v23;
	_ =	sdelay $0x3  }
0x2e5: {  	[tilespmem:v22+s7+$0x0] =	vst.idx.msk $0xffff, v21  }
0x2e6: {  	v22 =	vor.u32 s25, v49;
	v21 =	vld.idx.msk [tilespmem:v24+s20+$0x0], $0xffff  }
0x2e7: {  	v24 =	vor.u32 v18, v23;
	_ =	sdelay $0x3  }
0x2e8: {  	[tilespmem:v22+s7+$0x0] =	vst.idx.msk $0xffff, v21  }
0x2e9: {  	v22 =	vor.u32 s25, v31;
	v21 =	vld.idx.msk [tilespmem:v24+s20+$0x0], $0xffff  }
0x2ea: {  	v50 =	vld [tilespmem:$0x1F950];
	v23 =	vor.u32 v19, v23;
	_ =	sdelay $0x3  }
0x2eb: {  	[tilespmem:v22+s7+$0x0] =	vst.idx.msk $0xffff, v21  }
0x2ec: {  	v22 =	vor.u32 s25, v1;
	v21 =	vld.idx.msk [tilespmem:v23+s20+$0x0], $0xffff;
	v23 =	vor.u32 v50, v20  }
0x2ed: {  	v51 =	vld [tilespmem:$0x1FED0];
	v24 =	vor.u32 v13, v23;
	_ =	sdelay $0x3  }
0x2ee: {  	[tilespmem:v22+s7+$0x0] =	vst.idx.msk $0xffff, v21  }
0x2ef: {  	v22 =	vor.u32 s25, v51;
	v21 =	vld.idx.msk [tilespmem:v24+s20+$0x0], $0xffff  }
0x2f0: {  	v52 =	vld [tilespmem:$0x1FEE0];
	v24 =	vor.u32 v17, v23;
	_ =	sdelay $0x3  }
0x2f1: {  	[tilespmem:v22+s7+$0x0] =	vst.idx.msk $0xffff, v21  }
0x2f2: {  	v22 =	vor.u32 s25, v52;
	v21 =	vld.idx.msk [tilespmem:v24+s20+$0x0], $0xffff  }
0x2f3: {  	v53 =	vld [tilespmem:$0x1FEF0];
	v24 =	vor.u32 v18, v23;
	_ =	sdelay $0x3  }
0x2f4: {  	v55 =	vld [tilespmem:$0x1FF00];
	[tilespmem:v22+s7+$0x0] =	vst.idx.msk $0xffff, v21  }
0x2f5: {  	v22 =	vor.u32 s25, v53;
	v21 =	vld.idx.msk [tilespmem:v24+s20+$0x0], $0xffff  }
0x2f6: {  	v8 =	vld [tilespmem:$0x1F930];
	v23 =	vor.u32 v19, v23;
	_ =	sdelay $0x3  }
0x2f7: {  	[tilespmem:v22+s7+$0x0] =	vst.idx.msk $0xffff, v21  }
0x2f8: {  	v22 =	vor.u32 s25, v55;
	v21 =	vld.idx.msk [tilespmem:v23+s20+$0x0], $0xffff;
	v23 =	vor.u32 v8, v20  }
0x2f9: {  	v56 =	vld [tilespmem:$0x1FF10];
	v24 =	vor.u32 v13, v23;
	_ =	sdelay $0x3  }
0x2fa: {  	[tilespmem:v22+s7+$0x0] =	vst.idx.msk $0xffff, v21  }
0x2fb: {  	v22 =	vor.u32 s25, v56;
	v21 =	vld.idx.msk [tilespmem:v24+s20+$0x0], $0xffff  }
0x2fc: {  	v57 =	vld [tilespmem:$0x1FF20];
	v24 =	vor.u32 v17, v23;
	_ =	sdelay $0x3  }
0x2fd: {  	[tilespmem:v22+s7+$0x0] =	vst.idx.msk $0xffff, v21  }
0x2fe: {  	v22 =	vor.u32 s25, v57;
	v21 =	vld.idx.msk [tilespmem:v24+s20+$0x0], $0xffff  }
0x2ff: {  	v58 =	vld [tilespmem:$0x1FF30];
	v24 =	vor.u32 v18, v23;
	_ =	sdelay $0x3  }
0x300: {  	[tilespmem:v22+s7+$0x0] =	vst.idx.msk $0xffff, v21  }
0x301: {  	v22 =	vor.u32 s25, v58;
	v21 =	vld.idx.msk [tilespmem:v24+s20+$0x0], $0xffff  }
0x302: {  	v59 =	vld [tilespmem:$0x1FF40];
	v23 =	vor.u32 v19, v23;
	_ =	sdelay $0x3  }
0x303: {  	[tilespmem:v22+s7+$0x0] =	vst.idx.msk $0xffff, v21  }
0x304: {  	v20 =	vor.u32 v2, v20;
	v22 =	vor.u32 s25, v59;
	v21 =	vld.idx.msk [tilespmem:v23+s20+$0x0], $0xffff  }
0x305: {  	v37 =	vmov v60;
	v60 =	vld [tilespmem:$0x1FF50];
	v23 =	vor.u32 v13, v20;
	_ =	sdelay $0x3  }
0x306: {  	[tilespmem:v22+s7+$0x0] =	vst.idx.msk $0xffff, v21  }
0x307: {  	v22 =	vor.u32 s25, v60;
	v21 =	vld.idx.msk [tilespmem:v23+s20+$0x0], $0xffff  }
0x308: {  	v12 =	vmov v61;
	v61 =	vld [tilespmem:$0x1FF60];
	v23 =	vor.u32 v17, v20;
	_ =	sdelay $0x3  }
0x309: {  	[tilespmem:v22+s7+$0x0] =	vst.idx.msk $0xffff, v21  }
0x30a: {  	v22 =	vor.u32 s25, v61;
	v21 =	vld.idx.msk [tilespmem:v23+s20+$0x0], $0xffff  }
0x30b: {  	v62 =	vld [tilespmem:$0x1FF70];
	v23 =	vor.u32 v18, v20;
	_ =	sdelay $0x3  }
0x30c: {  	[tilespmem:v22+s7+$0x0] =	vst.idx.msk $0xffff, v21  }
0x30d: {  	v22 =	vor.u32 s25, v62;
	v21 =	vld.idx.msk [tilespmem:v23+s20+$0x0], $0xffff  }
0x30e: {  	v40 =	vmov v0;
	v0 =	vmov v63;
	v63 =	vld [tilespmem:$0x1FCD0];
	v20 =	vor.u32 v19, v20;
	_ =	sdelay $0x3  }
0x30f: {  	[tilespmem:v22+s7+$0x0] =	vst.idx.msk $0xffff, v21  }
0x310: {  	v21 =	vor.u32 s25, v63;
	v20 =	vld.idx.msk [tilespmem:v20+s20+$0x0], $0xffff  }
0x311: {  	s26 =	sadd.s32 s5, s24  }
0x312: {  	s28 =	sshll.u32 s26, $0x8;
	s25 =	sshll.u32 s26, $0xB  }
0x313: {  	s26 =	sand.u32 $0x3E00, s28;
	s25 =	sand.u32 $0x7FFE0000, s25  }
0x314: {  	s25 =	sor.u32 s26, s25  }
0x315: {  	s26 =	sadd.s32 s2, s25;
	[tilespmem:v21+s7+$0x0] =	vst.idx.msk $0xffff, v20  }
0x316: {  	[hbm4b:s26+s3] =	stream.linear.scatter [tilespmem:s7], [sflag:$0x5], $0x800, $0x38;
	[tilespmem:$0x10200] =	vst v63  }
0x317: {  	s30 =	simm.s32 $0x8A00;
	s29 =	sadd.s32 s25, s10  }
0x318: {  	[hbm4b:s29+s3] =	stream.linear.scatter [tilespmem:s30], [sflag:$0x5], $0x800, $0x38;
	[tilespmem:$0x10200] =	vst v63  }
0x319: {  	s29 =	sadd.s32 s25, s11;
	s30 =	simm.s32 $0x9200  }
0x31a: {  	[hbm4b:s29+s3] =	stream.linear.scatter [tilespmem:s30], [sflag:$0x5], $0x800, $0x38;
	[tilespmem:$0x10200] =	vst v63  }
0x31b: {  	s29 =	sadd.s32 s25, s12;
	s30 =	simm.s32 $0x9A00  }
0x31c: {  	[hbm4b:s29+s3] =	stream.linear.scatter [tilespmem:s30], [sflag:$0x5], $0x800, $0x38;
	[tilespmem:$0x10200] =	vst v63  }
0x31d: {  	s29 =	sadd.s32 s25, s13;
	s30 =	simm.s32 $0xA200  }
0x31e: {  	[hbm4b:s29+s3] =	stream.linear.scatter [tilespmem:s30], [sflag:$0x5], $0x800, $0x38;
	[tilespmem:$0x10200] =	vst v63  }
0x31f: {  	s29 =	sadd.s32 s25, s14;
	s30 =	simm.s32 $0xAA00  }
0x320: {  	[hbm4b:s29+s3] =	stream.linear.scatter [tilespmem:s30], [sflag:$0x5], $0x800, $0x38;
	[tilespmem:$0x10200] =	vst v63  }
0x321: {  	s29 =	sadd.s32 s25, s15;
	s30 =	simm.s32 $0xB200  }
0x322: {  	v25 =	vmov v33;
	[hbm4b:s29+s3] =	stream.linear.scatter [tilespmem:s30], [sflag:$0x5], $0x800, $0x38;
	[tilespmem:$0x10200] =	vst v63  }
0x323: {  	v36 =	vmovc v6;
	v28 =	vmovc v0;
	v16 =	vmov v37;
	v4 =	vmov v38;
	v31 =	vmov v54;
	s25 =	sadd.s32 s25, s16  }
0x324: {  	v8 =	vmovc v5;
	v56 =	vmovc v3;
	v23 =	vmov v30;
	v21 =	vmov v12;
	v20 =	vmov v36;
	[hbm4b:s25+s3] =	stream.linear.scatter [tilespmem:s31], [sflag:$0x5], $0x800, $0x38;
	[tilespmem:$0x10200] =	vst v63  }
.LBB2_9:
0x325: {  	v26 =	vld [tilespmem:$0x1FCF0]  }
0x326: {  	v37 =	vld [tilespmem:$0x1FD00]  }
0x327: {  	v38 =	vld [tilespmem:$0x1FD10]  }
0x328: {  	v39 =	vld [tilespmem:$0x1FD20]  }
0x329: {  	v29 =	vld [tilespmem:$0x1FD30]  }
0x32a: {  	v41 =	vld [tilespmem:$0x1FD40]  }
0x32b: {  	v42 =	vld [tilespmem:$0x1FD50]  }
0x32c: {  	v43 =	vld [tilespmem:$0x1FD60]  }
0x32d: {  	v44 =	vld [tilespmem:$0x1FD70]  }
0x32e: {  	v45 =	vld [tilespmem:$0x1FD80]  }
0x32f: {  	v46 =	vld [tilespmem:$0x1FD90]  }
0x330: {  	v47 =	vld [tilespmem:$0x1FDA0]  }
0x331: {  	v48 =	vld [tilespmem:$0x1FDB0]  }
0x332: {  	v49 =	vld [tilespmem:$0x1FDC0]  }
0x333: {  	v50 =	vld [tilespmem:$0x1FDD0]  }
0x334: {  	v51 =	vld [tilespmem:$0x1FDE0]  }
0x335: {  	s24 =	sadd.s32 $0x1, s24;
	v52 =	vld [tilespmem:$0x1FDF0]  }
0x336: {  	v53 =	vld [tilespmem:$0x1FE00];
	p0 =	sne.s32 s24, $0x64  }
.Ltmp3:
0x337: {  	v54 =	vld [tilespmem:$0x1FE10];
	(pc) =	sbr.rel @!p0 .LBB2_10-.Ltmp3, $4  }
0x338: {  	v55 =	vld [tilespmem:$0x1FE20]  }
0x339: {  	v59 =	vld [tilespmem:$0x1FE30]  }
0x33a: {  	v24 =	vld [tilespmem:$0x1FE40]  }
0x33b: {  	v27 =	vld [tilespmem:$0x1FE60]  }
.LBB2_2:
0x33c: {  	s26 =	sand.u32 $0x1, s24  }
0x33d: {  	p1 =	seq.s32 s26, $0x1  }
.Ltmp4:
0x33e: {  	v62 =	vld [tilespmem:$0x1FB00];
	(pc) =	sbr.rel @!p1 .LBB2_3-.Ltmp4, $4  }
0x33f: {  	v57 =	vld [tilespmem:$0x1FAF0];
	s25 =	smin.u32 s24, $0x61  }
0x340: {  	v36 =	vld [tilespmem:$0x1FA30];
	s25 =	sadd.s32 s25, s9  }
0x341: {  	v30 =	vmov v23;
	v33 =	vmov v25;
	v6 =	vmov v20;
	v35 =	vld [tilespmem:$0x1FA10];
	s25 =	sshll.u32 s25, $0x5  }
0x342: {  	v5 =	vmovc v8;
	v2 =	vmovc v4;
	v1 =	vmov v28;
	v0 =	vmov v40;
	v61 =	vmov v21;
	v28 =	vld [tilespmem:$0x1F9F0];
	p0 =	slt.u32 s24, $0x2;
	s25 =	sadd.s32 s4, s25  }
0x343: {  	_ =	swait.ge [sflag:s18], $0x100  }
0x344: {  	[sflag:s18] =	ssyncset.done $0x0  }
0x345: {  	[sflag:s18] =	ssyncadd.s32 $0xFFFFFF00  }
0x346: {  	_ =	swait.ge [sflag:s21], $0x4000  }
0x347: {  	[sflag:s21] =	ssyncset.done $0x0  }
0x348: {  	[sflag:s21] =	ssyncadd.s32 $0xFFFFC000  }
0x349: {  	[tilespmem:s20], [sflag:$0x3] =	stream.indirect.gather [hbm4b:s6+s19], $0x40, s3, s19, $0xb8;
	[tilespmem:$0x10200] =	vst v63  }
0x34a: {  	s26 =	simm.s32 @!p0 $0x6  }
0x34b: {  	[tilespmem:s19], [sflag:$0x2] =	stream.linear.gather [hbm4b:s25+s3], $0x100, $0x38;
	[tilespmem:$0x10200] =	vst v63  }
0x34c: {  	_ =	swait.ge @!p0 [sflag:s26], $0x800  }
0x34d: {  	[sflag:s26] =	ssyncset.done @!p0 $0x0  }
0x34e: {  	[sflag:s26] =	ssyncadd.s32 @!p0 $0xFFFFF800  }
0x34f: {  	_ =	swait.ge @!p0 [sflag:s26], $0x800  }
0x350: {  	[sflag:s26] =	ssyncset.done @!p0 $0x0  }
0x351: {  	[sflag:s26] =	ssyncadd.s32 @!p0 $0xFFFFF800  }
0x352: {  	_ =	swait.ge @!p0 [sflag:s26], $0x800  }
0x353: {  	[sflag:s26] =	ssyncset.done @!p0 $0x0  }
0x354: {  	[sflag:s26] =	ssyncadd.s32 @!p0 $0xFFFFF800  }
0x355: {  	_ =	swait.ge @!p0 [sflag:s26], $0x800  }
0x356: {  	[sflag:s26] =	ssyncset.done @!p0 $0x0  }
0x357: {  	[sflag:s26] =	ssyncadd.s32 @!p0 $0xFFFFF800  }
0x358: {  	_ =	swait.ge @!p0 [sflag:s26], $0x800  }
0x359: {  	[sflag:s26] =	ssyncset.done @!p0 $0x0  }
0x35a: {  	[sflag:s26] =	ssyncadd.s32 @!p0 $0xFFFFF800  }
0x35b: {  	_ =	swait.ge @!p0 [sflag:s26], $0x800  }
0x35c: {  	[sflag:s26] =	ssyncset.done @!p0 $0x0  }
0x35d: {  	[sflag:s26] =	ssyncadd.s32 @!p0 $0xFFFFF800  }
0x35e: {  	_ =	swait.ge @!p0 [sflag:s26], $0x800  }
0x35f: {  	v7 =	vld [tilespmem:$0x1FCE0];
	_ =	sdelay $0x1  }
0x360: {  	s25 =	simm.s32 $0x0  }
0x361: {  	v20 =	vmov s25  }
0x362: {  	v20 =	vshll.u32 v20, $0x6  }
0x363: {  	v21 =	vor.u32 v7, v20  }
0x364: {  	[sflag:s26] =	ssyncset.done @!p0 $0x0;
	v22 =	vor.u32 v13, v21  }
0x365: {  	[sflag:s26] =	ssyncadd.s32 @!p0 $0xFFFFF800  }
0x366: {  	_ =	swait.ge @!p0 [sflag:s26], $0x800  }
0x367: {  	s28 =	sand.u32 $0x400, s25;
	s29 =	sand.u32 $0x70, s25;
	[sflag:s26] =	ssyncset.done @!p0 $0x0  }
0x368: {  	[sflag:s26] =	ssyncadd.s32 @!p0 $0xFFFFF800;
	s26 =	sor.u32 s29, s28  }
0x369: {  	v23 =	vor.u32 s26, v29;
	v22 =	vld.idx.msk [tilespmem:v22+s22+$0x0], $0xffff  }
0x36a: {  	v63 =	vmov v24;
	v24 =	vor.u32 v17, v21;
	_ =	sdelay $0x3  }
0x36b: {  	[tilespmem:v23+s23+$0x0] =	vst.idx.msk $0xffff, v22  }
0x36c: {  	v23 =	vor.u32 s26, v41;
	v22 =	vld.idx.msk [tilespmem:v24+s22+$0x0], $0xffff  }
0x36d: {  	v24 =	vor.u32 v18, v21;
	_ =	sdelay $0x3  }
0x36e: {  	[tilespmem:v23+s23+$0x0] =	vst.idx.msk $0xffff, v22  }
0x36f: {  	v23 =	vor.u32 s26, v42;
	v22 =	vld.idx.msk [tilespmem:v24+s22+$0x0], $0xffff  }
0x370: {  	v21 =	vor.u32 v19, v21;
	_ =	sdelay $0x3  }
0x371: {  	[tilespmem:v23+s23+$0x0] =	vst.idx.msk $0xffff, v22  }
0x372: {  	v22 =	vor.u32 s26, v43;
	v23 =	vor.u32 v39, v20;
	v21 =	vld.idx.msk [tilespmem:v21+s22+$0x0], $0xffff  }
0x373: {  	v24 =	vor.u32 v13, v23;
	_ =	sdelay $0x3  }
0x374: {  	[tilespmem:v22+s23+$0x0] =	vst.idx.msk $0xffff, v21  }
0x375: {  	v22 =	vor.u32 s26, v44;
	v21 =	vld.idx.msk [tilespmem:v24+s22+$0x0], $0xffff  }
0x376: {  	v24 =	vor.u32 v17, v23;
	_ =	sdelay $0x3  }
0x377: {  	[tilespmem:v22+s23+$0x0] =	vst.idx.msk $0xffff, v21  }
0x378: {  	v22 =	vor.u32 s26, v45;
	v21 =	vld.idx.msk [tilespmem:v24+s22+$0x0], $0xffff  }
0x379: {  	v24 =	vor.u32 v18, v23;
	_ =	sdelay $0x3  }
0x37a: {  	[tilespmem:v22+s23+$0x0] =	vst.idx.msk $0xffff, v21  }
0x37b: {  	v22 =	vor.u32 s26, v46;
	v21 =	vld.idx.msk [tilespmem:v24+s22+$0x0], $0xffff  }
0x37c: {  	v23 =	vor.u32 v19, v23;
	_ =	sdelay $0x3  }
0x37d: {  	[tilespmem:v22+s23+$0x0] =	vst.idx.msk $0xffff, v21  }
0x37e: {  	v22 =	vor.u32 s26, v47;
	v21 =	vld.idx.msk [tilespmem:v23+s22+$0x0], $0xffff;
	v23 =	vor.u32 v38, v20  }
0x37f: {  	v24 =	vor.u32 v13, v23;
	_ =	sdelay $0x3  }
0x380: {  	[tilespmem:v22+s23+$0x0] =	vst.idx.msk $0xffff, v21  }
0x381: {  	v22 =	vor.u32 s26, v48;
	v21 =	vld.idx.msk [tilespmem:v24+s22+$0x0], $0xffff  }
0x382: {  	v24 =	vor.u32 v17, v23;
	_ =	sdelay $0x3  }
0x383: {  	[tilespmem:v22+s23+$0x0] =	vst.idx.msk $0xffff, v21  }
0x384: {  	v22 =	vor.u32 s26, v49;
	v21 =	vld.idx.msk [tilespmem:v24+s22+$0x0], $0xffff  }
0x385: {  	v24 =	vor.u32 v18, v23;
	_ =	sdelay $0x3  }
0x386: {  	[tilespmem:v22+s23+$0x0] =	vst.idx.msk $0xffff, v21  }
0x387: {  	v22 =	vor.u32 s26, v50;
	v21 =	vld.idx.msk [tilespmem:v24+s22+$0x0], $0xffff  }
0x388: {  	v23 =	vor.u32 v19, v23;
	_ =	sdelay $0x3  }
0x389: {  	[tilespmem:v22+s23+$0x0] =	vst.idx.msk $0xffff, v21  }
0x38a: {  	v22 =	vor.u32 s26, v51;
	v21 =	vld.idx.msk [tilespmem:v23+s22+$0x0], $0xffff;
	v23 =	vor.u32 v37, v20  }
0x38b: {  	v24 =	vor.u32 v13, v23;
	_ =	sdelay $0x3  }
0x38c: {  	[tilespmem:v22+s23+$0x0] =	vst.idx.msk $0xffff, v21  }
0x38d: {  	v22 =	vor.u32 s26, v52;
	v21 =	vld.idx.msk [tilespmem:v24+s22+$0x0], $0xffff  }
0x38e: {  	v24 =	vor.u32 v17, v23;
	_ =	sdelay $0x3  }
0x38f: {  	[tilespmem:v22+s23+$0x0] =	vst.idx.msk $0xffff, v21  }
0x390: {  	v22 =	vor.u32 s26, v53;
	v21 =	vld.idx.msk [tilespmem:v24+s22+$0x0], $0xffff  }
0x391: {  	v24 =	vor.u32 v18, v23;
	_ =	sdelay $0x3  }
0x392: {  	[tilespmem:v22+s23+$0x0] =	vst.idx.msk $0xffff, v21  }
0x393: {  	v22 =	vor.u32 s26, v54;
	v21 =	vld.idx.msk [tilespmem:v24+s22+$0x0], $0xffff  }
0x394: {  	v23 =	vor.u32 v19, v23;
	_ =	sdelay $0x3  }
0x395: {  	[tilespmem:v22+s23+$0x0] =	vst.idx.msk $0xffff, v21  }
0x396: {  	v22 =	vor.u32 s26, v55;
	v21 =	vld.idx.msk [tilespmem:v23+s22+$0x0], $0xffff;
	v23 =	vor.u32 v26, v20  }
0x397: {  	v10 =	vld [tilespmem:$0x1FA80];
	v24 =	vor.u32 v13, v23;
	_ =	sdelay $0x3  }
0x398: {  	[tilespmem:v22+s23+$0x0] =	vst.idx.msk $0xffff, v21  }
0x399: {  	v22 =	vor.u32 s26, v10;
	v21 =	vld.idx.msk [tilespmem:v24+s22+$0x0], $0xffff  }
0x39a: {  	v9 =	vld [tilespmem:$0x1FA90];
	v24 =	vor.u32 v17, v23;
	_ =	sdelay $0x3  }
0x39b: {  	[tilespmem:v22+s23+$0x0] =	vst.idx.msk $0xffff, v21  }
0x39c: {  	v22 =	vor.u32 s26, v9;
	v21 =	vld.idx.msk [tilespmem:v24+s22+$0x0], $0xffff  }
0x39d: {  	v11 =	vld [tilespmem:$0x1FAB0];
	v24 =	vor.u32 v18, v23;
	_ =	sdelay $0x3  }
0x39e: {  	v12 =	vld [tilespmem:$0x1FAD0];
	[tilespmem:v22+s23+$0x0] =	vst.idx.msk $0xffff, v21  }
0x39f: {  	v22 =	vor.u32 s26, v11;
	v21 =	vld.idx.msk [tilespmem:v24+s22+$0x0], $0xffff  }
0x3a0: {  	v25 =	vld [tilespmem:$0x1F2E0];
	v23 =	vor.u32 v19, v23;
	_ =	sdelay $0x3  }
0x3a1: {  	[tilespmem:v22+s23+$0x0] =	vst.idx.msk $0xffff, v21  }
0x3a2: {  	v22 =	vor.u32 s26, v12;
	v21 =	vld.idx.msk [tilespmem:v23+s22+$0x0], $0xffff;
	v23 =	vor.u32 v25, v20  }
0x3a3: {  	v24 =	vor.u32 v13, v23;
	_ =	sdelay $0x3  }
0x3a4: {  	[tilespmem:v22+s23+$0x0] =	vst.idx.msk $0xffff, v21  }
0x3a5: {  	v22 =	vor.u32 s26, v57;
	v21 =	vld.idx.msk [tilespmem:v24+s22+$0x0], $0xffff  }
0x3a6: {  	v24 =	vor.u32 v17, v23;
	_ =	sdelay $0x3  }
0x3a7: {  	[tilespmem:v22+s23+$0x0] =	vst.idx.msk $0xffff, v21  }
0x3a8: {  	v22 =	vor.u32 s26, v62;
	v21 =	vld.idx.msk [tilespmem:v24+s22+$0x0], $0xffff  }
0x3a9: {  	v24 =	vor.u32 v18, v23;
	_ =	sdelay $0x3  }
0x3aa: {  	[tilespmem:v22+s23+$0x0] =	vst.idx.msk $0xffff, v21  }
0x3ab: {  	v22 =	vor.u32 s26, v61;
	v21 =	vld.idx.msk [tilespmem:v24+s22+$0x0], $0xffff  }
0x3ac: {  	v23 =	vor.u32 v19, v23;
	_ =	sdelay $0x3  }
0x3ad: {  	[tilespmem:v22+s23+$0x0] =	vst.idx.msk $0xffff, v21  }
0x3ae: {  	v22 =	vor.u32 s26, v16;
	v21 =	vld.idx.msk [tilespmem:v23+s22+$0x0], $0xffff;
	v23 =	vor.u32 v36, v20  }
0x3af: {  	v24 =	vor.u32 v13, v23;
	_ =	sdelay $0x3  }
0x3b0: {  	[tilespmem:v22+s23+$0x0] =	vst.idx.msk $0xffff, v21  }
0x3b1: {  	v22 =	vor.u32 s26, v0;
	v21 =	vld.idx.msk [tilespmem:v24+s22+$0x0], $0xffff  }
0x3b2: {  	v24 =	vor.u32 v17, v23;
	_ =	sdelay $0x3  }
0x3b3: {  	[tilespmem:v22+s23+$0x0] =	vst.idx.msk $0xffff, v21  }
0x3b4: {  	v22 =	vor.u32 s26, v1;
	v21 =	vld.idx.msk [tilespmem:v24+s22+$0x0], $0xffff  }
0x3b5: {  	v24 =	vor.u32 v18, v23;
	_ =	sdelay $0x3  }
0x3b6: {  	[tilespmem:v22+s23+$0x0] =	vst.idx.msk $0xffff, v21  }
0x3b7: {  	v22 =	vor.u32 s26, v2;
	v21 =	vld.idx.msk [tilespmem:v24+s22+$0x0], $0xffff  }
0x3b8: {  	v23 =	vor.u32 v19, v23;
	_ =	sdelay $0x3  }
0x3b9: {  	[tilespmem:v22+s23+$0x0] =	vst.idx.msk $0xffff, v21  }
0x3ba: {  	v22 =	vor.u32 s26, v31;
	v21 =	vld.idx.msk [tilespmem:v23+s22+$0x0], $0xffff;
	v23 =	vor.u32 v35, v20  }
0x3bb: {  	v24 =	vor.u32 v13, v23;
	_ =	sdelay $0x3  }
0x3bc: {  	[tilespmem:v22+s23+$0x0] =	vst.idx.msk $0xffff, v21  }
0x3bd: {  	v22 =	vor.u32 s26, v56;
	v21 =	vld.idx.msk [tilespmem:v24+s22+$0x0], $0xffff  }
0x3be: {  	v24 =	vor.u32 v17, v23;
	_ =	sdelay $0x3  }
0x3bf: {  	[tilespmem:v22+s23+$0x0] =	vst.idx.msk $0xffff, v21  }
0x3c0: {  	v22 =	vor.u32 s26, v5;
	v21 =	vld.idx.msk [tilespmem:v24+s22+$0x0], $0xffff  }
0x3c1: {  	v24 =	vor.u32 v18, v23;
	_ =	sdelay $0x3  }
0x3c2: {  	[tilespmem:v22+s23+$0x0] =	vst.idx.msk $0xffff, v21  }
0x3c3: {  	v22 =	vor.u32 s26, v6;
	v21 =	vld.idx.msk [tilespmem:v24+s22+$0x0], $0xffff  }
0x3c4: {  	v23 =	vor.u32 v19, v23;
	_ =	sdelay $0x3  }
0x3c5: {  	[tilespmem:v22+s23+$0x0] =	vst.idx.msk $0xffff, v21  }
0x3c6: {  	v22 =	vor.u32 s26, v33;
	v21 =	vld.idx.msk [tilespmem:v23+s22+$0x0], $0xffff;
	v23 =	vor.u32 v28, v20  }
0x3c7: {  	v24 =	vor.u32 v13, v23;
	_ =	sdelay $0x3  }
0x3c8: {  	v34 =	vmov v6;
	v6 =	vld [tilespmem:$0x1FFE0];
	[tilespmem:v22+s23+$0x0] =	vst.idx.msk $0xffff, v21  }
0x3c9: {  	v22 =	vor.u32 s26, v30;
	v21 =	vld.idx.msk [tilespmem:v24+s22+$0x0], $0xffff  }
0x3ca: {  	v24 =	vor.u32 v17, v23;
	_ =	sdelay $0x3  }
0x3cb: {  	v14 =	vmov v6;
	[tilespmem:v22+s23+$0x0] =	vst.idx.msk $0xffff, v21;
	v22 =	vor.u32 s26, v6;
	v6 =	vld [tilespmem:$0x1FFD0]  }
0x3cc: {  	v21 =	vld.idx.msk [tilespmem:v24+s22+$0x0], $0xffff  }
0x3cd: {  	v24 =	vor.u32 v18, v23;
	_ =	sdelay $0x3  }
0x3ce: {  	v32 =	vmov v6;
	[tilespmem:v22+s23+$0x0] =	vst.idx.msk $0xffff, v21;
	v22 =	vor.u32 s26, v6;
	v6 =	vld [tilespmem:$0x1FFC0]  }
0x3cf: {  	v21 =	vld.idx.msk [tilespmem:v24+s22+$0x0], $0xffff;
	_ =	sdelay $0x3  }
0x3d0: {  	v23 =	vor.u32 v19, v23  }
0x3d1: {  	v40 =	vmov v29;
	v29 =	vmov v6;
	[tilespmem:v22+s23+$0x0] =	vst.idx.msk $0xffff, v21;
	v22 =	vor.u32 s26, v6;
	v6 =	vld [tilespmem:$0x1F9D0];
	_ =	sdelay $0x3  }
0x3d2: {  	v21 =	vld.idx.msk [tilespmem:v23+s22+$0x0], $0xffff  }
0x3d3: {  	v15 =	vmov v6;
	v23 =	vor.u32 v6, v20;
	v6 =	vld [tilespmem:$0x1FFB0]  }
0x3d4: {  	v24 =	vor.u32 v13, v23;
	_ =	sdelay $0x3  }
0x3d5: {  	[tilespmem:v22+s23+$0x0] =	vst.idx.msk $0xffff, v21;
	v58 =	vmov v6;
	v22 =	vor.u32 s26, v6;
	v6 =	vld [tilespmem:$0x1FFA0]  }
0x3d6: {  	v21 =	vld.idx.msk [tilespmem:v24+s22+$0x0], $0xffff  }
0x3d7: {  	v24 =	vor.u32 v17, v23;
	_ =	sdelay $0x3  }
0x3d8: {  	v8 =	vmov v6;
	[tilespmem:v22+s23+$0x0] =	vst.idx.msk $0xffff, v21;
	v22 =	vor.u32 s26, v6;
	v6 =	vld [tilespmem:$0x1FF90]  }
0x3d9: {  	v21 =	vld.idx.msk [tilespmem:v24+s22+$0x0], $0xffff  }
0x3da: {  	v24 =	vor.u32 v18, v23;
	_ =	sdelay $0x3  }
0x3db: {  	v60 =	vmov v16;
	v16 =	vmov v6;
	[tilespmem:v22+s23+$0x0] =	vst.idx.msk $0xffff, v21;
	v22 =	vor.u32 s26, v6;
	v6 =	vld [tilespmem:$0x1FF80]  }
0x3dc: {  	v21 =	vld.idx.msk [tilespmem:v24+s22+$0x0], $0xffff;
	_ =	sdelay $0x4  }
0x3dd: {  	v3 =	vmovc v31;
	v23 =	vor.u32 v19, v23;
	v31 =	vmov v6;
	[tilespmem:v22+s23+$0x0] =	vst.idx.msk $0xffff, v21;
	v22 =	vor.u32 s26, v6;
	v6 =	vld [tilespmem:$0x1F9B0];
	_ =	sdelay $0x4  }
0x3de: {  	v21 =	vld.idx.msk [tilespmem:v23+s22+$0x0], $0xffff;
	v23 =	vor.u32 v6, v20  }
0x3df: {  	v6 =	vld [tilespmem:$0x1FE90];
	v24 =	vor.u32 v13, v23;
	_ =	sdelay $0x3  }
0x3e0: {  	[tilespmem:v22+s23+$0x0] =	vst.idx.msk $0xffff, v21  }
0x3e1: {  	v22 =	vor.u32 s26, v6;
	v21 =	vld.idx.msk [tilespmem:v24+s22+$0x0], $0xffff  }
0x3e2: {  	v4 =	vmov v56;
	v56 =	vmov v6;
	v6 =	vld [tilespmem:$0x1FE80];
	v24 =	vor.u32 v17, v23;
	_ =	sdelay $0x3  }
0x3e3: {  	[tilespmem:v22+s23+$0x0] =	vst.idx.msk $0xffff, v21  }
0x3e4: {  	v22 =	vor.u32 s26, v6;
	v21 =	vld.idx.msk [tilespmem:v24+s22+$0x0], $0xffff  }
0x3e5: {  	v24 =	vor.u32 v18, v23;
	_ =	sdelay $0x3  }
0x3e6: {  	[tilespmem:v22+s23+$0x0] =	vst.idx.msk $0xffff, v21  }
0x3e7: {  	v22 =	vor.u32 s26, v59;
	v21 =	vld.idx.msk [tilespmem:v24+s22+$0x0], $0xffff  }
0x3e8: {  	v23 =	vor.u32 v19, v23  }
0x3e9: {  	v27 =	vmov v6;
	v6 =	vld [tilespmem:$0x1F990];
	_ =	sdelay $0x2  }
0x3ea: {  	[tilespmem:v22+s23+$0x0] =	vst.idx.msk $0xffff, v21  }
0x3eb: {  	v21 =	vld.idx.msk [tilespmem:v23+s22+$0x0], $0xffff  }
0x3ec: {  	v22 =	vor.u32 s26, v63;
	v23 =	vor.u32 v6, v20;
	v6 =	vld [tilespmem:$0x1FE50]  }
0x3ed: {  	v24 =	vor.u32 v13, v23;
	_ =	sdelay $0x3  }
0x3ee: {  	[tilespmem:v22+s23+$0x0] =	vst.idx.msk $0xffff, v21;
	v22 =	vor.u32 s26, v6;
	v6 =	vld [tilespmem:$0x1FE60]  }
0x3ef: {  	v21 =	vld.idx.msk [tilespmem:v24+s22+$0x0], $0xffff  }
0x3f0: {  	v24 =	vor.u32 v17, v23;
	_ =	sdelay $0x3  }
0x3f1: {  	[tilespmem:v22+s23+$0x0] =	vst.idx.msk $0xffff, v21;
	v22 =	vor.u32 s26, v6;
	v6 =	vld [tilespmem:$0x1FE70]  }
0x3f2: {  	v21 =	vld.idx.msk [tilespmem:v24+s22+$0x0], $0xffff  }
0x3f3: {  	v24 =	vor.u32 v18, v23;
	_ =	sdelay $0x3  }
0x3f4: {  	[tilespmem:v22+s23+$0x0] =	vst.idx.msk $0xffff, v21;
	v22 =	vor.u32 s26, v6;
	v6 =	vld [tilespmem:$0x1FEA0]  }
0x3f5: {  	v21 =	vld.idx.msk [tilespmem:v24+s22+$0x0], $0xffff;
	_ =	sdelay $0x4  }
0x3f6: {  	v23 =	vor.u32 v19, v23;
	[tilespmem:v22+s23+$0x0] =	vst.idx.msk $0xffff, v21;
	v22 =	vor.u32 s26, v6;
	v6 =	vld [tilespmem:$0x1F970];
	_ =	sdelay $0x4  }
0x3f7: {  	v21 =	vld.idx.msk [tilespmem:v23+s22+$0x0], $0xffff;
	v23 =	vor.u32 v6, v20  }
0x3f8: {  	v6 =	vld [tilespmem:$0x1FEB0];
	v24 =	vor.u32 v13, v23;
	_ =	sdelay $0x3  }
0x3f9: {  	[tilespmem:v22+s23+$0x0] =	vst.idx.msk $0xffff, v21  }
0x3fa: {  	v22 =	vor.u32 s26, v6;
	v21 =	vld.idx.msk [tilespmem:v24+s22+$0x0], $0xffff  }
0x3fb: {  	v6 =	vld [tilespmem:$0x1FEC0];
	v24 =	vor.u32 v17, v23;
	_ =	sdelay $0x3  }
0x3fc: {  	[tilespmem:v22+s23+$0x0] =	vst.idx.msk $0xffff, v21  }
0x3fd: {  	v22 =	vor.u32 s26, v6;
	v21 =	vld.idx.msk [tilespmem:v24+s22+$0x0], $0xffff  }
0x3fe: {  	v63 =	vld [tilespmem:$0x1FC40];
	v24 =	vor.u32 v18, v23;
	_ =	sdelay $0x3  }
0x3ff: {  	[tilespmem:v22+s23+$0x0] =	vst.idx.msk $0xffff, v21  }
0x400: {  	v22 =	vor.u32 s26, v63;
	v21 =	vld.idx.msk [tilespmem:v24+s22+$0x0], $0xffff  }
0x401: {  	v59 =	vld [tilespmem:$0x1FC50];
	v23 =	vor.u32 v19, v23  }
0x402: {  	v6 =	vld [tilespmem:$0x1F950];
	_ =	sdelay $0x2  }
0x403: {  	[tilespmem:v22+s23+$0x0] =	vst.idx.msk $0xffff, v21  }
0x404: {  	v21 =	vld.idx.msk [tilespmem:v23+s22+$0x0], $0xffff  }
0x405: {  	v22 =	vor.u32 s26, v59;
	v23 =	vor.u32 v6, v20;
	v6 =	vld [tilespmem:$0x1FED0]  }
0x406: {  	v24 =	vor.u32 v13, v23;
	_ =	sdelay $0x3  }
0x407: {  	[tilespmem:v22+s23+$0x0] =	vst.idx.msk $0xffff, v21;
	v22 =	vor.u32 s26, v6;
	v6 =	vld [tilespmem:$0x1FEE0]  }
0x408: {  	v21 =	vld.idx.msk [tilespmem:v24+s22+$0x0], $0xffff  }
0x409: {  	v24 =	vor.u32 v17, v23;
	_ =	sdelay $0x3  }
0x40a: {  	[tilespmem:v22+s23+$0x0] =	vst.idx.msk $0xffff, v21;
	v22 =	vor.u32 s26, v6;
	v6 =	vld [tilespmem:$0x1FEF0]  }
0x40b: {  	v21 =	vld.idx.msk [tilespmem:v24+s22+$0x0], $0xffff  }
0x40c: {  	v24 =	vor.u32 v18, v23;
	_ =	sdelay $0x3  }
0x40d: {  	[tilespmem:v22+s23+$0x0] =	vst.idx.msk $0xffff, v21;
	v22 =	vor.u32 s26, v6;
	v6 =	vld [tilespmem:$0x1FF00]  }
0x40e: {  	v21 =	vld.idx.msk [tilespmem:v24+s22+$0x0], $0xffff;
	_ =	sdelay $0x3  }
0x40f: {  	v23 =	vor.u32 v19, v23  }
0x410: {  	[tilespmem:v22+s23+$0x0] =	vst.idx.msk $0xffff, v21;
	v22 =	vor.u32 s26, v6;
	v6 =	vld [tilespmem:$0x1F930];
	_ =	sdelay $0x3  }
0x411: {  	v21 =	vld.idx.msk [tilespmem:v23+s22+$0x0], $0xffff  }
0x412: {  	v23 =	vor.u32 v6, v20;
	v6 =	vld [tilespmem:$0x1FF10]  }
0x413: {  	v24 =	vor.u32 v13, v23;
	_ =	sdelay $0x3  }
0x414: {  	[tilespmem:v22+s23+$0x0] =	vst.idx.msk $0xffff, v21;
	v22 =	vor.u32 s26, v6;
	v6 =	vld [tilespmem:$0x1FF20]  }
0x415: {  	v21 =	vld.idx.msk [tilespmem:v24+s22+$0x0], $0xffff  }
0x416: {  	v24 =	vor.u32 v17, v23;
	_ =	sdelay $0x3  }
0x417: {  	[tilespmem:v22+s23+$0x0] =	vst.idx.msk $0xffff, v21;
	v22 =	vor.u32 s26, v6;
	v6 =	vld [tilespmem:$0x1FF30]  }
0x418: {  	v21 =	vld.idx.msk [tilespmem:v24+s22+$0x0], $0xffff  }
0x419: {  	v24 =	vor.u32 v18, v23;
	_ =	sdelay $0x3  }
0x41a: {  	[tilespmem:v22+s23+$0x0] =	vst.idx.msk $0xffff, v21;
	v22 =	vor.u32 s26, v6;
	v6 =	vld [tilespmem:$0x1FF40]  }
0x41b: {  	v21 =	vld.idx.msk [tilespmem:v24+s22+$0x0], $0xffff;
	_ =	sdelay $0x4  }
0x41c: {  	v23 =	vor.u32 v19, v23;
	[tilespmem:v22+s23+$0x0] =	vst.idx.msk $0xffff, v21;
	v22 =	vor.u32 s26, v6;
	v6 =	vld [tilespmem:$0x1F910];
	_ =	sdelay $0x4  }
0x41d: {  	v21 =	vld.idx.msk [tilespmem:v23+s22+$0x0], $0xffff;
	v20 =	vor.u32 v6, v20  }
0x41e: {  	v6 =	vld [tilespmem:$0x1FF50];
	v23 =	vor.u32 v13, v20;
	_ =	sdelay $0x3  }
0x41f: {  	[tilespmem:v22+s23+$0x0] =	vst.idx.msk $0xffff, v21  }
0x420: {  	v22 =	vor.u32 s26, v6;
	v21 =	vld.idx.msk [tilespmem:v23+s22+$0x0], $0xffff  }
0x421: {  	v6 =	vld [tilespmem:$0x1FF60];
	v23 =	vor.u32 v17, v20;
	_ =	sdelay $0x3  }
0x422: {  	[tilespmem:v22+s23+$0x0] =	vst.idx.msk $0xffff, v21  }
0x423: {  	v22 =	vor.u32 s26, v6;
	v21 =	vld.idx.msk [tilespmem:v23+s22+$0x0], $0xffff  }
0x424: {  	v6 =	vld [tilespmem:$0x1FF70];
	v23 =	vor.u32 v18, v20;
	_ =	sdelay $0x3  }
0x425: {  	[tilespmem:v22+s23+$0x0] =	vst.idx.msk $0xffff, v21  }
0x426: {  	v22 =	vor.u32 s26, v6;
	v21 =	vld.idx.msk [tilespmem:v23+s22+$0x0], $0xffff;
	_ =	sdelay $0x3  }
0x427: {  	s28 =	simm.s32 $0x10  }
0x428: {  	s29 =	simm.s32 $0x20;
	v6 =	vld [tilespmem:$0x1FCD0];
	[tilespmem:v22+s23+$0x0] =	vst.idx.msk $0xffff, v21;
	v21 =	vor.u32 v19, v20;
	v20 =	vmov s28  }
.LBB2_7:
0x429: {  	_ =	sdelay $0x2  }
0x42a: {  	v20 =	vshll.u32 v20, $0x6  }
0x42b: {  	v21 =	vld.idx.msk [tilespmem:v21+s22+$0x0], $0xffff;
	v23 =	vor.u32 s26, v6;
	v22 =	vor.u32 v7, v20  }
0x42c: {  	v24 =	vor.u32 v13, v22;
	_ =	sdelay $0x1  }
0x42d: {  	s25 =	sadd.s32 $0x80, s25  }
0x42e: {  	s30 =	sand.u32 $0x70, s28;
	s26 =	sand.u32 $0x400, s25  }
0x42f: {  	s26 =	sor.u32 s30, s26;
	[tilespmem:v23+s23+$0x0] =	vst.idx.msk $0xffff, v21  }
0x430: {  	v23 =	vor.u32 s26, v40;
	v21 =	vld.idx.msk [tilespmem:v24+s22+$0x0], $0xffff  }
0x431: {  	v24 =	vor.u32 v17, v22;
	_ =	sdelay $0x3  }
0x432: {  	[tilespmem:v23+s23+$0x0] =	vst.idx.msk $0xffff, v21  }
0x433: {  	v23 =	vor.u32 s26, v41;
	v21 =	vld.idx.msk [tilespmem:v24+s22+$0x0], $0xffff  }
0x434: {  	v24 =	vor.u32 v18, v22;
	_ =	sdelay $0x3  }
0x435: {  	[tilespmem:v23+s23+$0x0] =	vst.idx.msk $0xffff, v21  }
0x436: {  	v23 =	vor.u32 s26, v42;
	v21 =	vld.idx.msk [tilespmem:v24+s22+$0x0], $0xffff  }
0x437: {  	v22 =	vor.u32 v19, v22;
	_ =	sdelay $0x3  }
0x438: {  	[tilespmem:v23+s23+$0x0] =	vst.idx.msk $0xffff, v21  }
0x439: {  	v23 =	vor.u32 v39, v20;
	v21 =	vld.idx.msk [tilespmem:v22+s22+$0x0], $0xffff;
	v22 =	vor.u32 s26, v43  }
0x43a: {  	v24 =	vor.u32 v13, v23;
	_ =	sdelay $0x3  }
0x43b: {  	[tilespmem:v22+s23+$0x0] =	vst.idx.msk $0xffff, v21  }
0x43c: {  	v22 =	vor.u32 s26, v44;
	v21 =	vld.idx.msk [tilespmem:v24+s22+$0x0], $0xffff  }
0x43d: {  	v24 =	vor.u32 v17, v23;
	_ =	sdelay $0x3  }
0x43e: {  	[tilespmem:v22+s23+$0x0] =	vst.idx.msk $0xffff, v21  }
0x43f: {  	v22 =	vor.u32 s26, v45;
	v21 =	vld.idx.msk [tilespmem:v24+s22+$0x0], $0xffff  }
0x440: {  	v24 =	vor.u32 v18, v23;
	_ =	sdelay $0x3  }
0x441: {  	[tilespmem:v22+s23+$0x0] =	vst.idx.msk $0xffff, v21  }
0x442: {  	v22 =	vor.u32 s26, v46;
	v21 =	vld.idx.msk [tilespmem:v24+s22+$0x0], $0xffff  }
0x443: {  	v23 =	vor.u32 v19, v23;
	_ =	sdelay $0x3  }
0x444: {  	[tilespmem:v22+s23+$0x0] =	vst.idx.msk $0xffff, v21  }
0x445: {  	v22 =	vor.u32 s26, v47;
	v21 =	vld.idx.msk [tilespmem:v23+s22+$0x0], $0xffff;
	v23 =	vor.u32 v38, v20  }
0x446: {  	v24 =	vor.u32 v13, v23;
	_ =	sdelay $0x3  }
0x447: {  	[tilespmem:v22+s23+$0x0] =	vst.idx.msk $0xffff, v21  }
0x448: {  	v22 =	vor.u32 s26, v48;
	v21 =	vld.idx.msk [tilespmem:v24+s22+$0x0], $0xffff  }
0x449: {  	v24 =	vor.u32 v17, v23;
	_ =	sdelay $0x3  }
0x44a: {  	[tilespmem:v22+s23+$0x0] =	vst.idx.msk $0xffff, v21  }
0x44b: {  	v22 =	vor.u32 s26, v49;
	v21 =	vld.idx.msk [tilespmem:v24+s22+$0x0], $0xffff  }
0x44c: {  	v24 =	vor.u32 v18, v23;
	_ =	sdelay $0x3  }
0x44d: {  	[tilespmem:v22+s23+$0x0] =	vst.idx.msk $0xffff, v21  }
0x44e: {  	v22 =	vor.u32 s26, v50;
	v21 =	vld.idx.msk [tilespmem:v24+s22+$0x0], $0xffff  }
0x44f: {  	v23 =	vor.u32 v19, v23;
	_ =	sdelay $0x3  }
0x450: {  	[tilespmem:v22+s23+$0x0] =	vst.idx.msk $0xffff, v21  }
0x451: {  	v22 =	vor.u32 s26, v51;
	v21 =	vld.idx.msk [tilespmem:v23+s22+$0x0], $0xffff;
	v23 =	vor.u32 v37, v20  }
0x452: {  	v24 =	vor.u32 v13, v23;
	_ =	sdelay $0x3  }
0x453: {  	[tilespmem:v22+s23+$0x0] =	vst.idx.msk $0xffff, v21  }
0x454: {  	v22 =	vor.u32 s26, v52;
	v21 =	vld.idx.msk [tilespmem:v24+s22+$0x0], $0xffff  }
0x455: {  	v24 =	vor.u32 v17, v23;
	_ =	sdelay $0x3  }
0x456: {  	[tilespmem:v22+s23+$0x0] =	vst.idx.msk $0xffff, v21  }
0x457: {  	v22 =	vor.u32 s26, v53;
	v21 =	vld.idx.msk [tilespmem:v24+s22+$0x0], $0xffff  }
0x458: {  	v24 =	vor.u32 v18, v23;
	_ =	sdelay $0x3  }
0x459: {  	[tilespmem:v22+s23+$0x0] =	vst.idx.msk $0xffff, v21  }
0x45a: {  	v22 =	vor.u32 s26, v54;
	v21 =	vld.idx.msk [tilespmem:v24+s22+$0x0], $0xffff  }
0x45b: {  	v23 =	vor.u32 v19, v23;
	_ =	sdelay $0x3  }
0x45c: {  	[tilespmem:v22+s23+$0x0] =	vst.idx.msk $0xffff, v21  }
0x45d: {  	v22 =	vor.u32 s26, v55;
	v21 =	vld.idx.msk [tilespmem:v23+s22+$0x0], $0xffff;
	v23 =	vor.u32 v26, v20  }
0x45e: {  	v24 =	vor.u32 v13, v23;
	_ =	sdelay $0x3  }
0x45f: {  	[tilespmem:v22+s23+$0x0] =	vst.idx.msk $0xffff, v21  }
0x460: {  	v22 =	vor.u32 s26, v10;
	v21 =	vld.idx.msk [tilespmem:v24+s22+$0x0], $0xffff  }
0x461: {  	v24 =	vor.u32 v17, v23;
	_ =	sdelay $0x3  }
0x462: {  	[tilespmem:v22+s23+$0x0] =	vst.idx.msk $0xffff, v21  }
0x463: {  	v22 =	vor.u32 s26, v9;
	v21 =	vld.idx.msk [tilespmem:v24+s22+$0x0], $0xffff  }
0x464: {  	v24 =	vor.u32 v18, v23;
	_ =	sdelay $0x3  }
0x465: {  	[tilespmem:v22+s23+$0x0] =	vst.idx.msk $0xffff, v21  }
0x466: {  	v22 =	vor.u32 s26, v11;
	v21 =	vld.idx.msk [tilespmem:v24+s22+$0x0], $0xffff  }
0x467: {  	v23 =	vor.u32 v19, v23;
	_ =	sdelay $0x3  }
0x468: {  	[tilespmem:v22+s23+$0x0] =	vst.idx.msk $0xffff, v21  }
0x469: {  	v22 =	vor.u32 s26, v12;
	v21 =	vld.idx.msk [tilespmem:v23+s22+$0x0], $0xffff;
	v23 =	vor.u32 v25, v20  }
0x46a: {  	v24 =	vor.u32 v13, v23;
	_ =	sdelay $0x3  }
0x46b: {  	[tilespmem:v22+s23+$0x0] =	vst.idx.msk $0xffff, v21  }
0x46c: {  	v22 =	vor.u32 s26, v57;
	v21 =	vld.idx.msk [tilespmem:v24+s22+$0x0], $0xffff  }
0x46d: {  	v24 =	vor.u32 v17, v23;
	_ =	sdelay $0x3  }
0x46e: {  	[tilespmem:v22+s23+$0x0] =	vst.idx.msk $0xffff, v21  }
0x46f: {  	v22 =	vor.u32 s26, v62;
	v21 =	vld.idx.msk [tilespmem:v24+s22+$0x0], $0xffff  }
0x470: {  	v24 =	vor.u32 v18, v23;
	_ =	sdelay $0x3  }
0x471: {  	[tilespmem:v22+s23+$0x0] =	vst.idx.msk $0xffff, v21  }
0x472: {  	v22 =	vor.u32 s26, v61;
	v21 =	vld.idx.msk [tilespmem:v24+s22+$0x0], $0xffff  }
0x473: {  	v23 =	vor.u32 v19, v23;
	_ =	sdelay $0x3  }
0x474: {  	[tilespmem:v22+s23+$0x0] =	vst.idx.msk $0xffff, v21  }
0x475: {  	v22 =	vor.u32 s26, v60;
	v21 =	vld.idx.msk [tilespmem:v23+s22+$0x0], $0xffff;
	v23 =	vor.u32 v36, v20  }
0x476: {  	v24 =	vor.u32 v13, v23;
	_ =	sdelay $0x3  }
0x477: {  	[tilespmem:v22+s23+$0x0] =	vst.idx.msk $0xffff, v21  }
0x478: {  	v22 =	vor.u32 s26, v0;
	v21 =	vld.idx.msk [tilespmem:v24+s22+$0x0], $0xffff  }
0x479: {  	v24 =	vor.u32 v17, v23;
	_ =	sdelay $0x3  }
0x47a: {  	[tilespmem:v22+s23+$0x0] =	vst.idx.msk $0xffff, v21  }
0x47b: {  	v22 =	vor.u32 s26, v1;
	v21 =	vld.idx.msk [tilespmem:v24+s22+$0x0], $0xffff  }
0x47c: {  	v24 =	vor.u32 v18, v23;
	_ =	sdelay $0x3  }
0x47d: {  	[tilespmem:v22+s23+$0x0] =	vst.idx.msk $0xffff, v21  }
0x47e: {  	v22 =	vor.u32 s26, v2;
	v21 =	vld.idx.msk [tilespmem:v24+s22+$0x0], $0xffff  }
0x47f: {  	v23 =	vor.u32 v19, v23;
	_ =	sdelay $0x3  }
0x480: {  	[tilespmem:v22+s23+$0x0] =	vst.idx.msk $0xffff, v21  }
0x481: {  	v22 =	vor.u32 s26, v3;
	v21 =	vld.idx.msk [tilespmem:v23+s22+$0x0], $0xffff;
	v23 =	vor.u32 v35, v20  }
0x482: {  	v24 =	vor.u32 v13, v23;
	_ =	sdelay $0x3  }
0x483: {  	[tilespmem:v22+s23+$0x0] =	vst.idx.msk $0xffff, v21  }
0x484: {  	v22 =	vor.u32 s26, v4;
	v21 =	vld.idx.msk [tilespmem:v24+s22+$0x0], $0xffff  }
0x485: {  	v24 =	vor.u32 v17, v23;
	_ =	sdelay $0x3  }
0x486: {  	[tilespmem:v22+s23+$0x0] =	vst.idx.msk $0xffff, v21  }
0x487: {  	v22 =	vor.u32 s26, v5;
	v21 =	vld.idx.msk [tilespmem:v24+s22+$0x0], $0xffff  }
0x488: {  	v24 =	vor.u32 v18, v23;
	_ =	sdelay $0x3  }
0x489: {  	[tilespmem:v22+s23+$0x0] =	vst.idx.msk $0xffff, v21  }
0x48a: {  	v22 =	vor.u32 s26, v34;
	v21 =	vld.idx.msk [tilespmem:v24+s22+$0x0], $0xffff  }
0x48b: {  	v23 =	vor.u32 v19, v23;
	_ =	sdelay $0x3  }
0x48c: {  	[tilespmem:v22+s23+$0x0] =	vst.idx.msk $0xffff, v21  }
0x48d: {  	v22 =	vor.u32 s26, v33;
	v21 =	vld.idx.msk [tilespmem:v23+s22+$0x0], $0xffff;
	v23 =	vor.u32 v28, v20  }
0x48e: {  	v24 =	vor.u32 v13, v23;
	_ =	sdelay $0x3  }
0x48f: {  	[tilespmem:v22+s23+$0x0] =	vst.idx.msk $0xffff, v21  }
0x490: {  	v22 =	vor.u32 s26, v30;
	v21 =	vld.idx.msk [tilespmem:v24+s22+$0x0], $0xffff  }
0x491: {  	v24 =	vor.u32 v17, v23;
	_ =	sdelay $0x3  }
0x492: {  	[tilespmem:v22+s23+$0x0] =	vst.idx.msk $0xffff, v21  }
0x493: {  	v22 =	vor.u32 s26, v14;
	v21 =	vld.idx.msk [tilespmem:v24+s22+$0x0], $0xffff  }
0x494: {  	v24 =	vor.u32 v18, v23;
	_ =	sdelay $0x3  }
0x495: {  	[tilespmem:v22+s23+$0x0] =	vst.idx.msk $0xffff, v21  }
0x496: {  	v22 =	vor.u32 s26, v32;
	v21 =	vld.idx.msk [tilespmem:v24+s22+$0x0], $0xffff  }
0x497: {  	v23 =	vor.u32 v19, v23;
	_ =	sdelay $0x3  }
0x498: {  	[tilespmem:v22+s23+$0x0] =	vst.idx.msk $0xffff, v21  }
0x499: {  	v22 =	vor.u32 s26, v29;
	v21 =	vld.idx.msk [tilespmem:v23+s22+$0x0], $0xffff;
	v23 =	vor.u32 v15, v20  }
0x49a: {  	v24 =	vor.u32 v13, v23;
	_ =	sdelay $0x3  }
0x49b: {  	[tilespmem:v22+s23+$0x0] =	vst.idx.msk $0xffff, v21  }
0x49c: {  	v22 =	vor.u32 s26, v58;
	v21 =	vld.idx.msk [tilespmem:v24+s22+$0x0], $0xffff  }
0x49d: {  	v24 =	vor.u32 v17, v23;
	_ =	sdelay $0x3  }
0x49e: {  	[tilespmem:v22+s23+$0x0] =	vst.idx.msk $0xffff, v21  }
0x49f: {  	v22 =	vor.u32 s26, v8;
	v21 =	vld.idx.msk [tilespmem:v24+s22+$0x0], $0xffff  }
0x4a0: {  	v24 =	vor.u32 v18, v23;
	_ =	sdelay $0x3  }
0x4a1: {  	[tilespmem:v22+s23+$0x0] =	vst.idx.msk $0xffff, v21  }
0x4a2: {  	v22 =	vor.u32 s26, v16;
	v21 =	vld.idx.msk [tilespmem:v24+s22+$0x0], $0xffff  }
0x4a3: {  	v23 =	vor.u32 v19, v23;
	_ =	sdelay $0x3  }
0x4a4: {  	[tilespmem:v22+s23+$0x0] =	vst.idx.msk $0xffff, v21  }
0x4a5: {  	v21 =	vld.idx.msk [tilespmem:v23+s22+$0x0], $0xffff  }
0x4a6: {  	v23 =	vld [tilespmem:$0x1F9B0];
	_ =	sdelay $0x4  }
0x4a7: {  	v22 =	vor.u32 s26, v31;
	v23 =	vor.u32 v23, v20  }
0x4a8: {  	v24 =	vor.u32 v13, v23;
	_ =	sdelay $0x3  }
0x4a9: {  	[tilespmem:v22+s23+$0x0] =	vst.idx.msk $0xffff, v21  }
0x4aa: {  	v22 =	vor.u32 s26, v56;
	v21 =	vld.idx.msk [tilespmem:v24+s22+$0x0], $0xffff  }
0x4ab: {  	v24 =	vor.u32 v17, v23;
	_ =	sdelay $0x3  }
0x4ac: {  	[tilespmem:v22+s23+$0x0] =	vst.idx.msk $0xffff, v21  }
0x4ad: {  	v22 =	vor.u32 s26, v27;
	v21 =	vld.idx.msk [tilespmem:v24+s22+$0x0], $0xffff;
	_ =	sdelay $0x4  }
0x4ae: {  	v24 =	vor.u32 v18, v23;
	[tilespmem:v22+s23+$0x0] =	vst.idx.msk $0xffff, v21;
	v22 =	vld [tilespmem:$0x1FE30];
	_ =	sdelay $0x4  }
0x4af: {  	v21 =	vld.idx.msk [tilespmem:v24+s22+$0x0], $0xffff;
	v22 =	vor.u32 s26, v22;
	_ =	sdelay $0x2  }
0x4b0: {  	v23 =	vor.u32 v19, v23;
	_ =	sdelay $0x1  }
0x4b1: {  	[tilespmem:v22+s23+$0x0] =	vst.idx.msk $0xffff, v21;
	v22 =	vld [tilespmem:$0x1FE40];
	_ =	sdelay $0x2  }
0x4b2: {  	v21 =	vld.idx.msk [tilespmem:v23+s22+$0x0], $0xffff  }
0x4b3: {  	v23 =	vld [tilespmem:$0x1F990]  }
0x4b4: {  	v22 =	vor.u32 s26, v22;
	_ =	sdelay $0x3  }
0x4b5: {  	v23 =	vor.u32 v23, v20  }
0x4b6: {  	v24 =	vor.u32 v13, v23;
	[tilespmem:v22+s23+$0x0] =	vst.idx.msk $0xffff, v21;
	v22 =	vld [tilespmem:$0x1FE50];
	_ =	sdelay $0x4  }
0x4b7: {  	v21 =	vld.idx.msk [tilespmem:v24+s22+$0x0], $0xffff;
	v22 =	vor.u32 s26, v22;
	_ =	sdelay $0x4  }
0x4b8: {  	v24 =	vor.u32 v17, v23;
	[tilespmem:v22+s23+$0x0] =	vst.idx.msk $0xffff, v21;
	v22 =	vld [tilespmem:$0x1FE60];
	_ =	sdelay $0x4  }
0x4b9: {  	v21 =	vld.idx.msk [tilespmem:v24+s22+$0x0], $0xffff;
	v22 =	vor.u32 s26, v22;
	_ =	sdelay $0x4  }
0x4ba: {  	v24 =	vor.u32 v18, v23;
	[tilespmem:v22+s23+$0x0] =	vst.idx.msk $0xffff, v21;
	v22 =	vld [tilespmem:$0x1FE70];
	_ =	sdelay $0x4  }
0x4bb: {  	v21 =	vld.idx.msk [tilespmem:v24+s22+$0x0], $0xffff;
	v22 =	vor.u32 s26, v22;
	_ =	sdelay $0x2  }
0x4bc: {  	v23 =	vor.u32 v19, v23;
	_ =	sdelay $0x1  }
0x4bd: {  	[tilespmem:v22+s23+$0x0] =	vst.idx.msk $0xffff, v21;
	v22 =	vld [tilespmem:$0x1FEA0];
	_ =	sdelay $0x2  }
0x4be: {  	v21 =	vld.idx.msk [tilespmem:v23+s22+$0x0], $0xffff  }
0x4bf: {  	v23 =	vld [tilespmem:$0x1F970]  }
0x4c0: {  	v22 =	vor.u32 s26, v22;
	_ =	sdelay $0x3  }
0x4c1: {  	v23 =	vor.u32 v23, v20  }
0x4c2: {  	v24 =	vor.u32 v13, v23;
	[tilespmem:v22+s23+$0x0] =	vst.idx.msk $0xffff, v21;
	v22 =	vld [tilespmem:$0x1FEB0];
	_ =	sdelay $0x4  }
0x4c3: {  	v21 =	vld.idx.msk [tilespmem:v24+s22+$0x0], $0xffff;
	v22 =	vor.u32 s26, v22;
	_ =	sdelay $0x4  }
0x4c4: {  	v24 =	vor.u32 v17, v23;
	[tilespmem:v22+s23+$0x0] =	vst.idx.msk $0xffff, v21;
	v22 =	vld [tilespmem:$0x1FEC0];
	_ =	sdelay $0x4  }
0x4c5: {  	v21 =	vld.idx.msk [tilespmem:v24+s22+$0x0], $0xffff;
	v22 =	vor.u32 s26, v22  }
0x4c6: {  	v24 =	vor.u32 v18, v23;
	_ =	sdelay $0x3  }
0x4c7: {  	[tilespmem:v22+s23+$0x0] =	vst.idx.msk $0xffff, v21  }
0x4c8: {  	v22 =	vor.u32 s26, v63;
	v21 =	vld.idx.msk [tilespmem:v24+s22+$0x0], $0xffff  }
0x4c9: {  	v23 =	vor.u32 v19, v23;
	_ =	sdelay $0x3  }
0x4ca: {  	[tilespmem:v22+s23+$0x0] =	vst.idx.msk $0xffff, v21  }
0x4cb: {  	v21 =	vld.idx.msk [tilespmem:v23+s22+$0x0], $0xffff  }
0x4cc: {  	v23 =	vld [tilespmem:$0x1F950]  }
0x4cd: {  	v22 =	vor.u32 s26, v59;
	_ =	sdelay $0x3  }
0x4ce: {  	v23 =	vor.u32 v23, v20  }
0x4cf: {  	[tilespmem:v22+s23+$0x0] =	vst.idx.msk $0xffff, v21;
	v22 =	vld [tilespmem:$0x1FED0];
	v24 =	vor.u32 v13, v23;
	_ =	sdelay $0x4  }
0x4d0: {  	v22 =	vor.u32 s26, v22;
	v21 =	vld.idx.msk [tilespmem:v24+s22+$0x0], $0xffff;
	_ =	sdelay $0x4  }
0x4d1: {  	v24 =	vor.u32 v17, v23;
	[tilespmem:v22+s23+$0x0] =	vst.idx.msk $0xffff, v21;
	v22 =	vld [tilespmem:$0x1FEE0];
	_ =	sdelay $0x4  }
0x4d2: {  	v21 =	vld.idx.msk [tilespmem:v24+s22+$0x0], $0xffff;
	v22 =	vor.u32 s26, v22;
	_ =	sdelay $0x4  }
0x4d3: {  	v24 =	vor.u32 v18, v23;
	[tilespmem:v22+s23+$0x0] =	vst.idx.msk $0xffff, v21;
	v22 =	vld [tilespmem:$0x1FEF0];
	_ =	sdelay $0x4  }
0x4d4: {  	v21 =	vld.idx.msk [tilespmem:v24+s22+$0x0], $0xffff;
	v22 =	vor.u32 s26, v22;
	_ =	sdelay $0x2  }
0x4d5: {  	v23 =	vor.u32 v19, v23;
	_ =	sdelay $0x1  }
0x4d6: {  	[tilespmem:v22+s23+$0x0] =	vst.idx.msk $0xffff, v21;
	v22 =	vld [tilespmem:$0x1FF00];
	_ =	sdelay $0x2  }
0x4d7: {  	v21 =	vld.idx.msk [tilespmem:v23+s22+$0x0], $0xffff  }
0x4d8: {  	v23 =	vld [tilespmem:$0x1F930]  }
0x4d9: {  	v22 =	vor.u32 s26, v22;
	_ =	sdelay $0x3  }
0x4da: {  	v23 =	vor.u32 v23, v20  }
0x4db: {  	v24 =	vor.u32 v13, v23;
	[tilespmem:v22+s23+$0x0] =	vst.idx.msk $0xffff, v21;
	v22 =	vld [tilespmem:$0x1FF10];
	_ =	sdelay $0x4  }
0x4dc: {  	v21 =	vld.idx.msk [tilespmem:v24+s22+$0x0], $0xffff;
	v22 =	vor.u32 s26, v22;
	_ =	sdelay $0x4  }
0x4dd: {  	v24 =	vor.u32 v17, v23;
	[tilespmem:v22+s23+$0x0] =	vst.idx.msk $0xffff, v21;
	v22 =	vld [tilespmem:$0x1FF20];
	_ =	sdelay $0x4  }
0x4de: {  	v21 =	vld.idx.msk [tilespmem:v24+s22+$0x0], $0xffff;
	v22 =	vor.u32 s26, v22;
	_ =	sdelay $0x4  }
0x4df: {  	v24 =	vor.u32 v18, v23;
	[tilespmem:v22+s23+$0x0] =	vst.idx.msk $0xffff, v21;
	v22 =	vld [tilespmem:$0x1FF30];
	_ =	sdelay $0x4  }
0x4e0: {  	v21 =	vld.idx.msk [tilespmem:v24+s22+$0x0], $0xffff;
	v22 =	vor.u32 s26, v22;
	_ =	sdelay $0x2  }
0x4e1: {  	v23 =	vor.u32 v19, v23;
	_ =	sdelay $0x1  }
0x4e2: {  	[tilespmem:v22+s23+$0x0] =	vst.idx.msk $0xffff, v21;
	v22 =	vld [tilespmem:$0x1FF40];
	_ =	sdelay $0x2  }
0x4e3: {  	v21 =	vld.idx.msk [tilespmem:v23+s22+$0x0], $0xffff  }
0x4e4: {  	v23 =	vld [tilespmem:$0x1F910]  }
0x4e5: {  	v22 =	vor.u32 s26, v22;
	_ =	sdelay $0x3  }
0x4e6: {  	v20 =	vor.u32 v23, v20  }
0x4e7: {  	v23 =	vor.u32 v13, v20;
	[tilespmem:v22+s23+$0x0] =	vst.idx.msk $0xffff, v21;
	v22 =	vld [tilespmem:$0x1FF50];
	_ =	sdelay $0x4  }
0x4e8: {  	v21 =	vld.idx.msk [tilespmem:v23+s22+$0x0], $0xffff;
	v22 =	vor.u32 s26, v22;
	_ =	sdelay $0x4  }
0x4e9: {  	v23 =	vor.u32 v17, v20;
	[tilespmem:v22+s23+$0x0] =	vst.idx.msk $0xffff, v21;
	v22 =	vld [tilespmem:$0x1FF60];
	_ =	sdelay $0x4  }
0x4ea: {  	v21 =	vld.idx.msk [tilespmem:v23+s22+$0x0], $0xffff;
	v22 =	vor.u32 s26, v22;
	_ =	sdelay $0x4  }
0x4eb: {  	v23 =	vor.u32 v18, v20;
	[tilespmem:v22+s23+$0x0] =	vst.idx.msk $0xffff, v21;
	v21 =	vld [tilespmem:$0x1FF70];
	_ =	sdelay $0x4  }
0x4ec: {  	p0 =	sne.s32 s29, $0xF0;
	v22 =	vld.idx.msk [tilespmem:v23+s22+$0x0], $0xffff;
	v23 =	vor.u32 s26, v21  }
.Ltmp5:
0x4ed: {  	_ = 	snop;
	(pc) =	sbr.rel @p0 .LBB2_7-.Ltmp5, $3  }
0x4ee: {  	_ =	sdelay $0x1  }
0x4ef: {  	s28 =	smov.u32 s29  }
0x4f0: {  	s29 =	sadd.s32 $0x10, s29;
	v21 =	vor.u32 v19, v20;
	v20 =	vmov s28;
	[tilespmem:v23+s23+$0x0] =	vst.idx.msk $0xffff, v22  }
0x4f1: {  	_ =	sdelay $0x2  }
0x4f2: {  	v20 =	vshll.u32 v20, $0x6  }
0x4f3: {  	v21 =	vld.idx.msk [tilespmem:v21+s22+$0x0], $0xffff;
	v23 =	vor.u32 s26, v6;
	v22 =	vor.u32 v7, v20  }
0x4f4: {  	v24 =	vor.u32 v13, v22;
	_ =	sdelay $0x1  }
0x4f5: {  	s25 =	sadd.s32 $0x80, s25  }
0x4f6: {  	s30 =	sand.u32 $0x70, s28;
	s25 =	sand.u32 $0x400, s25  }
0x4f7: {  	s25 =	sor.u32 s30, s25;
	[tilespmem:v23+s23+$0x0] =	vst.idx.msk $0xffff, v21  }
0x4f8: {  	v23 =	vor.u32 s25, v40;
	v21 =	vld.idx.msk [tilespmem:v24+s22+$0x0], $0xffff  }
0x4f9: {  	v24 =	vor.u32 v17, v22;
	_ =	sdelay $0x3  }
0x4fa: {  	[tilespmem:v23+s23+$0x0] =	vst.idx.msk $0xffff, v21  }
0x4fb: {  	v23 =	vor.u32 s25, v41;
	v21 =	vld.idx.msk [tilespmem:v24+s22+$0x0], $0xffff  }
0x4fc: {  	v24 =	vor.u32 v18, v22;
	_ =	sdelay $0x3  }
0x4fd: {  	[tilespmem:v23+s23+$0x0] =	vst.idx.msk $0xffff, v21  }
0x4fe: {  	v23 =	vor.u32 s25, v42;
	v21 =	vld.idx.msk [tilespmem:v24+s22+$0x0], $0xffff  }
0x4ff: {  	v22 =	vor.u32 v19, v22;
	_ =	sdelay $0x3  }
0x500: {  	[tilespmem:v23+s23+$0x0] =	vst.idx.msk $0xffff, v21  }
0x501: {  	v23 =	vor.u32 v39, v20;
	v21 =	vld.idx.msk [tilespmem:v22+s22+$0x0], $0xffff;
	v22 =	vor.u32 s25, v43  }
0x502: {  	v24 =	vor.u32 v13, v23;
	_ =	sdelay $0x3  }
0x503: {  	[tilespmem:v22+s23+$0x0] =	vst.idx.msk $0xffff, v21  }
0x504: {  	v22 =	vor.u32 s25, v44;
	v21 =	vld.idx.msk [tilespmem:v24+s22+$0x0], $0xffff  }
0x505: {  	v24 =	vor.u32 v17, v23;
	_ =	sdelay $0x3  }
0x506: {  	[tilespmem:v22+s23+$0x0] =	vst.idx.msk $0xffff, v21  }
0x507: {  	v22 =	vor.u32 s25, v45;
	v21 =	vld.idx.msk [tilespmem:v24+s22+$0x0], $0xffff  }
0x508: {  	v24 =	vor.u32 v18, v23;
	_ =	sdelay $0x3  }
0x509: {  	[tilespmem:v22+s23+$0x0] =	vst.idx.msk $0xffff, v21  }
0x50a: {  	v22 =	vor.u32 s25, v46;
	v21 =	vld.idx.msk [tilespmem:v24+s22+$0x0], $0xffff  }
0x50b: {  	v23 =	vor.u32 v19, v23;
	_ =	sdelay $0x3  }
0x50c: {  	[tilespmem:v22+s23+$0x0] =	vst.idx.msk $0xffff, v21  }
0x50d: {  	v22 =	vor.u32 s25, v47;
	v21 =	vld.idx.msk [tilespmem:v23+s22+$0x0], $0xffff;
	v23 =	vor.u32 v38, v20  }
0x50e: {  	v24 =	vor.u32 v13, v23;
	_ =	sdelay $0x3  }
0x50f: {  	[tilespmem:v22+s23+$0x0] =	vst.idx.msk $0xffff, v21  }
0x510: {  	v22 =	vor.u32 s25, v48;
	v21 =	vld.idx.msk [tilespmem:v24+s22+$0x0], $0xffff  }
0x511: {  	v24 =	vor.u32 v17, v23;
	_ =	sdelay $0x3  }
0x512: {  	[tilespmem:v22+s23+$0x0] =	vst.idx.msk $0xffff, v21  }
0x513: {  	v22 =	vor.u32 s25, v49;
	v21 =	vld.idx.msk [tilespmem:v24+s22+$0x0], $0xffff  }
0x514: {  	v24 =	vor.u32 v18, v23;
	_ =	sdelay $0x3  }
0x515: {  	[tilespmem:v22+s23+$0x0] =	vst.idx.msk $0xffff, v21  }
0x516: {  	v22 =	vor.u32 s25, v50;
	v21 =	vld.idx.msk [tilespmem:v24+s22+$0x0], $0xffff  }
0x517: {  	v23 =	vor.u32 v19, v23;
	_ =	sdelay $0x3  }
0x518: {  	[tilespmem:v22+s23+$0x0] =	vst.idx.msk $0xffff, v21  }
0x519: {  	v22 =	vor.u32 s25, v51;
	v21 =	vld.idx.msk [tilespmem:v23+s22+$0x0], $0xffff;
	v23 =	vor.u32 v37, v20  }
0x51a: {  	v24 =	vor.u32 v13, v23;
	_ =	sdelay $0x3  }
0x51b: {  	[tilespmem:v22+s23+$0x0] =	vst.idx.msk $0xffff, v21  }
0x51c: {  	v22 =	vor.u32 s25, v52;
	v21 =	vld.idx.msk [tilespmem:v24+s22+$0x0], $0xffff  }
0x51d: {  	v24 =	vor.u32 v17, v23;
	_ =	sdelay $0x3  }
0x51e: {  	[tilespmem:v22+s23+$0x0] =	vst.idx.msk $0xffff, v21  }
0x51f: {  	v22 =	vor.u32 s25, v53;
	v21 =	vld.idx.msk [tilespmem:v24+s22+$0x0], $0xffff  }
0x520: {  	v24 =	vor.u32 v18, v23;
	_ =	sdelay $0x3  }
0x521: {  	[tilespmem:v22+s23+$0x0] =	vst.idx.msk $0xffff, v21  }
0x522: {  	v22 =	vor.u32 s25, v54;
	v21 =	vld.idx.msk [tilespmem:v24+s22+$0x0], $0xffff  }
0x523: {  	v23 =	vor.u32 v19, v23;
	_ =	sdelay $0x3  }
0x524: {  	[tilespmem:v22+s23+$0x0] =	vst.idx.msk $0xffff, v21  }
0x525: {  	v22 =	vor.u32 s25, v55;
	v21 =	vld.idx.msk [tilespmem:v23+s22+$0x0], $0xffff;
	v23 =	vor.u32 v26, v20  }
0x526: {  	v24 =	vor.u32 v13, v23;
	_ =	sdelay $0x3  }
0x527: {  	[tilespmem:v22+s23+$0x0] =	vst.idx.msk $0xffff, v21  }
0x528: {  	v22 =	vor.u32 s25, v10;
	v21 =	vld.idx.msk [tilespmem:v24+s22+$0x0], $0xffff  }
0x529: {  	v24 =	vor.u32 v17, v23;
	_ =	sdelay $0x3  }
0x52a: {  	[tilespmem:v22+s23+$0x0] =	vst.idx.msk $0xffff, v21  }
0x52b: {  	v22 =	vor.u32 s25, v9;
	v21 =	vld.idx.msk [tilespmem:v24+s22+$0x0], $0xffff  }
0x52c: {  	v24 =	vor.u32 v18, v23;
	_ =	sdelay $0x3  }
0x52d: {  	[tilespmem:v22+s23+$0x0] =	vst.idx.msk $0xffff, v21  }
0x52e: {  	v22 =	vor.u32 s25, v11;
	v21 =	vld.idx.msk [tilespmem:v24+s22+$0x0], $0xffff  }
0x52f: {  	v23 =	vor.u32 v19, v23;
	_ =	sdelay $0x3  }
0x530: {  	[tilespmem:v22+s23+$0x0] =	vst.idx.msk $0xffff, v21  }
0x531: {  	v22 =	vor.u32 s25, v12;
	v21 =	vld.idx.msk [tilespmem:v23+s22+$0x0], $0xffff;
	v23 =	vor.u32 v25, v20  }
0x532: {  	v24 =	vor.u32 v13, v23;
	_ =	sdelay $0x3  }
0x533: {  	[tilespmem:v22+s23+$0x0] =	vst.idx.msk $0xffff, v21  }
0x534: {  	v22 =	vor.u32 s25, v57;
	v21 =	vld.idx.msk [tilespmem:v24+s22+$0x0], $0xffff  }
0x535: {  	v24 =	vor.u32 v17, v23;
	_ =	sdelay $0x3  }
0x536: {  	[tilespmem:v22+s23+$0x0] =	vst.idx.msk $0xffff, v21  }
0x537: {  	v22 =	vor.u32 s25, v62;
	v21 =	vld.idx.msk [tilespmem:v24+s22+$0x0], $0xffff  }
0x538: {  	v24 =	vor.u32 v18, v23;
	_ =	sdelay $0x3  }
0x539: {  	[tilespmem:v22+s23+$0x0] =	vst.idx.msk $0xffff, v21  }
0x53a: {  	v22 =	vor.u32 s25, v61;
	v21 =	vld.idx.msk [tilespmem:v24+s22+$0x0], $0xffff  }
0x53b: {  	v23 =	vor.u32 v19, v23;
	_ =	sdelay $0x3  }
0x53c: {  	[tilespmem:v22+s23+$0x0] =	vst.idx.msk $0xffff, v21  }
0x53d: {  	v22 =	vor.u32 s25, v60;
	v21 =	vld.idx.msk [tilespmem:v23+s22+$0x0], $0xffff;
	v23 =	vor.u32 v36, v20  }
0x53e: {  	v24 =	vor.u32 v13, v23;
	_ =	sdelay $0x3  }
0x53f: {  	[tilespmem:v22+s23+$0x0] =	vst.idx.msk $0xffff, v21  }
0x540: {  	v22 =	vor.u32 s25, v0;
	v21 =	vld.idx.msk [tilespmem:v24+s22+$0x0], $0xffff  }
0x541: {  	v24 =	vor.u32 v17, v23;
	_ =	sdelay $0x3  }
0x542: {  	[tilespmem:v22+s23+$0x0] =	vst.idx.msk $0xffff, v21  }
0x543: {  	v22 =	vor.u32 s25, v1;
	v21 =	vld.idx.msk [tilespmem:v24+s22+$0x0], $0xffff  }
0x544: {  	v24 =	vor.u32 v18, v23;
	_ =	sdelay $0x3  }
0x545: {  	[tilespmem:v22+s23+$0x0] =	vst.idx.msk $0xffff, v21  }
0x546: {  	v22 =	vor.u32 s25, v2;
	v21 =	vld.idx.msk [tilespmem:v24+s22+$0x0], $0xffff  }
0x547: {  	v23 =	vor.u32 v19, v23;
	_ =	sdelay $0x3  }
0x548: {  	[tilespmem:v22+s23+$0x0] =	vst.idx.msk $0xffff, v21  }
0x549: {  	v22 =	vor.u32 s25, v3;
	v21 =	vld.idx.msk [tilespmem:v23+s22+$0x0], $0xffff;
	v23 =	vor.u32 v35, v20  }
0x54a: {  	v24 =	vor.u32 v13, v23;
	_ =	sdelay $0x3  }
0x54b: {  	[tilespmem:v22+s23+$0x0] =	vst.idx.msk $0xffff, v21  }
0x54c: {  	v22 =	vor.u32 s25, v4;
	v21 =	vld.idx.msk [tilespmem:v24+s22+$0x0], $0xffff  }
0x54d: {  	v24 =	vor.u32 v17, v23;
	_ =	sdelay $0x3  }
0x54e: {  	[tilespmem:v22+s23+$0x0] =	vst.idx.msk $0xffff, v21  }
0x54f: {  	v22 =	vor.u32 s25, v5;
	v21 =	vld.idx.msk [tilespmem:v24+s22+$0x0], $0xffff  }
0x550: {  	v24 =	vor.u32 v18, v23;
	_ =	sdelay $0x3  }
0x551: {  	[tilespmem:v22+s23+$0x0] =	vst.idx.msk $0xffff, v21  }
0x552: {  	v22 =	vor.u32 s25, v34;
	v21 =	vld.idx.msk [tilespmem:v24+s22+$0x0], $0xffff  }
0x553: {  	v23 =	vor.u32 v19, v23;
	_ =	sdelay $0x3  }
0x554: {  	[tilespmem:v22+s23+$0x0] =	vst.idx.msk $0xffff, v21  }
0x555: {  	v22 =	vor.u32 s25, v33;
	v21 =	vld.idx.msk [tilespmem:v23+s22+$0x0], $0xffff;
	v23 =	vor.u32 v28, v20  }
0x556: {  	v24 =	vor.u32 v13, v23;
	_ =	sdelay $0x3  }
0x557: {  	[tilespmem:v22+s23+$0x0] =	vst.idx.msk $0xffff, v21  }
0x558: {  	v22 =	vor.u32 s25, v30;
	v21 =	vld.idx.msk [tilespmem:v24+s22+$0x0], $0xffff  }
0x559: {  	v24 =	vor.u32 v17, v23;
	_ =	sdelay $0x3  }
0x55a: {  	[tilespmem:v22+s23+$0x0] =	vst.idx.msk $0xffff, v21  }
0x55b: {  	v22 =	vor.u32 s25, v14;
	v21 =	vld.idx.msk [tilespmem:v24+s22+$0x0], $0xffff  }
0x55c: {  	v24 =	vor.u32 v18, v23;
	_ =	sdelay $0x3  }
0x55d: {  	[tilespmem:v22+s23+$0x0] =	vst.idx.msk $0xffff, v21  }
0x55e: {  	v22 =	vor.u32 s25, v32;
	v21 =	vld.idx.msk [tilespmem:v24+s22+$0x0], $0xffff  }
0x55f: {  	v23 =	vor.u32 v19, v23;
	_ =	sdelay $0x3  }
0x560: {  	[tilespmem:v22+s23+$0x0] =	vst.idx.msk $0xffff, v21  }
0x561: {  	v22 =	vor.u32 s25, v29;
	v21 =	vld.idx.msk [tilespmem:v23+s22+$0x0], $0xffff;
	v23 =	vor.u32 v15, v20  }
0x562: {  	v24 =	vor.u32 v13, v23;
	_ =	sdelay $0x3  }
0x563: {  	[tilespmem:v22+s23+$0x0] =	vst.idx.msk $0xffff, v21  }
0x564: {  	v22 =	vor.u32 s25, v58;
	v21 =	vld.idx.msk [tilespmem:v24+s22+$0x0], $0xffff  }
0x565: {  	v24 =	vor.u32 v17, v23;
	_ =	sdelay $0x3  }
0x566: {  	[tilespmem:v22+s23+$0x0] =	vst.idx.msk $0xffff, v21  }
0x567: {  	v22 =	vor.u32 s25, v8;
	v21 =	vld.idx.msk [tilespmem:v24+s22+$0x0], $0xffff  }
0x568: {  	v24 =	vor.u32 v18, v23;
	_ =	sdelay $0x3  }
0x569: {  	[tilespmem:v22+s23+$0x0] =	vst.idx.msk $0xffff, v21  }
0x56a: {  	v22 =	vor.u32 s25, v16;
	v21 =	vld.idx.msk [tilespmem:v24+s22+$0x0], $0xffff  }
0x56b: {  	v37 =	vmov v3;
	v3 =	vmov v4;
	v4 =	vld [tilespmem:$0x1F9B0];
	v23 =	vor.u32 v19, v23;
	_ =	sdelay $0x3  }
0x56c: {  	[tilespmem:v22+s23+$0x0] =	vst.idx.msk $0xffff, v21  }
0x56d: {  	v22 =	vor.u32 s25, v31;
	v21 =	vld.idx.msk [tilespmem:v23+s22+$0x0], $0xffff;
	v23 =	vor.u32 v4, v20  }
0x56e: {  	v24 =	vor.u32 v13, v23;
	_ =	sdelay $0x3  }
0x56f: {  	[tilespmem:v22+s23+$0x0] =	vst.idx.msk $0xffff, v21  }
0x570: {  	v22 =	vor.u32 s25, v56;
	v21 =	vld.idx.msk [tilespmem:v24+s22+$0x0], $0xffff  }
0x571: {  	v24 =	vor.u32 v17, v23;
	_ =	sdelay $0x3  }
0x572: {  	v4 =	vld [tilespmem:$0x1FE30];
	[tilespmem:v22+s23+$0x0] =	vst.idx.msk $0xffff, v21  }
0x573: {  	v22 =	vor.u32 s25, v27;
	v21 =	vld.idx.msk [tilespmem:v24+s22+$0x0], $0xffff  }
0x574: {  	v24 =	vor.u32 v18, v23;
	_ =	sdelay $0x3  }
0x575: {  	[tilespmem:v22+s23+$0x0] =	vst.idx.msk $0xffff, v21;
	v22 =	vor.u32 s25, v4;
	v4 =	vld [tilespmem:$0x1FE40]  }
0x576: {  	v21 =	vld.idx.msk [tilespmem:v24+s22+$0x0], $0xffff;
	_ =	sdelay $0x4  }
0x577: {  	v23 =	vor.u32 v19, v23;
	[tilespmem:v22+s23+$0x0] =	vst.idx.msk $0xffff, v21;
	v22 =	vor.u32 s25, v4;
	v4 =	vld [tilespmem:$0x1F990];
	_ =	sdelay $0x4  }
0x578: {  	v21 =	vld.idx.msk [tilespmem:v23+s22+$0x0], $0xffff;
	v23 =	vor.u32 v4, v20  }
0x579: {  	v4 =	vld [tilespmem:$0x1FE50];
	v24 =	vor.u32 v13, v23;
	_ =	sdelay $0x3  }
0x57a: {  	[tilespmem:v22+s23+$0x0] =	vst.idx.msk $0xffff, v21  }
0x57b: {  	v22 =	vor.u32 s25, v4;
	v21 =	vld.idx.msk [tilespmem:v24+s22+$0x0], $0xffff  }
0x57c: {  	v4 =	vld [tilespmem:$0x1FE60];
	v24 =	vor.u32 v17, v23;
	_ =	sdelay $0x3  }
0x57d: {  	[tilespmem:v22+s23+$0x0] =	vst.idx.msk $0xffff, v21  }
0x57e: {  	v22 =	vor.u32 s25, v4;
	v21 =	vld.idx.msk [tilespmem:v24+s22+$0x0], $0xffff  }
0x57f: {  	v4 =	vld [tilespmem:$0x1FE70];
	v24 =	vor.u32 v18, v23;
	_ =	sdelay $0x3  }
0x580: {  	v50 =	vld [tilespmem:$0x1FEA0];
	[tilespmem:v22+s23+$0x0] =	vst.idx.msk $0xffff, v21  }
0x581: {  	v22 =	vor.u32 s25, v4;
	v21 =	vld.idx.msk [tilespmem:v24+s22+$0x0], $0xffff  }
0x582: {  	v23 =	vor.u32 v19, v23;
	v4 =	vld [tilespmem:$0x1F970];
	_ =	sdelay $0x3  }
0x583: {  	[tilespmem:v22+s23+$0x0] =	vst.idx.msk $0xffff, v21  }
0x584: {  	v22 =	vor.u32 s25, v50;
	v21 =	vld.idx.msk [tilespmem:v23+s22+$0x0], $0xffff;
	v23 =	vor.u32 v4, v20  }
0x585: {  	v51 =	vld [tilespmem:$0x1FEB0];
	v24 =	vor.u32 v13, v23;
	_ =	sdelay $0x3  }
0x586: {  	[tilespmem:v22+s23+$0x0] =	vst.idx.msk $0xffff, v21  }
0x587: {  	v22 =	vor.u32 s25, v51;
	v21 =	vld.idx.msk [tilespmem:v24+s22+$0x0], $0xffff  }
0x588: {  	v52 =	vld [tilespmem:$0x1FEC0];
	v24 =	vor.u32 v17, v23;
	_ =	sdelay $0x3  }
0x589: {  	[tilespmem:v22+s23+$0x0] =	vst.idx.msk $0xffff, v21  }
0x58a: {  	v22 =	vor.u32 s25, v52;
	v21 =	vld.idx.msk [tilespmem:v24+s22+$0x0], $0xffff  }
0x58b: {  	v24 =	vor.u32 v18, v23;
	_ =	sdelay $0x3  }
0x58c: {  	[tilespmem:v22+s23+$0x0] =	vst.idx.msk $0xffff, v21  }
0x58d: {  	v22 =	vor.u32 s25, v63;
	v21 =	vld.idx.msk [tilespmem:v24+s22+$0x0], $0xffff  }
0x58e: {  	v8 =	vld [tilespmem:$0x1F950];
	v23 =	vor.u32 v19, v23;
	_ =	sdelay $0x3  }
0x58f: {  	[tilespmem:v22+s23+$0x0] =	vst.idx.msk $0xffff, v21  }
0x590: {  	v22 =	vor.u32 s25, v59;
	v21 =	vld.idx.msk [tilespmem:v23+s22+$0x0], $0xffff;
	v23 =	vor.u32 v8, v20  }
0x591: {  	v53 =	vld [tilespmem:$0x1FED0];
	v24 =	vor.u32 v13, v23;
	_ =	sdelay $0x3  }
0x592: {  	[tilespmem:v22+s23+$0x0] =	vst.idx.msk $0xffff, v21  }
0x593: {  	v22 =	vor.u32 s25, v53;
	v21 =	vld.idx.msk [tilespmem:v24+s22+$0x0], $0xffff  }
0x594: {  	v54 =	vld [tilespmem:$0x1FEE0];
	v24 =	vor.u32 v17, v23;
	_ =	sdelay $0x3  }
0x595: {  	[tilespmem:v22+s23+$0x0] =	vst.idx.msk $0xffff, v21  }
0x596: {  	v22 =	vor.u32 s25, v54;
	v21 =	vld.idx.msk [tilespmem:v24+s22+$0x0], $0xffff  }
0x597: {  	v55 =	vld [tilespmem:$0x1FEF0];
	v24 =	vor.u32 v18, v23;
	_ =	sdelay $0x3  }
0x598: {  	v56 =	vld [tilespmem:$0x1FF00];
	[tilespmem:v22+s23+$0x0] =	vst.idx.msk $0xffff, v21  }
0x599: {  	v22 =	vor.u32 s25, v55;
	v21 =	vld.idx.msk [tilespmem:v24+s22+$0x0], $0xffff  }
0x59a: {  	v8 =	vld [tilespmem:$0x1F930];
	v23 =	vor.u32 v19, v23;
	_ =	sdelay $0x3  }
0x59b: {  	[tilespmem:v22+s23+$0x0] =	vst.idx.msk $0xffff, v21  }
0x59c: {  	v22 =	vor.u32 s25, v56;
	v21 =	vld.idx.msk [tilespmem:v23+s22+$0x0], $0xffff;
	v23 =	vor.u32 v8, v20  }
0x59d: {  	v57 =	vld [tilespmem:$0x1FF10];
	v24 =	vor.u32 v13, v23;
	_ =	sdelay $0x3  }
0x59e: {  	[tilespmem:v22+s23+$0x0] =	vst.idx.msk $0xffff, v21  }
0x59f: {  	v22 =	vor.u32 s25, v57;
	v21 =	vld.idx.msk [tilespmem:v24+s22+$0x0], $0xffff  }
0x5a0: {  	v58 =	vld [tilespmem:$0x1FF20];
	v24 =	vor.u32 v17, v23;
	_ =	sdelay $0x3  }
0x5a1: {  	[tilespmem:v22+s23+$0x0] =	vst.idx.msk $0xffff, v21  }
0x5a2: {  	v22 =	vor.u32 s25, v58;
	v21 =	vld.idx.msk [tilespmem:v24+s22+$0x0], $0xffff  }
0x5a3: {  	v59 =	vld [tilespmem:$0x1FF30];
	v24 =	vor.u32 v18, v23;
	_ =	sdelay $0x3  }
0x5a4: {  	[tilespmem:v22+s23+$0x0] =	vst.idx.msk $0xffff, v21  }
0x5a5: {  	v22 =	vor.u32 s25, v59;
	v21 =	vld.idx.msk [tilespmem:v24+s22+$0x0], $0xffff  }
0x5a6: {  	v23 =	vor.u32 v19, v23;
	_ =	sdelay $0x3  }
0x5a7: {  	v26 =	vmov v60;
	v60 =	vld [tilespmem:$0x1FF40];
	[tilespmem:v22+s23+$0x0] =	vst.idx.msk $0xffff, v21  }
0x5a8: {  	v21 =	vld.idx.msk [tilespmem:v23+s22+$0x0], $0xffff  }
0x5a9: {  	v23 =	vld [tilespmem:$0x1F910];
	_ =	sdelay $0x4  }
0x5aa: {  	v22 =	vor.u32 s25, v60;
	v20 =	vor.u32 v23, v20  }
0x5ab: {  	v25 =	vmov v61;
	v61 =	vld [tilespmem:$0x1FF50];
	v23 =	vor.u32 v13, v20;
	_ =	sdelay $0x3  }
0x5ac: {  	[tilespmem:v22+s23+$0x0] =	vst.idx.msk $0xffff, v21  }
0x5ad: {  	v22 =	vor.u32 s25, v61;
	v21 =	vld.idx.msk [tilespmem:v23+s22+$0x0], $0xffff  }
0x5ae: {  	v62 =	vld [tilespmem:$0x1FF60];
	v23 =	vor.u32 v17, v20;
	_ =	sdelay $0x3  }
0x5af: {  	[tilespmem:v22+s23+$0x0] =	vst.idx.msk $0xffff, v21  }
0x5b0: {  	v22 =	vor.u32 s25, v62;
	v21 =	vld.idx.msk [tilespmem:v23+s22+$0x0], $0xffff  }
0x5b1: {  	v63 =	vld [tilespmem:$0x1FF70];
	v23 =	vor.u32 v18, v20;
	_ =	sdelay $0x3  }
0x5b2: {  	[tilespmem:v22+s23+$0x0] =	vst.idx.msk $0xffff, v21  }
0x5b3: {  	v22 =	vor.u32 s25, v63;
	v21 =	vld.idx.msk [tilespmem:v23+s22+$0x0], $0xffff  }
0x5b4: {  	v20 =	vor.u32 v19, v20;
	_ =	sdelay $0x3  }
0x5b5: {  	[tilespmem:v22+s23+$0x0] =	vst.idx.msk $0xffff, v21  }
0x5b6: {  	v21 =	vor.u32 s25, v6;
	v20 =	vld.idx.msk [tilespmem:v20+s22+$0x0], $0xffff  }
0x5b7: {  	s28 =	sadd.s32 s5, s24  }
0x5b8: {  	s29 =	sshll.u32 s28, $0x8;
	s25 =	sshll.u32 s28, $0xB  }
0x5b9: {  	s26 =	sand.u32 $0x3F00, s29;
	s25 =	sand.u32 $0x7FFE0000, s25  }
0x5ba: {  	s25 =	sor.u32 s26, s25  }
0x5bb: {  	s26 =	sadd.s32 s2, s25;
	[tilespmem:v21+s23+$0x0] =	vst.idx.msk $0xffff, v20  }
0x5bc: {  	[hbm4b:s26+s3] =	stream.linear.scatter [tilespmem:s23], [sflag:$0x6], $0x800, $0x38;
	[tilespmem:$0x10200] =	vst v63  }
0x5bd: {  	s29 =	simm.s32 $0xCA00;
	s30 =	sadd.s32 s25, s10  }
0x5be: {  	[hbm4b:s30+s3] =	stream.linear.scatter [tilespmem:s29], [sflag:$0x6], $0x800, $0x38;
	[tilespmem:$0x10200] =	vst v63  }
0x5bf: {  	s30 =	sadd.s32 s25, s11;
	s29 =	simm.s32 $0xD200  }
0x5c0: {  	[hbm4b:s30+s3] =	stream.linear.scatter [tilespmem:s29], [sflag:$0x6], $0x800, $0x38;
	[tilespmem:$0x10200] =	vst v63  }
0x5c1: {  	s30 =	sadd.s32 s25, s12;
	s29 =	simm.s32 $0xDA00  }
0x5c2: {  	[hbm4b:s30+s3] =	stream.linear.scatter [tilespmem:s29], [sflag:$0x6], $0x800, $0x38;
	[tilespmem:$0x10200] =	vst v63  }
0x5c3: {  	s30 =	sadd.s32 s25, s13;
	s29 =	simm.s32 $0xE200  }
0x5c4: {  	[hbm4b:s30+s3] =	stream.linear.scatter [tilespmem:s29], [sflag:$0x6], $0x800, $0x38;
	[tilespmem:$0x10200] =	vst v63  }
0x5c5: {  	s30 =	sadd.s32 s25, s14;
	s29 =	simm.s32 $0xEA00  }
0x5c6: {  	[hbm4b:s30+s3] =	stream.linear.scatter [tilespmem:s29], [sflag:$0x6], $0x800, $0x38;
	[tilespmem:$0x10200] =	vst v63  }
.Ltmp6:
0x5c7: {  	_ = 	snop;
	(pc) =	sbr.rel .LBB2_9-.Ltmp6, $4  }
0x5c8: {  	s30 =	sadd.s32 s25, s15;
	s29 =	simm.s32 $0xF200  }
0x5c9: {  	v40 =	vmovc v0;
	v38 =	vmov v34;
	v36 =	vmov v2;
	v0 =	vmov v1;
	[hbm4b:s30+s3] =	stream.linear.scatter [tilespmem:s29], [sflag:$0x6], $0x800, $0x38;
	[tilespmem:$0x10200] =	vst v63  }
0x5ca: {  	v28 =	vmovc v0;
	v16 =	vmovc v26;
	v31 =	vmov v37;
	v4 =	vmov v36;
	v56 =	vmov v3;
	s25 =	sadd.s32 s25, s16;
	s30 =	simm.s32 $0xFA00  }
0x5cb: {  	v8 =	vmovc v5;
	v23 =	vmovc v30;
	v21 =	vmov v25;
	v20 =	vmov v38;
	v25 =	vmov v33;
	[hbm4b:s25+s3] =	stream.linear.scatter [tilespmem:s30], [sflag:$0x6], $0x800, $0x38;
	[tilespmem:$0x10200] =	vst v63  }
.LBB2_3:
0x5cc: {  	_ =	swait.ge [sflag:s0], $0x100  }
0x5cd: {  	[sflag:s0] =	ssyncset.done $0x0  }
0x5ce: {  	[sflag:s0] =	ssyncadd.s32 $0xFFFFFF00  }
0x5cf: {  	_ =	swait.ge [sflag:s1], $0x4000  }
0x5d0: {  	[sflag:s1] =	ssyncset.done $0x0  }
0x5d1: {  	[sflag:s1] =	ssyncadd.s32 $0xFFFFC000  }
0x5d2: {  	[tilespmem:s22], [sflag:$0x4] =	stream.indirect.gather [hbm4b:s6+s19], $0x40, s19, s19, $0xb8;
	[tilespmem:$0x10200] =	vst v63  }
0x5d3: {  	s26 =	simm.s32 @!p0 $0x5  }
0x5d4: {  	[tilespmem:s3], [sflag:$0x1] =	stream.linear.gather [hbm4b:s25+s3], $0x100, $0x38;
	[tilespmem:$0x10200] =	vst v63  }
0x5d5: {  	_ =	swait.ge @!p0 [sflag:s26], $0x800  }
0x5d6: {  	[sflag:s26] =	ssyncset.done @!p0 $0x0  }
0x5d7: {  	[sflag:s26] =	ssyncadd.s32 @!p0 $0xFFFFF800  }
0x5d8: {  	_ =	swait.ge @!p0 [sflag:s26], $0x800  }
0x5d9: {  	[sflag:s26] =	ssyncset.done @!p0 $0x0  }
0x5da: {  	[sflag:s26] =	ssyncadd.s32 @!p0 $0xFFFFF800  }
0x5db: {  	_ =	swait.ge @!p0 [sflag:s26], $0x800  }
0x5dc: {  	[sflag:s26] =	ssyncset.done @!p0 $0x0  }
0x5dd: {  	[sflag:s26] =	ssyncadd.s32 @!p0 $0xFFFFF800  }
0x5de: {  	_ =	swait.ge @!p0 [sflag:s26], $0x800  }
0x5df: {  	[sflag:s26] =	ssyncset.done @!p0 $0x0  }
0x5e0: {  	[sflag:s26] =	ssyncadd.s32 @!p0 $0xFFFFF800  }
0x5e1: {  	_ =	swait.ge @!p0 [sflag:s26], $0x800  }
0x5e2: {  	[sflag:s26] =	ssyncset.done @!p0 $0x0  }
0x5e3: {  	[sflag:s26] =	ssyncadd.s32 @!p0 $0xFFFFF800  }
0x5e4: {  	_ =	swait.ge @!p0 [sflag:s26], $0x800  }
0x5e5: {  	[sflag:s26] =	ssyncset.done @!p0 $0x0  }
0x5e6: {  	[sflag:s26] =	ssyncadd.s32 @!p0 $0xFFFFF800  }
0x5e7: {  	_ =	swait.ge @!p0 [sflag:s26], $0x800  }
0x5e8: {  	v7 =	vld [tilespmem:$0x1FCE0];
	_ =	sdelay $0x1  }
0x5e9: {  	s25 =	simm.s32 $0x0  }
0x5ea: {  	v20 =	vmov s25  }
0x5eb: {  	v23 =	vshll.u32 v20, $0x6  }
0x5ec: {  	v21 =	vor.u32 v7, v23  }
0x5ed: {  	[sflag:s26] =	ssyncset.done @!p0 $0x0;
	v20 =	vor.u32 v13, v21  }
0x5ee: {  	[sflag:s26] =	ssyncadd.s32 @!p0 $0xFFFFF800  }
0x5ef: {  	_ =	swait.ge @!p0 [sflag:s26], $0x800  }
0x5f0: {  	s28 =	sand.u32 $0x400, s25;
	s29 =	sand.u32 $0x70, s25;
	[sflag:s26] =	ssyncset.done @!p0 $0x0  }
0x5f1: {  	[sflag:s26] =	ssyncadd.s32 @!p0 $0xFFFFF800;
	s26 =	sor.u32 s29, s28  }
0x5f2: {  	v4 =	vld.idx.msk [tilespmem:v20+s20+$0x0], $0xffff;
	v20 =	vor.u32 s26, v29  }
0x5f3: {  	v7 =	vor.u32 v17, v21;
	_ =	sdelay $0x3  }
0x5f4: {  	[tilespmem:v20+s7+$0x0] =	vst.idx.msk $0xffff, v4  }
0x5f5: {  	v20 =	vor.u32 s26, v41;
	v4 =	vld.idx.msk [tilespmem:v7+s20+$0x0], $0xffff  }
0x5f6: {  	v7 =	vor.u32 v18, v21;
	_ =	sdelay $0x3  }
0x5f7: {  	[tilespmem:v20+s7+$0x0] =	vst.idx.msk $0xffff, v4  }
0x5f8: {  	v20 =	vor.u32 s26, v42;
	v4 =	vld.idx.msk [tilespmem:v7+s20+$0x0], $0xffff  }
0x5f9: {  	v21 =	vor.u32 v19, v21;
	_ =	sdelay $0x3  }
0x5fa: {  	[tilespmem:v20+s7+$0x0] =	vst.idx.msk $0xffff, v4  }
0x5fb: {  	v7 =	vor.u32 s26, v43;
	v20 =	vor.u32 v39, v23;
	v4 =	vld.idx.msk [tilespmem:v21+s20+$0x0], $0xffff  }
0x5fc: {  	v21 =	vor.u32 v13, v20;
	_ =	sdelay $0x3  }
0x5fd: {  	[tilespmem:v7+s7+$0x0] =	vst.idx.msk $0xffff, v4  }
0x5fe: {  	v4 =	vld.idx.msk [tilespmem:v21+s20+$0x0], $0xffff;
	v21 =	vor.u32 s26, v44  }
0x5ff: {  	v7 =	vor.u32 v17, v20;
	_ =	sdelay $0x3  }
0x600: {  	[tilespmem:v21+s7+$0x0] =	vst.idx.msk $0xffff, v4  }
0x601: {  	v21 =	vor.u32 s26, v45;
	v4 =	vld.idx.msk [tilespmem:v7+s20+$0x0], $0xffff  }
0x602: {  	v7 =	vor.u32 v18, v20;
	_ =	sdelay $0x3  }
0x603: {  	[tilespmem:v21+s7+$0x0] =	vst.idx.msk $0xffff, v4  }
0x604: {  	v21 =	vor.u32 s26, v46;
	v4 =	vld.idx.msk [tilespmem:v7+s20+$0x0], $0xffff  }
0x605: {  	v20 =	vor.u32 v19, v20;
	_ =	sdelay $0x3  }
0x606: {  	[tilespmem:v21+s7+$0x0] =	vst.idx.msk $0xffff, v4  }
0x607: {  	v7 =	vor.u32 s26, v47;
	v4 =	vld.idx.msk [tilespmem:v20+s20+$0x0], $0xffff;
	v20 =	vor.u32 v38, v23  }
0x608: {  	v21 =	vor.u32 v13, v20;
	_ =	sdelay $0x3  }
0x609: {  	[tilespmem:v7+s7+$0x0] =	vst.idx.msk $0xffff, v4  }
0x60a: {  	v4 =	vld.idx.msk [tilespmem:v21+s20+$0x0], $0xffff;
	v21 =	vor.u32 s26, v48  }
0x60b: {  	v7 =	vor.u32 v17, v20;
	_ =	sdelay $0x3  }
0x60c: {  	[tilespmem:v21+s7+$0x0] =	vst.idx.msk $0xffff, v4  }
0x60d: {  	v21 =	vor.u32 s26, v49;
	v4 =	vld.idx.msk [tilespmem:v7+s20+$0x0], $0xffff  }
0x60e: {  	v7 =	vor.u32 v18, v20;
	_ =	sdelay $0x3  }
0x60f: {  	[tilespmem:v21+s7+$0x0] =	vst.idx.msk $0xffff, v4  }
0x610: {  	v21 =	vor.u32 s26, v50;
	v4 =	vld.idx.msk [tilespmem:v7+s20+$0x0], $0xffff  }
0x611: {  	v20 =	vor.u32 v19, v20;
	_ =	sdelay $0x3  }
0x612: {  	[tilespmem:v21+s7+$0x0] =	vst.idx.msk $0xffff, v4  }
0x613: {  	v7 =	vor.u32 s26, v51;
	v4 =	vld.idx.msk [tilespmem:v20+s20+$0x0], $0xffff;
	v20 =	vor.u32 v37, v23  }
0x614: {  	v21 =	vor.u32 v13, v20;
	_ =	sdelay $0x3  }
0x615: {  	[tilespmem:v7+s7+$0x0] =	vst.idx.msk $0xffff, v4  }
0x616: {  	v4 =	vld.idx.msk [tilespmem:v21+s20+$0x0], $0xffff;
	v21 =	vor.u32 s26, v52  }
0x617: {  	v7 =	vor.u32 v17, v20;
	_ =	sdelay $0x3  }
0x618: {  	[tilespmem:v21+s7+$0x0] =	vst.idx.msk $0xffff, v4  }
0x619: {  	v21 =	vor.u32 s26, v53;
	v4 =	vld.idx.msk [tilespmem:v7+s20+$0x0], $0xffff  }
0x61a: {  	v7 =	vor.u32 v18, v20;
	_ =	sdelay $0x3  }
0x61b: {  	[tilespmem:v21+s7+$0x0] =	vst.idx.msk $0xffff, v4  }
0x61c: {  	v21 =	vor.u32 s26, v54;
	v4 =	vld.idx.msk [tilespmem:v7+s20+$0x0], $0xffff  }
0x61d: {  	v20 =	vor.u32 v19, v20;
	_ =	sdelay $0x3  }
0x61e: {  	[tilespmem:v21+s7+$0x0] =	vst.idx.msk $0xffff, v4  }
0x61f: {  	v7 =	vor.u32 s26, v55;
	v4 =	vld.idx.msk [tilespmem:v20+s20+$0x0], $0xffff;
	v20 =	vor.u32 v26, v23  }
0x620: {  	v10 =	vld [tilespmem:$0x1FA80];
	v21 =	vor.u32 v13, v20;
	_ =	sdelay $0x3  }
0x621: {  	[tilespmem:v7+s7+$0x0] =	vst.idx.msk $0xffff, v4  }
0x622: {  	v4 =	vld.idx.msk [tilespmem:v21+s20+$0x0], $0xffff;
	v21 =	vor.u32 s26, v10  }
0x623: {  	v12 =	vld [tilespmem:$0x1FA90];
	v7 =	vor.u32 v17, v20;
	_ =	sdelay $0x3  }
0x624: {  	[tilespmem:v21+s7+$0x0] =	vst.idx.msk $0xffff, v4  }
0x625: {  	v21 =	vor.u32 s26, v12;
	v4 =	vld.idx.msk [tilespmem:v7+s20+$0x0], $0xffff  }
0x626: {  	v14 =	vld [tilespmem:$0x1FAB0];
	v7 =	vor.u32 v18, v20;
	_ =	sdelay $0x3  }
0x627: {  	v15 =	vld [tilespmem:$0x1FAD0];
	[tilespmem:v21+s7+$0x0] =	vst.idx.msk $0xffff, v4  }
0x628: {  	v21 =	vor.u32 s26, v14;
	v7 =	vld.idx.msk [tilespmem:v7+s20+$0x0], $0xffff  }
0x629: {  	v25 =	vld [tilespmem:$0x1F2E0];
	v20 =	vor.u32 v19, v20;
	_ =	sdelay $0x3  }
0x62a: {  	[tilespmem:v21+s7+$0x0] =	vst.idx.msk $0xffff, v7  }
0x62b: {  	v9 =	vor.u32 s26, v15;
	v8 =	vld.idx.msk [tilespmem:v20+s20+$0x0], $0xffff;
	v20 =	vor.u32 v25, v23  }
0x62c: {  	v21 =	vor.u32 v13, v20;
	_ =	sdelay $0x3  }
0x62d: {  	[tilespmem:v9+s7+$0x0] =	vst.idx.msk $0xffff, v8  }
0x62e: {  	v4 =	vld.idx.msk [tilespmem:v21+s20+$0x0], $0xffff;
	v21 =	vor.u32 s26, v57  }
0x62f: {  	v7 =	vor.u32 v17, v20;
	_ =	sdelay $0x3  }
0x630: {  	[tilespmem:v21+s7+$0x0] =	vst.idx.msk $0xffff, v4  }
0x631: {  	v21 =	vor.u32 s26, v62;
	v4 =	vld.idx.msk [tilespmem:v7+s20+$0x0], $0xffff  }
0x632: {  	v7 =	vor.u32 v18, v20;
	_ =	sdelay $0x3  }
0x633: {  	[tilespmem:v21+s7+$0x0] =	vst.idx.msk $0xffff, v4  }
0x634: {  	v21 =	vor.u32 s26, v61;
	v4 =	vld.idx.msk [tilespmem:v7+s20+$0x0], $0xffff  }
0x635: {  	v20 =	vor.u32 v19, v20;
	_ =	sdelay $0x3  }
0x636: {  	[tilespmem:v21+s7+$0x0] =	vst.idx.msk $0xffff, v4  }
0x637: {  	v8 =	vor.u32 s26, v16;
	v4 =	vld.idx.msk [tilespmem:v20+s20+$0x0], $0xffff;
	v20 =	vor.u32 v36, v23  }
0x638: {  	v21 =	vor.u32 v13, v20;
	_ =	sdelay $0x3  }
0x639: {  	[tilespmem:v8+s7+$0x0] =	vst.idx.msk $0xffff, v4  }
0x63a: {  	v4 =	vld.idx.msk [tilespmem:v21+s20+$0x0], $0xffff;
	v21 =	vor.u32 s26, v0  }
0x63b: {  	v7 =	vor.u32 v17, v20;
	_ =	sdelay $0x3  }
0x63c: {  	[tilespmem:v21+s7+$0x0] =	vst.idx.msk $0xffff, v4  }
0x63d: {  	v21 =	vor.u32 s26, v1;
	v4 =	vld.idx.msk [tilespmem:v7+s20+$0x0], $0xffff  }
0x63e: {  	v63 =	vmov v1;
	v1 =	vor.u32 v18, v20;
	_ =	sdelay $0x3  }
0x63f: {  	[tilespmem:v21+s7+$0x0] =	vst.idx.msk $0xffff, v4  }
0x640: {  	v21 =	vor.u32 s26, v2;
	v4 =	vld.idx.msk [tilespmem:v1+s20+$0x0], $0xffff  }
0x641: {  	v20 =	vor.u32 v19, v20;
	_ =	sdelay $0x3  }
0x642: {  	[tilespmem:v21+s7+$0x0] =	vst.idx.msk $0xffff, v4  }
0x643: {  	v4 =	vor.u32 s26, v31;
	v2 =	vld.idx.msk [tilespmem:v20+s20+$0x0], $0xffff;
	v20 =	vor.u32 v35, v23  }
0x644: {  	v21 =	vor.u32 v13, v20;
	_ =	sdelay $0x3  }
0x645: {  	[tilespmem:v4+s7+$0x0] =	vst.idx.msk $0xffff, v2  }
0x646: {  	v2 =	vld.idx.msk [tilespmem:v21+s20+$0x0], $0xffff;
	v21 =	vor.u32 s26, v56  }
0x647: {  	v1 =	vor.u32 v17, v20;
	_ =	sdelay $0x3  }
0x648: {  	[tilespmem:v21+s7+$0x0] =	vst.idx.msk $0xffff, v2  }
0x649: {  	v21 =	vor.u32 s26, v5;
	v2 =	vld.idx.msk [tilespmem:v1+s20+$0x0], $0xffff  }
0x64a: {  	v1 =	vor.u32 v18, v20;
	_ =	sdelay $0x3  }
0x64b: {  	[tilespmem:v21+s7+$0x0] =	vst.idx.msk $0xffff, v2  }
0x64c: {  	v21 =	vor.u32 s26, v6;
	v2 =	vld.idx.msk [tilespmem:v1+s20+$0x0], $0xffff  }
0x64d: {  	v20 =	vor.u32 v19, v20;
	_ =	sdelay $0x3  }
0x64e: {  	[tilespmem:v21+s7+$0x0] =	vst.idx.msk $0xffff, v2  }
0x64f: {  	v7 =	vor.u32 s26, v33;
	v2 =	vld.idx.msk [tilespmem:v20+s20+$0x0], $0xffff;
	v20 =	vor.u32 v28, v23  }
0x650: {  	v21 =	vor.u32 v13, v20;
	_ =	sdelay $0x3  }
0x651: {  	[tilespmem:v7+s7+$0x0] =	vst.idx.msk $0xffff, v2  }
0x652: {  	v2 =	vld.idx.msk [tilespmem:v21+s20+$0x0], $0xffff;
	v21 =	vor.u32 s26, v30  }
0x653: {  	v1 =	vor.u32 v17, v20;
	_ =	sdelay $0x3  }
0x654: {  	[tilespmem:v21+s7+$0x0] =	vst.idx.msk $0xffff, v2  }
0x655: {  	v2 =	vld.idx.msk [tilespmem:v1+s20+$0x0], $0xffff  }
0x656: {  	v1 =	vld [tilespmem:$0x1FFE0];
	_ =	sdelay $0x4  }
0x657: {  	v21 =	vor.u32 s26, v1  }
0x658: {  	v40 =	vmov v29;
	v29 =	vmov v1;
	v1 =	vor.u32 v18, v20;
	_ =	sdelay $0x3  }
0x659: {  	[tilespmem:v21+s7+$0x0] =	vst.idx.msk $0xffff, v2  }
0x65a: {  	v2 =	vld.idx.msk [tilespmem:v1+s20+$0x0], $0xffff  }
0x65b: {  	v1 =	vld [tilespmem:$0x1FFD0];
	_ =	sdelay $0x4  }
0x65c: {  	v8 =	vmov v1;
	v21 =	vor.u32 s26, v1;
	v1 =	vld [tilespmem:$0x1FFC0];
	_ =	sdelay $0x4  }
0x65d: {  	v20 =	vor.u32 v19, v20;
	v34 =	vmov v1;
	v7 =	vor.u32 s26, v1;
	v1 =	vld [tilespmem:$0x1F9D0];
	_ =	sdelay $0x3  }
0x65e: {  	[tilespmem:v21+s7+$0x0] =	vst.idx.msk $0xffff, v2  }
0x65f: {  	v2 =	vld.idx.msk [tilespmem:v20+s20+$0x0], $0xffff;
	v20 =	vor.u32 v1, v23  }
0x660: {  	v9 =	vmov v1;
	v1 =	vld [tilespmem:$0x1FFB0];
	v21 =	vor.u32 v13, v20;
	_ =	sdelay $0x3  }
0x661: {  	[tilespmem:v7+s7+$0x0] =	vst.idx.msk $0xffff, v2  }
0x662: {  	v2 =	vld.idx.msk [tilespmem:v21+s20+$0x0], $0xffff;
	v21 =	vor.u32 s26, v1  }
0x663: {  	v7 =	vmov v1;
	v1 =	vor.u32 v17, v20;
	_ =	sdelay $0x3  }
0x664: {  	[tilespmem:v21+s7+$0x0] =	vst.idx.msk $0xffff, v2  }
0x665: {  	v2 =	vld.idx.msk [tilespmem:v1+s20+$0x0], $0xffff  }
0x666: {  	v1 =	vld [tilespmem:$0x1FFA0];
	_ =	sdelay $0x4  }
0x667: {  	v21 =	vor.u32 s26, v1  }
0x668: {  	v32 =	vmov v1;
	v1 =	vor.u32 v18, v20;
	_ =	sdelay $0x3  }
0x669: {  	[tilespmem:v21+s7+$0x0] =	vst.idx.msk $0xffff, v2  }
0x66a: {  	v2 =	vld.idx.msk [tilespmem:v1+s20+$0x0], $0xffff  }
0x66b: {  	v1 =	vld [tilespmem:$0x1FF90];
	_ =	sdelay $0x4  }
0x66c: {  	v60 =	vmov v16;
	v16 =	vmov v1;
	v21 =	vor.u32 s26, v1;
	v1 =	vld [tilespmem:$0x1FF80];
	_ =	sdelay $0x4  }
0x66d: {  	v20 =	vor.u32 v19, v20;
	v22 =	vor.u32 s26, v1;
	v1 =	vld [tilespmem:$0x1F9B0];
	_ =	sdelay $0x3  }
0x66e: {  	[tilespmem:v21+s7+$0x0] =	vst.idx.msk $0xffff, v2  }
0x66f: {  	v2 =	vld.idx.msk [tilespmem:v20+s20+$0x0], $0xffff;
	v20 =	vor.u32 v1, v23  }
0x670: {  	v1 =	vld [tilespmem:$0x1FE90];
	v21 =	vor.u32 v13, v20;
	_ =	sdelay $0x3  }
0x671: {  	[tilespmem:v22+s7+$0x0] =	vst.idx.msk $0xffff, v2  }
0x672: {  	v2 =	vld.idx.msk [tilespmem:v21+s20+$0x0], $0xffff;
	v21 =	vor.u32 s26, v1  }
0x673: {  	v1 =	vor.u32 v17, v20;
	_ =	sdelay $0x3  }
0x674: {  	[tilespmem:v21+s7+$0x0] =	vst.idx.msk $0xffff, v2  }
0x675: {  	v2 =	vld.idx.msk [tilespmem:v1+s20+$0x0], $0xffff  }
0x676: {  	v1 =	vld [tilespmem:$0x1FE80];
	_ =	sdelay $0x4  }
0x677: {  	v21 =	vor.u32 s26, v1  }
0x678: {  	v1 =	vor.u32 v18, v20;
	_ =	sdelay $0x3  }
0x679: {  	[tilespmem:v21+s7+$0x0] =	vst.idx.msk $0xffff, v2  }
0x67a: {  	v21 =	vor.u32 s26, v59;
	v1 =	vld.idx.msk [tilespmem:v1+s20+$0x0], $0xffff;
	_ =	sdelay $0x4  }
0x67b: {  	v20 =	vor.u32 v19, v20;
	[tilespmem:v21+s7+$0x0] =	vst.idx.msk $0xffff, v1;
	v1 =	vld [tilespmem:$0x1F990];
	_ =	sdelay $0x4  }
0x67c: {  	v58 =	vmov v24;
	v24 =	vor.u32 s26, v24;
	v2 =	vld.idx.msk [tilespmem:v20+s20+$0x0], $0xffff;
	v20 =	vor.u32 v1, v23  }
0x67d: {  	v22 =	vmov v59;
	v59 =	vld [tilespmem:$0x1FE50];
	v21 =	vor.u32 v13, v20;
	_ =	sdelay $0x3  }
0x67e: {  	[tilespmem:v24+s7+$0x0] =	vst.idx.msk $0xffff, v2  }
0x67f: {  	v1 =	vld.idx.msk [tilespmem:v21+s20+$0x0], $0xffff;
	v21 =	vor.u32 s26, v59  }
0x680: {  	v2 =	vor.u32 v17, v20;
	_ =	sdelay $0x3  }
0x681: {  	[tilespmem:v21+s7+$0x0] =	vst.idx.msk $0xffff, v1  }
0x682: {  	v21 =	vor.u32 s26, v27;
	v1 =	vld.idx.msk [tilespmem:v2+s20+$0x0], $0xffff  }
0x683: {  	v4 =	vmov v56;
	v56 =	vld [tilespmem:$0x1FE70];
	v2 =	vor.u32 v18, v20;
	_ =	sdelay $0x3  }
0x684: {  	[tilespmem:v21+s7+$0x0] =	vst.idx.msk $0xffff, v1  }
0x685: {  	v21 =	vor.u32 s26, v56;
	v1 =	vld.idx.msk [tilespmem:v2+s20+$0x0], $0xffff;
	_ =	sdelay $0x4  }
0x686: {  	[tilespmem:v21+s7+$0x0] =	vst.idx.msk $0xffff, v1;
	v1 =	vld [tilespmem:$0x1FEA0];
	_ =	sdelay $0x4  }
0x687: {  	v20 =	vor.u32 v19, v20;
	v24 =	vor.u32 s26, v1;
	v1 =	vld [tilespmem:$0x1F970];
	_ =	sdelay $0x4  }
0x688: {  	v2 =	vld.idx.msk [tilespmem:v20+s20+$0x0], $0xffff;
	v20 =	vor.u32 v1, v23  }
0x689: {  	v1 =	vld [tilespmem:$0x1FEB0];
	v21 =	vor.u32 v13, v20;
	_ =	sdelay $0x3  }
0x68a: {  	[tilespmem:v24+s7+$0x0] =	vst.idx.msk $0xffff, v2  }
0x68b: {  	v2 =	vld.idx.msk [tilespmem:v21+s20+$0x0], $0xffff;
	v21 =	vor.u32 s26, v1  }
0x68c: {  	v1 =	vor.u32 v17, v20;
	_ =	sdelay $0x3  }
0x68d: {  	[tilespmem:v21+s7+$0x0] =	vst.idx.msk $0xffff, v2  }
0x68e: {  	v2 =	vld.idx.msk [tilespmem:v1+s20+$0x0], $0xffff  }
0x68f: {  	v1 =	vld [tilespmem:$0x1FEC0];
	_ =	sdelay $0x4  }
0x690: {  	v21 =	vor.u32 s26, v1  }
0x691: {  	v3 =	vmov v31;
	v31 =	vld [tilespmem:$0x1FC40];
	v1 =	vor.u32 v18, v20;
	_ =	sdelay $0x3  }
0x692: {  	[tilespmem:v21+s7+$0x0] =	vst.idx.msk $0xffff, v2  }
0x693: {  	v21 =	vor.u32 s26, v31;
	v1 =	vld.idx.msk [tilespmem:v1+s20+$0x0], $0xffff  }
0x694: {  	v20 =	vor.u32 v19, v20;
	_ =	sdelay $0x3  }
0x695: {  	[tilespmem:v21+s7+$0x0] =	vst.idx.msk $0xffff, v1;
	v1 =	vld [tilespmem:$0x1FC50]  }
0x696: {  	v2 =	vld.idx.msk [tilespmem:v20+s20+$0x0], $0xffff  }
0x697: {  	v20 =	vld [tilespmem:$0x1F950];
	_ =	sdelay $0x4  }
0x698: {  	v24 =	vor.u32 s26, v1;
	v20 =	vor.u32 v20, v23  }
0x699: {  	v21 =	vor.u32 v13, v20;
	_ =	sdelay $0x3  }
0x69a: {  	[tilespmem:v24+s7+$0x0] =	vst.idx.msk $0xffff, v2  }
0x69b: {  	v2 =	vld.idx.msk [tilespmem:v21+s20+$0x0], $0xffff  }
0x69c: {  	v21 =	vld [tilespmem:$0x1FED0];
	_ =	sdelay $0x4  }
0x69d: {  	v21 =	vor.u32 s26, v21;
	_ =	sdelay $0x4  }
0x69e: {  	v24 =	vor.u32 v17, v20;
	[tilespmem:v21+s7+$0x0] =	vst.idx.msk $0xffff, v2;
	v21 =	vld [tilespmem:$0x1FEE0];
	_ =	sdelay $0x4  }
0x69f: {  	v2 =	vld.idx.msk [tilespmem:v24+s20+$0x0], $0xffff;
	v21 =	vor.u32 s26, v21;
	_ =	sdelay $0x4  }
0x6a0: {  	v24 =	vor.u32 v18, v20;
	[tilespmem:v21+s7+$0x0] =	vst.idx.msk $0xffff, v2;
	v21 =	vld [tilespmem:$0x1FEF0];
	_ =	sdelay $0x4  }
0x6a1: {  	v2 =	vld.idx.msk [tilespmem:v24+s20+$0x0], $0xffff;
	v21 =	vor.u32 s26, v21  }
0x6a2: {  	v20 =	vor.u32 v19, v20;
	_ =	sdelay $0x3  }
0x6a3: {  	[tilespmem:v21+s7+$0x0] =	vst.idx.msk $0xffff, v2  }
0x6a4: {  	v2 =	vld.idx.msk [tilespmem:v20+s20+$0x0], $0xffff  }
0x6a5: {  	v20 =	vld [tilespmem:$0x1FF00];
	_ =	sdelay $0x4  }
0x6a6: {  	v24 =	vor.u32 s26, v20;
	v20 =	vld [tilespmem:$0x1F930];
	_ =	sdelay $0x4  }
0x6a7: {  	v20 =	vor.u32 v20, v23  }
0x6a8: {  	v21 =	vor.u32 v13, v20;
	_ =	sdelay $0x3  }
0x6a9: {  	[tilespmem:v24+s7+$0x0] =	vst.idx.msk $0xffff, v2  }
0x6aa: {  	v2 =	vld.idx.msk [tilespmem:v21+s20+$0x0], $0xffff  }
0x6ab: {  	v21 =	vld [tilespmem:$0x1FF10];
	_ =	sdelay $0x4  }
0x6ac: {  	v21 =	vor.u32 s26, v21;
	_ =	sdelay $0x4  }
0x6ad: {  	v24 =	vor.u32 v17, v20;
	[tilespmem:v21+s7+$0x0] =	vst.idx.msk $0xffff, v2;
	v21 =	vld [tilespmem:$0x1FF20];
	_ =	sdelay $0x4  }
0x6ae: {  	v2 =	vld.idx.msk [tilespmem:v24+s20+$0x0], $0xffff;
	v21 =	vor.u32 s26, v21;
	_ =	sdelay $0x4  }
0x6af: {  	v24 =	vor.u32 v18, v20;
	[tilespmem:v21+s7+$0x0] =	vst.idx.msk $0xffff, v2;
	v21 =	vld [tilespmem:$0x1FF30];
	_ =	sdelay $0x4  }
0x6b0: {  	v2 =	vld.idx.msk [tilespmem:v24+s20+$0x0], $0xffff;
	v21 =	vor.u32 s26, v21  }
0x6b1: {  	v20 =	vor.u32 v19, v20;
	_ =	sdelay $0x3  }
0x6b2: {  	[tilespmem:v21+s7+$0x0] =	vst.idx.msk $0xffff, v2;
	v2 =	vld [tilespmem:$0x1F910]  }
0x6b3: {  	v24 =	vld.idx.msk [tilespmem:v20+s20+$0x0], $0xffff  }
0x6b4: {  	v20 =	vld [tilespmem:$0x1FF40];
	_ =	sdelay $0x4  }
0x6b5: {  	v11 =	vmovc v57;
	v57 =	vmov v27;
	v27 =	vor.u32 s26, v20;
	v20 =	vor.u32 v2, v23  }
0x6b6: {  	v21 =	vor.u32 v13, v20;
	_ =	sdelay $0x3  }
0x6b7: {  	[tilespmem:v27+s7+$0x0] =	vst.idx.msk $0xffff, v24  }
0x6b8: {  	v23 =	vld.idx.msk [tilespmem:v21+s20+$0x0], $0xffff  }
0x6b9: {  	v21 =	vld [tilespmem:$0x1FF50];
	_ =	sdelay $0x4  }
0x6ba: {  	v21 =	vor.u32 s26, v21;
	_ =	sdelay $0x4  }
0x6bb: {  	v24 =	vor.u32 v17, v20;
	[tilespmem:v21+s7+$0x0] =	vst.idx.msk $0xffff, v23;
	v21 =	vld [tilespmem:$0x1FF60];
	_ =	sdelay $0x4  }
0x6bc: {  	v23 =	vld.idx.msk [tilespmem:v24+s20+$0x0], $0xffff;
	v21 =	vor.u32 s26, v21;
	_ =	sdelay $0x4  }
0x6bd: {  	v24 =	vor.u32 v18, v20;
	[tilespmem:v21+s7+$0x0] =	vst.idx.msk $0xffff, v23;
	v21 =	vld [tilespmem:$0x1FF70];
	_ =	sdelay $0x4  }
0x6be: {  	v23 =	vld.idx.msk [tilespmem:v24+s20+$0x0], $0xffff;
	v21 =	vor.u32 s26, v21;
	_ =	sdelay $0x3  }
0x6bf: {  	s28 =	simm.s32 $0x10  }
0x6c0: {  	s29 =	simm.s32 $0x20;
	v27 =	vmov v22;
	[tilespmem:v21+s7+$0x0] =	vst.idx.msk $0xffff, v23;
	v21 =	vor.u32 v19, v20;
	v20 =	vmov s28  }
.LBB2_4:
0x6c1: {  	v22 =	vld [tilespmem:$0x1FCE0]  }
0x6c2: {  	v23 =	vld [tilespmem:$0x1FCD0];
	_ =	sdelay $0x3  }
0x6c3: {  	v20 =	vshll.u32 v20, $0x6  }
0x6c4: {  	v21 =	vld.idx.msk [tilespmem:v21+s20+$0x0], $0xffff;
	v22 =	vor.u32 v22, v20;
	v23 =	vor.u32 s26, v23  }
0x6c5: {  	v24 =	vor.u32 v13, v22;
	_ =	sdelay $0x1  }
0x6c6: {  	s25 =	sadd.s32 $0x80, s25  }
0x6c7: {  	s30 =	sand.u32 $0x70, s28;
	s26 =	sand.u32 $0x400, s25  }
0x6c8: {  	s26 =	sor.u32 s30, s26;
	[tilespmem:v23+s7+$0x0] =	vst.idx.msk $0xffff, v21  }
0x6c9: {  	v23 =	vor.u32 s26, v40;
	v21 =	vld.idx.msk [tilespmem:v24+s20+$0x0], $0xffff  }
0x6ca: {  	v24 =	vor.u32 v17, v22;
	_ =	sdelay $0x3  }
0x6cb: {  	[tilespmem:v23+s7+$0x0] =	vst.idx.msk $0xffff, v21  }
0x6cc: {  	v23 =	vor.u32 s26, v41;
	v21 =	vld.idx.msk [tilespmem:v24+s20+$0x0], $0xffff  }
0x6cd: {  	v24 =	vor.u32 v18, v22;
	_ =	sdelay $0x3  }
0x6ce: {  	[tilespmem:v23+s7+$0x0] =	vst.idx.msk $0xffff, v21  }
0x6cf: {  	v23 =	vor.u32 s26, v42;
	v21 =	vld.idx.msk [tilespmem:v24+s20+$0x0], $0xffff  }
0x6d0: {  	v22 =	vor.u32 v19, v22;
	_ =	sdelay $0x3  }
0x6d1: {  	[tilespmem:v23+s7+$0x0] =	vst.idx.msk $0xffff, v21  }
0x6d2: {  	v23 =	vor.u32 v39, v20;
	v21 =	vld.idx.msk [tilespmem:v22+s20+$0x0], $0xffff;
	v22 =	vor.u32 s26, v43  }
0x6d3: {  	v24 =	vor.u32 v13, v23;
	_ =	sdelay $0x3  }
0x6d4: {  	[tilespmem:v22+s7+$0x0] =	vst.idx.msk $0xffff, v21  }
0x6d5: {  	v22 =	vor.u32 s26, v44;
	v21 =	vld.idx.msk [tilespmem:v24+s20+$0x0], $0xffff  }
0x6d6: {  	v24 =	vor.u32 v17, v23;
	_ =	sdelay $0x3  }
0x6d7: {  	[tilespmem:v22+s7+$0x0] =	vst.idx.msk $0xffff, v21  }
0x6d8: {  	v22 =	vor.u32 s26, v45;
	v21 =	vld.idx.msk [tilespmem:v24+s20+$0x0], $0xffff  }
0x6d9: {  	v24 =	vor.u32 v18, v23;
	_ =	sdelay $0x3  }
0x6da: {  	[tilespmem:v22+s7+$0x0] =	vst.idx.msk $0xffff, v21  }
0x6db: {  	v22 =	vor.u32 s26, v46;
	v21 =	vld.idx.msk [tilespmem:v24+s20+$0x0], $0xffff  }
0x6dc: {  	v23 =	vor.u32 v19, v23;
	_ =	sdelay $0x3  }
0x6dd: {  	[tilespmem:v22+s7+$0x0] =	vst.idx.msk $0xffff, v21  }
0x6de: {  	v22 =	vor.u32 s26, v47;
	v21 =	vld.idx.msk [tilespmem:v23+s20+$0x0], $0xffff;
	v23 =	vor.u32 v38, v20  }
0x6df: {  	v24 =	vor.u32 v13, v23;
	_ =	sdelay $0x3  }
0x6e0: {  	[tilespmem:v22+s7+$0x0] =	vst.idx.msk $0xffff, v21  }
0x6e1: {  	v22 =	vor.u32 s26, v48;
	v21 =	vld.idx.msk [tilespmem:v24+s20+$0x0], $0xffff  }
0x6e2: {  	v24 =	vor.u32 v17, v23;
	_ =	sdelay $0x3  }
0x6e3: {  	[tilespmem:v22+s7+$0x0] =	vst.idx.msk $0xffff, v21  }
0x6e4: {  	v22 =	vor.u32 s26, v49;
	v21 =	vld.idx.msk [tilespmem:v24+s20+$0x0], $0xffff  }
0x6e5: {  	v24 =	vor.u32 v18, v23;
	_ =	sdelay $0x3  }
0x6e6: {  	[tilespmem:v22+s7+$0x0] =	vst.idx.msk $0xffff, v21  }
0x6e7: {  	v22 =	vor.u32 s26, v50;
	v21 =	vld.idx.msk [tilespmem:v24+s20+$0x0], $0xffff  }
0x6e8: {  	v23 =	vor.u32 v19, v23;
	_ =	sdelay $0x3  }
0x6e9: {  	[tilespmem:v22+s7+$0x0] =	vst.idx.msk $0xffff, v21  }
0x6ea: {  	v22 =	vor.u32 s26, v51;
	v21 =	vld.idx.msk [tilespmem:v23+s20+$0x0], $0xffff;
	v23 =	vor.u32 v37, v20  }
0x6eb: {  	v24 =	vor.u32 v13, v23;
	_ =	sdelay $0x3  }
0x6ec: {  	[tilespmem:v22+s7+$0x0] =	vst.idx.msk $0xffff, v21  }
0x6ed: {  	v22 =	vor.u32 s26, v52;
	v21 =	vld.idx.msk [tilespmem:v24+s20+$0x0], $0xffff  }
0x6ee: {  	v24 =	vor.u32 v17, v23;
	_ =	sdelay $0x3  }
0x6ef: {  	[tilespmem:v22+s7+$0x0] =	vst.idx.msk $0xffff, v21  }
0x6f0: {  	v22 =	vor.u32 s26, v53;
	v21 =	vld.idx.msk [tilespmem:v24+s20+$0x0], $0xffff  }
0x6f1: {  	v24 =	vor.u32 v18, v23;
	_ =	sdelay $0x3  }
0x6f2: {  	[tilespmem:v22+s7+$0x0] =	vst.idx.msk $0xffff, v21  }
0x6f3: {  	v22 =	vor.u32 s26, v54;
	v21 =	vld.idx.msk [tilespmem:v24+s20+$0x0], $0xffff  }
0x6f4: {  	v23 =	vor.u32 v19, v23;
	_ =	sdelay $0x3  }
0x6f5: {  	[tilespmem:v22+s7+$0x0] =	vst.idx.msk $0xffff, v21  }
0x6f6: {  	v22 =	vor.u32 s26, v55;
	v21 =	vld.idx.msk [tilespmem:v23+s20+$0x0], $0xffff;
	v23 =	vor.u32 v26, v20  }
0x6f7: {  	v24 =	vor.u32 v13, v23;
	_ =	sdelay $0x3  }
0x6f8: {  	[tilespmem:v22+s7+$0x0] =	vst.idx.msk $0xffff, v21  }
0x6f9: {  	v22 =	vor.u32 s26, v10;
	v21 =	vld.idx.msk [tilespmem:v24+s20+$0x0], $0xffff  }
0x6fa: {  	v24 =	vor.u32 v17, v23;
	_ =	sdelay $0x3  }
0x6fb: {  	[tilespmem:v22+s7+$0x0] =	vst.idx.msk $0xffff, v21  }
0x6fc: {  	v22 =	vor.u32 s26, v12;
	v21 =	vld.idx.msk [tilespmem:v24+s20+$0x0], $0xffff  }
0x6fd: {  	v24 =	vor.u32 v18, v23;
	_ =	sdelay $0x3  }
0x6fe: {  	[tilespmem:v22+s7+$0x0] =	vst.idx.msk $0xffff, v21  }
0x6ff: {  	v22 =	vor.u32 s26, v14;
	v21 =	vld.idx.msk [tilespmem:v24+s20+$0x0], $0xffff  }
0x700: {  	v23 =	vor.u32 v19, v23;
	_ =	sdelay $0x3  }
0x701: {  	[tilespmem:v22+s7+$0x0] =	vst.idx.msk $0xffff, v21  }
0x702: {  	v22 =	vor.u32 s26, v15;
	v21 =	vld.idx.msk [tilespmem:v23+s20+$0x0], $0xffff;
	v23 =	vor.u32 v25, v20  }
0x703: {  	v24 =	vor.u32 v13, v23;
	_ =	sdelay $0x3  }
0x704: {  	[tilespmem:v22+s7+$0x0] =	vst.idx.msk $0xffff, v21  }
0x705: {  	v22 =	vor.u32 s26, v11;
	v21 =	vld.idx.msk [tilespmem:v24+s20+$0x0], $0xffff  }
0x706: {  	v24 =	vor.u32 v17, v23;
	_ =	sdelay $0x3  }
0x707: {  	[tilespmem:v22+s7+$0x0] =	vst.idx.msk $0xffff, v21  }
0x708: {  	v22 =	vor.u32 s26, v62;
	v21 =	vld.idx.msk [tilespmem:v24+s20+$0x0], $0xffff  }
0x709: {  	v24 =	vor.u32 v18, v23;
	_ =	sdelay $0x3  }
0x70a: {  	[tilespmem:v22+s7+$0x0] =	vst.idx.msk $0xffff, v21  }
0x70b: {  	v22 =	vor.u32 s26, v61;
	v21 =	vld.idx.msk [tilespmem:v24+s20+$0x0], $0xffff  }
0x70c: {  	v23 =	vor.u32 v19, v23;
	_ =	sdelay $0x3  }
0x70d: {  	[tilespmem:v22+s7+$0x0] =	vst.idx.msk $0xffff, v21  }
0x70e: {  	v22 =	vor.u32 s26, v60;
	v21 =	vld.idx.msk [tilespmem:v23+s20+$0x0], $0xffff;
	v23 =	vor.u32 v36, v20  }
0x70f: {  	v24 =	vor.u32 v13, v23;
	_ =	sdelay $0x3  }
0x710: {  	[tilespmem:v22+s7+$0x0] =	vst.idx.msk $0xffff, v21  }
0x711: {  	v22 =	vor.u32 s26, v0;
	v21 =	vld.idx.msk [tilespmem:v24+s20+$0x0], $0xffff  }
0x712: {  	v24 =	vor.u32 v17, v23;
	_ =	sdelay $0x3  }
0x713: {  	[tilespmem:v22+s7+$0x0] =	vst.idx.msk $0xffff, v21  }
0x714: {  	v22 =	vor.u32 s26, v63;
	v21 =	vld.idx.msk [tilespmem:v24+s20+$0x0], $0xffff;
	_ =	sdelay $0x4  }
0x715: {  	v24 =	vor.u32 v18, v23;
	[tilespmem:v22+s7+$0x0] =	vst.idx.msk $0xffff, v21;
	v22 =	vld [tilespmem:$0x1FFF0];
	_ =	sdelay $0x4  }
0x716: {  	v21 =	vld.idx.msk [tilespmem:v24+s20+$0x0], $0xffff;
	v22 =	vor.u32 s26, v22  }
0x717: {  	v23 =	vor.u32 v19, v23;
	_ =	sdelay $0x3  }
0x718: {  	[tilespmem:v22+s7+$0x0] =	vst.idx.msk $0xffff, v21  }
0x719: {  	v22 =	vor.u32 s26, v3;
	v21 =	vld.idx.msk [tilespmem:v23+s20+$0x0], $0xffff;
	v23 =	vor.u32 v35, v20  }
0x71a: {  	v24 =	vor.u32 v13, v23;
	_ =	sdelay $0x3  }
0x71b: {  	[tilespmem:v22+s7+$0x0] =	vst.idx.msk $0xffff, v21  }
0x71c: {  	v22 =	vor.u32 s26, v4;
	v21 =	vld.idx.msk [tilespmem:v24+s20+$0x0], $0xffff  }
0x71d: {  	v24 =	vor.u32 v17, v23;
	_ =	sdelay $0x3  }
0x71e: {  	[tilespmem:v22+s7+$0x0] =	vst.idx.msk $0xffff, v21  }
0x71f: {  	v22 =	vor.u32 s26, v5;
	v21 =	vld.idx.msk [tilespmem:v24+s20+$0x0], $0xffff  }
0x720: {  	v24 =	vor.u32 v18, v23;
	_ =	sdelay $0x3  }
0x721: {  	[tilespmem:v22+s7+$0x0] =	vst.idx.msk $0xffff, v21  }
0x722: {  	v22 =	vor.u32 s26, v6;
	v21 =	vld.idx.msk [tilespmem:v24+s20+$0x0], $0xffff  }
0x723: {  	v23 =	vor.u32 v19, v23;
	_ =	sdelay $0x3  }
0x724: {  	[tilespmem:v22+s7+$0x0] =	vst.idx.msk $0xffff, v21  }
0x725: {  	v22 =	vor.u32 s26, v33;
	v21 =	vld.idx.msk [tilespmem:v23+s20+$0x0], $0xffff;
	v23 =	vor.u32 v28, v20  }
0x726: {  	v24 =	vor.u32 v13, v23;
	_ =	sdelay $0x3  }
0x727: {  	[tilespmem:v22+s7+$0x0] =	vst.idx.msk $0xffff, v21  }
0x728: {  	v22 =	vor.u32 s26, v30;
	v21 =	vld.idx.msk [tilespmem:v24+s20+$0x0], $0xffff  }
0x729: {  	v24 =	vor.u32 v17, v23;
	_ =	sdelay $0x3  }
0x72a: {  	[tilespmem:v22+s7+$0x0] =	vst.idx.msk $0xffff, v21  }
0x72b: {  	v22 =	vor.u32 s26, v29;
	v21 =	vld.idx.msk [tilespmem:v24+s20+$0x0], $0xffff  }
0x72c: {  	v24 =	vor.u32 v18, v23;
	_ =	sdelay $0x3  }
0x72d: {  	[tilespmem:v22+s7+$0x0] =	vst.idx.msk $0xffff, v21  }
0x72e: {  	v22 =	vor.u32 s26, v8;
	v21 =	vld.idx.msk [tilespmem:v24+s20+$0x0], $0xffff  }
0x72f: {  	v23 =	vor.u32 v19, v23;
	_ =	sdelay $0x3  }
0x730: {  	[tilespmem:v22+s7+$0x0] =	vst.idx.msk $0xffff, v21  }
0x731: {  	v22 =	vor.u32 s26, v34;
	v21 =	vld.idx.msk [tilespmem:v23+s20+$0x0], $0xffff;
	v23 =	vor.u32 v9, v20  }
0x732: {  	v24 =	vor.u32 v13, v23;
	_ =	sdelay $0x3  }
0x733: {  	[tilespmem:v22+s7+$0x0] =	vst.idx.msk $0xffff, v21  }
0x734: {  	v22 =	vor.u32 s26, v7;
	v21 =	vld.idx.msk [tilespmem:v24+s20+$0x0], $0xffff  }
0x735: {  	v24 =	vor.u32 v17, v23;
	_ =	sdelay $0x3  }
0x736: {  	[tilespmem:v22+s7+$0x0] =	vst.idx.msk $0xffff, v21  }
0x737: {  	v22 =	vor.u32 s26, v32;
	v21 =	vld.idx.msk [tilespmem:v24+s20+$0x0], $0xffff  }
0x738: {  	v24 =	vor.u32 v18, v23;
	_ =	sdelay $0x3  }
0x739: {  	[tilespmem:v22+s7+$0x0] =	vst.idx.msk $0xffff, v21  }
0x73a: {  	v22 =	vor.u32 s26, v16;
	v21 =	vld.idx.msk [tilespmem:v24+s20+$0x0], $0xffff;
	_ =	sdelay $0x2  }
0x73b: {  	v23 =	vor.u32 v19, v23;
	_ =	sdelay $0x1  }
0x73c: {  	[tilespmem:v22+s7+$0x0] =	vst.idx.msk $0xffff, v21;
	v22 =	vld [tilespmem:$0x1FF80];
	_ =	sdelay $0x2  }
0x73d: {  	v21 =	vld.idx.msk [tilespmem:v23+s20+$0x0], $0xffff  }
0x73e: {  	v23 =	vld [tilespmem:$0x1F9B0]  }
0x73f: {  	v22 =	vor.u32 s26, v22;
	_ =	sdelay $0x3  }
0x740: {  	v23 =	vor.u32 v23, v20  }
0x741: {  	v24 =	vor.u32 v13, v23;
	[tilespmem:v22+s7+$0x0] =	vst.idx.msk $0xffff, v21;
	v22 =	vld [tilespmem:$0x1FE90];
	_ =	sdelay $0x4  }
0x742: {  	v21 =	vld.idx.msk [tilespmem:v24+s20+$0x0], $0xffff;
	v22 =	vor.u32 s26, v22;
	_ =	sdelay $0x4  }
0x743: {  	v24 =	vor.u32 v17, v23;
	[tilespmem:v22+s7+$0x0] =	vst.idx.msk $0xffff, v21;
	v22 =	vld [tilespmem:$0x1FE80];
	_ =	sdelay $0x4  }
0x744: {  	v21 =	vld.idx.msk [tilespmem:v24+s20+$0x0], $0xffff;
	v22 =	vor.u32 s26, v22  }
0x745: {  	v24 =	vor.u32 v18, v23;
	_ =	sdelay $0x3  }
0x746: {  	[tilespmem:v22+s7+$0x0] =	vst.idx.msk $0xffff, v21  }
0x747: {  	v22 =	vor.u32 s26, v27;
	v21 =	vld.idx.msk [tilespmem:v24+s20+$0x0], $0xffff  }
0x748: {  	v23 =	vor.u32 v19, v23;
	_ =	sdelay $0x3  }
0x749: {  	[tilespmem:v22+s7+$0x0] =	vst.idx.msk $0xffff, v21  }
0x74a: {  	v21 =	vld.idx.msk [tilespmem:v23+s20+$0x0], $0xffff  }
0x74b: {  	v23 =	vld [tilespmem:$0x1F990];
	_ =	sdelay $0x4  }
0x74c: {  	v22 =	vor.u32 s26, v58;
	v23 =	vor.u32 v23, v20  }
0x74d: {  	v24 =	vor.u32 v13, v23;
	_ =	sdelay $0x3  }
0x74e: {  	[tilespmem:v22+s7+$0x0] =	vst.idx.msk $0xffff, v21  }
0x74f: {  	v22 =	vor.u32 s26, v59;
	v21 =	vld.idx.msk [tilespmem:v24+s20+$0x0], $0xffff  }
0x750: {  	v24 =	vor.u32 v17, v23;
	_ =	sdelay $0x3  }
0x751: {  	[tilespmem:v22+s7+$0x0] =	vst.idx.msk $0xffff, v21  }
0x752: {  	v22 =	vor.u32 s26, v57;
	v21 =	vld.idx.msk [tilespmem:v24+s20+$0x0], $0xffff  }
0x753: {  	v24 =	vor.u32 v18, v23;
	_ =	sdelay $0x3  }
0x754: {  	[tilespmem:v22+s7+$0x0] =	vst.idx.msk $0xffff, v21  }
0x755: {  	v22 =	vor.u32 s26, v56;
	v21 =	vld.idx.msk [tilespmem:v24+s20+$0x0], $0xffff;
	_ =	sdelay $0x2  }
0x756: {  	v23 =	vor.u32 v19, v23;
	_ =	sdelay $0x1  }
0x757: {  	[tilespmem:v22+s7+$0x0] =	vst.idx.msk $0xffff, v21;
	v22 =	vld [tilespmem:$0x1FEA0];
	_ =	sdelay $0x2  }
0x758: {  	v21 =	vld.idx.msk [tilespmem:v23+s20+$0x0], $0xffff  }
0x759: {  	v23 =	vld [tilespmem:$0x1F970]  }
0x75a: {  	v22 =	vor.u32 s26, v22;
	_ =	sdelay $0x3  }
0x75b: {  	v23 =	vor.u32 v23, v20  }
0x75c: {  	v24 =	vor.u32 v13, v23;
	[tilespmem:v22+s7+$0x0] =	vst.idx.msk $0xffff, v21;
	v22 =	vld [tilespmem:$0x1FEB0];
	_ =	sdelay $0x4  }
0x75d: {  	v21 =	vld.idx.msk [tilespmem:v24+s20+$0x0], $0xffff;
	v22 =	vor.u32 s26, v22;
	_ =	sdelay $0x4  }
0x75e: {  	v24 =	vor.u32 v17, v23;
	[tilespmem:v22+s7+$0x0] =	vst.idx.msk $0xffff, v21;
	v22 =	vld [tilespmem:$0x1FEC0];
	_ =	sdelay $0x4  }
0x75f: {  	v21 =	vld.idx.msk [tilespmem:v24+s20+$0x0], $0xffff;
	v22 =	vor.u32 s26, v22  }
0x760: {  	v24 =	vor.u32 v18, v23;
	_ =	sdelay $0x3  }
0x761: {  	[tilespmem:v22+s7+$0x0] =	vst.idx.msk $0xffff, v21  }
0x762: {  	v22 =	vor.u32 s26, v31;
	v21 =	vld.idx.msk [tilespmem:v24+s20+$0x0], $0xffff  }
0x763: {  	v23 =	vor.u32 v19, v23;
	_ =	sdelay $0x3  }
0x764: {  	[tilespmem:v22+s7+$0x0] =	vst.idx.msk $0xffff, v21  }
0x765: {  	v21 =	vld.idx.msk [tilespmem:v23+s20+$0x0], $0xffff  }
0x766: {  	v23 =	vld [tilespmem:$0x1F950]  }
0x767: {  	v22 =	vor.u32 s26, v1;
	_ =	sdelay $0x3  }
0x768: {  	v23 =	vor.u32 v23, v20  }
0x769: {  	[tilespmem:v22+s7+$0x0] =	vst.idx.msk $0xffff, v21;
	v22 =	vld [tilespmem:$0x1FED0];
	v24 =	vor.u32 v13, v23;
	_ =	sdelay $0x4  }
0x76a: {  	v22 =	vor.u32 s26, v22;
	v21 =	vld.idx.msk [tilespmem:v24+s20+$0x0], $0xffff;
	_ =	sdelay $0x4  }
0x76b: {  	v24 =	vor.u32 v17, v23;
	[tilespmem:v22+s7+$0x0] =	vst.idx.msk $0xffff, v21;
	v22 =	vld [tilespmem:$0x1FEE0];
	_ =	sdelay $0x4  }
0x76c: {  	v21 =	vld.idx.msk [tilespmem:v24+s20+$0x0], $0xffff;
	v22 =	vor.u32 s26, v22;
	_ =	sdelay $0x4  }
0x76d: {  	v24 =	vor.u32 v18, v23;
	[tilespmem:v22+s7+$0x0] =	vst.idx.msk $0xffff, v21;
	v22 =	vld [tilespmem:$0x1FEF0];
	_ =	sdelay $0x4  }
0x76e: {  	v21 =	vld.idx.msk [tilespmem:v24+s20+$0x0], $0xffff;
	v22 =	vor.u32 s26, v22;
	_ =	sdelay $0x2  }
0x76f: {  	v23 =	vor.u32 v19, v23;
	_ =	sdelay $0x1  }
0x770: {  	[tilespmem:v22+s7+$0x0] =	vst.idx.msk $0xffff, v21;
	v22 =	vld [tilespmem:$0x1FF00];
	_ =	sdelay $0x2  }
0x771: {  	v21 =	vld.idx.msk [tilespmem:v23+s20+$0x0], $0xffff  }
0x772: {  	v23 =	vld [tilespmem:$0x1F930]  }
0x773: {  	v22 =	vor.u32 s26, v22;
	_ =	sdelay $0x3  }
0x774: {  	v23 =	vor.u32 v23, v20  }
0x775: {  	v24 =	vor.u32 v13, v23;
	[tilespmem:v22+s7+$0x0] =	vst.idx.msk $0xffff, v21;
	v22 =	vld [tilespmem:$0x1FF10];
	_ =	sdelay $0x4  }
0x776: {  	v21 =	vld.idx.msk [tilespmem:v24+s20+$0x0], $0xffff;
	v22 =	vor.u32 s26, v22;
	_ =	sdelay $0x4  }
0x777: {  	v24 =	vor.u32 v17, v23;
	[tilespmem:v22+s7+$0x0] =	vst.idx.msk $0xffff, v21;
	v22 =	vld [tilespmem:$0x1FF20];
	_ =	sdelay $0x4  }
0x778: {  	v21 =	vld.idx.msk [tilespmem:v24+s20+$0x0], $0xffff;
	v22 =	vor.u32 s26, v22;
	_ =	sdelay $0x4  }
0x779: {  	v24 =	vor.u32 v18, v23;
	[tilespmem:v22+s7+$0x0] =	vst.idx.msk $0xffff, v21;
	v22 =	vld [tilespmem:$0x1FF30];
	_ =	sdelay $0x4  }
0x77a: {  	v21 =	vld.idx.msk [tilespmem:v24+s20+$0x0], $0xffff;
	v22 =	vor.u32 s26, v22;
	_ =	sdelay $0x4  }
0x77b: {  	v23 =	vor.u32 v19, v23;
	[tilespmem:v22+s7+$0x0] =	vst.idx.msk $0xffff, v21;
	v22 =	vld [tilespmem:$0x1FF40];
	_ =	sdelay $0x4  }
0x77c: {  	v21 =	vld.idx.msk [tilespmem:v23+s20+$0x0], $0xffff;
	v22 =	vor.u32 s26, v22;
	_ =	sdelay $0x3  }
0x77d: {  	v20 =	vor.u32 v2, v20  }
0x77e: {  	v23 =	vor.u32 v13, v20;
	[tilespmem:v22+s7+$0x0] =	vst.idx.msk $0xffff, v21;
	v22 =	vld [tilespmem:$0x1FF50];
	_ =	sdelay $0x4  }
0x77f: {  	v21 =	vld.idx.msk [tilespmem:v23+s20+$0x0], $0xffff;
	v22 =	vor.u32 s26, v22;
	_ =	sdelay $0x4  }
0x780: {  	v23 =	vor.u32 v17, v20;
	[tilespmem:v22+s7+$0x0] =	vst.idx.msk $0xffff, v21;
	v22 =	vld [tilespmem:$0x1FF60];
	_ =	sdelay $0x4  }
0x781: {  	v21 =	vld.idx.msk [tilespmem:v23+s20+$0x0], $0xffff;
	v22 =	vor.u32 s26, v22;
	_ =	sdelay $0x4  }
0x782: {  	v23 =	vor.u32 v18, v20;
	[tilespmem:v22+s7+$0x0] =	vst.idx.msk $0xffff, v21;
	v21 =	vld [tilespmem:$0x1FF70];
	_ =	sdelay $0x4  }
0x783: {  	v22 =	vld.idx.msk [tilespmem:v23+s20+$0x0], $0xffff;
	v23 =	vor.u32 s26, v21  }
0x784: {  	p0 =	sne.s32 s29, $0xF0  }
.Ltmp7:
0x785: {  	_ = 	snop;
	(pc) =	sbr.rel @p0 .LBB2_4-.Ltmp7, $3  }
0x786: {  	_ =	sdelay $0x1  }
0x787: {  	s28 =	smov.u32 s29;
	[tilespmem:v23+s7+$0x0] =	vst.idx.msk $0xffff, v22;
	v22 =	vld [tilespmem:$0x1FCE0]  }
0x788: {  	s29 =	sadd.s32 $0x10, s29;
	v21 =	vor.u32 v19, v20;
	v20 =	vmov s28;
	v23 =	vld [tilespmem:$0x1FCD0]  }
.Ltmp8:
0x789: {  	_ = 	snop;
	(pc) =	sbr.rel .LBB2_5-.Ltmp8, $1  }
0x78a: {  	_ =	sdelay $0x3  }
.LBB2_11:
0x78b: {  	_ =	sfence.sel $0x180000  }
0x78c: {  	[bflag:$0x0] =	sbarrier.arrive $0xFFFF  }
0x78d: {  	_ =	strace $0x90000047  }
0x78e: {  	s0 =	stileid.u32;
	[bflag:$0x2] =	sbarrier.arrive $0xFFFF  }
0x78f: {  	p0 =	sne.s32 s0, $0x0;
	s0 =	rddreg [dreg:$0x2]  }
0x790: {  	s0 =	sadd.s32 @!p0 $0x100000, s0  }
0x791: {  	[sflag:s0] =	ssyncadd.tile.s32 @!p0 $0x1;
	_ =	shalt  }
.Lfunc_end2:
_tile_overlayer_lowered:
.L_overlay_start_2:
0x792: {  	(tag) =	ssettag $0x2  }
0x793: {  	s0 =	rddreg [dreg:$0x0];
	s2 =	stileid.u32  }
0x794: {  	s1 =	rddreg [dreg:$0x1];
	p0 =	sne.s32 s2, $0x0  }
0x795: {  	s3 =	rddreg [dreg:$0x2];
	[bflag:$0x3] =	sbarrier.arrive $0xFFFF;
	s2 =	simm.s32 @!p0 $0x1C07  }
0x796: {  	[timem:s3], [sflag:s2] =	dma.local @!p0 [hbm:s0], s1  }
0x797: {  	s0 =	simm.s32 @!p0 $0x7  }
0x798: {  	_ =	swait.ge @!p0 [sflag:s0], s1  }
0x799: {  	s1 =	ssub.s32 @!p0 $0x0, s1;
	[sflag:s0] =	ssyncset.done @!p0 $0x0  }
0x79a: {  	[sflag:s0] =	ssyncadd.s32 @!p0 s1  }
0x79b: {  	[bflag:$0x3] =	sbarrier.arrive $0xFFFF  }
0x79c: {  	_ =	shalt  }

</sc_bundles>
